<compile_context>
chip_gen: v7x
topology: tpu7x:2x2x1
jax: 0.10.2.dev20260603
libtpu: 0.0.44.dev20260713+nightly
codegen_flags: <defaults>
</compile_context>

<pallas_src>
import jax
import jax.numpy as jnp
from jax import lax
from jax.experimental import pallas as pl
from jax.experimental.pallas import tpu as pltpu
from jax.experimental.pallas import tpu_sc as plsc

_RATE = 2
_B, _T, _D = 16, 4096, 256
_TO = _T // _RATE
_C = 128
_NWORK = 32
_NCHG = (_B * _TO) // _C
_SLOTS = _NCHG // _NWORK
_JPB = _TO // _C
_L = 16
_NBUF = 3
_ZR = 64


def _sc_body(padded_hbm, lengths_hbm, out_hbm, nl_hbm,
             idxall, gbuf0, gbuf1, gbuf2, zbuf, lens_v, nl_v,
             gsem0, gsem1, gsem2, osem0, osem1, osem2, zsem):
    gbuf = (gbuf0, gbuf1, gbuf2)
    gsem = (gsem0, gsem1, gsem2)
    osem = (osem0, osem1, osem2)

    wid = lax.axis_index("s") * 2 + lax.axis_index("c")

    pltpu.sync_copy(lengths_hbm, lens_v)
    lane = lax.iota(jnp.int32, _L)
    lens = lens_v[...]

    zeros16 = jnp.zeros((_L,), jnp.float32)

    pairb = wid % (_B // 2)
    q = wid // (_B // 2)
    vk, orow = [], []
    for i in range(_SLOTS):
        b = pairb if i % 2 == 0 else (_B - 1) - pairb
        j = q + 4 * (i // 2)
        nl = jnp.sum(jnp.where(lane == b, lens, 0)) // _RATE
        vk.append(jnp.clip(nl - j * _C, 0, _C))
        orow.append((b * _JPB + j) * _C)

    @pl.loop(0, _SLOTS * _C // _L)
    def _(n):
        i = n // (_C // _L)
        jj = n % (_C // _L)
        bi = jnp.where(i % 2 == 0, pairb, (_B - 1) - pairb)
        jpos = q + 4 * (i // 2)
        r0 = bi * _T + 2 * (jpos * _C) + 1
        idxall[pl.ds(n * _L, _L)] = r0 + 2 * (jj * _L + lane)

    def gather_desc(i):
        s = i % _NBUF
        return pltpu.make_async_copy(
            padded_hbm.at[idxall.at[pl.ds(i * _C, _C)]], gbuf[s], gsem[s])

    def out_desc(i):
        s = i % _NBUF
        return pltpu.make_async_copy(
            gbuf[s], out_hbm.at[pl.ds(orow[i], _C)], osem[s])

    def start_gather(i):
        gather_desc(i).start()

    def finish_gather_start_out(i):
        gather_desc(i).wait()
        s = i % _NBUF

        @pl.when(vk[i] < _C)
        def _():
            @pl.loop(vk[i], _C)
            def _(r):
                for j in range(_D // _L):
                    gbuf[s][r, pl.ds(j * _L, _L)] = zeros16

        out_desc(i).start()

    for i in range(_NBUF):
        @pl.when(vk[i] > 0)
        def _(i=i):
            start_gather(i)

    @pl.when(wid == 0)
    def _():
        nl_v[...] = lens // _RATE
        pltpu.sync_copy(nl_v, nl_hbm)

    @pl.loop(0, _ZR)
    def _(r):
        for j in range(_D // _L):
            zbuf[r, pl.ds(j * _L, _L)] = zeros16

    def slot_vk_orow(i):
        bi = jnp.where(i % 2 == 0, pairb, (_B - 1) - pairb)
        jpos = q + 4 * (i // 2)
        nli = jnp.sum(jnp.where(lane == bi, lens, 0)) // _RATE
        return (jnp.clip(nli - jpos * _C, 0, _C),
                (bi * _JPB + jpos) * _C)

    @pl.loop(0, _SLOTS)
    def _(i):
        vki, orowi = slot_vk_orow(i)

        @pl.when(vki == 0)
        def _():
            for z in range(_C // _ZR):
                pltpu.async_copy(
                    zbuf, out_hbm.at[pl.ds(orowi + z * _ZR, _ZR)], zsem)

    for i in range(_SLOTS):
        if i >= _NBUF:
            @pl.when(vk[i - _NBUF] > 0)
            def _(i=i):
                out_desc(i - _NBUF).wait()

            @pl.when(vk[i] > 0)
            def _(i=i):
                start_gather(i)
        if i >= 1:
            @pl.when(vk[i - 1] > 0)
            def _(i=i):
                finish_gather_start_out(i - 1)

    @pl.when(vk[_SLOTS - 1] > 0)
    def _():
        finish_gather_start_out(_SLOTS - 1)

    for i in range(max(_SLOTS - _NBUF, 0), _SLOTS):
        @pl.when(vk[i] > 0)
        def _(i=i):
            out_desc(i).wait()

    @pl.loop(0, _SLOTS)
    def _(i):
        vki, orowi = slot_vk_orow(i)

        @pl.when(vki == 0)
        def _():
            for z in range(_C // _ZR):
                pltpu.make_async_copy(
                    zbuf, out_hbm.at[pl.ds(orowi + z * _ZR, _ZR)], zsem).wait()


def kernel(padded, lengths):
    padded2d = padded.reshape(_B * _T, _D)
    mesh = plsc.VectorSubcoreMesh(core_axis_name="c", subcore_axis_name="s")
    out2d, nl = pl.kernel(
        _sc_body,
        out_type=(
            jax.ShapeDtypeStruct((_B * _TO, _D), jnp.float32),
            jax.ShapeDtypeStruct((_B,), jnp.int32),
        ),
        mesh=mesh,
        compiler_params=pltpu.CompilerParams(needs_layout_passes=False),
        scratch_types=(
            pltpu.VMEM((_SLOTS * _C,), jnp.int32),
            *([pltpu.VMEM((_C, _D), jnp.float32)] * _NBUF),
            pltpu.VMEM((_ZR, _D), jnp.float32),
            pltpu.VMEM((_L,), jnp.int32),
            pltpu.VMEM((_L,), jnp.int32),
            *([pltpu.SemaphoreType.DMA] * _NBUF),
            *([pltpu.SemaphoreType.DMA] * _NBUF),
            pltpu.SemaphoreType.DMA,
        ),
    )(padded2d, lengths)
    return out2d.reshape(_B, _TO, _D), nl

# --- scband reference (transcript-rebuilt; emitter-appended) ---
"""Pipeline reference for scband-downsample-36979668418934 (READ-ONLY COPY).

The authoritative reference and input builder live on the scoring server;
editing this copy changes nothing except your own understanding.
"""

import jax, jax.numpy as jnp
import numpy as np

DOWNSAMPLE_RATE = 2
B, T, D = 16, 4096, 256

def setup_inputs(seed: int = 0):
    key = jax.random.key(seed)
    k1, k2 = jax.random.split(key)
    padded = jax.random.normal(k1, (B, T, D), dtype=jnp.float32)
    # pack_padded_sequence (enforce_sorted=True) requires descending lengths; min 2 so downsampled length >= 1
    lengths = jnp.sort(jax.random.randint(k2, (B,), 2, T + 1))[::-1].astype(jnp.int32)
    return {"padded": padded, "lengths": lengths}

def reference(padded, lengths):
    rate = DOWNSAMPLE_RATE
    # padded[:, rate-1::rate, :] strided slice along time
    ds = padded[:, rate - 1::rate, :]
    new_lengths = lengths // rate
    # emulate re-packing: only positions < new_length carry data; zero the rest
    pos = jnp.arange(ds.shape[1])
    mask = (pos[None, :] < new_lengths[:, None]).astype(ds.dtype)
    ds = ds * mask[:, :, None]
    return ds, new_lengths

if __name__ == "__main__":
    import jax
    _d = setup_inputs()
    print(jax.jit(kernel)(*tuple(_d.values())))

</pallas_src>

<mosaic_0001>
#map = affine_map<(d0, d1) -> (0, 0)>
#map1 = affine_map<(d0, d1) -> (0)>
module attributes {stable_mosaic.version = 14 : i64} {
  func.func @_sc_body(%arg0: i32, %arg1: i32, %arg2: memref<65536x256xf32, #tpu.memory_space<hbm>>, %arg3: memref<16xi32, #tpu.memory_space<hbm>>, %arg4: memref<32768x256xf32, #tpu.memory_space<hbm>>, %arg5: memref<16xi32, #tpu.memory_space<hbm>>, %arg6: memref<1024xi32, #tpu.memory_space<vmem>>, %arg7: memref<128x256xf32, #tpu.memory_space<vmem>>, %arg8: memref<128x256xf32, #tpu.memory_space<vmem>>, %arg9: memref<128x256xf32, #tpu.memory_space<vmem>>, %arg10: memref<64x256xf32, #tpu.memory_space<vmem>>, %arg11: memref<16xi32, #tpu.memory_space<vmem>>, %arg12: memref<16xi32, #tpu.memory_space<vmem>>, %arg13: memref<!tpu.dma_semaphore, #tpu.memory_space<semaphore_mem>>, %arg14: memref<!tpu.dma_semaphore, #tpu.memory_space<semaphore_mem>>, %arg15: memref<!tpu.dma_semaphore, #tpu.memory_space<semaphore_mem>>, %arg16: memref<!tpu.dma_semaphore, #tpu.memory_space<semaphore_mem>>, %arg17: memref<!tpu.dma_semaphore, #tpu.memory_space<semaphore_mem>>, %arg18: memref<!tpu.dma_semaphore, #tpu.memory_space<semaphore_mem>>, %arg19: memref<!tpu.dma_semaphore, #tpu.memory_space<semaphore_mem>>) attributes {dimension_semantics = [#tpu.dimension_semantics<core_parallel>, #tpu.dimension_semantics<subcore_parallel>], iteration_bounds = array<i64: 2, 16>, scalar_prefetch = 0 : i64, scratch_operands = 14 : i64, tpu.core_type = #tpu.core_type<sc_vector_subcore>, window_params = [{transform_indices = #map}, {transform_indices = #map1}, {transform_indices = #map}, {transform_indices = #map1}]} {
    %mul3A = arith.constant 2 : i32
    %mul3A_0 = arith.muli %arg1, %mul3A : i32
    %add3A = arith.addi %mul3A_0, %arg0 : i32
    "tpu.region"() ({
      %run_scoped3A = tpu.sem_alloc : memref<!tpu.dma_semaphore, #tpu.memory_space<semaphore_mem>>
      tpu.enqueue_dma source(%arg3 : memref<16xi32, #tpu.memory_space<hbm>>) target(%arg11 : memref<16xi32, #tpu.memory_space<vmem>>) target_semaphore(%run_scoped3A : memref<!tpu.dma_semaphore, #tpu.memory_space<semaphore_mem>>)
      tpu.wait_dma2 semaphore(%run_scoped3A : memref<!tpu.dma_semaphore, #tpu.memory_space<semaphore_mem>>) src(%arg3 : memref<16xi32, #tpu.memory_space<hbm>>) dst(%arg11 : memref<16xi32, #tpu.memory_space<vmem>>)
      tpu.yield
    }) : () -> ()
    %iota3A = tpu.iota {dimensions = array<i32: 0>} : vector<16xi32>
    %get3A = arith.constant 0 : index
    %get3A_1 = tpu.vector_load %arg11[%get3A] {strides = array<i32>} : memref<16xi32, #tpu.memory_space<vmem>>, vector<16xi32>,
    %broadcast_in_dim3A = arith.constant 0.000000e+00 : f32
    %broadcast_in_dim3A_2 = vector.broadcast %broadcast_in_dim3A : f32 to vector<16xf32>
    %jit3A = arith.constant 8 : i32
    %eq3A = arith.constant 0 : i32
    %eq3A_3 = arith.cmpi eq, %jit3A, %eq3A : i32
    %jit3A_4 = arith.constant 1 : i32
    %select_n3A = arith.select %eq3A_3, %jit3A_4, %jit3A : i32
    %rem3A = arith.remsi %add3A, %select_n3A : i32
    %ne3A = arith.constant 0 : i32
    %ne3A_5 = arith.cmpi ne, %rem3A, %ne3A : i32
    %lt3A = arith.constant 0 : i32
    %lt3A_6 = arith.cmpi slt, %rem3A, %lt3A : i32
    %lt3A_7 = arith.constant 0 : i32
    %lt3A_8 = arith.cmpi slt, %select_n3A, %lt3A_7 : i32
    %ne3A_9 = arith.xori %lt3A_6, %lt3A_8 : i1
    %and3A = arith.andi %ne3A_9, %ne3A_5 : i1
    %add3A_10 = arith.addi %rem3A, %select_n3A : i32
    %select_n3A_11 = arith.select %and3A, %add3A_10, %rem3A : i32
    %jit3A_12 = arith.constant 8 : i32
    %div3A = arith.divsi %add3A, %jit3A_12 : i32
    %sign3A = arith.constant 0 : i32
    %sign3A_13 = arith.cmpi sgt, %add3A, %sign3A : i32
    %sign3A_14 = arith.extui %sign3A_13 : i1 to i32
    %sign3A_15 = arith.constant 0 : i32
    %sign3A_16 = arith.cmpi slt, %add3A, %sign3A_15 : i32
    %sign3A_17 = arith.extui %sign3A_16 : i1 to i32
    %sign3A_18 = arith.subi %sign3A_14, %sign3A_17 : i32
    %sign3A_19 = arith.constant 0 : i32
    %sign3A_20 = arith.cmpi sgt, %jit3A_12, %sign3A_19 : i32
    %sign3A_21 = arith.extui %sign3A_20 : i1 to i32
    %sign3A_22 = arith.constant 0 : i32
    %sign3A_23 = arith.cmpi slt, %jit3A_12, %sign3A_22 : i32
    %sign3A_24 = arith.extui %sign3A_23 : i1 to i32
    %sign3A_25 = arith.subi %sign3A_21, %sign3A_24 : i32
    %ne3A_26 = arith.cmpi ne, %sign3A_18, %sign3A_25 : i32
    %rem3A_27 = arith.remsi %add3A, %jit3A_12 : i32
    %ne3A_28 = arith.constant 0 : i32
    %ne3A_29 = arith.cmpi ne, %rem3A_27, %ne3A_28 : i32
    %and3A_30 = arith.andi %ne3A_26, %ne3A_29 : i1
    %sub3A = arith.constant 1 : i32
    %sub3A_31 = arith.subi %div3A, %sub3A : i32
    %select_n3A_32 = arith.select %and3A_30, %sub3A_31, %div3A : i32
    %add3A_33 = arith.constant 0 : i32
    %add3A_34 = arith.addi %select_n3A_32, %add3A_33 : i32
    %eq3A_35 = vector.broadcast %select_n3A_11 : i32 to vector<16xi32>
    %eq3A_36 = arith.cmpi eq, %iota3A, %eq3A_35 : vector<16xi32>
    %jit3A_37 = arith.constant 0 : i32
    %broadcast_in_dim3A_38 = vector.broadcast %jit3A_37 : i32 to vector<16xi32>
    %select_n3A_39 = arith.select %eq3A_36, %get3A_1, %broadcast_in_dim3A_38 : vector<16xi1>, vector<16xi32>
    %reduce_sum3A = arith.constant true
    %reduce_sum3A_40 = vector.broadcast %reduce_sum3A : i1 to vector<16xi1>
    %reduce_sum3A_41 = tpu.scan <sum>, %select_n3A_39 masked %reduce_sum3A_40 : vector<16xi32>, vector<16xi1> -> vector<16xi32>
    %reduce_sum3A_42 = vector.extract %reduce_sum3A_41[15] : i32 from vector<16xi32>
    %jit3A_43 = arith.constant 2 : i32
    %div3A_44 = arith.divsi %reduce_sum3A_42, %jit3A_43 : i32
    %sign3A_45 = arith.constant 0 : i32
    %sign3A_46 = arith.cmpi sgt, %reduce_sum3A_42, %sign3A_45 : i32
    %sign3A_47 = arith.extui %sign3A_46 : i1 to i32
    %sign3A_48 = arith.constant 0 : i32
    %sign3A_49 = arith.cmpi slt, %reduce_sum3A_42, %sign3A_48 : i32
    %sign3A_50 = arith.extui %sign3A_49 : i1 to i32
    %sign3A_51 = arith.subi %sign3A_47, %sign3A_50 : i32
    %sign3A_52 = arith.constant 0 : i32
    %sign3A_53 = arith.cmpi sgt, %jit3A_43, %sign3A_52 : i32
    %sign3A_54 = arith.extui %sign3A_53 : i1 to i32
    %sign3A_55 = arith.constant 0 : i32
    %sign3A_56 = arith.cmpi slt, %jit3A_43, %sign3A_55 : i32
    %sign3A_57 = arith.extui %sign3A_56 : i1 to i32
    %sign3A_58 = arith.subi %sign3A_54, %sign3A_57 : i32
    %ne3A_59 = arith.cmpi ne, %sign3A_51, %sign3A_58 : i32
    %rem3A_60 = arith.remsi %reduce_sum3A_42, %jit3A_43 : i32
    %ne3A_61 = arith.constant 0 : i32
    %ne3A_62 = arith.cmpi ne, %rem3A_60, %ne3A_61 : i32
    %and3A_63 = arith.andi %ne3A_59, %ne3A_62 : i1
    %sub3A_64 = arith.constant 1 : i32
    %sub3A_65 = arith.subi %div3A_44, %sub3A_64 : i32
    %select_n3A_66 = arith.select %and3A_63, %sub3A_65, %div3A_44 : i32
    %mul3A_67 = arith.constant 128 : i32
    %mul3A_68 = arith.muli %add3A_34, %mul3A_67 : i32
    %sub3A_69 = arith.subi %select_n3A_66, %mul3A_68 : i32
    %jit3A_70 = arith.constant 0 : i32
    %jit3A_71 = arith.constant 128 : i32
    %max3A = arith.maxsi %jit3A_70, %sub3A_69 : i32
    %min3A = arith.minsi %jit3A_71, %max3A : i32
    %mul3A_72 = arith.constant 16 : i32
    %mul3A_73 = arith.muli %select_n3A_11, %mul3A_72 : i32
    %add3A_74 = arith.addi %mul3A_73, %add3A_34 : i32
    %mul3A_75 = arith.constant 128 : i32
    %mul3A_76 = arith.muli %add3A_74, %mul3A_75 : i32
    %sub3A_77 = arith.constant 15 : i32
    %sub3A_78 = arith.subi %sub3A_77, %select_n3A_11 : i32
    %add3A_79 = arith.constant 0 : i32
    %add3A_80 = arith.addi %select_n3A_32, %add3A_79 : i32
    %eq3A_81 = vector.broadcast %sub3A_78 : i32 to vector<16xi32>
    %eq3A_82 = arith.cmpi eq, %iota3A, %eq3A_81 : vector<16xi32>
    %jit3A_83 = arith.constant 0 : i32
    %broadcast_in_dim3A_84 = vector.broadcast %jit3A_83 : i32 to vector<16xi32>
    %select_n3A_85 = arith.select %eq3A_82, %get3A_1, %broadcast_in_dim3A_84 : vector<16xi1>, vector<16xi32>
    %reduce_sum3A_86 = arith.constant true
    %reduce_sum3A_87 = vector.broadcast %reduce_sum3A_86 : i1 to vector<16xi1>
    %reduce_sum3A_88 = tpu.scan <sum>, %select_n3A_85 masked %reduce_sum3A_87 : vector<16xi32>, vector<16xi1> -> vector<16xi32>
    %reduce_sum3A_89 = vector.extract %reduce_sum3A_88[15] : i32 from vector<16xi32>
    %jit3A_90 = arith.constant 2 : i32
    %div3A_91 = arith.divsi %reduce_sum3A_89, %jit3A_90 : i32
    %sign3A_92 = arith.constant 0 : i32
    %sign3A_93 = arith.cmpi sgt, %reduce_sum3A_89, %sign3A_92 : i32
    %sign3A_94 = arith.extui %sign3A_93 : i1 to i32
    %sign3A_95 = arith.constant 0 : i32
    %sign3A_96 = arith.cmpi slt, %reduce_sum3A_89, %sign3A_95 : i32
    %sign3A_97 = arith.extui %sign3A_96 : i1 to i32
    %sign3A_98 = arith.subi %sign3A_94, %sign3A_97 : i32
    %sign3A_99 = arith.constant 0 : i32
    %sign3A_100 = arith.cmpi sgt, %jit3A_90, %sign3A_99 : i32
    %sign3A_101 = arith.extui %sign3A_100 : i1 to i32
    %sign3A_102 = arith.constant 0 : i32
    %sign3A_103 = arith.cmpi slt, %jit3A_90, %sign3A_102 : i32
    %sign3A_104 = arith.extui %sign3A_103 : i1 to i32
    %sign3A_105 = arith.subi %sign3A_101, %sign3A_104 : i32
    %ne3A_106 = arith.cmpi ne, %sign3A_98, %sign3A_105 : i32
    %rem3A_107 = arith.remsi %reduce_sum3A_89, %jit3A_90 : i32
    %ne3A_108 = arith.constant 0 : i32
    %ne3A_109 = arith.cmpi ne, %rem3A_107, %ne3A_108 : i32
    %and3A_110 = arith.andi %ne3A_106, %ne3A_109 : i1
    %sub3A_111 = arith.constant 1 : i32
    %sub3A_112 = arith.subi %div3A_91, %sub3A_111 : i32
    %select_n3A_113 = arith.select %and3A_110, %sub3A_112, %div3A_91 : i32
    %mul3A_114 = arith.constant 128 : i32
    %mul3A_115 = arith.muli %add3A_80, %mul3A_114 : i32
    %sub3A_116 = arith.subi %select_n3A_113, %mul3A_115 : i32
    %jit3A_117 = arith.constant 0 : i32
    %jit3A_118 = arith.constant 128 : i32
    %max3A_119 = arith.maxsi %jit3A_117, %sub3A_116 : i32
    %min3A_120 = arith.minsi %jit3A_118, %max3A_119 : i32
    %mul3A_121 = arith.constant 16 : i32
    %mul3A_122 = arith.muli %sub3A_78, %mul3A_121 : i32
    %add3A_123 = arith.addi %mul3A_122, %add3A_80 : i32
    %mul3A_124 = arith.constant 128 : i32
    %mul3A_125 = arith.muli %add3A_123, %mul3A_124 : i32
    %add3A_126 = arith.constant 4 : i32
    %add3A_127 = arith.addi %select_n3A_32, %add3A_126 : i32
    %eq3A_128 = vector.broadcast %select_n3A_11 : i32 to vector<16xi32>
    %eq3A_129 = arith.cmpi eq, %iota3A, %eq3A_128 : vector<16xi32>
    %jit3A_130 = arith.constant 0 : i32
    %broadcast_in_dim3A_131 = vector.broadcast %jit3A_130 : i32 to vector<16xi32>
    %select_n3A_132 = arith.select %eq3A_129, %get3A_1, %broadcast_in_dim3A_131 : vector<16xi1>, vector<16xi32>
    %reduce_sum3A_133 = arith.constant true
    %reduce_sum3A_134 = vector.broadcast %reduce_sum3A_133 : i1 to vector<16xi1>
    %reduce_sum3A_135 = tpu.scan <sum>, %select_n3A_132 masked %reduce_sum3A_134 : vector<16xi32>, vector<16xi1> -> vector<16xi32>
    %reduce_sum3A_136 = vector.extract %reduce_sum3A_135[15] : i32 from vector<16xi32>
    %jit3A_137 = arith.constant 2 : i32
    %div3A_138 = arith.divsi %reduce_sum3A_136, %jit3A_137 : i32
    %sign3A_139 = arith.constant 0 : i32
    %sign3A_140 = arith.cmpi sgt, %reduce_sum3A_136, %sign3A_139 : i32
    %sign3A_141 = arith.extui %sign3A_140 : i1 to i32
    %sign3A_142 = arith.constant 0 : i32
    %sign3A_143 = arith.cmpi slt, %reduce_sum3A_136, %sign3A_142 : i32
    %sign3A_144 = arith.extui %sign3A_143 : i1 to i32
    %sign3A_145 = arith.subi %sign3A_141, %sign3A_144 : i32
    %sign3A_146 = arith.constant 0 : i32
    %sign3A_147 = arith.cmpi sgt, %jit3A_137, %sign3A_146 : i32
    %sign3A_148 = arith.extui %sign3A_147 : i1 to i32
    %sign3A_149 = arith.constant 0 : i32
    %sign3A_150 = arith.cmpi slt, %jit3A_137, %sign3A_149 : i32
    %sign3A_151 = arith.extui %sign3A_150 : i1 to i32
    %sign3A_152 = arith.subi %sign3A_148, %sign3A_151 : i32
    %ne3A_153 = arith.cmpi ne, %sign3A_145, %sign3A_152 : i32
    %rem3A_154 = arith.remsi %reduce_sum3A_136, %jit3A_137 : i32
    %ne3A_155 = arith.constant 0 : i32
    %ne3A_156 = arith.cmpi ne, %rem3A_154, %ne3A_155 : i32
    %and3A_157 = arith.andi %ne3A_153, %ne3A_156 : i1
    %sub3A_158 = arith.constant 1 : i32
    %sub3A_159 = arith.subi %div3A_138, %sub3A_158 : i32
    %select_n3A_160 = arith.select %and3A_157, %sub3A_159, %div3A_138 : i32
    %mul3A_161 = arith.constant 128 : i32
    %mul3A_162 = arith.muli %add3A_127, %mul3A_161 : i32
    %sub3A_163 = arith.subi %select_n3A_160, %mul3A_162 : i32
    %jit3A_164 = arith.constant 0 : i32
    %jit3A_165 = arith.constant 128 : i32
    %max3A_166 = arith.maxsi %jit3A_164, %sub3A_163 : i32
    %min3A_167 = arith.minsi %jit3A_165, %max3A_166 : i32
    %mul3A_168 = arith.constant 16 : i32
    %mul3A_169 = arith.muli %select_n3A_11, %mul3A_168 : i32
    %add3A_170 = arith.addi %mul3A_169, %add3A_127 : i32
    %mul3A_171 = arith.constant 128 : i32
    %mul3A_172 = arith.muli %add3A_170, %mul3A_171 : i32
    %sub3A_173 = arith.constant 15 : i32
    %sub3A_174 = arith.subi %sub3A_173, %select_n3A_11 : i32
    %add3A_175 = arith.constant 4 : i32
    %add3A_176 = arith.addi %select_n3A_32, %add3A_175 : i32
    %eq3A_177 = vector.broadcast %sub3A_174 : i32 to vector<16xi32>
    %eq3A_178 = arith.cmpi eq, %iota3A, %eq3A_177 : vector<16xi32>
    %jit3A_179 = arith.constant 0 : i32
    %broadcast_in_dim3A_180 = vector.broadcast %jit3A_179 : i32 to vector<16xi32>
    %select_n3A_181 = arith.select %eq3A_178, %get3A_1, %broadcast_in_dim3A_180 : vector<16xi1>, vector<16xi32>
    %reduce_sum3A_182 = arith.constant true
    %reduce_sum3A_183 = vector.broadcast %reduce_sum3A_182 : i1 to vector<16xi1>
    %reduce_sum3A_184 = tpu.scan <sum>, %select_n3A_181 masked %reduce_sum3A_183 : vector<16xi32>, vector<16xi1> -> vector<16xi32>
    %reduce_sum3A_185 = vector.extract %reduce_sum3A_184[15] : i32 from vector<16xi32>
    %jit3A_186 = arith.constant 2 : i32
    %div3A_187 = arith.divsi %reduce_sum3A_185, %jit3A_186 : i32
    %sign3A_188 = arith.constant 0 : i32
    %sign3A_189 = arith.cmpi sgt, %reduce_sum3A_185, %sign3A_188 : i32
    %sign3A_190 = arith.extui %sign3A_189 : i1 to i32
    %sign3A_191 = arith.constant 0 : i32
    %sign3A_192 = arith.cmpi slt, %reduce_sum3A_185, %sign3A_191 : i32
    %sign3A_193 = arith.extui %sign3A_192 : i1 to i32
    %sign3A_194 = arith.subi %sign3A_190, %sign3A_193 : i32
    %sign3A_195 = arith.constant 0 : i32
    %sign3A_196 = arith.cmpi sgt, %jit3A_186, %sign3A_195 : i32
    %sign3A_197 = arith.extui %sign3A_196 : i1 to i32
    %sign3A_198 = arith.constant 0 : i32
    %sign3A_199 = arith.cmpi slt, %jit3A_186, %sign3A_198 : i32
    %sign3A_200 = arith.extui %sign3A_199 : i1 to i32
    %sign3A_201 = arith.subi %sign3A_197, %sign3A_200 : i32
    %ne3A_202 = arith.cmpi ne, %sign3A_194, %sign3A_201 : i32
    %rem3A_203 = arith.remsi %reduce_sum3A_185, %jit3A_186 : i32
    %ne3A_204 = arith.constant 0 : i32
    %ne3A_205 = arith.cmpi ne, %rem3A_203, %ne3A_204 : i32
    %and3A_206 = arith.andi %ne3A_202, %ne3A_205 : i1
    %sub3A_207 = arith.constant 1 : i32
    %sub3A_208 = arith.subi %div3A_187, %sub3A_207 : i32
    %select_n3A_209 = arith.select %and3A_206, %sub3A_208, %div3A_187 : i32
    %mul3A_210 = arith.constant 128 : i32
    %mul3A_211 = arith.muli %add3A_176, %mul3A_210 : i32
    %sub3A_212 = arith.subi %select_n3A_209, %mul3A_211 : i32
    %jit3A_213 = arith.constant 0 : i32
    %jit3A_214 = arith.constant 128 : i32
    %max3A_215 = arith.maxsi %jit3A_213, %sub3A_212 : i32
    %min3A_216 = arith.minsi %jit3A_214, %max3A_215 : i32
    %mul3A_217 = arith.constant 16 : i32
    %mul3A_218 = arith.muli %sub3A_174, %mul3A_217 : i32
    %add3A_219 = arith.addi %mul3A_218, %add3A_176 : i32
    %mul3A_220 = arith.constant 128 : i32
    %mul3A_221 = arith.muli %add3A_219, %mul3A_220 : i32
    %add3A_222 = arith.constant 8 : i32
    %add3A_223 = arith.addi %select_n3A_32, %add3A_222 : i32
    %eq3A_224 = vector.broadcast %select_n3A_11 : i32 to vector<16xi32>
    %eq3A_225 = arith.cmpi eq, %iota3A, %eq3A_224 : vector<16xi32>
    %jit3A_226 = arith.constant 0 : i32
    %broadcast_in_dim3A_227 = vector.broadcast %jit3A_226 : i32 to vector<16xi32>
    %select_n3A_228 = arith.select %eq3A_225, %get3A_1, %broadcast_in_dim3A_227 : vector<16xi1>, vector<16xi32>
    %reduce_sum3A_229 = arith.constant true
    %reduce_sum3A_230 = vector.broadcast %reduce_sum3A_229 : i1 to vector<16xi1>
    %reduce_sum3A_231 = tpu.scan <sum>, %select_n3A_228 masked %reduce_sum3A_230 : vector<16xi32>, vector<16xi1> -> vector<16xi32>
    %reduce_sum3A_232 = vector.extract %reduce_sum3A_231[15] : i32 from vector<16xi32>
    %jit3A_233 = arith.constant 2 : i32
    %div3A_234 = arith.divsi %reduce_sum3A_232, %jit3A_233 : i32
    %sign3A_235 = arith.constant 0 : i32
    %sign3A_236 = arith.cmpi sgt, %reduce_sum3A_232, %sign3A_235 : i32
    %sign3A_237 = arith.extui %sign3A_236 : i1 to i32
    %sign3A_238 = arith.constant 0 : i32
    %sign3A_239 = arith.cmpi slt, %reduce_sum3A_232, %sign3A_238 : i32
    %sign3A_240 = arith.extui %sign3A_239 : i1 to i32
    %sign3A_241 = arith.subi %sign3A_237, %sign3A_240 : i32
    %sign3A_242 = arith.constant 0 : i32
    %sign3A_243 = arith.cmpi sgt, %jit3A_233, %sign3A_242 : i32
    %sign3A_244 = arith.extui %sign3A_243 : i1 to i32
    %sign3A_245 = arith.constant 0 : i32
    %sign3A_246 = arith.cmpi slt, %jit3A_233, %sign3A_245 : i32
    %sign3A_247 = arith.extui %sign3A_246 : i1 to i32
    %sign3A_248 = arith.subi %sign3A_244, %sign3A_247 : i32
    %ne3A_249 = arith.cmpi ne, %sign3A_241, %sign3A_248 : i32
    %rem3A_250 = arith.remsi %reduce_sum3A_232, %jit3A_233 : i32
    %ne3A_251 = arith.constant 0 : i32
    %ne3A_252 = arith.cmpi ne, %rem3A_250, %ne3A_251 : i32
    %and3A_253 = arith.andi %ne3A_249, %ne3A_252 : i1
    %sub3A_254 = arith.constant 1 : i32
    %sub3A_255 = arith.subi %div3A_234, %sub3A_254 : i32
    %select_n3A_256 = arith.select %and3A_253, %sub3A_255, %div3A_234 : i32
    %mul3A_257 = arith.constant 128 : i32
    %mul3A_258 = arith.muli %add3A_223, %mul3A_257 : i32
    %sub3A_259 = arith.subi %select_n3A_256, %mul3A_258 : i32
    %jit3A_260 = arith.constant 0 : i32
    %jit3A_261 = arith.constant 128 : i32
    %max3A_262 = arith.maxsi %jit3A_260, %sub3A_259 : i32
    %min3A_263 = arith.minsi %jit3A_261, %max3A_262 : i32
    %mul3A_264 = arith.constant 16 : i32
    %mul3A_265 = arith.muli %select_n3A_11, %mul3A_264 : i32
    %add3A_266 = arith.addi %mul3A_265, %add3A_223 : i32
    %mul3A_267 = arith.constant 128 : i32
    %mul3A_268 = arith.muli %add3A_266, %mul3A_267 : i32
    %sub3A_269 = arith.constant 15 : i32
    %sub3A_270 = arith.subi %sub3A_269, %select_n3A_11 : i32
    %add3A_271 = arith.constant 8 : i32
    %add3A_272 = arith.addi %select_n3A_32, %add3A_271 : i32
    %eq3A_273 = vector.broadcast %sub3A_270 : i32 to vector<16xi32>
    %eq3A_274 = arith.cmpi eq, %iota3A, %eq3A_273 : vector<16xi32>
    %jit3A_275 = arith.constant 0 : i32
    %broadcast_in_dim3A_276 = vector.broadcast %jit3A_275 : i32 to vector<16xi32>
    %select_n3A_277 = arith.select %eq3A_274, %get3A_1, %broadcast_in_dim3A_276 : vector<16xi1>, vector<16xi32>
    %reduce_sum3A_278 = arith.constant true
    %reduce_sum3A_279 = vector.broadcast %reduce_sum3A_278 : i1 to vector<16xi1>
    %reduce_sum3A_280 = tpu.scan <sum>, %select_n3A_277 masked %reduce_sum3A_279 : vector<16xi32>, vector<16xi1> -> vector<16xi32>
    %reduce_sum3A_281 = vector.extract %reduce_sum3A_280[15] : i32 from vector<16xi32>
    %jit3A_282 = arith.constant 2 : i32
    %div3A_283 = arith.divsi %reduce_sum3A_281, %jit3A_282 : i32
    %sign3A_284 = arith.constant 0 : i32
    %sign3A_285 = arith.cmpi sgt, %reduce_sum3A_281, %sign3A_284 : i32
    %sign3A_286 = arith.extui %sign3A_285 : i1 to i32
    %sign3A_287 = arith.constant 0 : i32
    %sign3A_288 = arith.cmpi slt, %reduce_sum3A_281, %sign3A_287 : i32
    %sign3A_289 = arith.extui %sign3A_288 : i1 to i32
    %sign3A_290 = arith.subi %sign3A_286, %sign3A_289 : i32
    %sign3A_291 = arith.constant 0 : i32
    %sign3A_292 = arith.cmpi sgt, %jit3A_282, %sign3A_291 : i32
    %sign3A_293 = arith.extui %sign3A_292 : i1 to i32
    %sign3A_294 = arith.constant 0 : i32
    %sign3A_295 = arith.cmpi slt, %jit3A_282, %sign3A_294 : i32
    %sign3A_296 = arith.extui %sign3A_295 : i1 to i32
    %sign3A_297 = arith.subi %sign3A_293, %sign3A_296 : i32
    %ne3A_298 = arith.cmpi ne, %sign3A_290, %sign3A_297 : i32
    %rem3A_299 = arith.remsi %reduce_sum3A_281, %jit3A_282 : i32
    %ne3A_300 = arith.constant 0 : i32
    %ne3A_301 = arith.cmpi ne, %rem3A_299, %ne3A_300 : i32
    %and3A_302 = arith.andi %ne3A_298, %ne3A_301 : i1
    %sub3A_303 = arith.constant 1 : i32
    %sub3A_304 = arith.subi %div3A_283, %sub3A_303 : i32
    %select_n3A_305 = arith.select %and3A_302, %sub3A_304, %div3A_283 : i32
    %mul3A_306 = arith.constant 128 : i32
    %mul3A_307 = arith.muli %add3A_272, %mul3A_306 : i32
    %sub3A_308 = arith.subi %select_n3A_305, %mul3A_307 : i32
    %jit3A_309 = arith.constant 0 : i32
    %jit3A_310 = arith.constant 128 : i32
    %max3A_311 = arith.maxsi %jit3A_309, %sub3A_308 : i32
    %min3A_312 = arith.minsi %jit3A_310, %max3A_311 : i32
    %mul3A_313 = arith.constant 16 : i32
    %mul3A_314 = arith.muli %sub3A_270, %mul3A_313 : i32
    %add3A_315 = arith.addi %mul3A_314, %add3A_272 : i32
    %mul3A_316 = arith.constant 128 : i32
    %mul3A_317 = arith.muli %add3A_315, %mul3A_316 : i32
    %add3A_318 = arith.constant 12 : i32
    %add3A_319 = arith.addi %select_n3A_32, %add3A_318 : i32
    %eq3A_320 = vector.broadcast %select_n3A_11 : i32 to vector<16xi32>
    %eq3A_321 = arith.cmpi eq, %iota3A, %eq3A_320 : vector<16xi32>
    %jit3A_322 = arith.constant 0 : i32
    %broadcast_in_dim3A_323 = vector.broadcast %jit3A_322 : i32 to vector<16xi32>
    %select_n3A_324 = arith.select %eq3A_321, %get3A_1, %broadcast_in_dim3A_323 : vector<16xi1>, vector<16xi32>
    %reduce_sum3A_325 = arith.constant true
    %reduce_sum3A_326 = vector.broadcast %reduce_sum3A_325 : i1 to vector<16xi1>
    %reduce_sum3A_327 = tpu.scan <sum>, %select_n3A_324 masked %reduce_sum3A_326 : vector<16xi32>, vector<16xi1> -> vector<16xi32>
    %reduce_sum3A_328 = vector.extract %reduce_sum3A_327[15] : i32 from vector<16xi32>
    %jit3A_329 = arith.constant 2 : i32
    %div3A_330 = arith.divsi %reduce_sum3A_328, %jit3A_329 : i32
    %sign3A_331 = arith.constant 0 : i32
    %sign3A_332 = arith.cmpi sgt, %reduce_sum3A_328, %sign3A_331 : i32
    %sign3A_333 = arith.extui %sign3A_332 : i1 to i32
    %sign3A_334 = arith.constant 0 : i32
    %sign3A_335 = arith.cmpi slt, %reduce_sum3A_328, %sign3A_334 : i32
    %sign3A_336 = arith.extui %sign3A_335 : i1 to i32
    %sign3A_337 = arith.subi %sign3A_333, %sign3A_336 : i32
    %sign3A_338 = arith.constant 0 : i32
    %sign3A_339 = arith.cmpi sgt, %jit3A_329, %sign3A_338 : i32
    %sign3A_340 = arith.extui %sign3A_339 : i1 to i32
    %sign3A_341 = arith.constant 0 : i32
    %sign3A_342 = arith.cmpi slt, %jit3A_329, %sign3A_341 : i32
    %sign3A_343 = arith.extui %sign3A_342 : i1 to i32
    %sign3A_344 = arith.subi %sign3A_340, %sign3A_343 : i32
    %ne3A_345 = arith.cmpi ne, %sign3A_337, %sign3A_344 : i32
    %rem3A_346 = arith.remsi %reduce_sum3A_328, %jit3A_329 : i32
    %ne3A_347 = arith.constant 0 : i32
    %ne3A_348 = arith.cmpi ne, %rem3A_346, %ne3A_347 : i32
    %and3A_349 = arith.andi %ne3A_345, %ne3A_348 : i1
    %sub3A_350 = arith.constant 1 : i32
    %sub3A_351 = arith.subi %div3A_330, %sub3A_350 : i32
    %select_n3A_352 = arith.select %and3A_349, %sub3A_351, %div3A_330 : i32
    %mul3A_353 = arith.constant 128 : i32
    %mul3A_354 = arith.muli %add3A_319, %mul3A_353 : i32
    %sub3A_355 = arith.subi %select_n3A_352, %mul3A_354 : i32
    %jit3A_356 = arith.constant 0 : i32
    %jit3A_357 = arith.constant 128 : i32
    %max3A_358 = arith.maxsi %jit3A_356, %sub3A_355 : i32
    %min3A_359 = arith.minsi %jit3A_357, %max3A_358 : i32
    %mul3A_360 = arith.constant 16 : i32
    %mul3A_361 = arith.muli %select_n3A_11, %mul3A_360 : i32
    %add3A_362 = arith.addi %mul3A_361, %add3A_319 : i32
    %mul3A_363 = arith.constant 128 : i32
    %mul3A_364 = arith.muli %add3A_362, %mul3A_363 : i32
    %sub3A_365 = arith.constant 15 : i32
    %sub3A_366 = arith.subi %sub3A_365, %select_n3A_11 : i32
    %add3A_367 = arith.constant 12 : i32
    %add3A_368 = arith.addi %select_n3A_32, %add3A_367 : i32
    %eq3A_369 = vector.broadcast %sub3A_366 : i32 to vector<16xi32>
    %eq3A_370 = arith.cmpi eq, %iota3A, %eq3A_369 : vector<16xi32>
    %jit3A_371 = arith.constant 0 : i32
    %broadcast_in_dim3A_372 = vector.broadcast %jit3A_371 : i32 to vector<16xi32>
    %select_n3A_373 = arith.select %eq3A_370, %get3A_1, %broadcast_in_dim3A_372 : vector<16xi1>, vector<16xi32>
    %reduce_sum3A_374 = arith.constant true
    %reduce_sum3A_375 = vector.broadcast %reduce_sum3A_374 : i1 to vector<16xi1>
    %reduce_sum3A_376 = tpu.scan <sum>, %select_n3A_373 masked %reduce_sum3A_375 : vector<16xi32>, vector<16xi1> -> vector<16xi32>
    %reduce_sum3A_377 = vector.extract %reduce_sum3A_376[15] : i32 from vector<16xi32>
    %jit3A_378 = arith.constant 2 : i32
    %div3A_379 = arith.divsi %reduce_sum3A_377, %jit3A_378 : i32
    %sign3A_380 = arith.constant 0 : i32
    %sign3A_381 = arith.cmpi sgt, %reduce_sum3A_377, %sign3A_380 : i32
    %sign3A_382 = arith.extui %sign3A_381 : i1 to i32
    %sign3A_383 = arith.constant 0 : i32
    %sign3A_384 = arith.cmpi slt, %reduce_sum3A_377, %sign3A_383 : i32
    %sign3A_385 = arith.extui %sign3A_384 : i1 to i32
    %sign3A_386 = arith.subi %sign3A_382, %sign3A_385 : i32
    %sign3A_387 = arith.constant 0 : i32
    %sign3A_388 = arith.cmpi sgt, %jit3A_378, %sign3A_387 : i32
    %sign3A_389 = arith.extui %sign3A_388 : i1 to i32
    %sign3A_390 = arith.constant 0 : i32
    %sign3A_391 = arith.cmpi slt, %jit3A_378, %sign3A_390 : i32
    %sign3A_392 = arith.extui %sign3A_391 : i1 to i32
    %sign3A_393 = arith.subi %sign3A_389, %sign3A_392 : i32
    %ne3A_394 = arith.cmpi ne, %sign3A_386, %sign3A_393 : i32
    %rem3A_395 = arith.remsi %reduce_sum3A_377, %jit3A_378 : i32
    %ne3A_396 = arith.constant 0 : i32
    %ne3A_397 = arith.cmpi ne, %rem3A_395, %ne3A_396 : i32
    %and3A_398 = arith.andi %ne3A_394, %ne3A_397 : i1
    %sub3A_399 = arith.constant 1 : i32
    %sub3A_400 = arith.subi %div3A_379, %sub3A_399 : i32
    %select_n3A_401 = arith.select %and3A_398, %sub3A_400, %div3A_379 : i32
    %mul3A_402 = arith.constant 128 : i32
    %mul3A_403 = arith.muli %add3A_368, %mul3A_402 : i32
    %sub3A_404 = arith.subi %select_n3A_401, %mul3A_403 : i32
    %jit3A_405 = arith.constant 0 : i32
    %jit3A_406 = arith.constant 128 : i32
    %max3A_407 = arith.maxsi %jit3A_405, %sub3A_404 : i32
    %min3A_408 = arith.minsi %jit3A_406, %max3A_407 : i32
    %mul3A_409 = arith.constant 16 : i32
    %mul3A_410 = arith.muli %sub3A_366, %mul3A_409 : i32
    %add3A_411 = arith.addi %mul3A_410, %add3A_368 : i32
    %mul3A_412 = arith.constant 128 : i32
    %mul3A_413 = arith.muli %add3A_411, %mul3A_412 : i32
    %scan3A = arith.constant 0 : i32
    %scan3A_414 = arith.constant 64 : i32
    %scan3A_415 = arith.addi %scan3A, %scan3A_414 : i32
    %scan3A_416 = arith.constant 1 : i32
    scf.for %scan3A_555 = %scan3A to %scan3A_415 step %scan3A_416  : i32 {
      %mul3A_556 = arith.constant 1 : i32
      %mul3A_557 = arith.muli %scan3A_555, %mul3A_556 : i32
      %add3A_558 = arith.constant 0 : i32
      %add3A_559 = arith.addi %add3A_558, %mul3A_557 : i32
      %jit3A_560 = arith.constant 8 : i32
      %div3A_561 = arith.divsi %add3A_559, %jit3A_560 : i32
      %sign3A_562 = arith.constant 0 : i32
      %sign3A_563 = arith.cmpi sgt, %add3A_559, %sign3A_562 : i32
      %sign3A_564 = arith.extui %sign3A_563 : i1 to i32
      %sign3A_565 = arith.constant 0 : i32
      %sign3A_566 = arith.cmpi slt, %add3A_559, %sign3A_565 : i32
      %sign3A_567 = arith.extui %sign3A_566 : i1 to i32
      %sign3A_568 = arith.subi %sign3A_564, %sign3A_567 : i32
      %sign3A_569 = arith.constant 0 : i32
      %sign3A_570 = arith.cmpi sgt, %jit3A_560, %sign3A_569 : i32
      %sign3A_571 = arith.extui %sign3A_570 : i1 to i32
      %sign3A_572 = arith.constant 0 : i32
      %sign3A_573 = arith.cmpi slt, %jit3A_560, %sign3A_572 : i32
      %sign3A_574 = arith.extui %sign3A_573 : i1 to i32
      %sign3A_575 = arith.subi %sign3A_571, %sign3A_574 : i32
      %ne3A_576 = arith.cmpi ne, %sign3A_568, %sign3A_575 : i32
      %rem3A_577 = arith.remsi %add3A_559, %jit3A_560 : i32
      %ne3A_578 = arith.constant 0 : i32
      %ne3A_579 = arith.cmpi ne, %rem3A_577, %ne3A_578 : i32
      %and3A_580 = arith.andi %ne3A_576, %ne3A_579 : i1
      %sub3A_581 = arith.constant 1 : i32
      %sub3A_582 = arith.subi %div3A_561, %sub3A_581 : i32
      %select_n3A_583 = arith.select %and3A_580, %sub3A_582, %div3A_561 : i32
      %jit3A_584 = arith.constant 8 : i32
      %eq3A_585 = arith.constant 0 : i32
      %eq3A_586 = arith.cmpi eq, %jit3A_584, %eq3A_585 : i32
      %jit3A_587 = arith.constant 1 : i32
      %select_n3A_588 = arith.select %eq3A_586, %jit3A_587, %jit3A_584 : i32
      %rem3A_589 = arith.remsi %add3A_559, %select_n3A_588 : i32
      %ne3A_590 = arith.constant 0 : i32
      %ne3A_591 = arith.cmpi ne, %rem3A_589, %ne3A_590 : i32
      %lt3A_592 = arith.constant 0 : i32
      %lt3A_593 = arith.cmpi slt, %rem3A_589, %lt3A_592 : i32
      %lt3A_594 = arith.constant 0 : i32
      %lt3A_595 = arith.cmpi slt, %select_n3A_588, %lt3A_594 : i32
      %ne3A_596 = arith.xori %lt3A_593, %lt3A_595 : i1
      %and3A_597 = arith.andi %ne3A_596, %ne3A_591 : i1
      %add3A_598 = arith.addi %rem3A_589, %select_n3A_588 : i32
      %select_n3A_599 = arith.select %and3A_597, %add3A_598, %rem3A_589 : i32
      %jit3A_600 = arith.constant 2 : i32
      %eq3A_601 = arith.constant 0 : i32
      %eq3A_602 = arith.cmpi eq, %jit3A_600, %eq3A_601 : i32
      %jit3A_603 = arith.constant 1 : i32
      %select_n3A_604 = arith.select %eq3A_602, %jit3A_603, %jit3A_600 : i32
      %rem3A_605 = arith.remsi %select_n3A_583, %select_n3A_604 : i32
      %ne3A_606 = arith.constant 0 : i32
      %ne3A_607 = arith.cmpi ne, %rem3A_605, %ne3A_606 : i32
      %lt3A_608 = arith.constant 0 : i32
      %lt3A_609 = arith.cmpi slt, %rem3A_605, %lt3A_608 : i32
      %lt3A_610 = arith.constant 0 : i32
      %lt3A_611 = arith.cmpi slt, %select_n3A_604, %lt3A_610 : i32
      %ne3A_612 = arith.xori %lt3A_609, %lt3A_611 : i1
      %and3A_613 = arith.andi %ne3A_612, %ne3A_607 : i1
      %add3A_614 = arith.addi %rem3A_605, %select_n3A_604 : i32
      %select_n3A_615 = arith.select %and3A_613, %add3A_614, %rem3A_605 : i32
      %eq3A_616 = arith.constant 0 : i32
      %eq3A_617 = arith.cmpi eq, %select_n3A_615, %eq3A_616 : i32
      %sub3A_618 = arith.constant 15 : i32
      %sub3A_619 = arith.subi %sub3A_618, %select_n3A_11 : i32
      %select_n3A_620 = arith.select %eq3A_617, %select_n3A_11, %sub3A_619 : i32
      %jit3A_621 = arith.constant 2 : i32
      %div3A_622 = arith.divsi %select_n3A_583, %jit3A_621 : i32
      %sign3A_623 = arith.constant 0 : i32
      %sign3A_624 = arith.cmpi sgt, %select_n3A_583, %sign3A_623 : i32
      %sign3A_625 = arith.extui %sign3A_624 : i1 to i32
      %sign3A_626 = arith.constant 0 : i32
      %sign3A_627 = arith.cmpi slt, %select_n3A_583, %sign3A_626 : i32
      %sign3A_628 = arith.extui %sign3A_627 : i1 to i32
      %sign3A_629 = arith.subi %sign3A_625, %sign3A_628 : i32
      %sign3A_630 = arith.constant 0 : i32
      %sign3A_631 = arith.cmpi sgt, %jit3A_621, %sign3A_630 : i32
      %sign3A_632 = arith.extui %sign3A_631 : i1 to i32
      %sign3A_633 = arith.constant 0 : i32
      %sign3A_634 = arith.cmpi slt, %jit3A_621, %sign3A_633 : i32
      %sign3A_635 = arith.extui %sign3A_634 : i1 to i32
      %sign3A_636 = arith.subi %sign3A_632, %sign3A_635 : i32
      %ne3A_637 = arith.cmpi ne, %sign3A_629, %sign3A_636 : i32
      %rem3A_638 = arith.remsi %select_n3A_583, %jit3A_621 : i32
      %ne3A_639 = arith.constant 0 : i32
      %ne3A_640 = arith.cmpi ne, %rem3A_638, %ne3A_639 : i32
      %and3A_641 = arith.andi %ne3A_637, %ne3A_640 : i1
      %sub3A_642 = arith.constant 1 : i32
      %sub3A_643 = arith.subi %div3A_622, %sub3A_642 : i32
      %select_n3A_644 = arith.select %and3A_641, %sub3A_643, %div3A_622 : i32
      %mul3A_645 = arith.constant 4 : i32
      %mul3A_646 = arith.muli %mul3A_645, %select_n3A_644 : i32
      %add3A_647 = arith.addi %select_n3A_32, %mul3A_646 : i32
      %mul3A_648 = arith.constant 4096 : i32
      %mul3A_649 = arith.muli %select_n3A_620, %mul3A_648 : i32
      %mul3A_650 = arith.constant 128 : i32
      %mul3A_651 = arith.muli %add3A_647, %mul3A_650 : i32
      %mul3A_652 = arith.constant 2 : i32
      %mul3A_653 = arith.muli %mul3A_652, %mul3A_651 : i32
      %add3A_654 = arith.addi %mul3A_649, %mul3A_653 : i32
      %add3A_655 = arith.constant 1 : i32
      %add3A_656 = arith.addi %add3A_654, %add3A_655 : i32
      %mul3A_657 = arith.constant 16 : i32
      %mul3A_658 = arith.muli %select_n3A_599, %mul3A_657 : i32
      %add3A_659 = vector.broadcast %mul3A_658 : i32 to vector<16xi32>
      %add3A_660 = arith.addi %add3A_659, %iota3A : vector<16xi32>
      %mul3A_661 = arith.constant 2 : i32
      %mul3A_662 = vector.broadcast %mul3A_661 : i32 to vector<16xi32>
      %mul3A_663 = arith.muli %mul3A_662, %add3A_660 : vector<16xi32>
      %add3A_664 = vector.broadcast %add3A_656 : i32 to vector<16xi32>
      %add3A_665 = arith.addi %add3A_664, %mul3A_663 : vector<16xi32>
      %mul3A_666 = arith.constant 16 : i32
      %mul3A_667 = arith.muli %add3A_559, %mul3A_666 : i32
      %swap3A = arith.index_cast %mul3A_667 : i32 to index
      %swap3A_668 = tpu.vector_load %arg6[%swap3A] {strides = array<i32>} : memref<1024xi32, #tpu.memory_space<vmem>>, vector<16xi32>,
      tpu.vector_store %arg6[%swap3A], %add3A_665 {strides = array<i32>} : memref<1024xi32, #tpu.memory_space<vmem>>, vector<16xi32>,
    }
    %scan3A_417 = arith.constant 64 : i32
    %gt3A = arith.constant 0 : i32
    %gt3A_418 = arith.cmpi sgt, %min3A, %gt3A : i32
    %convert_element_type3A = arith.extui %gt3A_418 : i1 to i32
    %cond3A = arith.constant 0 : i32
    %cond3A_419 = arith.cmpi ne, %convert_element_type3A, %cond3A : i32
    scf.if %cond3A_419 {
      %dma_start3A = arith.constant 0 : i32
      %dma_start3A_555 = tpu.memref_slice %arg6[%dma_start3A] : memref<1024xi32, #tpu.memory_space<vmem>> -> memref<128xi32, #tpu.memory_space<vmem>>
      %dma_start3A_556 = arith.constant 0 : i32
      %dma_start3A_557 = arith.constant 0 : i32
      %dma_start3A_558 = tpu.memref_slice %arg2[%dma_start3A_556, %dma_start3A_557] : memref<65536x256xf32, #tpu.memory_space<hbm>> -> memref<65536x256xf32, #tpu.memory_space<hbm>>
      tpu.enqueue_indirect_dma source(%dma_start3A_558 : memref<65536x256xf32, #tpu.memory_space<hbm>>) target(%arg7 : memref<128x256xf32, #tpu.memory_space<vmem>>) offsets(%dma_start3A_555 : memref<128xi32, #tpu.memory_space<vmem>>) semaphore(%arg13 : memref<!tpu.dma_semaphore, #tpu.memory_space<semaphore_mem>>)
    } else {
    }
    %gt3A_420 = arith.constant 0 : i32
    %gt3A_421 = arith.cmpi sgt, %min3A_120, %gt3A_420 : i32
    %convert_element_type3A_422 = arith.extui %gt3A_421 : i1 to i32
    %cond3A_423 = arith.constant 0 : i32
    %cond3A_424 = arith.cmpi ne, %convert_element_type3A_422, %cond3A_423 : i32
    scf.if %cond3A_424 {
      %dma_start3A = arith.constant 128 : i32
      %dma_start3A_555 = tpu.memref_slice %arg6[%dma_start3A] : memref<1024xi32, #tpu.memory_space<vmem>> -> memref<128xi32, #tpu.memory_space<vmem>>
      %dma_start3A_556 = arith.constant 0 : i32
      %dma_start3A_557 = arith.constant 0 : i32
      %dma_start3A_558 = tpu.memref_slice %arg2[%dma_start3A_556, %dma_start3A_557] : memref<65536x256xf32, #tpu.memory_space<hbm>> -> memref<65536x256xf32, #tpu.memory_space<hbm>>
      tpu.enqueue_indirect_dma source(%dma_start3A_558 : memref<65536x256xf32, #tpu.memory_space<hbm>>) target(%arg8 : memref<128x256xf32, #tpu.memory_space<vmem>>) offsets(%dma_start3A_555 : memref<128xi32, #tpu.memory_space<vmem>>) semaphore(%arg14 : memref<!tpu.dma_semaphore, #tpu.memory_space<semaphore_mem>>)
    } else {
    }
    %gt3A_425 = arith.constant 0 : i32
    %gt3A_426 = arith.cmpi sgt, %min3A_167, %gt3A_425 : i32
    %convert_element_type3A_427 = arith.extui %gt3A_426 : i1 to i32
    %cond3A_428 = arith.constant 0 : i32
    %cond3A_429 = arith.cmpi ne, %convert_element_type3A_427, %cond3A_428 : i32
    scf.if %cond3A_429 {
      %dma_start3A = arith.constant 256 : i32
      %dma_start3A_555 = tpu.memref_slice %arg6[%dma_start3A] : memref<1024xi32, #tpu.memory_space<vmem>> -> memref<128xi32, #tpu.memory_space<vmem>>
      %dma_start3A_556 = arith.constant 0 : i32
      %dma_start3A_557 = arith.constant 0 : i32
      %dma_start3A_558 = tpu.memref_slice %arg2[%dma_start3A_556, %dma_start3A_557] : memref<65536x256xf32, #tpu.memory_space<hbm>> -> memref<65536x256xf32, #tpu.memory_space<hbm>>
      tpu.enqueue_indirect_dma source(%dma_start3A_558 : memref<65536x256xf32, #tpu.memory_space<hbm>>) target(%arg9 : memref<128x256xf32, #tpu.memory_space<vmem>>) offsets(%dma_start3A_555 : memref<128xi32, #tpu.memory_space<vmem>>) semaphore(%arg15 : memref<!tpu.dma_semaphore, #tpu.memory_space<semaphore_mem>>)
    } else {
    }
    %eq3A_430 = arith.constant 0 : i32
    %eq3A_431 = arith.cmpi eq, %add3A, %eq3A_430 : i32
    %convert_element_type3A_432 = arith.extui %eq3A_431 : i1 to i32
    %cond3A_433 = arith.constant 0 : i32
    %cond3A_434 = arith.cmpi ne, %convert_element_type3A_432, %cond3A_433 : i32
    scf.if %cond3A_434 {
      %jit3A_555 = arith.constant 2 : i32
      %div3A_556 = vector.broadcast %jit3A_555 : i32 to vector<16xi32>
      %div3A_557 = arith.divsi %get3A_1, %div3A_556 : vector<16xi32>
      %sign3A_558 = arith.constant 0 : i32
      %sign3A_559 = vector.broadcast %sign3A_558 : i32 to vector<16xi32>
      %sign3A_560 = arith.cmpi sgt, %get3A_1, %sign3A_559 : vector<16xi32>
      %sign3A_561 = arith.extui %sign3A_560 : vector<16xi1> to vector<16xi32>
      %sign3A_562 = arith.constant 0 : i32
      %sign3A_563 = vector.broadcast %sign3A_562 : i32 to vector<16xi32>
      %sign3A_564 = arith.cmpi slt, %get3A_1, %sign3A_563 : vector<16xi32>
      %sign3A_565 = arith.extui %sign3A_564 : vector<16xi1> to vector<16xi32>
      %sign3A_566 = arith.subi %sign3A_561, %sign3A_565 : vector<16xi32>
      %sign3A_567 = arith.constant 0 : i32
      %sign3A_568 = arith.cmpi sgt, %jit3A_555, %sign3A_567 : i32
      %sign3A_569 = arith.extui %sign3A_568 : i1 to i32
      %sign3A_570 = arith.constant 0 : i32
      %sign3A_571 = arith.cmpi slt, %jit3A_555, %sign3A_570 : i32
      %sign3A_572 = arith.extui %sign3A_571 : i1 to i32
      %sign3A_573 = arith.subi %sign3A_569, %sign3A_572 : i32
      %ne3A_574 = vector.broadcast %sign3A_573 : i32 to vector<16xi32>
      %ne3A_575 = arith.cmpi ne, %sign3A_566, %ne3A_574 : vector<16xi32>
      %rem3A_576 = vector.broadcast %jit3A_555 : i32 to vector<16xi32>
      %rem3A_577 = arith.remsi %get3A_1, %rem3A_576 : vector<16xi32>
      %ne3A_578 = arith.constant 0 : i32
      %ne3A_579 = vector.broadcast %ne3A_578 : i32 to vector<16xi32>
      %ne3A_580 = arith.cmpi ne, %rem3A_577, %ne3A_579 : vector<16xi32>
      %and3A_581 = arith.andi %ne3A_575, %ne3A_580 : vector<16xi1>
      %sub3A_582 = arith.constant 1 : i32
      %sub3A_583 = vector.broadcast %sub3A_582 : i32 to vector<16xi32>
      %sub3A_584 = arith.subi %div3A_557, %sub3A_583 : vector<16xi32>
      %select_n3A_585 = arith.select %and3A_581, %sub3A_584, %div3A_557 : vector<16xi1>, vector<16xi32>
      %swap3A = arith.constant 0 : index
      %swap3A_586 = tpu.vector_load %arg12[%swap3A] {strides = array<i32>} : memref<16xi32, #tpu.memory_space<vmem>>, vector<16xi32>,
      tpu.vector_store %arg12[%swap3A], %select_n3A_585 {strides = array<i32>} : memref<16xi32, #tpu.memory_space<vmem>>, vector<16xi32>,
      "tpu.region"() ({
        %run_scoped3A = tpu.sem_alloc : memref<!tpu.dma_semaphore, #tpu.memory_space<semaphore_mem>>
        tpu.enqueue_dma source(%arg12 : memref<16xi32, #tpu.memory_space<vmem>>) target(%arg5 : memref<16xi32, #tpu.memory_space<hbm>>) target_semaphore(%run_scoped3A : memref<!tpu.dma_semaphore, #tpu.memory_space<semaphore_mem>>)
        tpu.wait_dma2 semaphore(%run_scoped3A : memref<!tpu.dma_semaphore, #tpu.memory_space<semaphore_mem>>) src(%arg12 : memref<16xi32, #tpu.memory_space<vmem>>) dst(%arg5 : memref<16xi32, #tpu.memory_space<hbm>>)
        tpu.yield
      }) : () -> ()
    } else {
    }
    %scan3A_435 = arith.constant 0 : i32
    %scan3A_436 = arith.constant 64 : i32
    %scan3A_437 = arith.addi %scan3A_435, %scan3A_436 : i32
    %scan3A_438 = arith.constant 1 : i32
    scf.for %scan3A_555 = %scan3A_435 to %scan3A_437 step %scan3A_438  : i32 {
      %mul3A_556 = arith.constant 1 : i32
      %mul3A_557 = arith.muli %scan3A_555, %mul3A_556 : i32
      %add3A_558 = arith.constant 0 : i32
      %add3A_559 = arith.addi %add3A_558, %mul3A_557 : i32
      %swap3A = arith.index_cast %add3A_559 : i32 to index
      %swap3A_560 = arith.constant 0 : index
      %swap3A_561 = tpu.vector_load %arg10[%swap3A, %swap3A_560] {strides = array<i32>} : memref<64x256xf32, #tpu.memory_space<vmem>>, vector<16xf32>,
      tpu.vector_store %arg10[%swap3A, %swap3A_560], %broadcast_in_dim3A_2 {strides = array<i32>} : memref<64x256xf32, #tpu.memory_space<vmem>>, vector<16xf32>,
      %swap3A_562 = arith.index_cast %add3A_559 : i32 to index
      %swap3A_563 = arith.constant 16 : index
      %swap3A_564 = tpu.vector_load %arg10[%swap3A_562, %swap3A_563] {strides = array<i32>} : memref<64x256xf32, #tpu.memory_space<vmem>>, vector<16xf32>,
      tpu.vector_store %arg10[%swap3A_562, %swap3A_563], %broadcast_in_dim3A_2 {strides = array<i32>} : memref<64x256xf32, #tpu.memory_space<vmem>>, vector<16xf32>,
      %swap3A_565 = arith.index_cast %add3A_559 : i32 to index
      %swap3A_566 = arith.constant 32 : index
      %swap3A_567 = tpu.vector_load %arg10[%swap3A_565, %swap3A_566] {strides = array<i32>} : memref<64x256xf32, #tpu.memory_space<vmem>>, vector<16xf32>,
      tpu.vector_store %arg10[%swap3A_565, %swap3A_566], %broadcast_in_dim3A_2 {strides = array<i32>} : memref<64x256xf32, #tpu.memory_space<vmem>>, vector<16xf32>,
      %swap3A_568 = arith.index_cast %add3A_559 : i32 to index
      %swap3A_569 = arith.constant 48 : index
      %swap3A_570 = tpu.vector_load %arg10[%swap3A_568, %swap3A_569] {strides = array<i32>} : memref<64x256xf32, #tpu.memory_space<vmem>>, vector<16xf32>,
      tpu.vector_store %arg10[%swap3A_568, %swap3A_569], %broadcast_in_dim3A_2 {strides = array<i32>} : memref<64x256xf32, #tpu.memory_space<vmem>>, vector<16xf32>,
      %swap3A_571 = arith.index_cast %add3A_559 : i32 to index
      %swap3A_572 = arith.constant 64 : index
      %swap3A_573 = tpu.vector_load %arg10[%swap3A_571, %swap3A_572] {strides = array<i32>} : memref<64x256xf32, #tpu.memory_space<vmem>>, vector<16xf32>,
      tpu.vector_store %arg10[%swap3A_571, %swap3A_572], %broadcast_in_dim3A_2 {strides = array<i32>} : memref<64x256xf32, #tpu.memory_space<vmem>>, vector<16xf32>,
      %swap3A_574 = arith.index_cast %add3A_559 : i32 to index
      %swap3A_575 = arith.constant 80 : index
      %swap3A_576 = tpu.vector_load %arg10[%swap3A_574, %swap3A_575] {strides = array<i32>} : memref<64x256xf32, #tpu.memory_space<vmem>>, vector<16xf32>,
      tpu.vector_store %arg10[%swap3A_574, %swap3A_575], %broadcast_in_dim3A_2 {strides = array<i32>} : memref<64x256xf32, #tpu.memory_space<vmem>>, vector<16xf32>,
      %swap3A_577 = arith.index_cast %add3A_559 : i32 to index
      %swap3A_578 = arith.constant 96 : index
      %swap3A_579 = tpu.vector_load %arg10[%swap3A_577, %swap3A_578] {strides = array<i32>} : memref<64x256xf32, #tpu.memory_space<vmem>>, vector<16xf32>,
      tpu.vector_store %arg10[%swap3A_577, %swap3A_578], %broadcast_in_dim3A_2 {strides = array<i32>} : memref<64x256xf32, #tpu.memory_space<vmem>>, vector<16xf32>,
      %swap3A_580 = arith.index_cast %add3A_559 : i32 to index
      %swap3A_581 = arith.constant 112 : index
      %swap3A_582 = tpu.vector_load %arg10[%swap3A_580, %swap3A_581] {strides = array<i32>} : memref<64x256xf32, #tpu.memory_space<vmem>>, vector<16xf32>,
      tpu.vector_store %arg10[%swap3A_580, %swap3A_581], %broadcast_in_dim3A_2 {strides = array<i32>} : memref<64x256xf32, #tpu.memory_space<vmem>>, vector<16xf32>,
      %swap3A_583 = arith.index_cast %add3A_559 : i32 to index
      %swap3A_584 = arith.constant 128 : index
      %swap3A_585 = tpu.vector_load %arg10[%swap3A_583, %swap3A_584] {strides = array<i32>} : memref<64x256xf32, #tpu.memory_space<vmem>>, vector<16xf32>,
      tpu.vector_store %arg10[%swap3A_583, %swap3A_584], %broadcast_in_dim3A_2 {strides = array<i32>} : memref<64x256xf32, #tpu.memory_space<vmem>>, vector<16xf32>,
      %swap3A_586 = arith.index_cast %add3A_559 : i32 to index
      %swap3A_587 = arith.constant 144 : index
      %swap3A_588 = tpu.vector_load %arg10[%swap3A_586, %swap3A_587] {strides = array<i32>} : memref<64x256xf32, #tpu.memory_space<vmem>>, vector<16xf32>,
      tpu.vector_store %arg10[%swap3A_586, %swap3A_587], %broadcast_in_dim3A_2 {strides = array<i32>} : memref<64x256xf32, #tpu.memory_space<vmem>>, vector<16xf32>,
      %swap3A_589 = arith.index_cast %add3A_559 : i32 to index
      %swap3A_590 = arith.constant 160 : index
      %swap3A_591 = tpu.vector_load %arg10[%swap3A_589, %swap3A_590] {strides = array<i32>} : memref<64x256xf32, #tpu.memory_space<vmem>>, vector<16xf32>,
      tpu.vector_store %arg10[%swap3A_589, %swap3A_590], %broadcast_in_dim3A_2 {strides = array<i32>} : memref<64x256xf32, #tpu.memory_space<vmem>>, vector<16xf32>,
      %swap3A_592 = arith.index_cast %add3A_559 : i32 to index
      %swap3A_593 = arith.constant 176 : index
      %swap3A_594 = tpu.vector_load %arg10[%swap3A_592, %swap3A_593] {strides = array<i32>} : memref<64x256xf32, #tpu.memory_space<vmem>>, vector<16xf32>,
      tpu.vector_store %arg10[%swap3A_592, %swap3A_593], %broadcast_in_dim3A_2 {strides = array<i32>} : memref<64x256xf32, #tpu.memory_space<vmem>>, vector<16xf32>,
      %swap3A_595 = arith.index_cast %add3A_559 : i32 to index
      %swap3A_596 = arith.constant 192 : index
      %swap3A_597 = tpu.vector_load %arg10[%swap3A_595, %swap3A_596] {strides = array<i32>} : memref<64x256xf32, #tpu.memory_space<vmem>>, vector<16xf32>,
      tpu.vector_store %arg10[%swap3A_595, %swap3A_596], %broadcast_in_dim3A_2 {strides = array<i32>} : memref<64x256xf32, #tpu.memory_space<vmem>>, vector<16xf32>,
      %swap3A_598 = arith.index_cast %add3A_559 : i32 to index
      %swap3A_599 = arith.constant 208 : index
      %swap3A_600 = tpu.vector_load %arg10[%swap3A_598, %swap3A_599] {strides = array<i32>} : memref<64x256xf32, #tpu.memory_space<vmem>>, vector<16xf32>,
      tpu.vector_store %arg10[%swap3A_598, %swap3A_599], %broadcast_in_dim3A_2 {strides = array<i32>} : memref<64x256xf32, #tpu.memory_space<vmem>>, vector<16xf32>,
      %swap3A_601 = arith.index_cast %add3A_559 : i32 to index
      %swap3A_602 = arith.constant 224 : index
      %swap3A_603 = tpu.vector_load %arg10[%swap3A_601, %swap3A_602] {strides = array<i32>} : memref<64x256xf32, #tpu.memory_space<vmem>>, vector<16xf32>,
      tpu.vector_store %arg10[%swap3A_601, %swap3A_602], %broadcast_in_dim3A_2 {strides = array<i32>} : memref<64x256xf32, #tpu.memory_space<vmem>>, vector<16xf32>,
      %swap3A_604 = arith.index_cast %add3A_559 : i32 to index
      %swap3A_605 = arith.constant 240 : index
      %swap3A_606 = tpu.vector_load %arg10[%swap3A_604, %swap3A_605] {strides = array<i32>} : memref<64x256xf32, #tpu.memory_space<vmem>>, vector<16xf32>,
      tpu.vector_store %arg10[%swap3A_604, %swap3A_605], %broadcast_in_dim3A_2 {strides = array<i32>} : memref<64x256xf32, #tpu.memory_space<vmem>>, vector<16xf32>,
    }
    %scan3A_439 = arith.constant 64 : i32
    %scan3A_440 = arith.constant 0 : i32
    %scan3A_441 = arith.constant 8 : i32
    %scan3A_442 = arith.addi %scan3A_440, %scan3A_441 : i32
    %scan3A_443 = arith.constant 1 : i32
    scf.for %scan3A_555 = %scan3A_440 to %scan3A_442 step %scan3A_443  : i32 {
      %mul3A_556 = arith.constant 1 : i32
      %mul3A_557 = arith.muli %scan3A_555, %mul3A_556 : i32
      %add3A_558 = arith.constant 0 : i32
      %add3A_559 = arith.addi %add3A_558, %mul3A_557 : i32
      %jit3A_560 = arith.constant 2 : i32
      %eq3A_561 = arith.constant 0 : i32
      %eq3A_562 = arith.cmpi eq, %jit3A_560, %eq3A_561 : i32
      %jit3A_563 = arith.constant 1 : i32
      %select_n3A_564 = arith.select %eq3A_562, %jit3A_563, %jit3A_560 : i32
      %rem3A_565 = arith.remsi %add3A_559, %select_n3A_564 : i32
      %ne3A_566 = arith.constant 0 : i32
      %ne3A_567 = arith.cmpi ne, %rem3A_565, %ne3A_566 : i32
      %lt3A_568 = arith.constant 0 : i32
      %lt3A_569 = arith.cmpi slt, %rem3A_565, %lt3A_568 : i32
      %lt3A_570 = arith.constant 0 : i32
      %lt3A_571 = arith.cmpi slt, %select_n3A_564, %lt3A_570 : i32
      %ne3A_572 = arith.xori %lt3A_569, %lt3A_571 : i1
      %and3A_573 = arith.andi %ne3A_572, %ne3A_567 : i1
      %add3A_574 = arith.addi %rem3A_565, %select_n3A_564 : i32
      %select_n3A_575 = arith.select %and3A_573, %add3A_574, %rem3A_565 : i32
      %eq3A_576 = arith.constant 0 : i32
      %eq3A_577 = arith.cmpi eq, %select_n3A_575, %eq3A_576 : i32
      %sub3A_578 = arith.constant 15 : i32
      %sub3A_579 = arith.subi %sub3A_578, %select_n3A_11 : i32
      %select_n3A_580 = arith.select %eq3A_577, %select_n3A_11, %sub3A_579 : i32
      %jit3A_581 = arith.constant 2 : i32
      %div3A_582 = arith.divsi %add3A_559, %jit3A_581 : i32
      %sign3A_583 = arith.constant 0 : i32
      %sign3A_584 = arith.cmpi sgt, %add3A_559, %sign3A_583 : i32
      %sign3A_585 = arith.extui %sign3A_584 : i1 to i32
      %sign3A_586 = arith.constant 0 : i32
      %sign3A_587 = arith.cmpi slt, %add3A_559, %sign3A_586 : i32
      %sign3A_588 = arith.extui %sign3A_587 : i1 to i32
      %sign3A_589 = arith.subi %sign3A_585, %sign3A_588 : i32
      %sign3A_590 = arith.constant 0 : i32
      %sign3A_591 = arith.cmpi sgt, %jit3A_581, %sign3A_590 : i32
      %sign3A_592 = arith.extui %sign3A_591 : i1 to i32
      %sign3A_593 = arith.constant 0 : i32
      %sign3A_594 = arith.cmpi slt, %jit3A_581, %sign3A_593 : i32
      %sign3A_595 = arith.extui %sign3A_594 : i1 to i32
      %sign3A_596 = arith.subi %sign3A_592, %sign3A_595 : i32
      %ne3A_597 = arith.cmpi ne, %sign3A_589, %sign3A_596 : i32
      %rem3A_598 = arith.remsi %add3A_559, %jit3A_581 : i32
      %ne3A_599 = arith.constant 0 : i32
      %ne3A_600 = arith.cmpi ne, %rem3A_598, %ne3A_599 : i32
      %and3A_601 = arith.andi %ne3A_597, %ne3A_600 : i1
      %sub3A_602 = arith.constant 1 : i32
      %sub3A_603 = arith.subi %div3A_582, %sub3A_602 : i32
      %select_n3A_604 = arith.select %and3A_601, %sub3A_603, %div3A_582 : i32
      %mul3A_605 = arith.constant 4 : i32
      %mul3A_606 = arith.muli %mul3A_605, %select_n3A_604 : i32
      %add3A_607 = arith.addi %select_n3A_32, %mul3A_606 : i32
      %eq3A_608 = vector.broadcast %select_n3A_580 : i32 to vector<16xi32>
      %eq3A_609 = arith.cmpi eq, %iota3A, %eq3A_608 : vector<16xi32>
      %jit3A_610 = arith.constant 0 : i32
      %broadcast_in_dim3A_611 = vector.broadcast %jit3A_610 : i32 to vector<16xi32>
      %select_n3A_612 = arith.select %eq3A_609, %get3A_1, %broadcast_in_dim3A_611 : vector<16xi1>, vector<16xi32>
      %reduce_sum3A_613 = arith.constant true
      %reduce_sum3A_614 = vector.broadcast %reduce_sum3A_613 : i1 to vector<16xi1>
      %reduce_sum3A_615 = tpu.scan <sum>, %select_n3A_612 masked %reduce_sum3A_614 : vector<16xi32>, vector<16xi1> -> vector<16xi32>
      %reduce_sum3A_616 = vector.extract %reduce_sum3A_615[15] : i32 from vector<16xi32>
      %jit3A_617 = arith.constant 2 : i32
      %div3A_618 = arith.divsi %reduce_sum3A_616, %jit3A_617 : i32
      %sign3A_619 = arith.constant 0 : i32
      %sign3A_620 = arith.cmpi sgt, %reduce_sum3A_616, %sign3A_619 : i32
      %sign3A_621 = arith.extui %sign3A_620 : i1 to i32
      %sign3A_622 = arith.constant 0 : i32
      %sign3A_623 = arith.cmpi slt, %reduce_sum3A_616, %sign3A_622 : i32
      %sign3A_624 = arith.extui %sign3A_623 : i1 to i32
      %sign3A_625 = arith.subi %sign3A_621, %sign3A_624 : i32
      %sign3A_626 = arith.constant 0 : i32
      %sign3A_627 = arith.cmpi sgt, %jit3A_617, %sign3A_626 : i32
      %sign3A_628 = arith.extui %sign3A_627 : i1 to i32
      %sign3A_629 = arith.constant 0 : i32
      %sign3A_630 = arith.cmpi slt, %jit3A_617, %sign3A_629 : i32
      %sign3A_631 = arith.extui %sign3A_630 : i1 to i32
      %sign3A_632 = arith.subi %sign3A_628, %sign3A_631 : i32
      %ne3A_633 = arith.cmpi ne, %sign3A_625, %sign3A_632 : i32
      %rem3A_634 = arith.remsi %reduce_sum3A_616, %jit3A_617 : i32
      %ne3A_635 = arith.constant 0 : i32
      %ne3A_636 = arith.cmpi ne, %rem3A_634, %ne3A_635 : i32
      %and3A_637 = arith.andi %ne3A_633, %ne3A_636 : i1
      %sub3A_638 = arith.constant 1 : i32
      %sub3A_639 = arith.subi %div3A_618, %sub3A_638 : i32
      %select_n3A_640 = arith.select %and3A_637, %sub3A_639, %div3A_618 : i32
      %mul3A_641 = arith.constant 128 : i32
      %mul3A_642 = arith.muli %add3A_607, %mul3A_641 : i32
      %sub3A_643 = arith.subi %select_n3A_640, %mul3A_642 : i32
      %jit3A_644 = arith.constant 0 : i32
      %jit3A_645 = arith.constant 128 : i32
      %max3A_646 = arith.maxsi %jit3A_644, %sub3A_643 : i32
      %min3A_647 = arith.minsi %jit3A_645, %max3A_646 : i32
      %mul3A_648 = arith.constant 16 : i32
      %mul3A_649 = arith.muli %select_n3A_580, %mul3A_648 : i32
      %add3A_650 = arith.addi %mul3A_649, %add3A_607 : i32
      %mul3A_651 = arith.constant 128 : i32
      %mul3A_652 = arith.muli %add3A_650, %mul3A_651 : i32
      %eq3A_653 = arith.constant 0 : i32
      %eq3A_654 = arith.cmpi eq, %min3A_647, %eq3A_653 : i32
      %convert_element_type3A_655 = arith.extui %eq3A_654 : i1 to i32
      %cond3A_656 = arith.constant 0 : i32
      %cond3A_657 = arith.cmpi ne, %convert_element_type3A_655, %cond3A_656 : i32
      scf.if %cond3A_657 {
        %add3A_658 = arith.constant 0 : i32
        %add3A_659 = arith.addi %mul3A_652, %add3A_658 : i32
        %dma_start3A = arith.constant 0 : i32
        %dma_start3A_660 = tpu.memref_slice %arg4[%add3A_659, %dma_start3A] : memref<32768x256xf32, #tpu.memory_space<hbm>> -> memref<64x256xf32, #tpu.memory_space<hbm>>
        %dma_start3A_661 = arith.constant 0 : i32
        %dma_start3A_662 = tpu.memref_slice %arg4[%add3A_659, %dma_start3A_661] : memref<32768x256xf32, #tpu.memory_space<hbm>> -> memref<64x256xf32, #tpu.memory_space<hbm>>
        tpu.enqueue_dma source(%arg10 : memref<64x256xf32, #tpu.memory_space<vmem>>) target(%dma_start3A_662 : memref<64x256xf32, #tpu.memory_space<hbm>>) target_semaphore(%arg19 : memref<!tpu.dma_semaphore, #tpu.memory_space<semaphore_mem>>)
        %add3A_663 = arith.constant 64 : i32
        %add3A_664 = arith.addi %mul3A_652, %add3A_663 : i32
        %dma_start3A_665 = arith.constant 0 : i32
        %dma_start3A_666 = tpu.memref_slice %arg4[%add3A_664, %dma_start3A_665] : memref<32768x256xf32, #tpu.memory_space<hbm>> -> memref<64x256xf32, #tpu.memory_space<hbm>>
        %dma_start3A_667 = arith.constant 0 : i32
        %dma_start3A_668 = tpu.memref_slice %arg4[%add3A_664, %dma_start3A_667] : memref<32768x256xf32, #tpu.memory_space<hbm>> -> memref<64x256xf32, #tpu.memory_space<hbm>>
        tpu.enqueue_dma source(%arg10 : memref<64x256xf32, #tpu.memory_space<vmem>>) target(%dma_start3A_668 : memref<64x256xf32, #tpu.memory_space<hbm>>) target_semaphore(%arg19 : memref<!tpu.dma_semaphore, #tpu.memory_space<semaphore_mem>>)
      } else {
      }
    }
    %scan3A_444 = arith.constant 8 : i32
    %gt3A_445 = arith.constant 0 : i32
    %gt3A_446 = arith.cmpi sgt, %min3A, %gt3A_445 : i32
    %convert_element_type3A_447 = arith.extui %gt3A_446 : i1 to i32
    %cond3A_448 = arith.constant 0 : i32
    %cond3A_449 = arith.cmpi ne, %convert_element_type3A_447, %cond3A_448 : i32
    scf.if %cond3A_449 {
      %dma_wait3A = arith.constant 0 : i32
      %dma_wait3A_555 = tpu.memref_slice %arg6[%dma_wait3A] : memref<1024xi32, #tpu.memory_space<vmem>> -> memref<128xi32, #tpu.memory_space<vmem>>
      %dma_wait3A_556 = arith.constant 0 : i32
      %dma_wait3A_557 = arith.constant 0 : i32
      %dma_wait3A_558 = tpu.memref_slice %arg2[%dma_wait3A_556, %dma_wait3A_557] : memref<65536x256xf32, #tpu.memory_space<hbm>> -> memref<65536x256xf32, #tpu.memory_space<hbm>>
      tpu.wait_indirect_dma semaphore(%arg13 : memref<!tpu.dma_semaphore, #tpu.memory_space<semaphore_mem>>) src(%dma_wait3A_558 : memref<65536x256xf32, #tpu.memory_space<hbm>>) dst(%arg7 : memref<128x256xf32, #tpu.memory_space<vmem>>)
      %lt3A_559 = arith.constant 128 : i32
      %lt3A_560 = arith.cmpi slt, %min3A, %lt3A_559 : i32
      %convert_element_type3A_561 = arith.extui %lt3A_560 : i1 to i32
      %cond3A_562 = arith.constant 0 : i32
      %cond3A_563 = arith.cmpi ne, %convert_element_type3A_561, %cond3A_562 : i32
      scf.if %cond3A_563 {
        %sub3A_567 = arith.constant 128 : i32
        %sub3A_568 = arith.subi %sub3A_567, %min3A : i32
        %sub3A_569 = arith.constant 1 : i32
        %sub3A_570 = arith.constant 1 : i32
        %sub3A_571 = arith.subi %sub3A_569, %sub3A_570 : i32
        %add3A_572 = arith.addi %sub3A_568, %sub3A_571 : i32
        %div3A_573 = arith.constant 1 : i32
        %div3A_574 = arith.divsi %add3A_572, %div3A_573 : i32
        %while3A = arith.constant 1 : i32
        %while3A_575 = arith.constant 0 : i32
        %while3A_576 = arith.subi %div3A_574, %while3A_575 : i32
        %while3A_577 = arith.addi %while3A_575, %while3A_576 : i32
        %while3A_578 = arith.constant 1 : i32
        %while3A_579 = arith.divsi %while3A_576, %while3A_578 : i32
        %while3A_580 = arith.muli %while3A_579, %while3A_578 : i32
        %while3A_581 = arith.addi %while3A_575, %while3A_580 : i32
        %while3A_582 = arith.constant 1 : i32
        scf.for %while3A_584 = %while3A_575 to %while3A_581 step %while3A_582  : i32 {
          %mul3A_585 = arith.muli %while3A_584, %while3A : i32
          %add3A_586 = arith.addi %min3A, %mul3A_585 : i32
          %swap3A = arith.index_cast %add3A_586 : i32 to index
          %swap3A_587 = arith.constant 0 : index
          %swap3A_588 = tpu.vector_load %arg7[%swap3A, %swap3A_587] {strides = array<i32>} : memref<128x256xf32, #tpu.memory_space<vmem>>, vector<16xf32>,
          tpu.vector_store %arg7[%swap3A, %swap3A_587], %broadcast_in_dim3A_2 {strides = array<i32>} : memref<128x256xf32, #tpu.memory_space<vmem>>, vector<16xf32>,
          %swap3A_589 = arith.index_cast %add3A_586 : i32 to index
          %swap3A_590 = arith.constant 16 : index
          %swap3A_591 = tpu.vector_load %arg7[%swap3A_589, %swap3A_590] {strides = array<i32>} : memref<128x256xf32, #tpu.memory_space<vmem>>, vector<16xf32>,
          tpu.vector_store %arg7[%swap3A_589, %swap3A_590], %broadcast_in_dim3A_2 {strides = array<i32>} : memref<128x256xf32, #tpu.memory_space<vmem>>, vector<16xf32>,
          %swap3A_592 = arith.index_cast %add3A_586 : i32 to index
          %swap3A_593 = arith.constant 32 : index
          %swap3A_594 = tpu.vector_load %arg7[%swap3A_592, %swap3A_593] {strides = array<i32>} : memref<128x256xf32, #tpu.memory_space<vmem>>, vector<16xf32>,
          tpu.vector_store %arg7[%swap3A_592, %swap3A_593], %broadcast_in_dim3A_2 {strides = array<i32>} : memref<128x256xf32, #tpu.memory_space<vmem>>, vector<16xf32>,
          %swap3A_595 = arith.index_cast %add3A_586 : i32 to index
          %swap3A_596 = arith.constant 48 : index
          %swap3A_597 = tpu.vector_load %arg7[%swap3A_595, %swap3A_596] {strides = array<i32>} : memref<128x256xf32, #tpu.memory_space<vmem>>, vector<16xf32>,
          tpu.vector_store %arg7[%swap3A_595, %swap3A_596], %broadcast_in_dim3A_2 {strides = array<i32>} : memref<128x256xf32, #tpu.memory_space<vmem>>, vector<16xf32>,
          %swap3A_598 = arith.index_cast %add3A_586 : i32 to index
          %swap3A_599 = arith.constant 64 : index
          %swap3A_600 = tpu.vector_load %arg7[%swap3A_598, %swap3A_599] {strides = array<i32>} : memref<128x256xf32, #tpu.memory_space<vmem>>, vector<16xf32>,
          tpu.vector_store %arg7[%swap3A_598, %swap3A_599], %broadcast_in_dim3A_2 {strides = array<i32>} : memref<128x256xf32, #tpu.memory_space<vmem>>, vector<16xf32>,
          %swap3A_601 = arith.index_cast %add3A_586 : i32 to index
          %swap3A_602 = arith.constant 80 : index
          %swap3A_603 = tpu.vector_load %arg7[%swap3A_601, %swap3A_602] {strides = array<i32>} : memref<128x256xf32, #tpu.memory_space<vmem>>, vector<16xf32>,
          tpu.vector_store %arg7[%swap3A_601, %swap3A_602], %broadcast_in_dim3A_2 {strides = array<i32>} : memref<128x256xf32, #tpu.memory_space<vmem>>, vector<16xf32>,
          %swap3A_604 = arith.index_cast %add3A_586 : i32 to index
          %swap3A_605 = arith.constant 96 : index
          %swap3A_606 = tpu.vector_load %arg7[%swap3A_604, %swap3A_605] {strides = array<i32>} : memref<128x256xf32, #tpu.memory_space<vmem>>, vector<16xf32>,
          tpu.vector_store %arg7[%swap3A_604, %swap3A_605], %broadcast_in_dim3A_2 {strides = array<i32>} : memref<128x256xf32, #tpu.memory_space<vmem>>, vector<16xf32>,
          %swap3A_607 = arith.index_cast %add3A_586 : i32 to index
          %swap3A_608 = arith.constant 112 : index
          %swap3A_609 = tpu.vector_load %arg7[%swap3A_607, %swap3A_608] {strides = array<i32>} : memref<128x256xf32, #tpu.memory_space<vmem>>, vector<16xf32>,
          tpu.vector_store %arg7[%swap3A_607, %swap3A_608], %broadcast_in_dim3A_2 {strides = array<i32>} : memref<128x256xf32, #tpu.memory_space<vmem>>, vector<16xf32>,
          %swap3A_610 = arith.index_cast %add3A_586 : i32 to index
          %swap3A_611 = arith.constant 128 : index
          %swap3A_612 = tpu.vector_load %arg7[%swap3A_610, %swap3A_611] {strides = array<i32>} : memref<128x256xf32, #tpu.memory_space<vmem>>, vector<16xf32>,
          tpu.vector_store %arg7[%swap3A_610, %swap3A_611], %broadcast_in_dim3A_2 {strides = array<i32>} : memref<128x256xf32, #tpu.memory_space<vmem>>, vector<16xf32>,
          %swap3A_613 = arith.index_cast %add3A_586 : i32 to index
          %swap3A_614 = arith.constant 144 : index
          %swap3A_615 = tpu.vector_load %arg7[%swap3A_613, %swap3A_614] {strides = array<i32>} : memref<128x256xf32, #tpu.memory_space<vmem>>, vector<16xf32>,
          tpu.vector_store %arg7[%swap3A_613, %swap3A_614], %broadcast_in_dim3A_2 {strides = array<i32>} : memref<128x256xf32, #tpu.memory_space<vmem>>, vector<16xf32>,
          %swap3A_616 = arith.index_cast %add3A_586 : i32 to index
          %swap3A_617 = arith.constant 160 : index
          %swap3A_618 = tpu.vector_load %arg7[%swap3A_616, %swap3A_617] {strides = array<i32>} : memref<128x256xf32, #tpu.memory_space<vmem>>, vector<16xf32>,
          tpu.vector_store %arg7[%swap3A_616, %swap3A_617], %broadcast_in_dim3A_2 {strides = array<i32>} : memref<128x256xf32, #tpu.memory_space<vmem>>, vector<16xf32>,
          %swap3A_619 = arith.index_cast %add3A_586 : i32 to index
          %swap3A_620 = arith.constant 176 : index
          %swap3A_621 = tpu.vector_load %arg7[%swap3A_619, %swap3A_620] {strides = array<i32>} : memref<128x256xf32, #tpu.memory_space<vmem>>, vector<16xf32>,
          tpu.vector_store %arg7[%swap3A_619, %swap3A_620], %broadcast_in_dim3A_2 {strides = array<i32>} : memref<128x256xf32, #tpu.memory_space<vmem>>, vector<16xf32>,
          %swap3A_622 = arith.index_cast %add3A_586 : i32 to index
          %swap3A_623 = arith.constant 192 : index
          %swap3A_624 = tpu.vector_load %arg7[%swap3A_622, %swap3A_623] {strides = array<i32>} : memref<128x256xf32, #tpu.memory_space<vmem>>, vector<16xf32>,
          tpu.vector_store %arg7[%swap3A_622, %swap3A_623], %broadcast_in_dim3A_2 {strides = array<i32>} : memref<128x256xf32, #tpu.memory_space<vmem>>, vector<16xf32>,
          %swap3A_625 = arith.index_cast %add3A_586 : i32 to index
          %swap3A_626 = arith.constant 208 : index
          %swap3A_627 = tpu.vector_load %arg7[%swap3A_625, %swap3A_626] {strides = array<i32>} : memref<128x256xf32, #tpu.memory_space<vmem>>, vector<16xf32>,
          tpu.vector_store %arg7[%swap3A_625, %swap3A_626], %broadcast_in_dim3A_2 {strides = array<i32>} : memref<128x256xf32, #tpu.memory_space<vmem>>, vector<16xf32>,
          %swap3A_628 = arith.index_cast %add3A_586 : i32 to index
          %swap3A_629 = arith.constant 224 : index
          %swap3A_630 = tpu.vector_load %arg7[%swap3A_628, %swap3A_629] {strides = array<i32>} : memref<128x256xf32, #tpu.memory_space<vmem>>, vector<16xf32>,
          tpu.vector_store %arg7[%swap3A_628, %swap3A_629], %broadcast_in_dim3A_2 {strides = array<i32>} : memref<128x256xf32, #tpu.memory_space<vmem>>, vector<16xf32>,
          %swap3A_631 = arith.index_cast %add3A_586 : i32 to index
          %swap3A_632 = arith.constant 240 : index
          %swap3A_633 = tpu.vector_load %arg7[%swap3A_631, %swap3A_632] {strides = array<i32>} : memref<128x256xf32, #tpu.memory_space<vmem>>, vector<16xf32>,
          tpu.vector_store %arg7[%swap3A_631, %swap3A_632], %broadcast_in_dim3A_2 {strides = array<i32>} : memref<128x256xf32, #tpu.memory_space<vmem>>, vector<16xf32>,
        }
        %while3A_583 = arith.constant 1 : i32
        scf.for %while3A_584 = %while3A_581 to %while3A_577 step %while3A_583  : i32 {
          %mul3A_585 = arith.muli %while3A_584, %while3A : i32
          %add3A_586 = arith.addi %min3A, %mul3A_585 : i32
          %swap3A = arith.index_cast %add3A_586 : i32 to index
          %swap3A_587 = arith.constant 0 : index
          %swap3A_588 = tpu.vector_load %arg7[%swap3A, %swap3A_587] {strides = array<i32>} : memref<128x256xf32, #tpu.memory_space<vmem>>, vector<16xf32>,
          tpu.vector_store %arg7[%swap3A, %swap3A_587], %broadcast_in_dim3A_2 {strides = array<i32>} : memref<128x256xf32, #tpu.memory_space<vmem>>, vector<16xf32>,
          %swap3A_589 = arith.index_cast %add3A_586 : i32 to index
          %swap3A_590 = arith.constant 16 : index
          %swap3A_591 = tpu.vector_load %arg7[%swap3A_589, %swap3A_590] {strides = array<i32>} : memref<128x256xf32, #tpu.memory_space<vmem>>, vector<16xf32>,
          tpu.vector_store %arg7[%swap3A_589, %swap3A_590], %broadcast_in_dim3A_2 {strides = array<i32>} : memref<128x256xf32, #tpu.memory_space<vmem>>, vector<16xf32>,
          %swap3A_592 = arith.index_cast %add3A_586 : i32 to index
          %swap3A_593 = arith.constant 32 : index
          %swap3A_594 = tpu.vector_load %arg7[%swap3A_592, %swap3A_593] {strides = array<i32>} : memref<128x256xf32, #tpu.memory_space<vmem>>, vector<16xf32>,
          tpu.vector_store %arg7[%swap3A_592, %swap3A_593], %broadcast_in_dim3A_2 {strides = array<i32>} : memref<128x256xf32, #tpu.memory_space<vmem>>, vector<16xf32>,
          %swap3A_595 = arith.index_cast %add3A_586 : i32 to index
          %swap3A_596 = arith.constant 48 : index
          %swap3A_597 = tpu.vector_load %arg7[%swap3A_595, %swap3A_596] {strides = array<i32>} : memref<128x256xf32, #tpu.memory_space<vmem>>, vector<16xf32>,
          tpu.vector_store %arg7[%swap3A_595, %swap3A_596], %broadcast_in_dim3A_2 {strides = array<i32>} : memref<128x256xf32, #tpu.memory_space<vmem>>, vector<16xf32>,
          %swap3A_598 = arith.index_cast %add3A_586 : i32 to index
          %swap3A_599 = arith.constant 64 : index
          %swap3A_600 = tpu.vector_load %arg7[%swap3A_598, %swap3A_599] {strides = array<i32>} : memref<128x256xf32, #tpu.memory_space<vmem>>, vector<16xf32>,
          tpu.vector_store %arg7[%swap3A_598, %swap3A_599], %broadcast_in_dim3A_2 {strides = array<i32>} : memref<128x256xf32, #tpu.memory_space<vmem>>, vector<16xf32>,
          %swap3A_601 = arith.index_cast %add3A_586 : i32 to index
          %swap3A_602 = arith.constant 80 : index
          %swap3A_603 = tpu.vector_load %arg7[%swap3A_601, %swap3A_602] {strides = array<i32>} : memref<128x256xf32, #tpu.memory_space<vmem>>, vector<16xf32>,
          tpu.vector_store %arg7[%swap3A_601, %swap3A_602], %broadcast_in_dim3A_2 {strides = array<i32>} : memref<128x256xf32, #tpu.memory_space<vmem>>, vector<16xf32>,
          %swap3A_604 = arith.index_cast %add3A_586 : i32 to index
          %swap3A_605 = arith.constant 96 : index
          %swap3A_606 = tpu.vector_load %arg7[%swap3A_604, %swap3A_605] {strides = array<i32>} : memref<128x256xf32, #tpu.memory_space<vmem>>, vector<16xf32>,
          tpu.vector_store %arg7[%swap3A_604, %swap3A_605], %broadcast_in_dim3A_2 {strides = array<i32>} : memref<128x256xf32, #tpu.memory_space<vmem>>, vector<16xf32>,
          %swap3A_607 = arith.index_cast %add3A_586 : i32 to index
          %swap3A_608 = arith.constant 112 : index
          %swap3A_609 = tpu.vector_load %arg7[%swap3A_607, %swap3A_608] {strides = array<i32>} : memref<128x256xf32, #tpu.memory_space<vmem>>, vector<16xf32>,
          tpu.vector_store %arg7[%swap3A_607, %swap3A_608], %broadcast_in_dim3A_2 {strides = array<i32>} : memref<128x256xf32, #tpu.memory_space<vmem>>, vector<16xf32>,
          %swap3A_610 = arith.index_cast %add3A_586 : i32 to index
          %swap3A_611 = arith.constant 128 : index
          %swap3A_612 = tpu.vector_load %arg7[%swap3A_610, %swap3A_611] {strides = array<i32>} : memref<128x256xf32, #tpu.memory_space<vmem>>, vector<16xf32>,
          tpu.vector_store %arg7[%swap3A_610, %swap3A_611], %broadcast_in_dim3A_2 {strides = array<i32>} : memref<128x256xf32, #tpu.memory_space<vmem>>, vector<16xf32>,
          %swap3A_613 = arith.index_cast %add3A_586 : i32 to index
          %swap3A_614 = arith.constant 144 : index
          %swap3A_615 = tpu.vector_load %arg7[%swap3A_613, %swap3A_614] {strides = array<i32>} : memref<128x256xf32, #tpu.memory_space<vmem>>, vector<16xf32>,
          tpu.vector_store %arg7[%swap3A_613, %swap3A_614], %broadcast_in_dim3A_2 {strides = array<i32>} : memref<128x256xf32, #tpu.memory_space<vmem>>, vector<16xf32>,
          %swap3A_616 = arith.index_cast %add3A_586 : i32 to index
          %swap3A_617 = arith.constant 160 : index
          %swap3A_618 = tpu.vector_load %arg7[%swap3A_616, %swap3A_617] {strides = array<i32>} : memref<128x256xf32, #tpu.memory_space<vmem>>, vector<16xf32>,
          tpu.vector_store %arg7[%swap3A_616, %swap3A_617], %broadcast_in_dim3A_2 {strides = array<i32>} : memref<128x256xf32, #tpu.memory_space<vmem>>, vector<16xf32>,
          %swap3A_619 = arith.index_cast %add3A_586 : i32 to index
          %swap3A_620 = arith.constant 176 : index
          %swap3A_621 = tpu.vector_load %arg7[%swap3A_619, %swap3A_620] {strides = array<i32>} : memref<128x256xf32, #tpu.memory_space<vmem>>, vector<16xf32>,
          tpu.vector_store %arg7[%swap3A_619, %swap3A_620], %broadcast_in_dim3A_2 {strides = array<i32>} : memref<128x256xf32, #tpu.memory_space<vmem>>, vector<16xf32>,
          %swap3A_622 = arith.index_cast %add3A_586 : i32 to index
          %swap3A_623 = arith.constant 192 : index
          %swap3A_624 = tpu.vector_load %arg7[%swap3A_622, %swap3A_623] {strides = array<i32>} : memref<128x256xf32, #tpu.memory_space<vmem>>, vector<16xf32>,
          tpu.vector_store %arg7[%swap3A_622, %swap3A_623], %broadcast_in_dim3A_2 {strides = array<i32>} : memref<128x256xf32, #tpu.memory_space<vmem>>, vector<16xf32>,
          %swap3A_625 = arith.index_cast %add3A_586 : i32 to index
          %swap3A_626 = arith.constant 208 : index
          %swap3A_627 = tpu.vector_load %arg7[%swap3A_625, %swap3A_626] {strides = array<i32>} : memref<128x256xf32, #tpu.memory_space<vmem>>, vector<16xf32>,
          tpu.vector_store %arg7[%swap3A_625, %swap3A_626], %broadcast_in_dim3A_2 {strides = array<i32>} : memref<128x256xf32, #tpu.memory_space<vmem>>, vector<16xf32>,
          %swap3A_628 = arith.index_cast %add3A_586 : i32 to index
          %swap3A_629 = arith.constant 224 : index
          %swap3A_630 = tpu.vector_load %arg7[%swap3A_628, %swap3A_629] {strides = array<i32>} : memref<128x256xf32, #tpu.memory_space<vmem>>, vector<16xf32>,
          tpu.vector_store %arg7[%swap3A_628, %swap3A_629], %broadcast_in_dim3A_2 {strides = array<i32>} : memref<128x256xf32, #tpu.memory_space<vmem>>, vector<16xf32>,
          %swap3A_631 = arith.index_cast %add3A_586 : i32 to index
          %swap3A_632 = arith.constant 240 : index
          %swap3A_633 = tpu.vector_load %arg7[%swap3A_631, %swap3A_632] {strides = array<i32>} : memref<128x256xf32, #tpu.memory_space<vmem>>, vector<16xf32>,
          tpu.vector_store %arg7[%swap3A_631, %swap3A_632], %broadcast_in_dim3A_2 {strides = array<i32>} : memref<128x256xf32, #tpu.memory_space<vmem>>, vector<16xf32>,
        }
      } else {
      }
      %dma_start3A = arith.constant 0 : i32
      %dma_start3A_564 = tpu.memref_slice %arg4[%mul3A_76, %dma_start3A] : memref<32768x256xf32, #tpu.memory_space<hbm>> -> memref<128x256xf32, #tpu.memory_space<hbm>>
      %dma_start3A_565 = arith.constant 0 : i32
      %dma_start3A_566 = tpu.memref_slice %arg4[%mul3A_76, %dma_start3A_565] : memref<32768x256xf32, #tpu.memory_space<hbm>> -> memref<128x256xf32, #tpu.memory_space<hbm>>
      tpu.enqueue_dma source(%arg7 : memref<128x256xf32, #tpu.memory_space<vmem>>) target(%dma_start3A_566 : memref<128x256xf32, #tpu.memory_space<hbm>>) target_semaphore(%arg16 : memref<!tpu.dma_semaphore, #tpu.memory_space<semaphore_mem>>)
    } else {
    }
    %gt3A_450 = arith.constant 0 : i32
    %gt3A_451 = arith.cmpi sgt, %min3A_120, %gt3A_450 : i32
    %convert_element_type3A_452 = arith.extui %gt3A_451 : i1 to i32
    %cond3A_453 = arith.constant 0 : i32
    %cond3A_454 = arith.cmpi ne, %convert_element_type3A_452, %cond3A_453 : i32
    scf.if %cond3A_454 {
      %dma_wait3A = arith.constant 128 : i32
      %dma_wait3A_555 = tpu.memref_slice %arg6[%dma_wait3A] : memref<1024xi32, #tpu.memory_space<vmem>> -> memref<128xi32, #tpu.memory_space<vmem>>
      %dma_wait3A_556 = arith.constant 0 : i32
      %dma_wait3A_557 = arith.constant 0 : i32
      %dma_wait3A_558 = tpu.memref_slice %arg2[%dma_wait3A_556, %dma_wait3A_557] : memref<65536x256xf32, #tpu.memory_space<hbm>> -> memref<65536x256xf32, #tpu.memory_space<hbm>>
      tpu.wait_indirect_dma semaphore(%arg14 : memref<!tpu.dma_semaphore, #tpu.memory_space<semaphore_mem>>) src(%dma_wait3A_558 : memref<65536x256xf32, #tpu.memory_space<hbm>>) dst(%arg8 : memref<128x256xf32, #tpu.memory_space<vmem>>)
      %lt3A_559 = arith.constant 128 : i32
      %lt3A_560 = arith.cmpi slt, %min3A_120, %lt3A_559 : i32
      %convert_element_type3A_561 = arith.extui %lt3A_560 : i1 to i32
      %cond3A_562 = arith.constant 0 : i32
      %cond3A_563 = arith.cmpi ne, %convert_element_type3A_561, %cond3A_562 : i32
      scf.if %cond3A_563 {
        %sub3A_567 = arith.constant 128 : i32
        %sub3A_568 = arith.subi %sub3A_567, %min3A_120 : i32
        %sub3A_569 = arith.constant 1 : i32
        %sub3A_570 = arith.constant 1 : i32
        %sub3A_571 = arith.subi %sub3A_569, %sub3A_570 : i32
        %add3A_572 = arith.addi %sub3A_568, %sub3A_571 : i32
        %div3A_573 = arith.constant 1 : i32
        %div3A_574 = arith.divsi %add3A_572, %div3A_573 : i32
        %while3A = arith.constant 1 : i32
        %while3A_575 = arith.constant 0 : i32
        %while3A_576 = arith.subi %div3A_574, %while3A_575 : i32
        %while3A_577 = arith.addi %while3A_575, %while3A_576 : i32
        %while3A_578 = arith.constant 1 : i32
        %while3A_579 = arith.divsi %while3A_576, %while3A_578 : i32
        %while3A_580 = arith.muli %while3A_579, %while3A_578 : i32
        %while3A_581 = arith.addi %while3A_575, %while3A_580 : i32
        %while3A_582 = arith.constant 1 : i32
        scf.for %while3A_584 = %while3A_575 to %while3A_581 step %while3A_582  : i32 {
          %mul3A_585 = arith.muli %while3A_584, %while3A : i32
          %add3A_586 = arith.addi %min3A_120, %mul3A_585 : i32
          %swap3A = arith.index_cast %add3A_586 : i32 to index
          %swap3A_587 = arith.constant 0 : index
          %swap3A_588 = tpu.vector_load %arg8[%swap3A, %swap3A_587] {strides = array<i32>} : memref<128x256xf32, #tpu.memory_space<vmem>>, vector<16xf32>,
          tpu.vector_store %arg8[%swap3A, %swap3A_587], %broadcast_in_dim3A_2 {strides = array<i32>} : memref<128x256xf32, #tpu.memory_space<vmem>>, vector<16xf32>,
          %swap3A_589 = arith.index_cast %add3A_586 : i32 to index
          %swap3A_590 = arith.constant 16 : index
          %swap3A_591 = tpu.vector_load %arg8[%swap3A_589, %swap3A_590] {strides = array<i32>} : memref<128x256xf32, #tpu.memory_space<vmem>>, vector<16xf32>,
          tpu.vector_store %arg8[%swap3A_589, %swap3A_590], %broadcast_in_dim3A_2 {strides = array<i32>} : memref<128x256xf32, #tpu.memory_space<vmem>>, vector<16xf32>,
          %swap3A_592 = arith.index_cast %add3A_586 : i32 to index
          %swap3A_593 = arith.constant 32 : index
          %swap3A_594 = tpu.vector_load %arg8[%swap3A_592, %swap3A_593] {strides = array<i32>} : memref<128x256xf32, #tpu.memory_space<vmem>>, vector<16xf32>,
          tpu.vector_store %arg8[%swap3A_592, %swap3A_593], %broadcast_in_dim3A_2 {strides = array<i32>} : memref<128x256xf32, #tpu.memory_space<vmem>>, vector<16xf32>,
          %swap3A_595 = arith.index_cast %add3A_586 : i32 to index
          %swap3A_596 = arith.constant 48 : index
          %swap3A_597 = tpu.vector_load %arg8[%swap3A_595, %swap3A_596] {strides = array<i32>} : memref<128x256xf32, #tpu.memory_space<vmem>>, vector<16xf32>,
          tpu.vector_store %arg8[%swap3A_595, %swap3A_596], %broadcast_in_dim3A_2 {strides = array<i32>} : memref<128x256xf32, #tpu.memory_space<vmem>>, vector<16xf32>,
          %swap3A_598 = arith.index_cast %add3A_586 : i32 to index
          %swap3A_599 = arith.constant 64 : index
          %swap3A_600 = tpu.vector_load %arg8[%swap3A_598, %swap3A_599] {strides = array<i32>} : memref<128x256xf32, #tpu.memory_space<vmem>>, vector<16xf32>,
          tpu.vector_store %arg8[%swap3A_598, %swap3A_599], %broadcast_in_dim3A_2 {strides = array<i32>} : memref<128x256xf32, #tpu.memory_space<vmem>>, vector<16xf32>,
          %swap3A_601 = arith.index_cast %add3A_586 : i32 to index
          %swap3A_602 = arith.constant 80 : index
          %swap3A_603 = tpu.vector_load %arg8[%swap3A_601, %swap3A_602] {strides = array<i32>} : memref<128x256xf32, #tpu.memory_space<vmem>>, vector<16xf32>,
          tpu.vector_store %arg8[%swap3A_601, %swap3A_602], %broadcast_in_dim3A_2 {strides = array<i32>} : memref<128x256xf32, #tpu.memory_space<vmem>>, vector<16xf32>,
          %swap3A_604 = arith.index_cast %add3A_586 : i32 to index
          %swap3A_605 = arith.constant 96 : index
          %swap3A_606 = tpu.vector_load %arg8[%swap3A_604, %swap3A_605] {strides = array<i32>} : memref<128x256xf32, #tpu.memory_space<vmem>>, vector<16xf32>,
          tpu.vector_store %arg8[%swap3A_604, %swap3A_605], %broadcast_in_dim3A_2 {strides = array<i32>} : memref<128x256xf32, #tpu.memory_space<vmem>>, vector<16xf32>,
          %swap3A_607 = arith.index_cast %add3A_586 : i32 to index
          %swap3A_608 = arith.constant 112 : index
          %swap3A_609 = tpu.vector_load %arg8[%swap3A_607, %swap3A_608] {strides = array<i32>} : memref<128x256xf32, #tpu.memory_space<vmem>>, vector<16xf32>,
          tpu.vector_store %arg8[%swap3A_607, %swap3A_608], %broadcast_in_dim3A_2 {strides = array<i32>} : memref<128x256xf32, #tpu.memory_space<vmem>>, vector<16xf32>,
          %swap3A_610 = arith.index_cast %add3A_586 : i32 to index
          %swap3A_611 = arith.constant 128 : index
          %swap3A_612 = tpu.vector_load %arg8[%swap3A_610, %swap3A_611] {strides = array<i32>} : memref<128x256xf32, #tpu.memory_space<vmem>>, vector<16xf32>,
          tpu.vector_store %arg8[%swap3A_610, %swap3A_611], %broadcast_in_dim3A_2 {strides = array<i32>} : memref<128x256xf32, #tpu.memory_space<vmem>>, vector<16xf32>,
          %swap3A_613 = arith.index_cast %add3A_586 : i32 to index
          %swap3A_614 = arith.constant 144 : index
          %swap3A_615 = tpu.vector_load %arg8[%swap3A_613, %swap3A_614] {strides = array<i32>} : memref<128x256xf32, #tpu.memory_space<vmem>>, vector<16xf32>,
          tpu.vector_store %arg8[%swap3A_613, %swap3A_614], %broadcast_in_dim3A_2 {strides = array<i32>} : memref<128x256xf32, #tpu.memory_space<vmem>>, vector<16xf32>,
          %swap3A_616 = arith.index_cast %add3A_586 : i32 to index
          %swap3A_617 = arith.constant 160 : index
          %swap3A_618 = tpu.vector_load %arg8[%swap3A_616, %swap3A_617] {strides = array<i32>} : memref<128x256xf32, #tpu.memory_space<vmem>>, vector<16xf32>,
          tpu.vector_store %arg8[%swap3A_616, %swap3A_617], %broadcast_in_dim3A_2 {strides = array<i32>} : memref<128x256xf32, #tpu.memory_space<vmem>>, vector<16xf32>,
          %swap3A_619 = arith.index_cast %add3A_586 : i32 to index
          %swap3A_620 = arith.constant 176 : index
          %swap3A_621 = tpu.vector_load %arg8[%swap3A_619, %swap3A_620] {strides = array<i32>} : memref<128x256xf32, #tpu.memory_space<vmem>>, vector<16xf32>,
          tpu.vector_store %arg8[%swap3A_619, %swap3A_620], %broadcast_in_dim3A_2 {strides = array<i32>} : memref<128x256xf32, #tpu.memory_space<vmem>>, vector<16xf32>,
          %swap3A_622 = arith.index_cast %add3A_586 : i32 to index
          %swap3A_623 = arith.constant 192 : index
          %swap3A_624 = tpu.vector_load %arg8[%swap3A_622, %swap3A_623] {strides = array<i32>} : memref<128x256xf32, #tpu.memory_space<vmem>>, vector<16xf32>,
          tpu.vector_store %arg8[%swap3A_622, %swap3A_623], %broadcast_in_dim3A_2 {strides = array<i32>} : memref<128x256xf32, #tpu.memory_space<vmem>>, vector<16xf32>,
          %swap3A_625 = arith.index_cast %add3A_586 : i32 to index
          %swap3A_626 = arith.constant 208 : index
          %swap3A_627 = tpu.vector_load %arg8[%swap3A_625, %swap3A_626] {strides = array<i32>} : memref<128x256xf32, #tpu.memory_space<vmem>>, vector<16xf32>,
          tpu.vector_store %arg8[%swap3A_625, %swap3A_626], %broadcast_in_dim3A_2 {strides = array<i32>} : memref<128x256xf32, #tpu.memory_space<vmem>>, vector<16xf32>,
          %swap3A_628 = arith.index_cast %add3A_586 : i32 to index
          %swap3A_629 = arith.constant 224 : index
          %swap3A_630 = tpu.vector_load %arg8[%swap3A_628, %swap3A_629] {strides = array<i32>} : memref<128x256xf32, #tpu.memory_space<vmem>>, vector<16xf32>,
          tpu.vector_store %arg8[%swap3A_628, %swap3A_629], %broadcast_in_dim3A_2 {strides = array<i32>} : memref<128x256xf32, #tpu.memory_space<vmem>>, vector<16xf32>,
          %swap3A_631 = arith.index_cast %add3A_586 : i32 to index
          %swap3A_632 = arith.constant 240 : index
          %swap3A_633 = tpu.vector_load %arg8[%swap3A_631, %swap3A_632] {strides = array<i32>} : memref<128x256xf32, #tpu.memory_space<vmem>>, vector<16xf32>,
          tpu.vector_store %arg8[%swap3A_631, %swap3A_632], %broadcast_in_dim3A_2 {strides = array<i32>} : memref<128x256xf32, #tpu.memory_space<vmem>>, vector<16xf32>,
        }
        %while3A_583 = arith.constant 1 : i32
        scf.for %while3A_584 = %while3A_581 to %while3A_577 step %while3A_583  : i32 {
          %mul3A_585 = arith.muli %while3A_584, %while3A : i32
          %add3A_586 = arith.addi %min3A_120, %mul3A_585 : i32
          %swap3A = arith.index_cast %add3A_586 : i32 to index
          %swap3A_587 = arith.constant 0 : index
          %swap3A_588 = tpu.vector_load %arg8[%swap3A, %swap3A_587] {strides = array<i32>} : memref<128x256xf32, #tpu.memory_space<vmem>>, vector<16xf32>,
          tpu.vector_store %arg8[%swap3A, %swap3A_587], %broadcast_in_dim3A_2 {strides = array<i32>} : memref<128x256xf32, #tpu.memory_space<vmem>>, vector<16xf32>,
          %swap3A_589 = arith.index_cast %add3A_586 : i32 to index
          %swap3A_590 = arith.constant 16 : index
          %swap3A_591 = tpu.vector_load %arg8[%swap3A_589, %swap3A_590] {strides = array<i32>} : memref<128x256xf32, #tpu.memory_space<vmem>>, vector<16xf32>,
          tpu.vector_store %arg8[%swap3A_589, %swap3A_590], %broadcast_in_dim3A_2 {strides = array<i32>} : memref<128x256xf32, #tpu.memory_space<vmem>>, vector<16xf32>,
          %swap3A_592 = arith.index_cast %add3A_586 : i32 to index
          %swap3A_593 = arith.constant 32 : index
          %swap3A_594 = tpu.vector_load %arg8[%swap3A_592, %swap3A_593] {strides = array<i32>} : memref<128x256xf32, #tpu.memory_space<vmem>>, vector<16xf32>,
          tpu.vector_store %arg8[%swap3A_592, %swap3A_593], %broadcast_in_dim3A_2 {strides = array<i32>} : memref<128x256xf32, #tpu.memory_space<vmem>>, vector<16xf32>,
          %swap3A_595 = arith.index_cast %add3A_586 : i32 to index
          %swap3A_596 = arith.constant 48 : index
          %swap3A_597 = tpu.vector_load %arg8[%swap3A_595, %swap3A_596] {strides = array<i32>} : memref<128x256xf32, #tpu.memory_space<vmem>>, vector<16xf32>,
          tpu.vector_store %arg8[%swap3A_595, %swap3A_596], %broadcast_in_dim3A_2 {strides = array<i32>} : memref<128x256xf32, #tpu.memory_space<vmem>>, vector<16xf32>,
          %swap3A_598 = arith.index_cast %add3A_586 : i32 to index
          %swap3A_599 = arith.constant 64 : index
          %swap3A_600 = tpu.vector_load %arg8[%swap3A_598, %swap3A_599] {strides = array<i32>} : memref<128x256xf32, #tpu.memory_space<vmem>>, vector<16xf32>,
          tpu.vector_store %arg8[%swap3A_598, %swap3A_599], %broadcast_in_dim3A_2 {strides = array<i32>} : memref<128x256xf32, #tpu.memory_space<vmem>>, vector<16xf32>,
          %swap3A_601 = arith.index_cast %add3A_586 : i32 to index
          %swap3A_602 = arith.constant 80 : index
          %swap3A_603 = tpu.vector_load %arg8[%swap3A_601, %swap3A_602] {strides = array<i32>} : memref<128x256xf32, #tpu.memory_space<vmem>>, vector<16xf32>,
          tpu.vector_store %arg8[%swap3A_601, %swap3A_602], %broadcast_in_dim3A_2 {strides = array<i32>} : memref<128x256xf32, #tpu.memory_space<vmem>>, vector<16xf32>,
          %swap3A_604 = arith.index_cast %add3A_586 : i32 to index
          %swap3A_605 = arith.constant 96 : index
          %swap3A_606 = tpu.vector_load %arg8[%swap3A_604, %swap3A_605] {strides = array<i32>} : memref<128x256xf32, #tpu.memory_space<vmem>>, vector<16xf32>,
          tpu.vector_store %arg8[%swap3A_604, %swap3A_605], %broadcast_in_dim3A_2 {strides = array<i32>} : memref<128x256xf32, #tpu.memory_space<vmem>>, vector<16xf32>,
          %swap3A_607 = arith.index_cast %add3A_586 : i32 to index
          %swap3A_608 = arith.constant 112 : index
          %swap3A_609 = tpu.vector_load %arg8[%swap3A_607, %swap3A_608] {strides = array<i32>} : memref<128x256xf32, #tpu.memory_space<vmem>>, vector<16xf32>,
          tpu.vector_store %arg8[%swap3A_607, %swap3A_608], %broadcast_in_dim3A_2 {strides = array<i32>} : memref<128x256xf32, #tpu.memory_space<vmem>>, vector<16xf32>,
          %swap3A_610 = arith.index_cast %add3A_586 : i32 to index
          %swap3A_611 = arith.constant 128 : index
          %swap3A_612 = tpu.vector_load %arg8[%swap3A_610, %swap3A_611] {strides = array<i32>} : memref<128x256xf32, #tpu.memory_space<vmem>>, vector<16xf32>,
          tpu.vector_store %arg8[%swap3A_610, %swap3A_611], %broadcast_in_dim3A_2 {strides = array<i32>} : memref<128x256xf32, #tpu.memory_space<vmem>>, vector<16xf32>,
          %swap3A_613 = arith.index_cast %add3A_586 : i32 to index
          %swap3A_614 = arith.constant 144 : index
          %swap3A_615 = tpu.vector_load %arg8[%swap3A_613, %swap3A_614] {strides = array<i32>} : memref<128x256xf32, #tpu.memory_space<vmem>>, vector<16xf32>,
          tpu.vector_store %arg8[%swap3A_613, %swap3A_614], %broadcast_in_dim3A_2 {strides = array<i32>} : memref<128x256xf32, #tpu.memory_space<vmem>>, vector<16xf32>,
          %swap3A_616 = arith.index_cast %add3A_586 : i32 to index
          %swap3A_617 = arith.constant 160 : index
          %swap3A_618 = tpu.vector_load %arg8[%swap3A_616, %swap3A_617] {strides = array<i32>} : memref<128x256xf32, #tpu.memory_space<vmem>>, vector<16xf32>,
          tpu.vector_store %arg8[%swap3A_616, %swap3A_617], %broadcast_in_dim3A_2 {strides = array<i32>} : memref<128x256xf32, #tpu.memory_space<vmem>>, vector<16xf32>,
          %swap3A_619 = arith.index_cast %add3A_586 : i32 to index
          %swap3A_620 = arith.constant 176 : index
          %swap3A_621 = tpu.vector_load %arg8[%swap3A_619, %swap3A_620] {strides = array<i32>} : memref<128x256xf32, #tpu.memory_space<vmem>>, vector<16xf32>,
          tpu.vector_store %arg8[%swap3A_619, %swap3A_620], %broadcast_in_dim3A_2 {strides = array<i32>} : memref<128x256xf32, #tpu.memory_space<vmem>>, vector<16xf32>,
          %swap3A_622 = arith.index_cast %add3A_586 : i32 to index
          %swap3A_623 = arith.constant 192 : index
          %swap3A_624 = tpu.vector_load %arg8[%swap3A_622, %swap3A_623] {strides = array<i32>} : memref<128x256xf32, #tpu.memory_space<vmem>>, vector<16xf32>,
          tpu.vector_store %arg8[%swap3A_622, %swap3A_623], %broadcast_in_dim3A_2 {strides = array<i32>} : memref<128x256xf32, #tpu.memory_space<vmem>>, vector<16xf32>,
          %swap3A_625 = arith.index_cast %add3A_586 : i32 to index
          %swap3A_626 = arith.constant 208 : index
          %swap3A_627 = tpu.vector_load %arg8[%swap3A_625, %swap3A_626] {strides = array<i32>} : memref<128x256xf32, #tpu.memory_space<vmem>>, vector<16xf32>,
          tpu.vector_store %arg8[%swap3A_625, %swap3A_626], %broadcast_in_dim3A_2 {strides = array<i32>} : memref<128x256xf32, #tpu.memory_space<vmem>>, vector<16xf32>,
          %swap3A_628 = arith.index_cast %add3A_586 : i32 to index
          %swap3A_629 = arith.constant 224 : index
          %swap3A_630 = tpu.vector_load %arg8[%swap3A_628, %swap3A_629] {strides = array<i32>} : memref<128x256xf32, #tpu.memory_space<vmem>>, vector<16xf32>,
          tpu.vector_store %arg8[%swap3A_628, %swap3A_629], %broadcast_in_dim3A_2 {strides = array<i32>} : memref<128x256xf32, #tpu.memory_space<vmem>>, vector<16xf32>,
          %swap3A_631 = arith.index_cast %add3A_586 : i32 to index
          %swap3A_632 = arith.constant 240 : index
          %swap3A_633 = tpu.vector_load %arg8[%swap3A_631, %swap3A_632] {strides = array<i32>} : memref<128x256xf32, #tpu.memory_space<vmem>>, vector<16xf32>,
          tpu.vector_store %arg8[%swap3A_631, %swap3A_632], %broadcast_in_dim3A_2 {strides = array<i32>} : memref<128x256xf32, #tpu.memory_space<vmem>>, vector<16xf32>,
        }
      } else {
      }
      %dma_start3A = arith.constant 0 : i32
      %dma_start3A_564 = tpu.memref_slice %arg4[%mul3A_125, %dma_start3A] : memref<32768x256xf32, #tpu.memory_space<hbm>> -> memref<128x256xf32, #tpu.memory_space<hbm>>
      %dma_start3A_565 = arith.constant 0 : i32
      %dma_start3A_566 = tpu.memref_slice %arg4[%mul3A_125, %dma_start3A_565] : memref<32768x256xf32, #tpu.memory_space<hbm>> -> memref<128x256xf32, #tpu.memory_space<hbm>>
      tpu.enqueue_dma source(%arg8 : memref<128x256xf32, #tpu.memory_space<vmem>>) target(%dma_start3A_566 : memref<128x256xf32, #tpu.memory_space<hbm>>) target_semaphore(%arg17 : memref<!tpu.dma_semaphore, #tpu.memory_space<semaphore_mem>>)
    } else {
    }
    %gt3A_455 = arith.constant 0 : i32
    %gt3A_456 = arith.cmpi sgt, %min3A, %gt3A_455 : i32
    %convert_element_type3A_457 = arith.extui %gt3A_456 : i1 to i32
    %cond3A_458 = arith.constant 0 : i32
    %cond3A_459 = arith.cmpi ne, %convert_element_type3A_457, %cond3A_458 : i32
    scf.if %cond3A_459 {
      %dma_wait3A = arith.constant 0 : i32
      %dma_wait3A_555 = tpu.memref_slice %arg4[%mul3A_76, %dma_wait3A] : memref<32768x256xf32, #tpu.memory_space<hbm>> -> memref<128x256xf32, #tpu.memory_space<hbm>>
      %dma_wait3A_556 = arith.constant 0 : i32
      %dma_wait3A_557 = tpu.memref_slice %arg4[%mul3A_76, %dma_wait3A_556] : memref<32768x256xf32, #tpu.memory_space<hbm>> -> memref<128x256xf32, #tpu.memory_space<hbm>>
      tpu.wait_dma2 semaphore(%arg16 : memref<!tpu.dma_semaphore, #tpu.memory_space<semaphore_mem>>) src(%arg7 : memref<128x256xf32, #tpu.memory_space<vmem>>) dst(%dma_wait3A_557 : memref<128x256xf32, #tpu.memory_space<hbm>>)
    } else {
    }
    %gt3A_460 = arith.constant 0 : i32
    %gt3A_461 = arith.cmpi sgt, %min3A_216, %gt3A_460 : i32
    %convert_element_type3A_462 = arith.extui %gt3A_461 : i1 to i32
    %cond3A_463 = arith.constant 0 : i32
    %cond3A_464 = arith.cmpi ne, %convert_element_type3A_462, %cond3A_463 : i32
    scf.if %cond3A_464 {
      %dma_start3A = arith.constant 384 : i32
      %dma_start3A_555 = tpu.memref_slice %arg6[%dma_start3A] : memref<1024xi32, #tpu.memory_space<vmem>> -> memref<128xi32, #tpu.memory_space<vmem>>
      %dma_start3A_556 = arith.constant 0 : i32
      %dma_start3A_557 = arith.constant 0 : i32
      %dma_start3A_558 = tpu.memref_slice %arg2[%dma_start3A_556, %dma_start3A_557] : memref<65536x256xf32, #tpu.memory_space<hbm>> -> memref<65536x256xf32, #tpu.memory_space<hbm>>
      tpu.enqueue_indirect_dma source(%dma_start3A_558 : memref<65536x256xf32, #tpu.memory_space<hbm>>) target(%arg7 : memref<128x256xf32, #tpu.memory_space<vmem>>) offsets(%dma_start3A_555 : memref<128xi32, #tpu.memory_space<vmem>>) semaphore(%arg13 : memref<!tpu.dma_semaphore, #tpu.memory_space<semaphore_mem>>)
    } else {
    }
    %gt3A_465 = arith.constant 0 : i32
    %gt3A_466 = arith.cmpi sgt, %min3A_167, %gt3A_465 : i32
    %convert_element_type3A_467 = arith.extui %gt3A_466 : i1 to i32
    %cond3A_468 = arith.constant 0 : i32
    %cond3A_469 = arith.cmpi ne, %convert_element_type3A_467, %cond3A_468 : i32
    scf.if %cond3A_469 {
      %dma_wait3A = arith.constant 256 : i32
      %dma_wait3A_555 = tpu.memref_slice %arg6[%dma_wait3A] : memref<1024xi32, #tpu.memory_space<vmem>> -> memref<128xi32, #tpu.memory_space<vmem>>
      %dma_wait3A_556 = arith.constant 0 : i32
      %dma_wait3A_557 = arith.constant 0 : i32
      %dma_wait3A_558 = tpu.memref_slice %arg2[%dma_wait3A_556, %dma_wait3A_557] : memref<65536x256xf32, #tpu.memory_space<hbm>> -> memref<65536x256xf32, #tpu.memory_space<hbm>>
      tpu.wait_indirect_dma semaphore(%arg15 : memref<!tpu.dma_semaphore, #tpu.memory_space<semaphore_mem>>) src(%dma_wait3A_558 : memref<65536x256xf32, #tpu.memory_space<hbm>>) dst(%arg9 : memref<128x256xf32, #tpu.memory_space<vmem>>)
      %lt3A_559 = arith.constant 128 : i32
      %lt3A_560 = arith.cmpi slt, %min3A_167, %lt3A_559 : i32
      %convert_element_type3A_561 = arith.extui %lt3A_560 : i1 to i32
      %cond3A_562 = arith.constant 0 : i32
      %cond3A_563 = arith.cmpi ne, %convert_element_type3A_561, %cond3A_562 : i32
      scf.if %cond3A_563 {
        %sub3A_567 = arith.constant 128 : i32
        %sub3A_568 = arith.subi %sub3A_567, %min3A_167 : i32
        %sub3A_569 = arith.constant 1 : i32
        %sub3A_570 = arith.constant 1 : i32
        %sub3A_571 = arith.subi %sub3A_569, %sub3A_570 : i32
        %add3A_572 = arith.addi %sub3A_568, %sub3A_571 : i32
        %div3A_573 = arith.constant 1 : i32
        %div3A_574 = arith.divsi %add3A_572, %div3A_573 : i32
        %while3A = arith.constant 1 : i32
        %while3A_575 = arith.constant 0 : i32
        %while3A_576 = arith.subi %div3A_574, %while3A_575 : i32
        %while3A_577 = arith.addi %while3A_575, %while3A_576 : i32
        %while3A_578 = arith.constant 1 : i32
        %while3A_579 = arith.divsi %while3A_576, %while3A_578 : i32
        %while3A_580 = arith.muli %while3A_579, %while3A_578 : i32
        %while3A_581 = arith.addi %while3A_575, %while3A_580 : i32
        %while3A_582 = arith.constant 1 : i32
        scf.for %while3A_584 = %while3A_575 to %while3A_581 step %while3A_582  : i32 {
          %mul3A_585 = arith.muli %while3A_584, %while3A : i32
          %add3A_586 = arith.addi %min3A_167, %mul3A_585 : i32
          %swap3A = arith.index_cast %add3A_586 : i32 to index
          %swap3A_587 = arith.constant 0 : index
          %swap3A_588 = tpu.vector_load %arg9[%swap3A, %swap3A_587] {strides = array<i32>} : memref<128x256xf32, #tpu.memory_space<vmem>>, vector<16xf32>,
          tpu.vector_store %arg9[%swap3A, %swap3A_587], %broadcast_in_dim3A_2 {strides = array<i32>} : memref<128x256xf32, #tpu.memory_space<vmem>>, vector<16xf32>,
          %swap3A_589 = arith.index_cast %add3A_586 : i32 to index
          %swap3A_590 = arith.constant 16 : index
          %swap3A_591 = tpu.vector_load %arg9[%swap3A_589, %swap3A_590] {strides = array<i32>} : memref<128x256xf32, #tpu.memory_space<vmem>>, vector<16xf32>,
          tpu.vector_store %arg9[%swap3A_589, %swap3A_590], %broadcast_in_dim3A_2 {strides = array<i32>} : memref<128x256xf32, #tpu.memory_space<vmem>>, vector<16xf32>,
          %swap3A_592 = arith.index_cast %add3A_586 : i32 to index
          %swap3A_593 = arith.constant 32 : index
          %swap3A_594 = tpu.vector_load %arg9[%swap3A_592, %swap3A_593] {strides = array<i32>} : memref<128x256xf32, #tpu.memory_space<vmem>>, vector<16xf32>,
          tpu.vector_store %arg9[%swap3A_592, %swap3A_593], %broadcast_in_dim3A_2 {strides = array<i32>} : memref<128x256xf32, #tpu.memory_space<vmem>>, vector<16xf32>,
          %swap3A_595 = arith.index_cast %add3A_586 : i32 to index
          %swap3A_596 = arith.constant 48 : index
          %swap3A_597 = tpu.vector_load %arg9[%swap3A_595, %swap3A_596] {strides = array<i32>} : memref<128x256xf32, #tpu.memory_space<vmem>>, vector<16xf32>,
          tpu.vector_store %arg9[%swap3A_595, %swap3A_596], %broadcast_in_dim3A_2 {strides = array<i32>} : memref<128x256xf32, #tpu.memory_space<vmem>>, vector<16xf32>,
          %swap3A_598 = arith.index_cast %add3A_586 : i32 to index
          %swap3A_599 = arith.constant 64 : index
          %swap3A_600 = tpu.vector_load %arg9[%swap3A_598, %swap3A_599] {strides = array<i32>} : memref<128x256xf32, #tpu.memory_space<vmem>>, vector<16xf32>,
          tpu.vector_store %arg9[%swap3A_598, %swap3A_599], %broadcast_in_dim3A_2 {strides = array<i32>} : memref<128x256xf32, #tpu.memory_space<vmem>>, vector<16xf32>,
          %swap3A_601 = arith.index_cast %add3A_586 : i32 to index
          %swap3A_602 = arith.constant 80 : index
          %swap3A_603 = tpu.vector_load %arg9[%swap3A_601, %swap3A_602] {strides = array<i32>} : memref<128x256xf32, #tpu.memory_space<vmem>>, vector<16xf32>,
          tpu.vector_store %arg9[%swap3A_601, %swap3A_602], %broadcast_in_dim3A_2 {strides = array<i32>} : memref<128x256xf32, #tpu.memory_space<vmem>>, vector<16xf32>,
          %swap3A_604 = arith.index_cast %add3A_586 : i32 to index
          %swap3A_605 = arith.constant 96 : index
          %swap3A_606 = tpu.vector_load %arg9[%swap3A_604, %swap3A_605] {strides = array<i32>} : memref<128x256xf32, #tpu.memory_space<vmem>>, vector<16xf32>,
          tpu.vector_store %arg9[%swap3A_604, %swap3A_605], %broadcast_in_dim3A_2 {strides = array<i32>} : memref<128x256xf32, #tpu.memory_space<vmem>>, vector<16xf32>,
          %swap3A_607 = arith.index_cast %add3A_586 : i32 to index
          %swap3A_608 = arith.constant 112 : index
          %swap3A_609 = tpu.vector_load %arg9[%swap3A_607, %swap3A_608] {strides = array<i32>} : memref<128x256xf32, #tpu.memory_space<vmem>>, vector<16xf32>,
          tpu.vector_store %arg9[%swap3A_607, %swap3A_608], %broadcast_in_dim3A_2 {strides = array<i32>} : memref<128x256xf32, #tpu.memory_space<vmem>>, vector<16xf32>,
          %swap3A_610 = arith.index_cast %add3A_586 : i32 to index
          %swap3A_611 = arith.constant 128 : index
          %swap3A_612 = tpu.vector_load %arg9[%swap3A_610, %swap3A_611] {strides = array<i32>} : memref<128x256xf32, #tpu.memory_space<vmem>>, vector<16xf32>,
          tpu.vector_store %arg9[%swap3A_610, %swap3A_611], %broadcast_in_dim3A_2 {strides = array<i32>} : memref<128x256xf32, #tpu.memory_space<vmem>>, vector<16xf32>,
          %swap3A_613 = arith.index_cast %add3A_586 : i32 to index
          %swap3A_614 = arith.constant 144 : index
          %swap3A_615 = tpu.vector_load %arg9[%swap3A_613, %swap3A_614] {strides = array<i32>} : memref<128x256xf32, #tpu.memory_space<vmem>>, vector<16xf32>,
          tpu.vector_store %arg9[%swap3A_613, %swap3A_614], %broadcast_in_dim3A_2 {strides = array<i32>} : memref<128x256xf32, #tpu.memory_space<vmem>>, vector<16xf32>,
          %swap3A_616 = arith.index_cast %add3A_586 : i32 to index
          %swap3A_617 = arith.constant 160 : index
          %swap3A_618 = tpu.vector_load %arg9[%swap3A_616, %swap3A_617] {strides = array<i32>} : memref<128x256xf32, #tpu.memory_space<vmem>>, vector<16xf32>,
          tpu.vector_store %arg9[%swap3A_616, %swap3A_617], %broadcast_in_dim3A_2 {strides = array<i32>} : memref<128x256xf32, #tpu.memory_space<vmem>>, vector<16xf32>,
          %swap3A_619 = arith.index_cast %add3A_586 : i32 to index
          %swap3A_620 = arith.constant 176 : index
          %swap3A_621 = tpu.vector_load %arg9[%swap3A_619, %swap3A_620] {strides = array<i32>} : memref<128x256xf32, #tpu.memory_space<vmem>>, vector<16xf32>,
          tpu.vector_store %arg9[%swap3A_619, %swap3A_620], %broadcast_in_dim3A_2 {strides = array<i32>} : memref<128x256xf32, #tpu.memory_space<vmem>>, vector<16xf32>,
          %swap3A_622 = arith.index_cast %add3A_586 : i32 to index
          %swap3A_623 = arith.constant 192 : index
          %swap3A_624 = tpu.vector_load %arg9[%swap3A_622, %swap3A_623] {strides = array<i32>} : memref<128x256xf32, #tpu.memory_space<vmem>>, vector<16xf32>,
          tpu.vector_store %arg9[%swap3A_622, %swap3A_623], %broadcast_in_dim3A_2 {strides = array<i32>} : memref<128x256xf32, #tpu.memory_space<vmem>>, vector<16xf32>,
          %swap3A_625 = arith.index_cast %add3A_586 : i32 to index
          %swap3A_626 = arith.constant 208 : index
          %swap3A_627 = tpu.vector_load %arg9[%swap3A_625, %swap3A_626] {strides = array<i32>} : memref<128x256xf32, #tpu.memory_space<vmem>>, vector<16xf32>,
          tpu.vector_store %arg9[%swap3A_625, %swap3A_626], %broadcast_in_dim3A_2 {strides = array<i32>} : memref<128x256xf32, #tpu.memory_space<vmem>>, vector<16xf32>,
          %swap3A_628 = arith.index_cast %add3A_586 : i32 to index
          %swap3A_629 = arith.constant 224 : index
          %swap3A_630 = tpu.vector_load %arg9[%swap3A_628, %swap3A_629] {strides = array<i32>} : memref<128x256xf32, #tpu.memory_space<vmem>>, vector<16xf32>,
          tpu.vector_store %arg9[%swap3A_628, %swap3A_629], %broadcast_in_dim3A_2 {strides = array<i32>} : memref<128x256xf32, #tpu.memory_space<vmem>>, vector<16xf32>,
          %swap3A_631 = arith.index_cast %add3A_586 : i32 to index
          %swap3A_632 = arith.constant 240 : index
          %swap3A_633 = tpu.vector_load %arg9[%swap3A_631, %swap3A_632] {strides = array<i32>} : memref<128x256xf32, #tpu.memory_space<vmem>>, vector<16xf32>,
          tpu.vector_store %arg9[%swap3A_631, %swap3A_632], %broadcast_in_dim3A_2 {strides = array<i32>} : memref<128x256xf32, #tpu.memory_space<vmem>>, vector<16xf32>,
        }
        %while3A_583 = arith.constant 1 : i32
        scf.for %while3A_584 = %while3A_581 to %while3A_577 step %while3A_583  : i32 {
          %mul3A_585 = arith.muli %while3A_584, %while3A : i32
          %add3A_586 = arith.addi %min3A_167, %mul3A_585 : i32
          %swap3A = arith.index_cast %add3A_586 : i32 to index
          %swap3A_587 = arith.constant 0 : index
          %swap3A_588 = tpu.vector_load %arg9[%swap3A, %swap3A_587] {strides = array<i32>} : memref<128x256xf32, #tpu.memory_space<vmem>>, vector<16xf32>,
          tpu.vector_store %arg9[%swap3A, %swap3A_587], %broadcast_in_dim3A_2 {strides = array<i32>} : memref<128x256xf32, #tpu.memory_space<vmem>>, vector<16xf32>,
          %swap3A_589 = arith.index_cast %add3A_586 : i32 to index
          %swap3A_590 = arith.constant 16 : index
          %swap3A_591 = tpu.vector_load %arg9[%swap3A_589, %swap3A_590] {strides = array<i32>} : memref<128x256xf32, #tpu.memory_space<vmem>>, vector<16xf32>,
          tpu.vector_store %arg9[%swap3A_589, %swap3A_590], %broadcast_in_dim3A_2 {strides = array<i32>} : memref<128x256xf32, #tpu.memory_space<vmem>>, vector<16xf32>,
          %swap3A_592 = arith.index_cast %add3A_586 : i32 to index
          %swap3A_593 = arith.constant 32 : index
          %swap3A_594 = tpu.vector_load %arg9[%swap3A_592, %swap3A_593] {strides = array<i32>} : memref<128x256xf32, #tpu.memory_space<vmem>>, vector<16xf32>,
          tpu.vector_store %arg9[%swap3A_592, %swap3A_593], %broadcast_in_dim3A_2 {strides = array<i32>} : memref<128x256xf32, #tpu.memory_space<vmem>>, vector<16xf32>,
          %swap3A_595 = arith.index_cast %add3A_586 : i32 to index
          %swap3A_596 = arith.constant 48 : index
          %swap3A_597 = tpu.vector_load %arg9[%swap3A_595, %swap3A_596] {strides = array<i32>} : memref<128x256xf32, #tpu.memory_space<vmem>>, vector<16xf32>,
          tpu.vector_store %arg9[%swap3A_595, %swap3A_596], %broadcast_in_dim3A_2 {strides = array<i32>} : memref<128x256xf32, #tpu.memory_space<vmem>>, vector<16xf32>,
          %swap3A_598 = arith.index_cast %add3A_586 : i32 to index
          %swap3A_599 = arith.constant 64 : index
          %swap3A_600 = tpu.vector_load %arg9[%swap3A_598, %swap3A_599] {strides = array<i32>} : memref<128x256xf32, #tpu.memory_space<vmem>>, vector<16xf32>,
          tpu.vector_store %arg9[%swap3A_598, %swap3A_599], %broadcast_in_dim3A_2 {strides = array<i32>} : memref<128x256xf32, #tpu.memory_space<vmem>>, vector<16xf32>,
          %swap3A_601 = arith.index_cast %add3A_586 : i32 to index
          %swap3A_602 = arith.constant 80 : index
          %swap3A_603 = tpu.vector_load %arg9[%swap3A_601, %swap3A_602] {strides = array<i32>} : memref<128x256xf32, #tpu.memory_space<vmem>>, vector<16xf32>,
          tpu.vector_store %arg9[%swap3A_601, %swap3A_602], %broadcast_in_dim3A_2 {strides = array<i32>} : memref<128x256xf32, #tpu.memory_space<vmem>>, vector<16xf32>,
          %swap3A_604 = arith.index_cast %add3A_586 : i32 to index
          %swap3A_605 = arith.constant 96 : index
          %swap3A_606 = tpu.vector_load %arg9[%swap3A_604, %swap3A_605] {strides = array<i32>} : memref<128x256xf32, #tpu.memory_space<vmem>>, vector<16xf32>,
          tpu.vector_store %arg9[%swap3A_604, %swap3A_605], %broadcast_in_dim3A_2 {strides = array<i32>} : memref<128x256xf32, #tpu.memory_space<vmem>>, vector<16xf32>,
          %swap3A_607 = arith.index_cast %add3A_586 : i32 to index
          %swap3A_608 = arith.constant 112 : index
          %swap3A_609 = tpu.vector_load %arg9[%swap3A_607, %swap3A_608] {strides = array<i32>} : memref<128x256xf32, #tpu.memory_space<vmem>>, vector<16xf32>,
          tpu.vector_store %arg9[%swap3A_607, %swap3A_608], %broadcast_in_dim3A_2 {strides = array<i32>} : memref<128x256xf32, #tpu.memory_space<vmem>>, vector<16xf32>,
          %swap3A_610 = arith.index_cast %add3A_586 : i32 to index
          %swap3A_611 = arith.constant 128 : index
          %swap3A_612 = tpu.vector_load %arg9[%swap3A_610, %swap3A_611] {strides = array<i32>} : memref<128x256xf32, #tpu.memory_space<vmem>>, vector<16xf32>,
          tpu.vector_store %arg9[%swap3A_610, %swap3A_611], %broadcast_in_dim3A_2 {strides = array<i32>} : memref<128x256xf32, #tpu.memory_space<vmem>>, vector<16xf32>,
          %swap3A_613 = arith.index_cast %add3A_586 : i32 to index
          %swap3A_614 = arith.constant 144 : index
          %swap3A_615 = tpu.vector_load %arg9[%swap3A_613, %swap3A_614] {strides = array<i32>} : memref<128x256xf32, #tpu.memory_space<vmem>>, vector<16xf32>,
          tpu.vector_store %arg9[%swap3A_613, %swap3A_614], %broadcast_in_dim3A_2 {strides = array<i32>} : memref<128x256xf32, #tpu.memory_space<vmem>>, vector<16xf32>,
          %swap3A_616 = arith.index_cast %add3A_586 : i32 to index
          %swap3A_617 = arith.constant 160 : index
          %swap3A_618 = tpu.vector_load %arg9[%swap3A_616, %swap3A_617] {strides = array<i32>} : memref<128x256xf32, #tpu.memory_space<vmem>>, vector<16xf32>,
          tpu.vector_store %arg9[%swap3A_616, %swap3A_617], %broadcast_in_dim3A_2 {strides = array<i32>} : memref<128x256xf32, #tpu.memory_space<vmem>>, vector<16xf32>,
          %swap3A_619 = arith.index_cast %add3A_586 : i32 to index
          %swap3A_620 = arith.constant 176 : index
          %swap3A_621 = tpu.vector_load %arg9[%swap3A_619, %swap3A_620] {strides = array<i32>} : memref<128x256xf32, #tpu.memory_space<vmem>>, vector<16xf32>,
          tpu.vector_store %arg9[%swap3A_619, %swap3A_620], %broadcast_in_dim3A_2 {strides = array<i32>} : memref<128x256xf32, #tpu.memory_space<vmem>>, vector<16xf32>,
          %swap3A_622 = arith.index_cast %add3A_586 : i32 to index
          %swap3A_623 = arith.constant 192 : index
          %swap3A_624 = tpu.vector_load %arg9[%swap3A_622, %swap3A_623] {strides = array<i32>} : memref<128x256xf32, #tpu.memory_space<vmem>>, vector<16xf32>,
          tpu.vector_store %arg9[%swap3A_622, %swap3A_623], %broadcast_in_dim3A_2 {strides = array<i32>} : memref<128x256xf32, #tpu.memory_space<vmem>>, vector<16xf32>,
          %swap3A_625 = arith.index_cast %add3A_586 : i32 to index
          %swap3A_626 = arith.constant 208 : index
          %swap3A_627 = tpu.vector_load %arg9[%swap3A_625, %swap3A_626] {strides = array<i32>} : memref<128x256xf32, #tpu.memory_space<vmem>>, vector<16xf32>,
          tpu.vector_store %arg9[%swap3A_625, %swap3A_626], %broadcast_in_dim3A_2 {strides = array<i32>} : memref<128x256xf32, #tpu.memory_space<vmem>>, vector<16xf32>,
          %swap3A_628 = arith.index_cast %add3A_586 : i32 to index
          %swap3A_629 = arith.constant 224 : index
          %swap3A_630 = tpu.vector_load %arg9[%swap3A_628, %swap3A_629] {strides = array<i32>} : memref<128x256xf32, #tpu.memory_space<vmem>>, vector<16xf32>,
          tpu.vector_store %arg9[%swap3A_628, %swap3A_629], %broadcast_in_dim3A_2 {strides = array<i32>} : memref<128x256xf32, #tpu.memory_space<vmem>>, vector<16xf32>,
          %swap3A_631 = arith.index_cast %add3A_586 : i32 to index
          %swap3A_632 = arith.constant 240 : index
          %swap3A_633 = tpu.vector_load %arg9[%swap3A_631, %swap3A_632] {strides = array<i32>} : memref<128x256xf32, #tpu.memory_space<vmem>>, vector<16xf32>,
          tpu.vector_store %arg9[%swap3A_631, %swap3A_632], %broadcast_in_dim3A_2 {strides = array<i32>} : memref<128x256xf32, #tpu.memory_space<vmem>>, vector<16xf32>,
        }
      } else {
      }
      %dma_start3A = arith.constant 0 : i32
      %dma_start3A_564 = tpu.memref_slice %arg4[%mul3A_172, %dma_start3A] : memref<32768x256xf32, #tpu.memory_space<hbm>> -> memref<128x256xf32, #tpu.memory_space<hbm>>
      %dma_start3A_565 = arith.constant 0 : i32
      %dma_start3A_566 = tpu.memref_slice %arg4[%mul3A_172, %dma_start3A_565] : memref<32768x256xf32, #tpu.memory_space<hbm>> -> memref<128x256xf32, #tpu.memory_space<hbm>>
      tpu.enqueue_dma source(%arg9 : memref<128x256xf32, #tpu.memory_space<vmem>>) target(%dma_start3A_566 : memref<128x256xf32, #tpu.memory_space<hbm>>) target_semaphore(%arg18 : memref<!tpu.dma_semaphore, #tpu.memory_space<semaphore_mem>>)
    } else {
    }
    %gt3A_470 = arith.constant 0 : i32
    %gt3A_471 = arith.cmpi sgt, %min3A_120, %gt3A_470 : i32
    %convert_element_type3A_472 = arith.extui %gt3A_471 : i1 to i32
    %cond3A_473 = arith.constant 0 : i32
    %cond3A_474 = arith.cmpi ne, %convert_element_type3A_472, %cond3A_473 : i32
    scf.if %cond3A_474 {
      %dma_wait3A = arith.constant 0 : i32
      %dma_wait3A_555 = tpu.memref_slice %arg4[%mul3A_125, %dma_wait3A] : memref<32768x256xf32, #tpu.memory_space<hbm>> -> memref<128x256xf32, #tpu.memory_space<hbm>>
      %dma_wait3A_556 = arith.constant 0 : i32
      %dma_wait3A_557 = tpu.memref_slice %arg4[%mul3A_125, %dma_wait3A_556] : memref<32768x256xf32, #tpu.memory_space<hbm>> -> memref<128x256xf32, #tpu.memory_space<hbm>>
      tpu.wait_dma2 semaphore(%arg17 : memref<!tpu.dma_semaphore, #tpu.memory_space<semaphore_mem>>) src(%arg8 : memref<128x256xf32, #tpu.memory_space<vmem>>) dst(%dma_wait3A_557 : memref<128x256xf32, #tpu.memory_space<hbm>>)
    } else {
    }
    %gt3A_475 = arith.constant 0 : i32
    %gt3A_476 = arith.cmpi sgt, %min3A_263, %gt3A_475 : i32
    %convert_element_type3A_477 = arith.extui %gt3A_476 : i1 to i32
    %cond3A_478 = arith.constant 0 : i32
    %cond3A_479 = arith.cmpi ne, %convert_element_type3A_477, %cond3A_478 : i32
    scf.if %cond3A_479 {
      %dma_start3A = arith.constant 512 : i32
      %dma_start3A_555 = tpu.memref_slice %arg6[%dma_start3A] : memref<1024xi32, #tpu.memory_space<vmem>> -> memref<128xi32, #tpu.memory_space<vmem>>
      %dma_start3A_556 = arith.constant 0 : i32
      %dma_start3A_557 = arith.constant 0 : i32
      %dma_start3A_558 = tpu.memref_slice %arg2[%dma_start3A_556, %dma_start3A_557] : memref<65536x256xf32, #tpu.memory_space<hbm>> -> memref<65536x256xf32, #tpu.memory_space<hbm>>
      tpu.enqueue_indirect_dma source(%dma_start3A_558 : memref<65536x256xf32, #tpu.memory_space<hbm>>) target(%arg8 : memref<128x256xf32, #tpu.memory_space<vmem>>) offsets(%dma_start3A_555 : memref<128xi32, #tpu.memory_space<vmem>>) semaphore(%arg14 : memref<!tpu.dma_semaphore, #tpu.memory_space<semaphore_mem>>)
    } else {
    }
    %gt3A_480 = arith.constant 0 : i32
    %gt3A_481 = arith.cmpi sgt, %min3A_216, %gt3A_480 : i32
    %convert_element_type3A_482 = arith.extui %gt3A_481 : i1 to i32
    %cond3A_483 = arith.constant 0 : i32
    %cond3A_484 = arith.cmpi ne, %convert_element_type3A_482, %cond3A_483 : i32
    scf.if %cond3A_484 {
      %dma_wait3A = arith.constant 384 : i32
      %dma_wait3A_555 = tpu.memref_slice %arg6[%dma_wait3A] : memref<1024xi32, #tpu.memory_space<vmem>> -> memref<128xi32, #tpu.memory_space<vmem>>
      %dma_wait3A_556 = arith.constant 0 : i32
      %dma_wait3A_557 = arith.constant 0 : i32
      %dma_wait3A_558 = tpu.memref_slice %arg2[%dma_wait3A_556, %dma_wait3A_557] : memref<65536x256xf32, #tpu.memory_space<hbm>> -> memref<65536x256xf32, #tpu.memory_space<hbm>>
      tpu.wait_indirect_dma semaphore(%arg13 : memref<!tpu.dma_semaphore, #tpu.memory_space<semaphore_mem>>) src(%dma_wait3A_558 : memref<65536x256xf32, #tpu.memory_space<hbm>>) dst(%arg7 : memref<128x256xf32, #tpu.memory_space<vmem>>)
      %lt3A_559 = arith.constant 128 : i32
      %lt3A_560 = arith.cmpi slt, %min3A_216, %lt3A_559 : i32
      %convert_element_type3A_561 = arith.extui %lt3A_560 : i1 to i32
      %cond3A_562 = arith.constant 0 : i32
      %cond3A_563 = arith.cmpi ne, %convert_element_type3A_561, %cond3A_562 : i32
      scf.if %cond3A_563 {
        %sub3A_567 = arith.constant 128 : i32
        %sub3A_568 = arith.subi %sub3A_567, %min3A_216 : i32
        %sub3A_569 = arith.constant 1 : i32
        %sub3A_570 = arith.constant 1 : i32
        %sub3A_571 = arith.subi %sub3A_569, %sub3A_570 : i32
        %add3A_572 = arith.addi %sub3A_568, %sub3A_571 : i32
        %div3A_573 = arith.constant 1 : i32
        %div3A_574 = arith.divsi %add3A_572, %div3A_573 : i32
        %while3A = arith.constant 1 : i32
        %while3A_575 = arith.constant 0 : i32
        %while3A_576 = arith.subi %div3A_574, %while3A_575 : i32
        %while3A_577 = arith.addi %while3A_575, %while3A_576 : i32
        %while3A_578 = arith.constant 1 : i32
        %while3A_579 = arith.divsi %while3A_576, %while3A_578 : i32
        %while3A_580 = arith.muli %while3A_579, %while3A_578 : i32
        %while3A_581 = arith.addi %while3A_575, %while3A_580 : i32
        %while3A_582 = arith.constant 1 : i32
        scf.for %while3A_584 = %while3A_575 to %while3A_581 step %while3A_582  : i32 {
          %mul3A_585 = arith.muli %while3A_584, %while3A : i32
          %add3A_586 = arith.addi %min3A_216, %mul3A_585 : i32
          %swap3A = arith.index_cast %add3A_586 : i32 to index
          %swap3A_587 = arith.constant 0 : index
          %swap3A_588 = tpu.vector_load %arg7[%swap3A, %swap3A_587] {strides = array<i32>} : memref<128x256xf32, #tpu.memory_space<vmem>>, vector<16xf32>,
          tpu.vector_store %arg7[%swap3A, %swap3A_587], %broadcast_in_dim3A_2 {strides = array<i32>} : memref<128x256xf32, #tpu.memory_space<vmem>>, vector<16xf32>,
          %swap3A_589 = arith.index_cast %add3A_586 : i32 to index
          %swap3A_590 = arith.constant 16 : index
          %swap3A_591 = tpu.vector_load %arg7[%swap3A_589, %swap3A_590] {strides = array<i32>} : memref<128x256xf32, #tpu.memory_space<vmem>>, vector<16xf32>,
          tpu.vector_store %arg7[%swap3A_589, %swap3A_590], %broadcast_in_dim3A_2 {strides = array<i32>} : memref<128x256xf32, #tpu.memory_space<vmem>>, vector<16xf32>,
          %swap3A_592 = arith.index_cast %add3A_586 : i32 to index
          %swap3A_593 = arith.constant 32 : index
          %swap3A_594 = tpu.vector_load %arg7[%swap3A_592, %swap3A_593] {strides = array<i32>} : memref<128x256xf32, #tpu.memory_space<vmem>>, vector<16xf32>,
          tpu.vector_store %arg7[%swap3A_592, %swap3A_593], %broadcast_in_dim3A_2 {strides = array<i32>} : memref<128x256xf32, #tpu.memory_space<vmem>>, vector<16xf32>,
          %swap3A_595 = arith.index_cast %add3A_586 : i32 to index
          %swap3A_596 = arith.constant 48 : index
          %swap3A_597 = tpu.vector_load %arg7[%swap3A_595, %swap3A_596] {strides = array<i32>} : memref<128x256xf32, #tpu.memory_space<vmem>>, vector<16xf32>,
          tpu.vector_store %arg7[%swap3A_595, %swap3A_596], %broadcast_in_dim3A_2 {strides = array<i32>} : memref<128x256xf32, #tpu.memory_space<vmem>>, vector<16xf32>,
          %swap3A_598 = arith.index_cast %add3A_586 : i32 to index
          %swap3A_599 = arith.constant 64 : index
          %swap3A_600 = tpu.vector_load %arg7[%swap3A_598, %swap3A_599] {strides = array<i32>} : memref<128x256xf32, #tpu.memory_space<vmem>>, vector<16xf32>,
          tpu.vector_store %arg7[%swap3A_598, %swap3A_599], %broadcast_in_dim3A_2 {strides = array<i32>} : memref<128x256xf32, #tpu.memory_space<vmem>>, vector<16xf32>,
          %swap3A_601 = arith.index_cast %add3A_586 : i32 to index
          %swap3A_602 = arith.constant 80 : index
          %swap3A_603 = tpu.vector_load %arg7[%swap3A_601, %swap3A_602] {strides = array<i32>} : memref<128x256xf32, #tpu.memory_space<vmem>>, vector<16xf32>,
          tpu.vector_store %arg7[%swap3A_601, %swap3A_602], %broadcast_in_dim3A_2 {strides = array<i32>} : memref<128x256xf32, #tpu.memory_space<vmem>>, vector<16xf32>,
          %swap3A_604 = arith.index_cast %add3A_586 : i32 to index
          %swap3A_605 = arith.constant 96 : index
          %swap3A_606 = tpu.vector_load %arg7[%swap3A_604, %swap3A_605] {strides = array<i32>} : memref<128x256xf32, #tpu.memory_space<vmem>>, vector<16xf32>,
          tpu.vector_store %arg7[%swap3A_604, %swap3A_605], %broadcast_in_dim3A_2 {strides = array<i32>} : memref<128x256xf32, #tpu.memory_space<vmem>>, vector<16xf32>,
          %swap3A_607 = arith.index_cast %add3A_586 : i32 to index
          %swap3A_608 = arith.constant 112 : index
          %swap3A_609 = tpu.vector_load %arg7[%swap3A_607, %swap3A_608] {strides = array<i32>} : memref<128x256xf32, #tpu.memory_space<vmem>>, vector<16xf32>,
          tpu.vector_store %arg7[%swap3A_607, %swap3A_608], %broadcast_in_dim3A_2 {strides = array<i32>} : memref<128x256xf32, #tpu.memory_space<vmem>>, vector<16xf32>,
          %swap3A_610 = arith.index_cast %add3A_586 : i32 to index
          %swap3A_611 = arith.constant 128 : index
          %swap3A_612 = tpu.vector_load %arg7[%swap3A_610, %swap3A_611] {strides = array<i32>} : memref<128x256xf32, #tpu.memory_space<vmem>>, vector<16xf32>,
          tpu.vector_store %arg7[%swap3A_610, %swap3A_611], %broadcast_in_dim3A_2 {strides = array<i32>} : memref<128x256xf32, #tpu.memory_space<vmem>>, vector<16xf32>,
          %swap3A_613 = arith.index_cast %add3A_586 : i32 to index
          %swap3A_614 = arith.constant 144 : index
          %swap3A_615 = tpu.vector_load %arg7[%swap3A_613, %swap3A_614] {strides = array<i32>} : memref<128x256xf32, #tpu.memory_space<vmem>>, vector<16xf32>,
          tpu.vector_store %arg7[%swap3A_613, %swap3A_614], %broadcast_in_dim3A_2 {strides = array<i32>} : memref<128x256xf32, #tpu.memory_space<vmem>>, vector<16xf32>,
          %swap3A_616 = arith.index_cast %add3A_586 : i32 to index
          %swap3A_617 = arith.constant 160 : index
          %swap3A_618 = tpu.vector_load %arg7[%swap3A_616, %swap3A_617] {strides = array<i32>} : memref<128x256xf32, #tpu.memory_space<vmem>>, vector<16xf32>,
          tpu.vector_store %arg7[%swap3A_616, %swap3A_617], %broadcast_in_dim3A_2 {strides = array<i32>} : memref<128x256xf32, #tpu.memory_space<vmem>>, vector<16xf32>,
          %swap3A_619 = arith.index_cast %add3A_586 : i32 to index
          %swap3A_620 = arith.constant 176 : index
          %swap3A_621 = tpu.vector_load %arg7[%swap3A_619, %swap3A_620] {strides = array<i32>} : memref<128x256xf32, #tpu.memory_space<vmem>>, vector<16xf32>,
          tpu.vector_store %arg7[%swap3A_619, %swap3A_620], %broadcast_in_dim3A_2 {strides = array<i32>} : memref<128x256xf32, #tpu.memory_space<vmem>>, vector<16xf32>,
          %swap3A_622 = arith.index_cast %add3A_586 : i32 to index
          %swap3A_623 = arith.constant 192 : index
          %swap3A_624 = tpu.vector_load %arg7[%swap3A_622, %swap3A_623] {strides = array<i32>} : memref<128x256xf32, #tpu.memory_space<vmem>>, vector<16xf32>,
          tpu.vector_store %arg7[%swap3A_622, %swap3A_623], %broadcast_in_dim3A_2 {strides = array<i32>} : memref<128x256xf32, #tpu.memory_space<vmem>>, vector<16xf32>,
          %swap3A_625 = arith.index_cast %add3A_586 : i32 to index
          %swap3A_626 = arith.constant 208 : index
          %swap3A_627 = tpu.vector_load %arg7[%swap3A_625, %swap3A_626] {strides = array<i32>} : memref<128x256xf32, #tpu.memory_space<vmem>>, vector<16xf32>,
          tpu.vector_store %arg7[%swap3A_625, %swap3A_626], %broadcast_in_dim3A_2 {strides = array<i32>} : memref<128x256xf32, #tpu.memory_space<vmem>>, vector<16xf32>,
          %swap3A_628 = arith.index_cast %add3A_586 : i32 to index
          %swap3A_629 = arith.constant 224 : index
          %swap3A_630 = tpu.vector_load %arg7[%swap3A_628, %swap3A_629] {strides = array<i32>} : memref<128x256xf32, #tpu.memory_space<vmem>>, vector<16xf32>,
          tpu.vector_store %arg7[%swap3A_628, %swap3A_629], %broadcast_in_dim3A_2 {strides = array<i32>} : memref<128x256xf32, #tpu.memory_space<vmem>>, vector<16xf32>,
          %swap3A_631 = arith.index_cast %add3A_586 : i32 to index
          %swap3A_632 = arith.constant 240 : index
          %swap3A_633 = tpu.vector_load %arg7[%swap3A_631, %swap3A_632] {strides = array<i32>} : memref<128x256xf32, #tpu.memory_space<vmem>>, vector<16xf32>,
          tpu.vector_store %arg7[%swap3A_631, %swap3A_632], %broadcast_in_dim3A_2 {strides = array<i32>} : memref<128x256xf32, #tpu.memory_space<vmem>>, vector<16xf32>,
        }
        %while3A_583 = arith.constant 1 : i32
        scf.for %while3A_584 = %while3A_581 to %while3A_577 step %while3A_583  : i32 {
          %mul3A_585 = arith.muli %while3A_584, %while3A : i32
          %add3A_586 = arith.addi %min3A_216, %mul3A_585 : i32
          %swap3A = arith.index_cast %add3A_586 : i32 to index
          %swap3A_587 = arith.constant 0 : index
          %swap3A_588 = tpu.vector_load %arg7[%swap3A, %swap3A_587] {strides = array<i32>} : memref<128x256xf32, #tpu.memory_space<vmem>>, vector<16xf32>,
          tpu.vector_store %arg7[%swap3A, %swap3A_587], %broadcast_in_dim3A_2 {strides = array<i32>} : memref<128x256xf32, #tpu.memory_space<vmem>>, vector<16xf32>,
          %swap3A_589 = arith.index_cast %add3A_586 : i32 to index
          %swap3A_590 = arith.constant 16 : index
          %swap3A_591 = tpu.vector_load %arg7[%swap3A_589, %swap3A_590] {strides = array<i32>} : memref<128x256xf32, #tpu.memory_space<vmem>>, vector<16xf32>,
          tpu.vector_store %arg7[%swap3A_589, %swap3A_590], %broadcast_in_dim3A_2 {strides = array<i32>} : memref<128x256xf32, #tpu.memory_space<vmem>>, vector<16xf32>,
          %swap3A_592 = arith.index_cast %add3A_586 : i32 to index
          %swap3A_593 = arith.constant 32 : index
          %swap3A_594 = tpu.vector_load %arg7[%swap3A_592, %swap3A_593] {strides = array<i32>} : memref<128x256xf32, #tpu.memory_space<vmem>>, vector<16xf32>,
          tpu.vector_store %arg7[%swap3A_592, %swap3A_593], %broadcast_in_dim3A_2 {strides = array<i32>} : memref<128x256xf32, #tpu.memory_space<vmem>>, vector<16xf32>,
          %swap3A_595 = arith.index_cast %add3A_586 : i32 to index
          %swap3A_596 = arith.constant 48 : index
          %swap3A_597 = tpu.vector_load %arg7[%swap3A_595, %swap3A_596] {strides = array<i32>} : memref<128x256xf32, #tpu.memory_space<vmem>>, vector<16xf32>,
          tpu.vector_store %arg7[%swap3A_595, %swap3A_596], %broadcast_in_dim3A_2 {strides = array<i32>} : memref<128x256xf32, #tpu.memory_space<vmem>>, vector<16xf32>,
          %swap3A_598 = arith.index_cast %add3A_586 : i32 to index
          %swap3A_599 = arith.constant 64 : index
          %swap3A_600 = tpu.vector_load %arg7[%swap3A_598, %swap3A_599] {strides = array<i32>} : memref<128x256xf32, #tpu.memory_space<vmem>>, vector<16xf32>,
          tpu.vector_store %arg7[%swap3A_598, %swap3A_599], %broadcast_in_dim3A_2 {strides = array<i32>} : memref<128x256xf32, #tpu.memory_space<vmem>>, vector<16xf32>,
          %swap3A_601 = arith.index_cast %add3A_586 : i32 to index
          %swap3A_602 = arith.constant 80 : index
          %swap3A_603 = tpu.vector_load %arg7[%swap3A_601, %swap3A_602] {strides = array<i32>} : memref<128x256xf32, #tpu.memory_space<vmem>>, vector<16xf32>,
          tpu.vector_store %arg7[%swap3A_601, %swap3A_602], %broadcast_in_dim3A_2 {strides = array<i32>} : memref<128x256xf32, #tpu.memory_space<vmem>>, vector<16xf32>,
          %swap3A_604 = arith.index_cast %add3A_586 : i32 to index
          %swap3A_605 = arith.constant 96 : index
          %swap3A_606 = tpu.vector_load %arg7[%swap3A_604, %swap3A_605] {strides = array<i32>} : memref<128x256xf32, #tpu.memory_space<vmem>>, vector<16xf32>,
          tpu.vector_store %arg7[%swap3A_604, %swap3A_605], %broadcast_in_dim3A_2 {strides = array<i32>} : memref<128x256xf32, #tpu.memory_space<vmem>>, vector<16xf32>,
          %swap3A_607 = arith.index_cast %add3A_586 : i32 to index
          %swap3A_608 = arith.constant 112 : index
          %swap3A_609 = tpu.vector_load %arg7[%swap3A_607, %swap3A_608] {strides = array<i32>} : memref<128x256xf32, #tpu.memory_space<vmem>>, vector<16xf32>,
          tpu.vector_store %arg7[%swap3A_607, %swap3A_608], %broadcast_in_dim3A_2 {strides = array<i32>} : memref<128x256xf32, #tpu.memory_space<vmem>>, vector<16xf32>,
          %swap3A_610 = arith.index_cast %add3A_586 : i32 to index
          %swap3A_611 = arith.constant 128 : index
          %swap3A_612 = tpu.vector_load %arg7[%swap3A_610, %swap3A_611] {strides = array<i32>} : memref<128x256xf32, #tpu.memory_space<vmem>>, vector<16xf32>,
          tpu.vector_store %arg7[%swap3A_610, %swap3A_611], %broadcast_in_dim3A_2 {strides = array<i32>} : memref<128x256xf32, #tpu.memory_space<vmem>>, vector<16xf32>,
          %swap3A_613 = arith.index_cast %add3A_586 : i32 to index
          %swap3A_614 = arith.constant 144 : index
          %swap3A_615 = tpu.vector_load %arg7[%swap3A_613, %swap3A_614] {strides = array<i32>} : memref<128x256xf32, #tpu.memory_space<vmem>>, vector<16xf32>,
          tpu.vector_store %arg7[%swap3A_613, %swap3A_614], %broadcast_in_dim3A_2 {strides = array<i32>} : memref<128x256xf32, #tpu.memory_space<vmem>>, vector<16xf32>,
          %swap3A_616 = arith.index_cast %add3A_586 : i32 to index
          %swap3A_617 = arith.constant 160 : index
          %swap3A_618 = tpu.vector_load %arg7[%swap3A_616, %swap3A_617] {strides = array<i32>} : memref<128x256xf32, #tpu.memory_space<vmem>>, vector<16xf32>,
          tpu.vector_store %arg7[%swap3A_616, %swap3A_617], %broadcast_in_dim3A_2 {strides = array<i32>} : memref<128x256xf32, #tpu.memory_space<vmem>>, vector<16xf32>,
          %swap3A_619 = arith.index_cast %add3A_586 : i32 to index
          %swap3A_620 = arith.constant 176 : index
          %swap3A_621 = tpu.vector_load %arg7[%swap3A_619, %swap3A_620] {strides = array<i32>} : memref<128x256xf32, #tpu.memory_space<vmem>>, vector<16xf32>,
          tpu.vector_store %arg7[%swap3A_619, %swap3A_620], %broadcast_in_dim3A_2 {strides = array<i32>} : memref<128x256xf32, #tpu.memory_space<vmem>>, vector<16xf32>,
          %swap3A_622 = arith.index_cast %add3A_586 : i32 to index
          %swap3A_623 = arith.constant 192 : index
          %swap3A_624 = tpu.vector_load %arg7[%swap3A_622, %swap3A_623] {strides = array<i32>} : memref<128x256xf32, #tpu.memory_space<vmem>>, vector<16xf32>,
          tpu.vector_store %arg7[%swap3A_622, %swap3A_623], %broadcast_in_dim3A_2 {strides = array<i32>} : memref<128x256xf32, #tpu.memory_space<vmem>>, vector<16xf32>,
          %swap3A_625 = arith.index_cast %add3A_586 : i32 to index
          %swap3A_626 = arith.constant 208 : index
          %swap3A_627 = tpu.vector_load %arg7[%swap3A_625, %swap3A_626] {strides = array<i32>} : memref<128x256xf32, #tpu.memory_space<vmem>>, vector<16xf32>,
          tpu.vector_store %arg7[%swap3A_625, %swap3A_626], %broadcast_in_dim3A_2 {strides = array<i32>} : memref<128x256xf32, #tpu.memory_space<vmem>>, vector<16xf32>,
          %swap3A_628 = arith.index_cast %add3A_586 : i32 to index
          %swap3A_629 = arith.constant 224 : index
          %swap3A_630 = tpu.vector_load %arg7[%swap3A_628, %swap3A_629] {strides = array<i32>} : memref<128x256xf32, #tpu.memory_space<vmem>>, vector<16xf32>,
          tpu.vector_store %arg7[%swap3A_628, %swap3A_629], %broadcast_in_dim3A_2 {strides = array<i32>} : memref<128x256xf32, #tpu.memory_space<vmem>>, vector<16xf32>,
          %swap3A_631 = arith.index_cast %add3A_586 : i32 to index
          %swap3A_632 = arith.constant 240 : index
          %swap3A_633 = tpu.vector_load %arg7[%swap3A_631, %swap3A_632] {strides = array<i32>} : memref<128x256xf32, #tpu.memory_space<vmem>>, vector<16xf32>,
          tpu.vector_store %arg7[%swap3A_631, %swap3A_632], %broadcast_in_dim3A_2 {strides = array<i32>} : memref<128x256xf32, #tpu.memory_space<vmem>>, vector<16xf32>,
        }
      } else {
      }
      %dma_start3A = arith.constant 0 : i32
      %dma_start3A_564 = tpu.memref_slice %arg4[%mul3A_221, %dma_start3A] : memref<32768x256xf32, #tpu.memory_space<hbm>> -> memref<128x256xf32, #tpu.memory_space<hbm>>
      %dma_start3A_565 = arith.constant 0 : i32
      %dma_start3A_566 = tpu.memref_slice %arg4[%mul3A_221, %dma_start3A_565] : memref<32768x256xf32, #tpu.memory_space<hbm>> -> memref<128x256xf32, #tpu.memory_space<hbm>>
      tpu.enqueue_dma source(%arg7 : memref<128x256xf32, #tpu.memory_space<vmem>>) target(%dma_start3A_566 : memref<128x256xf32, #tpu.memory_space<hbm>>) target_semaphore(%arg16 : memref<!tpu.dma_semaphore, #tpu.memory_space<semaphore_mem>>)
    } else {
    }
    %gt3A_485 = arith.constant 0 : i32
    %gt3A_486 = arith.cmpi sgt, %min3A_167, %gt3A_485 : i32
    %convert_element_type3A_487 = arith.extui %gt3A_486 : i1 to i32
    %cond3A_488 = arith.constant 0 : i32
    %cond3A_489 = arith.cmpi ne, %convert_element_type3A_487, %cond3A_488 : i32
    scf.if %cond3A_489 {
      %dma_wait3A = arith.constant 0 : i32
      %dma_wait3A_555 = tpu.memref_slice %arg4[%mul3A_172, %dma_wait3A] : memref<32768x256xf32, #tpu.memory_space<hbm>> -> memref<128x256xf32, #tpu.memory_space<hbm>>
      %dma_wait3A_556 = arith.constant 0 : i32
      %dma_wait3A_557 = tpu.memref_slice %arg4[%mul3A_172, %dma_wait3A_556] : memref<32768x256xf32, #tpu.memory_space<hbm>> -> memref<128x256xf32, #tpu.memory_space<hbm>>
      tpu.wait_dma2 semaphore(%arg18 : memref<!tpu.dma_semaphore, #tpu.memory_space<semaphore_mem>>) src(%arg9 : memref<128x256xf32, #tpu.memory_space<vmem>>) dst(%dma_wait3A_557 : memref<128x256xf32, #tpu.memory_space<hbm>>)
    } else {
    }
    %gt3A_490 = arith.constant 0 : i32
    %gt3A_491 = arith.cmpi sgt, %min3A_312, %gt3A_490 : i32
    %convert_element_type3A_492 = arith.extui %gt3A_491 : i1 to i32
    %cond3A_493 = arith.constant 0 : i32
    %cond3A_494 = arith.cmpi ne, %convert_element_type3A_492, %cond3A_493 : i32
    scf.if %cond3A_494 {
      %dma_start3A = arith.constant 640 : i32
      %dma_start3A_555 = tpu.memref_slice %arg6[%dma_start3A] : memref<1024xi32, #tpu.memory_space<vmem>> -> memref<128xi32, #tpu.memory_space<vmem>>
      %dma_start3A_556 = arith.constant 0 : i32
      %dma_start3A_557 = arith.constant 0 : i32
      %dma_start3A_558 = tpu.memref_slice %arg2[%dma_start3A_556, %dma_start3A_557] : memref<65536x256xf32, #tpu.memory_space<hbm>> -> memref<65536x256xf32, #tpu.memory_space<hbm>>
      tpu.enqueue_indirect_dma source(%dma_start3A_558 : memref<65536x256xf32, #tpu.memory_space<hbm>>) target(%arg9 : memref<128x256xf32, #tpu.memory_space<vmem>>) offsets(%dma_start3A_555 : memref<128xi32, #tpu.memory_space<vmem>>) semaphore(%arg15 : memref<!tpu.dma_semaphore, #tpu.memory_space<semaphore_mem>>)
    } else {
    }
    %gt3A_495 = arith.constant 0 : i32
    %gt3A_496 = arith.cmpi sgt, %min3A_263, %gt3A_495 : i32
    %convert_element_type3A_497 = arith.extui %gt3A_496 : i1 to i32
    %cond3A_498 = arith.constant 0 : i32
    %cond3A_499 = arith.cmpi ne, %convert_element_type3A_497, %cond3A_498 : i32
    scf.if %cond3A_499 {
      %dma_wait3A = arith.constant 512 : i32
      %dma_wait3A_555 = tpu.memref_slice %arg6[%dma_wait3A] : memref<1024xi32, #tpu.memory_space<vmem>> -> memref<128xi32, #tpu.memory_space<vmem>>
      %dma_wait3A_556 = arith.constant 0 : i32
      %dma_wait3A_557 = arith.constant 0 : i32
      %dma_wait3A_558 = tpu.memref_slice %arg2[%dma_wait3A_556, %dma_wait3A_557] : memref<65536x256xf32, #tpu.memory_space<hbm>> -> memref<65536x256xf32, #tpu.memory_space<hbm>>
      tpu.wait_indirect_dma semaphore(%arg14 : memref<!tpu.dma_semaphore, #tpu.memory_space<semaphore_mem>>) src(%dma_wait3A_558 : memref<65536x256xf32, #tpu.memory_space<hbm>>) dst(%arg8 : memref<128x256xf32, #tpu.memory_space<vmem>>)
      %lt3A_559 = arith.constant 128 : i32
      %lt3A_560 = arith.cmpi slt, %min3A_263, %lt3A_559 : i32
      %convert_element_type3A_561 = arith.extui %lt3A_560 : i1 to i32
      %cond3A_562 = arith.constant 0 : i32
      %cond3A_563 = arith.cmpi ne, %convert_element_type3A_561, %cond3A_562 : i32
      scf.if %cond3A_563 {
        %sub3A_567 = arith.constant 128 : i32
        %sub3A_568 = arith.subi %sub3A_567, %min3A_263 : i32
        %sub3A_569 = arith.constant 1 : i32
        %sub3A_570 = arith.constant 1 : i32
        %sub3A_571 = arith.subi %sub3A_569, %sub3A_570 : i32
        %add3A_572 = arith.addi %sub3A_568, %sub3A_571 : i32
        %div3A_573 = arith.constant 1 : i32
        %div3A_574 = arith.divsi %add3A_572, %div3A_573 : i32
        %while3A = arith.constant 1 : i32
        %while3A_575 = arith.constant 0 : i32
        %while3A_576 = arith.subi %div3A_574, %while3A_575 : i32
        %while3A_577 = arith.addi %while3A_575, %while3A_576 : i32
        %while3A_578 = arith.constant 1 : i32
        %while3A_579 = arith.divsi %while3A_576, %while3A_578 : i32
        %while3A_580 = arith.muli %while3A_579, %while3A_578 : i32
        %while3A_581 = arith.addi %while3A_575, %while3A_580 : i32
        %while3A_582 = arith.constant 1 : i32
        scf.for %while3A_584 = %while3A_575 to %while3A_581 step %while3A_582  : i32 {
          %mul3A_585 = arith.muli %while3A_584, %while3A : i32
          %add3A_586 = arith.addi %min3A_263, %mul3A_585 : i32
          %swap3A = arith.index_cast %add3A_586 : i32 to index
          %swap3A_587 = arith.constant 0 : index
          %swap3A_588 = tpu.vector_load %arg8[%swap3A, %swap3A_587] {strides = array<i32>} : memref<128x256xf32, #tpu.memory_space<vmem>>, vector<16xf32>,
          tpu.vector_store %arg8[%swap3A, %swap3A_587], %broadcast_in_dim3A_2 {strides = array<i32>} : memref<128x256xf32, #tpu.memory_space<vmem>>, vector<16xf32>,
          %swap3A_589 = arith.index_cast %add3A_586 : i32 to index
          %swap3A_590 = arith.constant 16 : index
          %swap3A_591 = tpu.vector_load %arg8[%swap3A_589, %swap3A_590] {strides = array<i32>} : memref<128x256xf32, #tpu.memory_space<vmem>>, vector<16xf32>,
          tpu.vector_store %arg8[%swap3A_589, %swap3A_590], %broadcast_in_dim3A_2 {strides = array<i32>} : memref<128x256xf32, #tpu.memory_space<vmem>>, vector<16xf32>,
          %swap3A_592 = arith.index_cast %add3A_586 : i32 to index
          %swap3A_593 = arith.constant 32 : index
          %swap3A_594 = tpu.vector_load %arg8[%swap3A_592, %swap3A_593] {strides = array<i32>} : memref<128x256xf32, #tpu.memory_space<vmem>>, vector<16xf32>,
          tpu.vector_store %arg8[%swap3A_592, %swap3A_593], %broadcast_in_dim3A_2 {strides = array<i32>} : memref<128x256xf32, #tpu.memory_space<vmem>>, vector<16xf32>,
          %swap3A_595 = arith.index_cast %add3A_586 : i32 to index
          %swap3A_596 = arith.constant 48 : index
          %swap3A_597 = tpu.vector_load %arg8[%swap3A_595, %swap3A_596] {strides = array<i32>} : memref<128x256xf32, #tpu.memory_space<vmem>>, vector<16xf32>,
          tpu.vector_store %arg8[%swap3A_595, %swap3A_596], %broadcast_in_dim3A_2 {strides = array<i32>} : memref<128x256xf32, #tpu.memory_space<vmem>>, vector<16xf32>,
          %swap3A_598 = arith.index_cast %add3A_586 : i32 to index
          %swap3A_599 = arith.constant 64 : index
          %swap3A_600 = tpu.vector_load %arg8[%swap3A_598, %swap3A_599] {strides = array<i32>} : memref<128x256xf32, #tpu.memory_space<vmem>>, vector<16xf32>,
          tpu.vector_store %arg8[%swap3A_598, %swap3A_599], %broadcast_in_dim3A_2 {strides = array<i32>} : memref<128x256xf32, #tpu.memory_space<vmem>>, vector<16xf32>,
          %swap3A_601 = arith.index_cast %add3A_586 : i32 to index
          %swap3A_602 = arith.constant 80 : index
          %swap3A_603 = tpu.vector_load %arg8[%swap3A_601, %swap3A_602] {strides = array<i32>} : memref<128x256xf32, #tpu.memory_space<vmem>>, vector<16xf32>,
          tpu.vector_store %arg8[%swap3A_601, %swap3A_602], %broadcast_in_dim3A_2 {strides = array<i32>} : memref<128x256xf32, #tpu.memory_space<vmem>>, vector<16xf32>,
          %swap3A_604 = arith.index_cast %add3A_586 : i32 to index
          %swap3A_605 = arith.constant 96 : index
          %swap3A_606 = tpu.vector_load %arg8[%swap3A_604, %swap3A_605] {strides = array<i32>} : memref<128x256xf32, #tpu.memory_space<vmem>>, vector<16xf32>,
          tpu.vector_store %arg8[%swap3A_604, %swap3A_605], %broadcast_in_dim3A_2 {strides = array<i32>} : memref<128x256xf32, #tpu.memory_space<vmem>>, vector<16xf32>,
          %swap3A_607 = arith.index_cast %add3A_586 : i32 to index
          %swap3A_608 = arith.constant 112 : index
          %swap3A_609 = tpu.vector_load %arg8[%swap3A_607, %swap3A_608] {strides = array<i32>} : memref<128x256xf32, #tpu.memory_space<vmem>>, vector<16xf32>,
          tpu.vector_store %arg8[%swap3A_607, %swap3A_608], %broadcast_in_dim3A_2 {strides = array<i32>} : memref<128x256xf32, #tpu.memory_space<vmem>>, vector<16xf32>,
          %swap3A_610 = arith.index_cast %add3A_586 : i32 to index
          %swap3A_611 = arith.constant 128 : index
          %swap3A_612 = tpu.vector_load %arg8[%swap3A_610, %swap3A_611] {strides = array<i32>} : memref<128x256xf32, #tpu.memory_space<vmem>>, vector<16xf32>,
          tpu.vector_store %arg8[%swap3A_610, %swap3A_611], %broadcast_in_dim3A_2 {strides = array<i32>} : memref<128x256xf32, #tpu.memory_space<vmem>>, vector<16xf32>,
          %swap3A_613 = arith.index_cast %add3A_586 : i32 to index
          %swap3A_614 = arith.constant 144 : index
          %swap3A_615 = tpu.vector_load %arg8[%swap3A_613, %swap3A_614] {strides = array<i32>} : memref<128x256xf32, #tpu.memory_space<vmem>>, vector<16xf32>,
          tpu.vector_store %arg8[%swap3A_613, %swap3A_614], %broadcast_in_dim3A_2 {strides = array<i32>} : memref<128x256xf32, #tpu.memory_space<vmem>>, vector<16xf32>,
          %swap3A_616 = arith.index_cast %add3A_586 : i32 to index
          %swap3A_617 = arith.constant 160 : index
          %swap3A_618 = tpu.vector_load %arg8[%swap3A_616, %swap3A_617] {strides = array<i32>} : memref<128x256xf32, #tpu.memory_space<vmem>>, vector<16xf32>,
          tpu.vector_store %arg8[%swap3A_616, %swap3A_617], %broadcast_in_dim3A_2 {strides = array<i32>} : memref<128x256xf32, #tpu.memory_space<vmem>>, vector<16xf32>,
          %swap3A_619 = arith.index_cast %add3A_586 : i32 to index
          %swap3A_620 = arith.constant 176 : index
          %swap3A_621 = tpu.vector_load %arg8[%swap3A_619, %swap3A_620] {strides = array<i32>} : memref<128x256xf32, #tpu.memory_space<vmem>>, vector<16xf32>,
          tpu.vector_store %arg8[%swap3A_619, %swap3A_620], %broadcast_in_dim3A_2 {strides = array<i32>} : memref<128x256xf32, #tpu.memory_space<vmem>>, vector<16xf32>,
          %swap3A_622 = arith.index_cast %add3A_586 : i32 to index
          %swap3A_623 = arith.constant 192 : index
          %swap3A_624 = tpu.vector_load %arg8[%swap3A_622, %swap3A_623] {strides = array<i32>} : memref<128x256xf32, #tpu.memory_space<vmem>>, vector<16xf32>,
          tpu.vector_store %arg8[%swap3A_622, %swap3A_623], %broadcast_in_dim3A_2 {strides = array<i32>} : memref<128x256xf32, #tpu.memory_space<vmem>>, vector<16xf32>,
          %swap3A_625 = arith.index_cast %add3A_586 : i32 to index
          %swap3A_626 = arith.constant 208 : index
          %swap3A_627 = tpu.vector_load %arg8[%swap3A_625, %swap3A_626] {strides = array<i32>} : memref<128x256xf32, #tpu.memory_space<vmem>>, vector<16xf32>,
          tpu.vector_store %arg8[%swap3A_625, %swap3A_626], %broadcast_in_dim3A_2 {strides = array<i32>} : memref<128x256xf32, #tpu.memory_space<vmem>>, vector<16xf32>,
          %swap3A_628 = arith.index_cast %add3A_586 : i32 to index
          %swap3A_629 = arith.constant 224 : index
          %swap3A_630 = tpu.vector_load %arg8[%swap3A_628, %swap3A_629] {strides = array<i32>} : memref<128x256xf32, #tpu.memory_space<vmem>>, vector<16xf32>,
          tpu.vector_store %arg8[%swap3A_628, %swap3A_629], %broadcast_in_dim3A_2 {strides = array<i32>} : memref<128x256xf32, #tpu.memory_space<vmem>>, vector<16xf32>,
          %swap3A_631 = arith.index_cast %add3A_586 : i32 to index
          %swap3A_632 = arith.constant 240 : index
          %swap3A_633 = tpu.vector_load %arg8[%swap3A_631, %swap3A_632] {strides = array<i32>} : memref<128x256xf32, #tpu.memory_space<vmem>>, vector<16xf32>,
          tpu.vector_store %arg8[%swap3A_631, %swap3A_632], %broadcast_in_dim3A_2 {strides = array<i32>} : memref<128x256xf32, #tpu.memory_space<vmem>>, vector<16xf32>,
        }
        %while3A_583 = arith.constant 1 : i32
        scf.for %while3A_584 = %while3A_581 to %while3A_577 step %while3A_583  : i32 {
          %mul3A_585 = arith.muli %while3A_584, %while3A : i32
          %add3A_586 = arith.addi %min3A_263, %mul3A_585 : i32
          %swap3A = arith.index_cast %add3A_586 : i32 to index
          %swap3A_587 = arith.constant 0 : index
          %swap3A_588 = tpu.vector_load %arg8[%swap3A, %swap3A_587] {strides = array<i32>} : memref<128x256xf32, #tpu.memory_space<vmem>>, vector<16xf32>,
          tpu.vector_store %arg8[%swap3A, %swap3A_587], %broadcast_in_dim3A_2 {strides = array<i32>} : memref<128x256xf32, #tpu.memory_space<vmem>>, vector<16xf32>,
          %swap3A_589 = arith.index_cast %add3A_586 : i32 to index
          %swap3A_590 = arith.constant 16 : index
          %swap3A_591 = tpu.vector_load %arg8[%swap3A_589, %swap3A_590] {strides = array<i32>} : memref<128x256xf32, #tpu.memory_space<vmem>>, vector<16xf32>,
          tpu.vector_store %arg8[%swap3A_589, %swap3A_590], %broadcast_in_dim3A_2 {strides = array<i32>} : memref<128x256xf32, #tpu.memory_space<vmem>>, vector<16xf32>,
          %swap3A_592 = arith.index_cast %add3A_586 : i32 to index
          %swap3A_593 = arith.constant 32 : index
          %swap3A_594 = tpu.vector_load %arg8[%swap3A_592, %swap3A_593] {strides = array<i32>} : memref<128x256xf32, #tpu.memory_space<vmem>>, vector<16xf32>,
          tpu.vector_store %arg8[%swap3A_592, %swap3A_593], %broadcast_in_dim3A_2 {strides = array<i32>} : memref<128x256xf32, #tpu.memory_space<vmem>>, vector<16xf32>,
          %swap3A_595 = arith.index_cast %add3A_586 : i32 to index
          %swap3A_596 = arith.constant 48 : index
          %swap3A_597 = tpu.vector_load %arg8[%swap3A_595, %swap3A_596] {strides = array<i32>} : memref<128x256xf32, #tpu.memory_space<vmem>>, vector<16xf32>,
          tpu.vector_store %arg8[%swap3A_595, %swap3A_596], %broadcast_in_dim3A_2 {strides = array<i32>} : memref<128x256xf32, #tpu.memory_space<vmem>>, vector<16xf32>,
          %swap3A_598 = arith.index_cast %add3A_586 : i32 to index
          %swap3A_599 = arith.constant 64 : index
          %swap3A_600 = tpu.vector_load %arg8[%swap3A_598, %swap3A_599] {strides = array<i32>} : memref<128x256xf32, #tpu.memory_space<vmem>>, vector<16xf32>,
          tpu.vector_store %arg8[%swap3A_598, %swap3A_599], %broadcast_in_dim3A_2 {strides = array<i32>} : memref<128x256xf32, #tpu.memory_space<vmem>>, vector<16xf32>,
          %swap3A_601 = arith.index_cast %add3A_586 : i32 to index
          %swap3A_602 = arith.constant 80 : index
          %swap3A_603 = tpu.vector_load %arg8[%swap3A_601, %swap3A_602] {strides = array<i32>} : memref<128x256xf32, #tpu.memory_space<vmem>>, vector<16xf32>,
          tpu.vector_store %arg8[%swap3A_601, %swap3A_602], %broadcast_in_dim3A_2 {strides = array<i32>} : memref<128x256xf32, #tpu.memory_space<vmem>>, vector<16xf32>,
          %swap3A_604 = arith.index_cast %add3A_586 : i32 to index
          %swap3A_605 = arith.constant 96 : index
          %swap3A_606 = tpu.vector_load %arg8[%swap3A_604, %swap3A_605] {strides = array<i32>} : memref<128x256xf32, #tpu.memory_space<vmem>>, vector<16xf32>,
          tpu.vector_store %arg8[%swap3A_604, %swap3A_605], %broadcast_in_dim3A_2 {strides = array<i32>} : memref<128x256xf32, #tpu.memory_space<vmem>>, vector<16xf32>,
          %swap3A_607 = arith.index_cast %add3A_586 : i32 to index
          %swap3A_608 = arith.constant 112 : index
          %swap3A_609 = tpu.vector_load %arg8[%swap3A_607, %swap3A_608] {strides = array<i32>} : memref<128x256xf32, #tpu.memory_space<vmem>>, vector<16xf32>,
          tpu.vector_store %arg8[%swap3A_607, %swap3A_608], %broadcast_in_dim3A_2 {strides = array<i32>} : memref<128x256xf32, #tpu.memory_space<vmem>>, vector<16xf32>,
          %swap3A_610 = arith.index_cast %add3A_586 : i32 to index
          %swap3A_611 = arith.constant 128 : index
          %swap3A_612 = tpu.vector_load %arg8[%swap3A_610, %swap3A_611] {strides = array<i32>} : memref<128x256xf32, #tpu.memory_space<vmem>>, vector<16xf32>,
          tpu.vector_store %arg8[%swap3A_610, %swap3A_611], %broadcast_in_dim3A_2 {strides = array<i32>} : memref<128x256xf32, #tpu.memory_space<vmem>>, vector<16xf32>,
          %swap3A_613 = arith.index_cast %add3A_586 : i32 to index
          %swap3A_614 = arith.constant 144 : index
          %swap3A_615 = tpu.vector_load %arg8[%swap3A_613, %swap3A_614] {strides = array<i32>} : memref<128x256xf32, #tpu.memory_space<vmem>>, vector<16xf32>,
          tpu.vector_store %arg8[%swap3A_613, %swap3A_614], %broadcast_in_dim3A_2 {strides = array<i32>} : memref<128x256xf32, #tpu.memory_space<vmem>>, vector<16xf32>,
          %swap3A_616 = arith.index_cast %add3A_586 : i32 to index
          %swap3A_617 = arith.constant 160 : index
          %swap3A_618 = tpu.vector_load %arg8[%swap3A_616, %swap3A_617] {strides = array<i32>} : memref<128x256xf32, #tpu.memory_space<vmem>>, vector<16xf32>,
          tpu.vector_store %arg8[%swap3A_616, %swap3A_617], %broadcast_in_dim3A_2 {strides = array<i32>} : memref<128x256xf32, #tpu.memory_space<vmem>>, vector<16xf32>,
          %swap3A_619 = arith.index_cast %add3A_586 : i32 to index
          %swap3A_620 = arith.constant 176 : index
          %swap3A_621 = tpu.vector_load %arg8[%swap3A_619, %swap3A_620] {strides = array<i32>} : memref<128x256xf32, #tpu.memory_space<vmem>>, vector<16xf32>,
          tpu.vector_store %arg8[%swap3A_619, %swap3A_620], %broadcast_in_dim3A_2 {strides = array<i32>} : memref<128x256xf32, #tpu.memory_space<vmem>>, vector<16xf32>,
          %swap3A_622 = arith.index_cast %add3A_586 : i32 to index
          %swap3A_623 = arith.constant 192 : index
          %swap3A_624 = tpu.vector_load %arg8[%swap3A_622, %swap3A_623] {strides = array<i32>} : memref<128x256xf32, #tpu.memory_space<vmem>>, vector<16xf32>,
          tpu.vector_store %arg8[%swap3A_622, %swap3A_623], %broadcast_in_dim3A_2 {strides = array<i32>} : memref<128x256xf32, #tpu.memory_space<vmem>>, vector<16xf32>,
          %swap3A_625 = arith.index_cast %add3A_586 : i32 to index
          %swap3A_626 = arith.constant 208 : index
          %swap3A_627 = tpu.vector_load %arg8[%swap3A_625, %swap3A_626] {strides = array<i32>} : memref<128x256xf32, #tpu.memory_space<vmem>>, vector<16xf32>,
          tpu.vector_store %arg8[%swap3A_625, %swap3A_626], %broadcast_in_dim3A_2 {strides = array<i32>} : memref<128x256xf32, #tpu.memory_space<vmem>>, vector<16xf32>,
          %swap3A_628 = arith.index_cast %add3A_586 : i32 to index
          %swap3A_629 = arith.constant 224 : index
          %swap3A_630 = tpu.vector_load %arg8[%swap3A_628, %swap3A_629] {strides = array<i32>} : memref<128x256xf32, #tpu.memory_space<vmem>>, vector<16xf32>,
          tpu.vector_store %arg8[%swap3A_628, %swap3A_629], %broadcast_in_dim3A_2 {strides = array<i32>} : memref<128x256xf32, #tpu.memory_space<vmem>>, vector<16xf32>,
          %swap3A_631 = arith.index_cast %add3A_586 : i32 to index
          %swap3A_632 = arith.constant 240 : index
          %swap3A_633 = tpu.vector_load %arg8[%swap3A_631, %swap3A_632] {strides = array<i32>} : memref<128x256xf32, #tpu.memory_space<vmem>>, vector<16xf32>,
          tpu.vector_store %arg8[%swap3A_631, %swap3A_632], %broadcast_in_dim3A_2 {strides = array<i32>} : memref<128x256xf32, #tpu.memory_space<vmem>>, vector<16xf32>,
        }
      } else {
      }
      %dma_start3A = arith.constant 0 : i32
      %dma_start3A_564 = tpu.memref_slice %arg4[%mul3A_268, %dma_start3A] : memref<32768x256xf32, #tpu.memory_space<hbm>> -> memref<128x256xf32, #tpu.memory_space<hbm>>
      %dma_start3A_565 = arith.constant 0 : i32
      %dma_start3A_566 = tpu.memref_slice %arg4[%mul3A_268, %dma_start3A_565] : memref<32768x256xf32, #tpu.memory_space<hbm>> -> memref<128x256xf32, #tpu.memory_space<hbm>>
      tpu.enqueue_dma source(%arg8 : memref<128x256xf32, #tpu.memory_space<vmem>>) target(%dma_start3A_566 : memref<128x256xf32, #tpu.memory_space<hbm>>) target_semaphore(%arg17 : memref<!tpu.dma_semaphore, #tpu.memory_space<semaphore_mem>>)
    } else {
    }
    %gt3A_500 = arith.constant 0 : i32
    %gt3A_501 = arith.cmpi sgt, %min3A_216, %gt3A_500 : i32
    %convert_element_type3A_502 = arith.extui %gt3A_501 : i1 to i32
    %cond3A_503 = arith.constant 0 : i32
    %cond3A_504 = arith.cmpi ne, %convert_element_type3A_502, %cond3A_503 : i32
    scf.if %cond3A_504 {
      %dma_wait3A = arith.constant 0 : i32
      %dma_wait3A_555 = tpu.memref_slice %arg4[%mul3A_221, %dma_wait3A] : memref<32768x256xf32, #tpu.memory_space<hbm>> -> memref<128x256xf32, #tpu.memory_space<hbm>>
      %dma_wait3A_556 = arith.constant 0 : i32
      %dma_wait3A_557 = tpu.memref_slice %arg4[%mul3A_221, %dma_wait3A_556] : memref<32768x256xf32, #tpu.memory_space<hbm>> -> memref<128x256xf32, #tpu.memory_space<hbm>>
      tpu.wait_dma2 semaphore(%arg16 : memref<!tpu.dma_semaphore, #tpu.memory_space<semaphore_mem>>) src(%arg7 : memref<128x256xf32, #tpu.memory_space<vmem>>) dst(%dma_wait3A_557 : memref<128x256xf32, #tpu.memory_space<hbm>>)
    } else {
    }
    %gt3A_505 = arith.constant 0 : i32
    %gt3A_506 = arith.cmpi sgt, %min3A_359, %gt3A_505 : i32
    %convert_element_type3A_507 = arith.extui %gt3A_506 : i1 to i32
    %cond3A_508 = arith.constant 0 : i32
    %cond3A_509 = arith.cmpi ne, %convert_element_type3A_507, %cond3A_508 : i32
    scf.if %cond3A_509 {
      %dma_start3A = arith.constant 768 : i32
      %dma_start3A_555 = tpu.memref_slice %arg6[%dma_start3A] : memref<1024xi32, #tpu.memory_space<vmem>> -> memref<128xi32, #tpu.memory_space<vmem>>
      %dma_start3A_556 = arith.constant 0 : i32
      %dma_start3A_557 = arith.constant 0 : i32
      %dma_start3A_558 = tpu.memref_slice %arg2[%dma_start3A_556, %dma_start3A_557] : memref<65536x256xf32, #tpu.memory_space<hbm>> -> memref<65536x256xf32, #tpu.memory_space<hbm>>
      tpu.enqueue_indirect_dma source(%dma_start3A_558 : memref<65536x256xf32, #tpu.memory_space<hbm>>) target(%arg7 : memref<128x256xf32, #tpu.memory_space<vmem>>) offsets(%dma_start3A_555 : memref<128xi32, #tpu.memory_space<vmem>>) semaphore(%arg13 : memref<!tpu.dma_semaphore, #tpu.memory_space<semaphore_mem>>)
    } else {
    }
    %gt3A_510 = arith.constant 0 : i32
    %gt3A_511 = arith.cmpi sgt, %min3A_312, %gt3A_510 : i32
    %convert_element_type3A_512 = arith.extui %gt3A_511 : i1 to i32
    %cond3A_513 = arith.constant 0 : i32
    %cond3A_514 = arith.cmpi ne, %convert_element_type3A_512, %cond3A_513 : i32
    scf.if %cond3A_514 {
      %dma_wait3A = arith.constant 640 : i32
      %dma_wait3A_555 = tpu.memref_slice %arg6[%dma_wait3A] : memref<1024xi32, #tpu.memory_space<vmem>> -> memref<128xi32, #tpu.memory_space<vmem>>
      %dma_wait3A_556 = arith.constant 0 : i32
      %dma_wait3A_557 = arith.constant 0 : i32
      %dma_wait3A_558 = tpu.memref_slice %arg2[%dma_wait3A_556, %dma_wait3A_557] : memref<65536x256xf32, #tpu.memory_space<hbm>> -> memref<65536x256xf32, #tpu.memory_space<hbm>>
      tpu.wait_indirect_dma semaphore(%arg15 : memref<!tpu.dma_semaphore, #tpu.memory_space<semaphore_mem>>) src(%dma_wait3A_558 : memref<65536x256xf32, #tpu.memory_space<hbm>>) dst(%arg9 : memref<128x256xf32, #tpu.memory_space<vmem>>)
      %lt3A_559 = arith.constant 128 : i32
      %lt3A_560 = arith.cmpi slt, %min3A_312, %lt3A_559 : i32
      %convert_element_type3A_561 = arith.extui %lt3A_560 : i1 to i32
      %cond3A_562 = arith.constant 0 : i32
      %cond3A_563 = arith.cmpi ne, %convert_element_type3A_561, %cond3A_562 : i32
      scf.if %cond3A_563 {
        %sub3A_567 = arith.constant 128 : i32
        %sub3A_568 = arith.subi %sub3A_567, %min3A_312 : i32
        %sub3A_569 = arith.constant 1 : i32
        %sub3A_570 = arith.constant 1 : i32
        %sub3A_571 = arith.subi %sub3A_569, %sub3A_570 : i32
        %add3A_572 = arith.addi %sub3A_568, %sub3A_571 : i32
        %div3A_573 = arith.constant 1 : i32
        %div3A_574 = arith.divsi %add3A_572, %div3A_573 : i32
        %while3A = arith.constant 1 : i32
        %while3A_575 = arith.constant 0 : i32
        %while3A_576 = arith.subi %div3A_574, %while3A_575 : i32
        %while3A_577 = arith.addi %while3A_575, %while3A_576 : i32
        %while3A_578 = arith.constant 1 : i32
        %while3A_579 = arith.divsi %while3A_576, %while3A_578 : i32
        %while3A_580 = arith.muli %while3A_579, %while3A_578 : i32
        %while3A_581 = arith.addi %while3A_575, %while3A_580 : i32
        %while3A_582 = arith.constant 1 : i32
        scf.for %while3A_584 = %while3A_575 to %while3A_581 step %while3A_582  : i32 {
          %mul3A_585 = arith.muli %while3A_584, %while3A : i32
          %add3A_586 = arith.addi %min3A_312, %mul3A_585 : i32
          %swap3A = arith.index_cast %add3A_586 : i32 to index
          %swap3A_587 = arith.constant 0 : index
          %swap3A_588 = tpu.vector_load %arg9[%swap3A, %swap3A_587] {strides = array<i32>} : memref<128x256xf32, #tpu.memory_space<vmem>>, vector<16xf32>,
          tpu.vector_store %arg9[%swap3A, %swap3A_587], %broadcast_in_dim3A_2 {strides = array<i32>} : memref<128x256xf32, #tpu.memory_space<vmem>>, vector<16xf32>,
          %swap3A_589 = arith.index_cast %add3A_586 : i32 to index
          %swap3A_590 = arith.constant 16 : index
          %swap3A_591 = tpu.vector_load %arg9[%swap3A_589, %swap3A_590] {strides = array<i32>} : memref<128x256xf32, #tpu.memory_space<vmem>>, vector<16xf32>,
          tpu.vector_store %arg9[%swap3A_589, %swap3A_590], %broadcast_in_dim3A_2 {strides = array<i32>} : memref<128x256xf32, #tpu.memory_space<vmem>>, vector<16xf32>,
          %swap3A_592 = arith.index_cast %add3A_586 : i32 to index
          %swap3A_593 = arith.constant 32 : index
          %swap3A_594 = tpu.vector_load %arg9[%swap3A_592, %swap3A_593] {strides = array<i32>} : memref<128x256xf32, #tpu.memory_space<vmem>>, vector<16xf32>,
          tpu.vector_store %arg9[%swap3A_592, %swap3A_593], %broadcast_in_dim3A_2 {strides = array<i32>} : memref<128x256xf32, #tpu.memory_space<vmem>>, vector<16xf32>,
          %swap3A_595 = arith.index_cast %add3A_586 : i32 to index
          %swap3A_596 = arith.constant 48 : index
          %swap3A_597 = tpu.vector_load %arg9[%swap3A_595, %swap3A_596] {strides = array<i32>} : memref<128x256xf32, #tpu.memory_space<vmem>>, vector<16xf32>,
          tpu.vector_store %arg9[%swap3A_595, %swap3A_596], %broadcast_in_dim3A_2 {strides = array<i32>} : memref<128x256xf32, #tpu.memory_space<vmem>>, vector<16xf32>,
          %swap3A_598 = arith.index_cast %add3A_586 : i32 to index
          %swap3A_599 = arith.constant 64 : index
          %swap3A_600 = tpu.vector_load %arg9[%swap3A_598, %swap3A_599] {strides = array<i32>} : memref<128x256xf32, #tpu.memory_space<vmem>>, vector<16xf32>,
          tpu.vector_store %arg9[%swap3A_598, %swap3A_599], %broadcast_in_dim3A_2 {strides = array<i32>} : memref<128x256xf32, #tpu.memory_space<vmem>>, vector<16xf32>,
          %swap3A_601 = arith.index_cast %add3A_586 : i32 to index
          %swap3A_602 = arith.constant 80 : index
          %swap3A_603 = tpu.vector_load %arg9[%swap3A_601, %swap3A_602] {strides = array<i32>} : memref<128x256xf32, #tpu.memory_space<vmem>>, vector<16xf32>,
          tpu.vector_store %arg9[%swap3A_601, %swap3A_602], %broadcast_in_dim3A_2 {strides = array<i32>} : memref<128x256xf32, #tpu.memory_space<vmem>>, vector<16xf32>,
          %swap3A_604 = arith.index_cast %add3A_586 : i32 to index
          %swap3A_605 = arith.constant 96 : index
          %swap3A_606 = tpu.vector_load %arg9[%swap3A_604, %swap3A_605] {strides = array<i32>} : memref<128x256xf32, #tpu.memory_space<vmem>>, vector<16xf32>,
          tpu.vector_store %arg9[%swap3A_604, %swap3A_605], %broadcast_in_dim3A_2 {strides = array<i32>} : memref<128x256xf32, #tpu.memory_space<vmem>>, vector<16xf32>,
          %swap3A_607 = arith.index_cast %add3A_586 : i32 to index
          %swap3A_608 = arith.constant 112 : index
          %swap3A_609 = tpu.vector_load %arg9[%swap3A_607, %swap3A_608] {strides = array<i32>} : memref<128x256xf32, #tpu.memory_space<vmem>>, vector<16xf32>,
          tpu.vector_store %arg9[%swap3A_607, %swap3A_608], %broadcast_in_dim3A_2 {strides = array<i32>} : memref<128x256xf32, #tpu.memory_space<vmem>>, vector<16xf32>,
          %swap3A_610 = arith.index_cast %add3A_586 : i32 to index
          %swap3A_611 = arith.constant 128 : index
          %swap3A_612 = tpu.vector_load %arg9[%swap3A_610, %swap3A_611] {strides = array<i32>} : memref<128x256xf32, #tpu.memory_space<vmem>>, vector<16xf32>,
          tpu.vector_store %arg9[%swap3A_610, %swap3A_611], %broadcast_in_dim3A_2 {strides = array<i32>} : memref<128x256xf32, #tpu.memory_space<vmem>>, vector<16xf32>,
          %swap3A_613 = arith.index_cast %add3A_586 : i32 to index
          %swap3A_614 = arith.constant 144 : index
          %swap3A_615 = tpu.vector_load %arg9[%swap3A_613, %swap3A_614] {strides = array<i32>} : memref<128x256xf32, #tpu.memory_space<vmem>>, vector<16xf32>,
          tpu.vector_store %arg9[%swap3A_613, %swap3A_614], %broadcast_in_dim3A_2 {strides = array<i32>} : memref<128x256xf32, #tpu.memory_space<vmem>>, vector<16xf32>,
          %swap3A_616 = arith.index_cast %add3A_586 : i32 to index
          %swap3A_617 = arith.constant 160 : index
          %swap3A_618 = tpu.vector_load %arg9[%swap3A_616, %swap3A_617] {strides = array<i32>} : memref<128x256xf32, #tpu.memory_space<vmem>>, vector<16xf32>,
          tpu.vector_store %arg9[%swap3A_616, %swap3A_617], %broadcast_in_dim3A_2 {strides = array<i32>} : memref<128x256xf32, #tpu.memory_space<vmem>>, vector<16xf32>,
          %swap3A_619 = arith.index_cast %add3A_586 : i32 to index
          %swap3A_620 = arith.constant 176 : index
          %swap3A_621 = tpu.vector_load %arg9[%swap3A_619, %swap3A_620] {strides = array<i32>} : memref<128x256xf32, #tpu.memory_space<vmem>>, vector<16xf32>,
          tpu.vector_store %arg9[%swap3A_619, %swap3A_620], %broadcast_in_dim3A_2 {strides = array<i32>} : memref<128x256xf32, #tpu.memory_space<vmem>>, vector<16xf32>,
          %swap3A_622 = arith.index_cast %add3A_586 : i32 to index
          %swap3A_623 = arith.constant 192 : index
          %swap3A_624 = tpu.vector_load %arg9[%swap3A_622, %swap3A_623] {strides = array<i32>} : memref<128x256xf32, #tpu.memory_space<vmem>>, vector<16xf32>,
          tpu.vector_store %arg9[%swap3A_622, %swap3A_623], %broadcast_in_dim3A_2 {strides = array<i32>} : memref<128x256xf32, #tpu.memory_space<vmem>>, vector<16xf32>,
          %swap3A_625 = arith.index_cast %add3A_586 : i32 to index
          %swap3A_626 = arith.constant 208 : index
          %swap3A_627 = tpu.vector_load %arg9[%swap3A_625, %swap3A_626] {strides = array<i32>} : memref<128x256xf32, #tpu.memory_space<vmem>>, vector<16xf32>,
          tpu.vector_store %arg9[%swap3A_625, %swap3A_626], %broadcast_in_dim3A_2 {strides = array<i32>} : memref<128x256xf32, #tpu.memory_space<vmem>>, vector<16xf32>,
          %swap3A_628 = arith.index_cast %add3A_586 : i32 to index
          %swap3A_629 = arith.constant 224 : index
          %swap3A_630 = tpu.vector_load %arg9[%swap3A_628, %swap3A_629] {strides = array<i32>} : memref<128x256xf32, #tpu.memory_space<vmem>>, vector<16xf32>,
          tpu.vector_store %arg9[%swap3A_628, %swap3A_629], %broadcast_in_dim3A_2 {strides = array<i32>} : memref<128x256xf32, #tpu.memory_space<vmem>>, vector<16xf32>,
          %swap3A_631 = arith.index_cast %add3A_586 : i32 to index
          %swap3A_632 = arith.constant 240 : index
          %swap3A_633 = tpu.vector_load %arg9[%swap3A_631, %swap3A_632] {strides = array<i32>} : memref<128x256xf32, #tpu.memory_space<vmem>>, vector<16xf32>,
          tpu.vector_store %arg9[%swap3A_631, %swap3A_632], %broadcast_in_dim3A_2 {strides = array<i32>} : memref<128x256xf32, #tpu.memory_space<vmem>>, vector<16xf32>,
        }
        %while3A_583 = arith.constant 1 : i32
        scf.for %while3A_584 = %while3A_581 to %while3A_577 step %while3A_583  : i32 {
          %mul3A_585 = arith.muli %while3A_584, %while3A : i32
          %add3A_586 = arith.addi %min3A_312, %mul3A_585 : i32
          %swap3A = arith.index_cast %add3A_586 : i32 to index
          %swap3A_587 = arith.constant 0 : index
          %swap3A_588 = tpu.vector_load %arg9[%swap3A, %swap3A_587] {strides = array<i32>} : memref<128x256xf32, #tpu.memory_space<vmem>>, vector<16xf32>,
          tpu.vector_store %arg9[%swap3A, %swap3A_587], %broadcast_in_dim3A_2 {strides = array<i32>} : memref<128x256xf32, #tpu.memory_space<vmem>>, vector<16xf32>,
          %swap3A_589 = arith.index_cast %add3A_586 : i32 to index
          %swap3A_590 = arith.constant 16 : index
          %swap3A_591 = tpu.vector_load %arg9[%swap3A_589, %swap3A_590] {strides = array<i32>} : memref<128x256xf32, #tpu.memory_space<vmem>>, vector<16xf32>,
          tpu.vector_store %arg9[%swap3A_589, %swap3A_590], %broadcast_in_dim3A_2 {strides = array<i32>} : memref<128x256xf32, #tpu.memory_space<vmem>>, vector<16xf32>,
          %swap3A_592 = arith.index_cast %add3A_586 : i32 to index
          %swap3A_593 = arith.constant 32 : index
          %swap3A_594 = tpu.vector_load %arg9[%swap3A_592, %swap3A_593] {strides = array<i32>} : memref<128x256xf32, #tpu.memory_space<vmem>>, vector<16xf32>,
          tpu.vector_store %arg9[%swap3A_592, %swap3A_593], %broadcast_in_dim3A_2 {strides = array<i32>} : memref<128x256xf32, #tpu.memory_space<vmem>>, vector<16xf32>,
          %swap3A_595 = arith.index_cast %add3A_586 : i32 to index
          %swap3A_596 = arith.constant 48 : index
          %swap3A_597 = tpu.vector_load %arg9[%swap3A_595, %swap3A_596] {strides = array<i32>} : memref<128x256xf32, #tpu.memory_space<vmem>>, vector<16xf32>,
          tpu.vector_store %arg9[%swap3A_595, %swap3A_596], %broadcast_in_dim3A_2 {strides = array<i32>} : memref<128x256xf32, #tpu.memory_space<vmem>>, vector<16xf32>,
          %swap3A_598 = arith.index_cast %add3A_586 : i32 to index
          %swap3A_599 = arith.constant 64 : index
          %swap3A_600 = tpu.vector_load %arg9[%swap3A_598, %swap3A_599] {strides = array<i32>} : memref<128x256xf32, #tpu.memory_space<vmem>>, vector<16xf32>,
          tpu.vector_store %arg9[%swap3A_598, %swap3A_599], %broadcast_in_dim3A_2 {strides = array<i32>} : memref<128x256xf32, #tpu.memory_space<vmem>>, vector<16xf32>,
          %swap3A_601 = arith.index_cast %add3A_586 : i32 to index
          %swap3A_602 = arith.constant 80 : index
          %swap3A_603 = tpu.vector_load %arg9[%swap3A_601, %swap3A_602] {strides = array<i32>} : memref<128x256xf32, #tpu.memory_space<vmem>>, vector<16xf32>,
          tpu.vector_store %arg9[%swap3A_601, %swap3A_602], %broadcast_in_dim3A_2 {strides = array<i32>} : memref<128x256xf32, #tpu.memory_space<vmem>>, vector<16xf32>,
          %swap3A_604 = arith.index_cast %add3A_586 : i32 to index
          %swap3A_605 = arith.constant 96 : index
          %swap3A_606 = tpu.vector_load %arg9[%swap3A_604, %swap3A_605] {strides = array<i32>} : memref<128x256xf32, #tpu.memory_space<vmem>>, vector<16xf32>,
          tpu.vector_store %arg9[%swap3A_604, %swap3A_605], %broadcast_in_dim3A_2 {strides = array<i32>} : memref<128x256xf32, #tpu.memory_space<vmem>>, vector<16xf32>,
          %swap3A_607 = arith.index_cast %add3A_586 : i32 to index
          %swap3A_608 = arith.constant 112 : index
          %swap3A_609 = tpu.vector_load %arg9[%swap3A_607, %swap3A_608] {strides = array<i32>} : memref<128x256xf32, #tpu.memory_space<vmem>>, vector<16xf32>,
          tpu.vector_store %arg9[%swap3A_607, %swap3A_608], %broadcast_in_dim3A_2 {strides = array<i32>} : memref<128x256xf32, #tpu.memory_space<vmem>>, vector<16xf32>,
          %swap3A_610 = arith.index_cast %add3A_586 : i32 to index
          %swap3A_611 = arith.constant 128 : index
          %swap3A_612 = tpu.vector_load %arg9[%swap3A_610, %swap3A_611] {strides = array<i32>} : memref<128x256xf32, #tpu.memory_space<vmem>>, vector<16xf32>,
          tpu.vector_store %arg9[%swap3A_610, %swap3A_611], %broadcast_in_dim3A_2 {strides = array<i32>} : memref<128x256xf32, #tpu.memory_space<vmem>>, vector<16xf32>,
          %swap3A_613 = arith.index_cast %add3A_586 : i32 to index
          %swap3A_614 = arith.constant 144 : index
          %swap3A_615 = tpu.vector_load %arg9[%swap3A_613, %swap3A_614] {strides = array<i32>} : memref<128x256xf32, #tpu.memory_space<vmem>>, vector<16xf32>,
          tpu.vector_store %arg9[%swap3A_613, %swap3A_614], %broadcast_in_dim3A_2 {strides = array<i32>} : memref<128x256xf32, #tpu.memory_space<vmem>>, vector<16xf32>,
          %swap3A_616 = arith.index_cast %add3A_586 : i32 to index
          %swap3A_617 = arith.constant 160 : index
          %swap3A_618 = tpu.vector_load %arg9[%swap3A_616, %swap3A_617] {strides = array<i32>} : memref<128x256xf32, #tpu.memory_space<vmem>>, vector<16xf32>,
          tpu.vector_store %arg9[%swap3A_616, %swap3A_617], %broadcast_in_dim3A_2 {strides = array<i32>} : memref<128x256xf32, #tpu.memory_space<vmem>>, vector<16xf32>,
          %swap3A_619 = arith.index_cast %add3A_586 : i32 to index
          %swap3A_620 = arith.constant 176 : index
          %swap3A_621 = tpu.vector_load %arg9[%swap3A_619, %swap3A_620] {strides = array<i32>} : memref<128x256xf32, #tpu.memory_space<vmem>>, vector<16xf32>,
          tpu.vector_store %arg9[%swap3A_619, %swap3A_620], %broadcast_in_dim3A_2 {strides = array<i32>} : memref<128x256xf32, #tpu.memory_space<vmem>>, vector<16xf32>,
          %swap3A_622 = arith.index_cast %add3A_586 : i32 to index
          %swap3A_623 = arith.constant 192 : index
          %swap3A_624 = tpu.vector_load %arg9[%swap3A_622, %swap3A_623] {strides = array<i32>} : memref<128x256xf32, #tpu.memory_space<vmem>>, vector<16xf32>,
          tpu.vector_store %arg9[%swap3A_622, %swap3A_623], %broadcast_in_dim3A_2 {strides = array<i32>} : memref<128x256xf32, #tpu.memory_space<vmem>>, vector<16xf32>,
          %swap3A_625 = arith.index_cast %add3A_586 : i32 to index
          %swap3A_626 = arith.constant 208 : index
          %swap3A_627 = tpu.vector_load %arg9[%swap3A_625, %swap3A_626] {strides = array<i32>} : memref<128x256xf32, #tpu.memory_space<vmem>>, vector<16xf32>,
          tpu.vector_store %arg9[%swap3A_625, %swap3A_626], %broadcast_in_dim3A_2 {strides = array<i32>} : memref<128x256xf32, #tpu.memory_space<vmem>>, vector<16xf32>,
          %swap3A_628 = arith.index_cast %add3A_586 : i32 to index
          %swap3A_629 = arith.constant 224 : index
          %swap3A_630 = tpu.vector_load %arg9[%swap3A_628, %swap3A_629] {strides = array<i32>} : memref<128x256xf32, #tpu.memory_space<vmem>>, vector<16xf32>,
          tpu.vector_store %arg9[%swap3A_628, %swap3A_629], %broadcast_in_dim3A_2 {strides = array<i32>} : memref<128x256xf32, #tpu.memory_space<vmem>>, vector<16xf32>,
          %swap3A_631 = arith.index_cast %add3A_586 : i32 to index
          %swap3A_632 = arith.constant 240 : index
          %swap3A_633 = tpu.vector_load %arg9[%swap3A_631, %swap3A_632] {strides = array<i32>} : memref<128x256xf32, #tpu.memory_space<vmem>>, vector<16xf32>,
          tpu.vector_store %arg9[%swap3A_631, %swap3A_632], %broadcast_in_dim3A_2 {strides = array<i32>} : memref<128x256xf32, #tpu.memory_space<vmem>>, vector<16xf32>,
        }
      } else {
      }
      %dma_start3A = arith.constant 0 : i32
      %dma_start3A_564 = tpu.memref_slice %arg4[%mul3A_317, %dma_start3A] : memref<32768x256xf32, #tpu.memory_space<hbm>> -> memref<128x256xf32, #tpu.memory_space<hbm>>
      %dma_start3A_565 = arith.constant 0 : i32
      %dma_start3A_566 = tpu.memref_slice %arg4[%mul3A_317, %dma_start3A_565] : memref<32768x256xf32, #tpu.memory_space<hbm>> -> memref<128x256xf32, #tpu.memory_space<hbm>>
      tpu.enqueue_dma source(%arg9 : memref<128x256xf32, #tpu.memory_space<vmem>>) target(%dma_start3A_566 : memref<128x256xf32, #tpu.memory_space<hbm>>) target_semaphore(%arg18 : memref<!tpu.dma_semaphore, #tpu.memory_space<semaphore_mem>>)
    } else {
    }
    %gt3A_515 = arith.constant 0 : i32
    %gt3A_516 = arith.cmpi sgt, %min3A_263, %gt3A_515 : i32
    %convert_element_type3A_517 = arith.extui %gt3A_516 : i1 to i32
    %cond3A_518 = arith.constant 0 : i32
    %cond3A_519 = arith.cmpi ne, %convert_element_type3A_517, %cond3A_518 : i32
    scf.if %cond3A_519 {
      %dma_wait3A = arith.constant 0 : i32
      %dma_wait3A_555 = tpu.memref_slice %arg4[%mul3A_268, %dma_wait3A] : memref<32768x256xf32, #tpu.memory_space<hbm>> -> memref<128x256xf32, #tpu.memory_space<hbm>>
      %dma_wait3A_556 = arith.constant 0 : i32
      %dma_wait3A_557 = tpu.memref_slice %arg4[%mul3A_268, %dma_wait3A_556] : memref<32768x256xf32, #tpu.memory_space<hbm>> -> memref<128x256xf32, #tpu.memory_space<hbm>>
      tpu.wait_dma2 semaphore(%arg17 : memref<!tpu.dma_semaphore, #tpu.memory_space<semaphore_mem>>) src(%arg8 : memref<128x256xf32, #tpu.memory_space<vmem>>) dst(%dma_wait3A_557 : memref<128x256xf32, #tpu.memory_space<hbm>>)
    } else {
    }
    %gt3A_520 = arith.constant 0 : i32
    %gt3A_521 = arith.cmpi sgt, %min3A_408, %gt3A_520 : i32
    %convert_element_type3A_522 = arith.extui %gt3A_521 : i1 to i32
    %cond3A_523 = arith.constant 0 : i32
    %cond3A_524 = arith.cmpi ne, %convert_element_type3A_522, %cond3A_523 : i32
    scf.if %cond3A_524 {
      %dma_start3A = arith.constant 896 : i32
      %dma_start3A_555 = tpu.memref_slice %arg6[%dma_start3A] : memref<1024xi32, #tpu.memory_space<vmem>> -> memref<128xi32, #tpu.memory_space<vmem>>
      %dma_start3A_556 = arith.constant 0 : i32
      %dma_start3A_557 = arith.constant 0 : i32
      %dma_start3A_558 = tpu.memref_slice %arg2[%dma_start3A_556, %dma_start3A_557] : memref<65536x256xf32, #tpu.memory_space<hbm>> -> memref<65536x256xf32, #tpu.memory_space<hbm>>
      tpu.enqueue_indirect_dma source(%dma_start3A_558 : memref<65536x256xf32, #tpu.memory_space<hbm>>) target(%arg8 : memref<128x256xf32, #tpu.memory_space<vmem>>) offsets(%dma_start3A_555 : memref<128xi32, #tpu.memory_space<vmem>>) semaphore(%arg14 : memref<!tpu.dma_semaphore, #tpu.memory_space<semaphore_mem>>)
    } else {
    }
    %gt3A_525 = arith.constant 0 : i32
    %gt3A_526 = arith.cmpi sgt, %min3A_359, %gt3A_525 : i32
    %convert_element_type3A_527 = arith.extui %gt3A_526 : i1 to i32
    %cond3A_528 = arith.constant 0 : i32
    %cond3A_529 = arith.cmpi ne, %convert_element_type3A_527, %cond3A_528 : i32
    scf.if %cond3A_529 {
      %dma_wait3A = arith.constant 768 : i32
      %dma_wait3A_555 = tpu.memref_slice %arg6[%dma_wait3A] : memref<1024xi32, #tpu.memory_space<vmem>> -> memref<128xi32, #tpu.memory_space<vmem>>
      %dma_wait3A_556 = arith.constant 0 : i32
      %dma_wait3A_557 = arith.constant 0 : i32
      %dma_wait3A_558 = tpu.memref_slice %arg2[%dma_wait3A_556, %dma_wait3A_557] : memref<65536x256xf32, #tpu.memory_space<hbm>> -> memref<65536x256xf32, #tpu.memory_space<hbm>>
      tpu.wait_indirect_dma semaphore(%arg13 : memref<!tpu.dma_semaphore, #tpu.memory_space<semaphore_mem>>) src(%dma_wait3A_558 : memref<65536x256xf32, #tpu.memory_space<hbm>>) dst(%arg7 : memref<128x256xf32, #tpu.memory_space<vmem>>)
      %lt3A_559 = arith.constant 128 : i32
      %lt3A_560 = arith.cmpi slt, %min3A_359, %lt3A_559 : i32
      %convert_element_type3A_561 = arith.extui %lt3A_560 : i1 to i32
      %cond3A_562 = arith.constant 0 : i32
      %cond3A_563 = arith.cmpi ne, %convert_element_type3A_561, %cond3A_562 : i32
      scf.if %cond3A_563 {
        %sub3A_567 = arith.constant 128 : i32
        %sub3A_568 = arith.subi %sub3A_567, %min3A_359 : i32
        %sub3A_569 = arith.constant 1 : i32
        %sub3A_570 = arith.constant 1 : i32
        %sub3A_571 = arith.subi %sub3A_569, %sub3A_570 : i32
        %add3A_572 = arith.addi %sub3A_568, %sub3A_571 : i32
        %div3A_573 = arith.constant 1 : i32
        %div3A_574 = arith.divsi %add3A_572, %div3A_573 : i32
        %while3A = arith.constant 1 : i32
        %while3A_575 = arith.constant 0 : i32
        %while3A_576 = arith.subi %div3A_574, %while3A_575 : i32
        %while3A_577 = arith.addi %while3A_575, %while3A_576 : i32
        %while3A_578 = arith.constant 1 : i32
        %while3A_579 = arith.divsi %while3A_576, %while3A_578 : i32
        %while3A_580 = arith.muli %while3A_579, %while3A_578 : i32
        %while3A_581 = arith.addi %while3A_575, %while3A_580 : i32
        %while3A_582 = arith.constant 1 : i32
        scf.for %while3A_584 = %while3A_575 to %while3A_581 step %while3A_582  : i32 {
          %mul3A_585 = arith.muli %while3A_584, %while3A : i32
          %add3A_586 = arith.addi %min3A_359, %mul3A_585 : i32
          %swap3A = arith.index_cast %add3A_586 : i32 to index
          %swap3A_587 = arith.constant 0 : index
          %swap3A_588 = tpu.vector_load %arg7[%swap3A, %swap3A_587] {strides = array<i32>} : memref<128x256xf32, #tpu.memory_space<vmem>>, vector<16xf32>,
          tpu.vector_store %arg7[%swap3A, %swap3A_587], %broadcast_in_dim3A_2 {strides = array<i32>} : memref<128x256xf32, #tpu.memory_space<vmem>>, vector<16xf32>,
          %swap3A_589 = arith.index_cast %add3A_586 : i32 to index
          %swap3A_590 = arith.constant 16 : index
          %swap3A_591 = tpu.vector_load %arg7[%swap3A_589, %swap3A_590] {strides = array<i32>} : memref<128x256xf32, #tpu.memory_space<vmem>>, vector<16xf32>,
          tpu.vector_store %arg7[%swap3A_589, %swap3A_590], %broadcast_in_dim3A_2 {strides = array<i32>} : memref<128x256xf32, #tpu.memory_space<vmem>>, vector<16xf32>,
          %swap3A_592 = arith.index_cast %add3A_586 : i32 to index
          %swap3A_593 = arith.constant 32 : index
          %swap3A_594 = tpu.vector_load %arg7[%swap3A_592, %swap3A_593] {strides = array<i32>} : memref<128x256xf32, #tpu.memory_space<vmem>>, vector<16xf32>,
          tpu.vector_store %arg7[%swap3A_592, %swap3A_593], %broadcast_in_dim3A_2 {strides = array<i32>} : memref<128x256xf32, #tpu.memory_space<vmem>>, vector<16xf32>,
          %swap3A_595 = arith.index_cast %add3A_586 : i32 to index
          %swap3A_596 = arith.constant 48 : index
          %swap3A_597 = tpu.vector_load %arg7[%swap3A_595, %swap3A_596] {strides = array<i32>} : memref<128x256xf32, #tpu.memory_space<vmem>>, vector<16xf32>,
          tpu.vector_store %arg7[%swap3A_595, %swap3A_596], %broadcast_in_dim3A_2 {strides = array<i32>} : memref<128x256xf32, #tpu.memory_space<vmem>>, vector<16xf32>,
          %swap3A_598 = arith.index_cast %add3A_586 : i32 to index
          %swap3A_599 = arith.constant 64 : index
          %swap3A_600 = tpu.vector_load %arg7[%swap3A_598, %swap3A_599] {strides = array<i32>} : memref<128x256xf32, #tpu.memory_space<vmem>>, vector<16xf32>,
          tpu.vector_store %arg7[%swap3A_598, %swap3A_599], %broadcast_in_dim3A_2 {strides = array<i32>} : memref<128x256xf32, #tpu.memory_space<vmem>>, vector<16xf32>,
          %swap3A_601 = arith.index_cast %add3A_586 : i32 to index
          %swap3A_602 = arith.constant 80 : index
          %swap3A_603 = tpu.vector_load %arg7[%swap3A_601, %swap3A_602] {strides = array<i32>} : memref<128x256xf32, #tpu.memory_space<vmem>>, vector<16xf32>,
          tpu.vector_store %arg7[%swap3A_601, %swap3A_602], %broadcast_in_dim3A_2 {strides = array<i32>} : memref<128x256xf32, #tpu.memory_space<vmem>>, vector<16xf32>,
          %swap3A_604 = arith.index_cast %add3A_586 : i32 to index
          %swap3A_605 = arith.constant 96 : index
          %swap3A_606 = tpu.vector_load %arg7[%swap3A_604, %swap3A_605] {strides = array<i32>} : memref<128x256xf32, #tpu.memory_space<vmem>>, vector<16xf32>,
          tpu.vector_store %arg7[%swap3A_604, %swap3A_605], %broadcast_in_dim3A_2 {strides = array<i32>} : memref<128x256xf32, #tpu.memory_space<vmem>>, vector<16xf32>,
          %swap3A_607 = arith.index_cast %add3A_586 : i32 to index
          %swap3A_608 = arith.constant 112 : index
          %swap3A_609 = tpu.vector_load %arg7[%swap3A_607, %swap3A_608] {strides = array<i32>} : memref<128x256xf32, #tpu.memory_space<vmem>>, vector<16xf32>,
          tpu.vector_store %arg7[%swap3A_607, %swap3A_608], %broadcast_in_dim3A_2 {strides = array<i32>} : memref<128x256xf32, #tpu.memory_space<vmem>>, vector<16xf32>,
          %swap3A_610 = arith.index_cast %add3A_586 : i32 to index
          %swap3A_611 = arith.constant 128 : index
          %swap3A_612 = tpu.vector_load %arg7[%swap3A_610, %swap3A_611] {strides = array<i32>} : memref<128x256xf32, #tpu.memory_space<vmem>>, vector<16xf32>,
          tpu.vector_store %arg7[%swap3A_610, %swap3A_611], %broadcast_in_dim3A_2 {strides = array<i32>} : memref<128x256xf32, #tpu.memory_space<vmem>>, vector<16xf32>,
          %swap3A_613 = arith.index_cast %add3A_586 : i32 to index
          %swap3A_614 = arith.constant 144 : index
          %swap3A_615 = tpu.vector_load %arg7[%swap3A_613, %swap3A_614] {strides = array<i32>} : memref<128x256xf32, #tpu.memory_space<vmem>>, vector<16xf32>,
          tpu.vector_store %arg7[%swap3A_613, %swap3A_614], %broadcast_in_dim3A_2 {strides = array<i32>} : memref<128x256xf32, #tpu.memory_space<vmem>>, vector<16xf32>,
          %swap3A_616 = arith.index_cast %add3A_586 : i32 to index
          %swap3A_617 = arith.constant 160 : index
          %swap3A_618 = tpu.vector_load %arg7[%swap3A_616, %swap3A_617] {strides = array<i32>} : memref<128x256xf32, #tpu.memory_space<vmem>>, vector<16xf32>,
          tpu.vector_store %arg7[%swap3A_616, %swap3A_617], %broadcast_in_dim3A_2 {strides = array<i32>} : memref<128x256xf32, #tpu.memory_space<vmem>>, vector<16xf32>,
          %swap3A_619 = arith.index_cast %add3A_586 : i32 to index
          %swap3A_620 = arith.constant 176 : index
          %swap3A_621 = tpu.vector_load %arg7[%swap3A_619, %swap3A_620] {strides = array<i32>} : memref<128x256xf32, #tpu.memory_space<vmem>>, vector<16xf32>,
          tpu.vector_store %arg7[%swap3A_619, %swap3A_620], %broadcast_in_dim3A_2 {strides = array<i32>} : memref<128x256xf32, #tpu.memory_space<vmem>>, vector<16xf32>,
          %swap3A_622 = arith.index_cast %add3A_586 : i32 to index
          %swap3A_623 = arith.constant 192 : index
          %swap3A_624 = tpu.vector_load %arg7[%swap3A_622, %swap3A_623] {strides = array<i32>} : memref<128x256xf32, #tpu.memory_space<vmem>>, vector<16xf32>,
          tpu.vector_store %arg7[%swap3A_622, %swap3A_623], %broadcast_in_dim3A_2 {strides = array<i32>} : memref<128x256xf32, #tpu.memory_space<vmem>>, vector<16xf32>,
          %swap3A_625 = arith.index_cast %add3A_586 : i32 to index
          %swap3A_626 = arith.constant 208 : index
          %swap3A_627 = tpu.vector_load %arg7[%swap3A_625, %swap3A_626] {strides = array<i32>} : memref<128x256xf32, #tpu.memory_space<vmem>>, vector<16xf32>,
          tpu.vector_store %arg7[%swap3A_625, %swap3A_626], %broadcast_in_dim3A_2 {strides = array<i32>} : memref<128x256xf32, #tpu.memory_space<vmem>>, vector<16xf32>,
          %swap3A_628 = arith.index_cast %add3A_586 : i32 to index
          %swap3A_629 = arith.constant 224 : index
          %swap3A_630 = tpu.vector_load %arg7[%swap3A_628, %swap3A_629] {strides = array<i32>} : memref<128x256xf32, #tpu.memory_space<vmem>>, vector<16xf32>,
          tpu.vector_store %arg7[%swap3A_628, %swap3A_629], %broadcast_in_dim3A_2 {strides = array<i32>} : memref<128x256xf32, #tpu.memory_space<vmem>>, vector<16xf32>,
          %swap3A_631 = arith.index_cast %add3A_586 : i32 to index
          %swap3A_632 = arith.constant 240 : index
          %swap3A_633 = tpu.vector_load %arg7[%swap3A_631, %swap3A_632] {strides = array<i32>} : memref<128x256xf32, #tpu.memory_space<vmem>>, vector<16xf32>,
          tpu.vector_store %arg7[%swap3A_631, %swap3A_632], %broadcast_in_dim3A_2 {strides = array<i32>} : memref<128x256xf32, #tpu.memory_space<vmem>>, vector<16xf32>,
        }
        %while3A_583 = arith.constant 1 : i32
        scf.for %while3A_584 = %while3A_581 to %while3A_577 step %while3A_583  : i32 {
          %mul3A_585 = arith.muli %while3A_584, %while3A : i32
          %add3A_586 = arith.addi %min3A_359, %mul3A_585 : i32
          %swap3A = arith.index_cast %add3A_586 : i32 to index
          %swap3A_587 = arith.constant 0 : index
          %swap3A_588 = tpu.vector_load %arg7[%swap3A, %swap3A_587] {strides = array<i32>} : memref<128x256xf32, #tpu.memory_space<vmem>>, vector<16xf32>,
          tpu.vector_store %arg7[%swap3A, %swap3A_587], %broadcast_in_dim3A_2 {strides = array<i32>} : memref<128x256xf32, #tpu.memory_space<vmem>>, vector<16xf32>,
          %swap3A_589 = arith.index_cast %add3A_586 : i32 to index
          %swap3A_590 = arith.constant 16 : index
          %swap3A_591 = tpu.vector_load %arg7[%swap3A_589, %swap3A_590] {strides = array<i32>} : memref<128x256xf32, #tpu.memory_space<vmem>>, vector<16xf32>,
          tpu.vector_store %arg7[%swap3A_589, %swap3A_590], %broadcast_in_dim3A_2 {strides = array<i32>} : memref<128x256xf32, #tpu.memory_space<vmem>>, vector<16xf32>,
          %swap3A_592 = arith.index_cast %add3A_586 : i32 to index
          %swap3A_593 = arith.constant 32 : index
          %swap3A_594 = tpu.vector_load %arg7[%swap3A_592, %swap3A_593] {strides = array<i32>} : memref<128x256xf32, #tpu.memory_space<vmem>>, vector<16xf32>,
          tpu.vector_store %arg7[%swap3A_592, %swap3A_593], %broadcast_in_dim3A_2 {strides = array<i32>} : memref<128x256xf32, #tpu.memory_space<vmem>>, vector<16xf32>,
          %swap3A_595 = arith.index_cast %add3A_586 : i32 to index
          %swap3A_596 = arith.constant 48 : index
          %swap3A_597 = tpu.vector_load %arg7[%swap3A_595, %swap3A_596] {strides = array<i32>} : memref<128x256xf32, #tpu.memory_space<vmem>>, vector<16xf32>,
          tpu.vector_store %arg7[%swap3A_595, %swap3A_596], %broadcast_in_dim3A_2 {strides = array<i32>} : memref<128x256xf32, #tpu.memory_space<vmem>>, vector<16xf32>,
          %swap3A_598 = arith.index_cast %add3A_586 : i32 to index
          %swap3A_599 = arith.constant 64 : index
          %swap3A_600 = tpu.vector_load %arg7[%swap3A_598, %swap3A_599] {strides = array<i32>} : memref<128x256xf32, #tpu.memory_space<vmem>>, vector<16xf32>,
          tpu.vector_store %arg7[%swap3A_598, %swap3A_599], %broadcast_in_dim3A_2 {strides = array<i32>} : memref<128x256xf32, #tpu.memory_space<vmem>>, vector<16xf32>,
          %swap3A_601 = arith.index_cast %add3A_586 : i32 to index
          %swap3A_602 = arith.constant 80 : index
          %swap3A_603 = tpu.vector_load %arg7[%swap3A_601, %swap3A_602] {strides = array<i32>} : memref<128x256xf32, #tpu.memory_space<vmem>>, vector<16xf32>,
          tpu.vector_store %arg7[%swap3A_601, %swap3A_602], %broadcast_in_dim3A_2 {strides = array<i32>} : memref<128x256xf32, #tpu.memory_space<vmem>>, vector<16xf32>,
          %swap3A_604 = arith.index_cast %add3A_586 : i32 to index
          %swap3A_605 = arith.constant 96 : index
          %swap3A_606 = tpu.vector_load %arg7[%swap3A_604, %swap3A_605] {strides = array<i32>} : memref<128x256xf32, #tpu.memory_space<vmem>>, vector<16xf32>,
          tpu.vector_store %arg7[%swap3A_604, %swap3A_605], %broadcast_in_dim3A_2 {strides = array<i32>} : memref<128x256xf32, #tpu.memory_space<vmem>>, vector<16xf32>,
          %swap3A_607 = arith.index_cast %add3A_586 : i32 to index
          %swap3A_608 = arith.constant 112 : index
          %swap3A_609 = tpu.vector_load %arg7[%swap3A_607, %swap3A_608] {strides = array<i32>} : memref<128x256xf32, #tpu.memory_space<vmem>>, vector<16xf32>,
          tpu.vector_store %arg7[%swap3A_607, %swap3A_608], %broadcast_in_dim3A_2 {strides = array<i32>} : memref<128x256xf32, #tpu.memory_space<vmem>>, vector<16xf32>,
          %swap3A_610 = arith.index_cast %add3A_586 : i32 to index
          %swap3A_611 = arith.constant 128 : index
          %swap3A_612 = tpu.vector_load %arg7[%swap3A_610, %swap3A_611] {strides = array<i32>} : memref<128x256xf32, #tpu.memory_space<vmem>>, vector<16xf32>,
          tpu.vector_store %arg7[%swap3A_610, %swap3A_611], %broadcast_in_dim3A_2 {strides = array<i32>} : memref<128x256xf32, #tpu.memory_space<vmem>>, vector<16xf32>,
          %swap3A_613 = arith.index_cast %add3A_586 : i32 to index
          %swap3A_614 = arith.constant 144 : index
          %swap3A_615 = tpu.vector_load %arg7[%swap3A_613, %swap3A_614] {strides = array<i32>} : memref<128x256xf32, #tpu.memory_space<vmem>>, vector<16xf32>,
          tpu.vector_store %arg7[%swap3A_613, %swap3A_614], %broadcast_in_dim3A_2 {strides = array<i32>} : memref<128x256xf32, #tpu.memory_space<vmem>>, vector<16xf32>,
          %swap3A_616 = arith.index_cast %add3A_586 : i32 to index
          %swap3A_617 = arith.constant 160 : index
          %swap3A_618 = tpu.vector_load %arg7[%swap3A_616, %swap3A_617] {strides = array<i32>} : memref<128x256xf32, #tpu.memory_space<vmem>>, vector<16xf32>,
          tpu.vector_store %arg7[%swap3A_616, %swap3A_617], %broadcast_in_dim3A_2 {strides = array<i32>} : memref<128x256xf32, #tpu.memory_space<vmem>>, vector<16xf32>,
          %swap3A_619 = arith.index_cast %add3A_586 : i32 to index
          %swap3A_620 = arith.constant 176 : index
          %swap3A_621 = tpu.vector_load %arg7[%swap3A_619, %swap3A_620] {strides = array<i32>} : memref<128x256xf32, #tpu.memory_space<vmem>>, vector<16xf32>,
          tpu.vector_store %arg7[%swap3A_619, %swap3A_620], %broadcast_in_dim3A_2 {strides = array<i32>} : memref<128x256xf32, #tpu.memory_space<vmem>>, vector<16xf32>,
          %swap3A_622 = arith.index_cast %add3A_586 : i32 to index
          %swap3A_623 = arith.constant 192 : index
          %swap3A_624 = tpu.vector_load %arg7[%swap3A_622, %swap3A_623] {strides = array<i32>} : memref<128x256xf32, #tpu.memory_space<vmem>>, vector<16xf32>,
          tpu.vector_store %arg7[%swap3A_622, %swap3A_623], %broadcast_in_dim3A_2 {strides = array<i32>} : memref<128x256xf32, #tpu.memory_space<vmem>>, vector<16xf32>,
          %swap3A_625 = arith.index_cast %add3A_586 : i32 to index
          %swap3A_626 = arith.constant 208 : index
          %swap3A_627 = tpu.vector_load %arg7[%swap3A_625, %swap3A_626] {strides = array<i32>} : memref<128x256xf32, #tpu.memory_space<vmem>>, vector<16xf32>,
          tpu.vector_store %arg7[%swap3A_625, %swap3A_626], %broadcast_in_dim3A_2 {strides = array<i32>} : memref<128x256xf32, #tpu.memory_space<vmem>>, vector<16xf32>,
          %swap3A_628 = arith.index_cast %add3A_586 : i32 to index
          %swap3A_629 = arith.constant 224 : index
          %swap3A_630 = tpu.vector_load %arg7[%swap3A_628, %swap3A_629] {strides = array<i32>} : memref<128x256xf32, #tpu.memory_space<vmem>>, vector<16xf32>,
          tpu.vector_store %arg7[%swap3A_628, %swap3A_629], %broadcast_in_dim3A_2 {strides = array<i32>} : memref<128x256xf32, #tpu.memory_space<vmem>>, vector<16xf32>,
          %swap3A_631 = arith.index_cast %add3A_586 : i32 to index
          %swap3A_632 = arith.constant 240 : index
          %swap3A_633 = tpu.vector_load %arg7[%swap3A_631, %swap3A_632] {strides = array<i32>} : memref<128x256xf32, #tpu.memory_space<vmem>>, vector<16xf32>,
          tpu.vector_store %arg7[%swap3A_631, %swap3A_632], %broadcast_in_dim3A_2 {strides = array<i32>} : memref<128x256xf32, #tpu.memory_space<vmem>>, vector<16xf32>,
        }
      } else {
      }
      %dma_start3A = arith.constant 0 : i32
      %dma_start3A_564 = tpu.memref_slice %arg4[%mul3A_364, %dma_start3A] : memref<32768x256xf32, #tpu.memory_space<hbm>> -> memref<128x256xf32, #tpu.memory_space<hbm>>
      %dma_start3A_565 = arith.constant 0 : i32
      %dma_start3A_566 = tpu.memref_slice %arg4[%mul3A_364, %dma_start3A_565] : memref<32768x256xf32, #tpu.memory_space<hbm>> -> memref<128x256xf32, #tpu.memory_space<hbm>>
      tpu.enqueue_dma source(%arg7 : memref<128x256xf32, #tpu.memory_space<vmem>>) target(%dma_start3A_566 : memref<128x256xf32, #tpu.memory_space<hbm>>) target_semaphore(%arg16 : memref<!tpu.dma_semaphore, #tpu.memory_space<semaphore_mem>>)
    } else {
    }
    %gt3A_530 = arith.constant 0 : i32
    %gt3A_531 = arith.cmpi sgt, %min3A_408, %gt3A_530 : i32
    %convert_element_type3A_532 = arith.extui %gt3A_531 : i1 to i32
    %cond3A_533 = arith.constant 0 : i32
    %cond3A_534 = arith.cmpi ne, %convert_element_type3A_532, %cond3A_533 : i32
    scf.if %cond3A_534 {
      %dma_wait3A = arith.constant 896 : i32
      %dma_wait3A_555 = tpu.memref_slice %arg6[%dma_wait3A] : memref<1024xi32, #tpu.memory_space<vmem>> -> memref<128xi32, #tpu.memory_space<vmem>>
      %dma_wait3A_556 = arith.constant 0 : i32
      %dma_wait3A_557 = arith.constant 0 : i32
      %dma_wait3A_558 = tpu.memref_slice %arg2[%dma_wait3A_556, %dma_wait3A_557] : memref<65536x256xf32, #tpu.memory_space<hbm>> -> memref<65536x256xf32, #tpu.memory_space<hbm>>
      tpu.wait_indirect_dma semaphore(%arg14 : memref<!tpu.dma_semaphore, #tpu.memory_space<semaphore_mem>>) src(%dma_wait3A_558 : memref<65536x256xf32, #tpu.memory_space<hbm>>) dst(%arg8 : memref<128x256xf32, #tpu.memory_space<vmem>>)
      %lt3A_559 = arith.constant 128 : i32
      %lt3A_560 = arith.cmpi slt, %min3A_408, %lt3A_559 : i32
      %convert_element_type3A_561 = arith.extui %lt3A_560 : i1 to i32
      %cond3A_562 = arith.constant 0 : i32
      %cond3A_563 = arith.cmpi ne, %convert_element_type3A_561, %cond3A_562 : i32
      scf.if %cond3A_563 {
        %sub3A_567 = arith.constant 128 : i32
        %sub3A_568 = arith.subi %sub3A_567, %min3A_408 : i32
        %sub3A_569 = arith.constant 1 : i32
        %sub3A_570 = arith.constant 1 : i32
        %sub3A_571 = arith.subi %sub3A_569, %sub3A_570 : i32
        %add3A_572 = arith.addi %sub3A_568, %sub3A_571 : i32
        %div3A_573 = arith.constant 1 : i32
        %div3A_574 = arith.divsi %add3A_572, %div3A_573 : i32
        %while3A = arith.constant 1 : i32
        %while3A_575 = arith.constant 0 : i32
        %while3A_576 = arith.subi %div3A_574, %while3A_575 : i32
        %while3A_577 = arith.addi %while3A_575, %while3A_576 : i32
        %while3A_578 = arith.constant 1 : i32
        %while3A_579 = arith.divsi %while3A_576, %while3A_578 : i32
        %while3A_580 = arith.muli %while3A_579, %while3A_578 : i32
        %while3A_581 = arith.addi %while3A_575, %while3A_580 : i32
        %while3A_582 = arith.constant 1 : i32
        scf.for %while3A_584 = %while3A_575 to %while3A_581 step %while3A_582  : i32 {
          %mul3A_585 = arith.muli %while3A_584, %while3A : i32
          %add3A_586 = arith.addi %min3A_408, %mul3A_585 : i32
          %swap3A = arith.index_cast %add3A_586 : i32 to index
          %swap3A_587 = arith.constant 0 : index
          %swap3A_588 = tpu.vector_load %arg8[%swap3A, %swap3A_587] {strides = array<i32>} : memref<128x256xf32, #tpu.memory_space<vmem>>, vector<16xf32>,
          tpu.vector_store %arg8[%swap3A, %swap3A_587], %broadcast_in_dim3A_2 {strides = array<i32>} : memref<128x256xf32, #tpu.memory_space<vmem>>, vector<16xf32>,
          %swap3A_589 = arith.index_cast %add3A_586 : i32 to index
          %swap3A_590 = arith.constant 16 : index
          %swap3A_591 = tpu.vector_load %arg8[%swap3A_589, %swap3A_590] {strides = array<i32>} : memref<128x256xf32, #tpu.memory_space<vmem>>, vector<16xf32>,
          tpu.vector_store %arg8[%swap3A_589, %swap3A_590], %broadcast_in_dim3A_2 {strides = array<i32>} : memref<128x256xf32, #tpu.memory_space<vmem>>, vector<16xf32>,
          %swap3A_592 = arith.index_cast %add3A_586 : i32 to index
          %swap3A_593 = arith.constant 32 : index
          %swap3A_594 = tpu.vector_load %arg8[%swap3A_592, %swap3A_593] {strides = array<i32>} : memref<128x256xf32, #tpu.memory_space<vmem>>, vector<16xf32>,
          tpu.vector_store %arg8[%swap3A_592, %swap3A_593], %broadcast_in_dim3A_2 {strides = array<i32>} : memref<128x256xf32, #tpu.memory_space<vmem>>, vector<16xf32>,
          %swap3A_595 = arith.index_cast %add3A_586 : i32 to index
          %swap3A_596 = arith.constant 48 : index
          %swap3A_597 = tpu.vector_load %arg8[%swap3A_595, %swap3A_596] {strides = array<i32>} : memref<128x256xf32, #tpu.memory_space<vmem>>, vector<16xf32>,
          tpu.vector_store %arg8[%swap3A_595, %swap3A_596], %broadcast_in_dim3A_2 {strides = array<i32>} : memref<128x256xf32, #tpu.memory_space<vmem>>, vector<16xf32>,
          %swap3A_598 = arith.index_cast %add3A_586 : i32 to index
          %swap3A_599 = arith.constant 64 : index
          %swap3A_600 = tpu.vector_load %arg8[%swap3A_598, %swap3A_599] {strides = array<i32>} : memref<128x256xf32, #tpu.memory_space<vmem>>, vector<16xf32>,
          tpu.vector_store %arg8[%swap3A_598, %swap3A_599], %broadcast_in_dim3A_2 {strides = array<i32>} : memref<128x256xf32, #tpu.memory_space<vmem>>, vector<16xf32>,
          %swap3A_601 = arith.index_cast %add3A_586 : i32 to index
          %swap3A_602 = arith.constant 80 : index
          %swap3A_603 = tpu.vector_load %arg8[%swap3A_601, %swap3A_602] {strides = array<i32>} : memref<128x256xf32, #tpu.memory_space<vmem>>, vector<16xf32>,
          tpu.vector_store %arg8[%swap3A_601, %swap3A_602], %broadcast_in_dim3A_2 {strides = array<i32>} : memref<128x256xf32, #tpu.memory_space<vmem>>, vector<16xf32>,
          %swap3A_604 = arith.index_cast %add3A_586 : i32 to index
          %swap3A_605 = arith.constant 96 : index
          %swap3A_606 = tpu.vector_load %arg8[%swap3A_604, %swap3A_605] {strides = array<i32>} : memref<128x256xf32, #tpu.memory_space<vmem>>, vector<16xf32>,
          tpu.vector_store %arg8[%swap3A_604, %swap3A_605], %broadcast_in_dim3A_2 {strides = array<i32>} : memref<128x256xf32, #tpu.memory_space<vmem>>, vector<16xf32>,
          %swap3A_607 = arith.index_cast %add3A_586 : i32 to index
          %swap3A_608 = arith.constant 112 : index
          %swap3A_609 = tpu.vector_load %arg8[%swap3A_607, %swap3A_608] {strides = array<i32>} : memref<128x256xf32, #tpu.memory_space<vmem>>, vector<16xf32>,
          tpu.vector_store %arg8[%swap3A_607, %swap3A_608], %broadcast_in_dim3A_2 {strides = array<i32>} : memref<128x256xf32, #tpu.memory_space<vmem>>, vector<16xf32>,
          %swap3A_610 = arith.index_cast %add3A_586 : i32 to index
          %swap3A_611 = arith.constant 128 : index
          %swap3A_612 = tpu.vector_load %arg8[%swap3A_610, %swap3A_611] {strides = array<i32>} : memref<128x256xf32, #tpu.memory_space<vmem>>, vector<16xf32>,
          tpu.vector_store %arg8[%swap3A_610, %swap3A_611], %broadcast_in_dim3A_2 {strides = array<i32>} : memref<128x256xf32, #tpu.memory_space<vmem>>, vector<16xf32>,
          %swap3A_613 = arith.index_cast %add3A_586 : i32 to index
          %swap3A_614 = arith.constant 144 : index
          %swap3A_615 = tpu.vector_load %arg8[%swap3A_613, %swap3A_614] {strides = array<i32>} : memref<128x256xf32, #tpu.memory_space<vmem>>, vector<16xf32>,
          tpu.vector_store %arg8[%swap3A_613, %swap3A_614], %broadcast_in_dim3A_2 {strides = array<i32>} : memref<128x256xf32, #tpu.memory_space<vmem>>, vector<16xf32>,
          %swap3A_616 = arith.index_cast %add3A_586 : i32 to index
          %swap3A_617 = arith.constant 160 : index
          %swap3A_618 = tpu.vector_load %arg8[%swap3A_616, %swap3A_617] {strides = array<i32>} : memref<128x256xf32, #tpu.memory_space<vmem>>, vector<16xf32>,
          tpu.vector_store %arg8[%swap3A_616, %swap3A_617], %broadcast_in_dim3A_2 {strides = array<i32>} : memref<128x256xf32, #tpu.memory_space<vmem>>, vector<16xf32>,
          %swap3A_619 = arith.index_cast %add3A_586 : i32 to index
          %swap3A_620 = arith.constant 176 : index
          %swap3A_621 = tpu.vector_load %arg8[%swap3A_619, %swap3A_620] {strides = array<i32>} : memref<128x256xf32, #tpu.memory_space<vmem>>, vector<16xf32>,
          tpu.vector_store %arg8[%swap3A_619, %swap3A_620], %broadcast_in_dim3A_2 {strides = array<i32>} : memref<128x256xf32, #tpu.memory_space<vmem>>, vector<16xf32>,
          %swap3A_622 = arith.index_cast %add3A_586 : i32 to index
          %swap3A_623 = arith.constant 192 : index
          %swap3A_624 = tpu.vector_load %arg8[%swap3A_622, %swap3A_623] {strides = array<i32>} : memref<128x256xf32, #tpu.memory_space<vmem>>, vector<16xf32>,
          tpu.vector_store %arg8[%swap3A_622, %swap3A_623], %broadcast_in_dim3A_2 {strides = array<i32>} : memref<128x256xf32, #tpu.memory_space<vmem>>, vector<16xf32>,
          %swap3A_625 = arith.index_cast %add3A_586 : i32 to index
          %swap3A_626 = arith.constant 208 : index
          %swap3A_627 = tpu.vector_load %arg8[%swap3A_625, %swap3A_626] {strides = array<i32>} : memref<128x256xf32, #tpu.memory_space<vmem>>, vector<16xf32>,
          tpu.vector_store %arg8[%swap3A_625, %swap3A_626], %broadcast_in_dim3A_2 {strides = array<i32>} : memref<128x256xf32, #tpu.memory_space<vmem>>, vector<16xf32>,
          %swap3A_628 = arith.index_cast %add3A_586 : i32 to index
          %swap3A_629 = arith.constant 224 : index
          %swap3A_630 = tpu.vector_load %arg8[%swap3A_628, %swap3A_629] {strides = array<i32>} : memref<128x256xf32, #tpu.memory_space<vmem>>, vector<16xf32>,
          tpu.vector_store %arg8[%swap3A_628, %swap3A_629], %broadcast_in_dim3A_2 {strides = array<i32>} : memref<128x256xf32, #tpu.memory_space<vmem>>, vector<16xf32>,
          %swap3A_631 = arith.index_cast %add3A_586 : i32 to index
          %swap3A_632 = arith.constant 240 : index
          %swap3A_633 = tpu.vector_load %arg8[%swap3A_631, %swap3A_632] {strides = array<i32>} : memref<128x256xf32, #tpu.memory_space<vmem>>, vector<16xf32>,
          tpu.vector_store %arg8[%swap3A_631, %swap3A_632], %broadcast_in_dim3A_2 {strides = array<i32>} : memref<128x256xf32, #tpu.memory_space<vmem>>, vector<16xf32>,
        }
        %while3A_583 = arith.constant 1 : i32
        scf.for %while3A_584 = %while3A_581 to %while3A_577 step %while3A_583  : i32 {
          %mul3A_585 = arith.muli %while3A_584, %while3A : i32
          %add3A_586 = arith.addi %min3A_408, %mul3A_585 : i32
          %swap3A = arith.index_cast %add3A_586 : i32 to index
          %swap3A_587 = arith.constant 0 : index
          %swap3A_588 = tpu.vector_load %arg8[%swap3A, %swap3A_587] {strides = array<i32>} : memref<128x256xf32, #tpu.memory_space<vmem>>, vector<16xf32>,
          tpu.vector_store %arg8[%swap3A, %swap3A_587], %broadcast_in_dim3A_2 {strides = array<i32>} : memref<128x256xf32, #tpu.memory_space<vmem>>, vector<16xf32>,
          %swap3A_589 = arith.index_cast %add3A_586 : i32 to index
          %swap3A_590 = arith.constant 16 : index
          %swap3A_591 = tpu.vector_load %arg8[%swap3A_589, %swap3A_590] {strides = array<i32>} : memref<128x256xf32, #tpu.memory_space<vmem>>, vector<16xf32>,
          tpu.vector_store %arg8[%swap3A_589, %swap3A_590], %broadcast_in_dim3A_2 {strides = array<i32>} : memref<128x256xf32, #tpu.memory_space<vmem>>, vector<16xf32>,
          %swap3A_592 = arith.index_cast %add3A_586 : i32 to index
          %swap3A_593 = arith.constant 32 : index
          %swap3A_594 = tpu.vector_load %arg8[%swap3A_592, %swap3A_593] {strides = array<i32>} : memref<128x256xf32, #tpu.memory_space<vmem>>, vector<16xf32>,
          tpu.vector_store %arg8[%swap3A_592, %swap3A_593], %broadcast_in_dim3A_2 {strides = array<i32>} : memref<128x256xf32, #tpu.memory_space<vmem>>, vector<16xf32>,
          %swap3A_595 = arith.index_cast %add3A_586 : i32 to index
          %swap3A_596 = arith.constant 48 : index
          %swap3A_597 = tpu.vector_load %arg8[%swap3A_595, %swap3A_596] {strides = array<i32>} : memref<128x256xf32, #tpu.memory_space<vmem>>, vector<16xf32>,
          tpu.vector_store %arg8[%swap3A_595, %swap3A_596], %broadcast_in_dim3A_2 {strides = array<i32>} : memref<128x256xf32, #tpu.memory_space<vmem>>, vector<16xf32>,
          %swap3A_598 = arith.index_cast %add3A_586 : i32 to index
          %swap3A_599 = arith.constant 64 : index
          %swap3A_600 = tpu.vector_load %arg8[%swap3A_598, %swap3A_599] {strides = array<i32>} : memref<128x256xf32, #tpu.memory_space<vmem>>, vector<16xf32>,
          tpu.vector_store %arg8[%swap3A_598, %swap3A_599], %broadcast_in_dim3A_2 {strides = array<i32>} : memref<128x256xf32, #tpu.memory_space<vmem>>, vector<16xf32>,
          %swap3A_601 = arith.index_cast %add3A_586 : i32 to index
          %swap3A_602 = arith.constant 80 : index
          %swap3A_603 = tpu.vector_load %arg8[%swap3A_601, %swap3A_602] {strides = array<i32>} : memref<128x256xf32, #tpu.memory_space<vmem>>, vector<16xf32>,
          tpu.vector_store %arg8[%swap3A_601, %swap3A_602], %broadcast_in_dim3A_2 {strides = array<i32>} : memref<128x256xf32, #tpu.memory_space<vmem>>, vector<16xf32>,
          %swap3A_604 = arith.index_cast %add3A_586 : i32 to index
          %swap3A_605 = arith.constant 96 : index
          %swap3A_606 = tpu.vector_load %arg8[%swap3A_604, %swap3A_605] {strides = array<i32>} : memref<128x256xf32, #tpu.memory_space<vmem>>, vector<16xf32>,
          tpu.vector_store %arg8[%swap3A_604, %swap3A_605], %broadcast_in_dim3A_2 {strides = array<i32>} : memref<128x256xf32, #tpu.memory_space<vmem>>, vector<16xf32>,
          %swap3A_607 = arith.index_cast %add3A_586 : i32 to index
          %swap3A_608 = arith.constant 112 : index
          %swap3A_609 = tpu.vector_load %arg8[%swap3A_607, %swap3A_608] {strides = array<i32>} : memref<128x256xf32, #tpu.memory_space<vmem>>, vector<16xf32>,
          tpu.vector_store %arg8[%swap3A_607, %swap3A_608], %broadcast_in_dim3A_2 {strides = array<i32>} : memref<128x256xf32, #tpu.memory_space<vmem>>, vector<16xf32>,
          %swap3A_610 = arith.index_cast %add3A_586 : i32 to index
          %swap3A_611 = arith.constant 128 : index
          %swap3A_612 = tpu.vector_load %arg8[%swap3A_610, %swap3A_611] {strides = array<i32>} : memref<128x256xf32, #tpu.memory_space<vmem>>, vector<16xf32>,
          tpu.vector_store %arg8[%swap3A_610, %swap3A_611], %broadcast_in_dim3A_2 {strides = array<i32>} : memref<128x256xf32, #tpu.memory_space<vmem>>, vector<16xf32>,
          %swap3A_613 = arith.index_cast %add3A_586 : i32 to index
          %swap3A_614 = arith.constant 144 : index
          %swap3A_615 = tpu.vector_load %arg8[%swap3A_613, %swap3A_614] {strides = array<i32>} : memref<128x256xf32, #tpu.memory_space<vmem>>, vector<16xf32>,
          tpu.vector_store %arg8[%swap3A_613, %swap3A_614], %broadcast_in_dim3A_2 {strides = array<i32>} : memref<128x256xf32, #tpu.memory_space<vmem>>, vector<16xf32>,
          %swap3A_616 = arith.index_cast %add3A_586 : i32 to index
          %swap3A_617 = arith.constant 160 : index
          %swap3A_618 = tpu.vector_load %arg8[%swap3A_616, %swap3A_617] {strides = array<i32>} : memref<128x256xf32, #tpu.memory_space<vmem>>, vector<16xf32>,
          tpu.vector_store %arg8[%swap3A_616, %swap3A_617], %broadcast_in_dim3A_2 {strides = array<i32>} : memref<128x256xf32, #tpu.memory_space<vmem>>, vector<16xf32>,
          %swap3A_619 = arith.index_cast %add3A_586 : i32 to index
          %swap3A_620 = arith.constant 176 : index
          %swap3A_621 = tpu.vector_load %arg8[%swap3A_619, %swap3A_620] {strides = array<i32>} : memref<128x256xf32, #tpu.memory_space<vmem>>, vector<16xf32>,
          tpu.vector_store %arg8[%swap3A_619, %swap3A_620], %broadcast_in_dim3A_2 {strides = array<i32>} : memref<128x256xf32, #tpu.memory_space<vmem>>, vector<16xf32>,
          %swap3A_622 = arith.index_cast %add3A_586 : i32 to index
          %swap3A_623 = arith.constant 192 : index
          %swap3A_624 = tpu.vector_load %arg8[%swap3A_622, %swap3A_623] {strides = array<i32>} : memref<128x256xf32, #tpu.memory_space<vmem>>, vector<16xf32>,
          tpu.vector_store %arg8[%swap3A_622, %swap3A_623], %broadcast_in_dim3A_2 {strides = array<i32>} : memref<128x256xf32, #tpu.memory_space<vmem>>, vector<16xf32>,
          %swap3A_625 = arith.index_cast %add3A_586 : i32 to index
          %swap3A_626 = arith.constant 208 : index
          %swap3A_627 = tpu.vector_load %arg8[%swap3A_625, %swap3A_626] {strides = array<i32>} : memref<128x256xf32, #tpu.memory_space<vmem>>, vector<16xf32>,
          tpu.vector_store %arg8[%swap3A_625, %swap3A_626], %broadcast_in_dim3A_2 {strides = array<i32>} : memref<128x256xf32, #tpu.memory_space<vmem>>, vector<16xf32>,
          %swap3A_628 = arith.index_cast %add3A_586 : i32 to index
          %swap3A_629 = arith.constant 224 : index
          %swap3A_630 = tpu.vector_load %arg8[%swap3A_628, %swap3A_629] {strides = array<i32>} : memref<128x256xf32, #tpu.memory_space<vmem>>, vector<16xf32>,
          tpu.vector_store %arg8[%swap3A_628, %swap3A_629], %broadcast_in_dim3A_2 {strides = array<i32>} : memref<128x256xf32, #tpu.memory_space<vmem>>, vector<16xf32>,
          %swap3A_631 = arith.index_cast %add3A_586 : i32 to index
          %swap3A_632 = arith.constant 240 : index
          %swap3A_633 = tpu.vector_load %arg8[%swap3A_631, %swap3A_632] {strides = array<i32>} : memref<128x256xf32, #tpu.memory_space<vmem>>, vector<16xf32>,
          tpu.vector_store %arg8[%swap3A_631, %swap3A_632], %broadcast_in_dim3A_2 {strides = array<i32>} : memref<128x256xf32, #tpu.memory_space<vmem>>, vector<16xf32>,
        }
      } else {
      }
      %dma_start3A = arith.constant 0 : i32
      %dma_start3A_564 = tpu.memref_slice %arg4[%mul3A_413, %dma_start3A] : memref<32768x256xf32, #tpu.memory_space<hbm>> -> memref<128x256xf32, #tpu.memory_space<hbm>>
      %dma_start3A_565 = arith.constant 0 : i32
      %dma_start3A_566 = tpu.memref_slice %arg4[%mul3A_413, %dma_start3A_565] : memref<32768x256xf32, #tpu.memory_space<hbm>> -> memref<128x256xf32, #tpu.memory_space<hbm>>
      tpu.enqueue_dma source(%arg8 : memref<128x256xf32, #tpu.memory_space<vmem>>) target(%dma_start3A_566 : memref<128x256xf32, #tpu.memory_space<hbm>>) target_semaphore(%arg17 : memref<!tpu.dma_semaphore, #tpu.memory_space<semaphore_mem>>)
    } else {
    }
    %gt3A_535 = arith.constant 0 : i32
    %gt3A_536 = arith.cmpi sgt, %min3A_312, %gt3A_535 : i32
    %convert_element_type3A_537 = arith.extui %gt3A_536 : i1 to i32
    %cond3A_538 = arith.constant 0 : i32
    %cond3A_539 = arith.cmpi ne, %convert_element_type3A_537, %cond3A_538 : i32
    scf.if %cond3A_539 {
      %dma_wait3A = arith.constant 0 : i32
      %dma_wait3A_555 = tpu.memref_slice %arg4[%mul3A_317, %dma_wait3A] : memref<32768x256xf32, #tpu.memory_space<hbm>> -> memref<128x256xf32, #tpu.memory_space<hbm>>
      %dma_wait3A_556 = arith.constant 0 : i32
      %dma_wait3A_557 = tpu.memref_slice %arg4[%mul3A_317, %dma_wait3A_556] : memref<32768x256xf32, #tpu.memory_space<hbm>> -> memref<128x256xf32, #tpu.memory_space<hbm>>
      tpu.wait_dma2 semaphore(%arg18 : memref<!tpu.dma_semaphore, #tpu.memory_space<semaphore_mem>>) src(%arg9 : memref<128x256xf32, #tpu.memory_space<vmem>>) dst(%dma_wait3A_557 : memref<128x256xf32, #tpu.memory_space<hbm>>)
    } else {
    }
    %gt3A_540 = arith.constant 0 : i32
    %gt3A_541 = arith.cmpi sgt, %min3A_359, %gt3A_540 : i32
    %convert_element_type3A_542 = arith.extui %gt3A_541 : i1 to i32
    %cond3A_543 = arith.constant 0 : i32
    %cond3A_544 = arith.cmpi ne, %convert_element_type3A_542, %cond3A_543 : i32
    scf.if %cond3A_544 {
      %dma_wait3A = arith.constant 0 : i32
      %dma_wait3A_555 = tpu.memref_slice %arg4[%mul3A_364, %dma_wait3A] : memref<32768x256xf32, #tpu.memory_space<hbm>> -> memref<128x256xf32, #tpu.memory_space<hbm>>
      %dma_wait3A_556 = arith.constant 0 : i32
      %dma_wait3A_557 = tpu.memref_slice %arg4[%mul3A_364, %dma_wait3A_556] : memref<32768x256xf32, #tpu.memory_space<hbm>> -> memref<128x256xf32, #tpu.memory_space<hbm>>
      tpu.wait_dma2 semaphore(%arg16 : memref<!tpu.dma_semaphore, #tpu.memory_space<semaphore_mem>>) src(%arg7 : memref<128x256xf32, #tpu.memory_space<vmem>>) dst(%dma_wait3A_557 : memref<128x256xf32, #tpu.memory_space<hbm>>)
    } else {
    }
    %gt3A_545 = arith.constant 0 : i32
    %gt3A_546 = arith.cmpi sgt, %min3A_408, %gt3A_545 : i32
    %convert_element_type3A_547 = arith.extui %gt3A_546 : i1 to i32
    %cond3A_548 = arith.constant 0 : i32
    %cond3A_549 = arith.cmpi ne, %convert_element_type3A_547, %cond3A_548 : i32
    scf.if %cond3A_549 {
      %dma_wait3A = arith.constant 0 : i32
      %dma_wait3A_555 = tpu.memref_slice %arg4[%mul3A_413, %dma_wait3A] : memref<32768x256xf32, #tpu.memory_space<hbm>> -> memref<128x256xf32, #tpu.memory_space<hbm>>
      %dma_wait3A_556 = arith.constant 0 : i32
      %dma_wait3A_557 = tpu.memref_slice %arg4[%mul3A_413, %dma_wait3A_556] : memref<32768x256xf32, #tpu.memory_space<hbm>> -> memref<128x256xf32, #tpu.memory_space<hbm>>
      tpu.wait_dma2 semaphore(%arg17 : memref<!tpu.dma_semaphore, #tpu.memory_space<semaphore_mem>>) src(%arg8 : memref<128x256xf32, #tpu.memory_space<vmem>>) dst(%dma_wait3A_557 : memref<128x256xf32, #tpu.memory_space<hbm>>)
    } else {
    }
    %scan3A_550 = arith.constant 0 : i32
    %scan3A_551 = arith.constant 8 : i32
    %scan3A_552 = arith.addi %scan3A_550, %scan3A_551 : i32
    %scan3A_553 = arith.constant 1 : i32
    scf.for %scan3A_555 = %scan3A_550 to %scan3A_552 step %scan3A_553  : i32 {
      %mul3A_556 = arith.constant 1 : i32
      %mul3A_557 = arith.muli %scan3A_555, %mul3A_556 : i32
      %add3A_558 = arith.constant 0 : i32
      %add3A_559 = arith.addi %add3A_558, %mul3A_557 : i32
      %jit3A_560 = arith.constant 2 : i32
      %eq3A_561 = arith.constant 0 : i32
      %eq3A_562 = arith.cmpi eq, %jit3A_560, %eq3A_561 : i32
      %jit3A_563 = arith.constant 1 : i32
      %select_n3A_564 = arith.select %eq3A_562, %jit3A_563, %jit3A_560 : i32
      %rem3A_565 = arith.remsi %add3A_559, %select_n3A_564 : i32
      %ne3A_566 = arith.constant 0 : i32
      %ne3A_567 = arith.cmpi ne, %rem3A_565, %ne3A_566 : i32
      %lt3A_568 = arith.constant 0 : i32
      %lt3A_569 = arith.cmpi slt, %rem3A_565, %lt3A_568 : i32
      %lt3A_570 = arith.constant 0 : i32
      %lt3A_571 = arith.cmpi slt, %select_n3A_564, %lt3A_570 : i32
      %ne3A_572 = arith.xori %lt3A_569, %lt3A_571 : i1
      %and3A_573 = arith.andi %ne3A_572, %ne3A_567 : i1
      %add3A_574 = arith.addi %rem3A_565, %select_n3A_564 : i32
      %select_n3A_575 = arith.select %and3A_573, %add3A_574, %rem3A_565 : i32
      %eq3A_576 = arith.constant 0 : i32
      %eq3A_577 = arith.cmpi eq, %select_n3A_575, %eq3A_576 : i32
      %sub3A_578 = arith.constant 15 : i32
      %sub3A_579 = arith.subi %sub3A_578, %select_n3A_11 : i32
      %select_n3A_580 = arith.select %eq3A_577, %select_n3A_11, %sub3A_579 : i32
      %jit3A_581 = arith.constant 2 : i32
      %div3A_582 = arith.divsi %add3A_559, %jit3A_581 : i32
      %sign3A_583 = arith.constant 0 : i32
      %sign3A_584 = arith.cmpi sgt, %add3A_559, %sign3A_583 : i32
      %sign3A_585 = arith.extui %sign3A_584 : i1 to i32
      %sign3A_586 = arith.constant 0 : i32
      %sign3A_587 = arith.cmpi slt, %add3A_559, %sign3A_586 : i32
      %sign3A_588 = arith.extui %sign3A_587 : i1 to i32
      %sign3A_589 = arith.subi %sign3A_585, %sign3A_588 : i32
      %sign3A_590 = arith.constant 0 : i32
      %sign3A_591 = arith.cmpi sgt, %jit3A_581, %sign3A_590 : i32
      %sign3A_592 = arith.extui %sign3A_591 : i1 to i32
      %sign3A_593 = arith.constant 0 : i32
      %sign3A_594 = arith.cmpi slt, %jit3A_581, %sign3A_593 : i32
      %sign3A_595 = arith.extui %sign3A_594 : i1 to i32
      %sign3A_596 = arith.subi %sign3A_592, %sign3A_595 : i32
      %ne3A_597 = arith.cmpi ne, %sign3A_589, %sign3A_596 : i32
      %rem3A_598 = arith.remsi %add3A_559, %jit3A_581 : i32
      %ne3A_599 = arith.constant 0 : i32
      %ne3A_600 = arith.cmpi ne, %rem3A_598, %ne3A_599 : i32
      %and3A_601 = arith.andi %ne3A_597, %ne3A_600 : i1
      %sub3A_602 = arith.constant 1 : i32
      %sub3A_603 = arith.subi %div3A_582, %sub3A_602 : i32
      %select_n3A_604 = arith.select %and3A_601, %sub3A_603, %div3A_582 : i32
      %mul3A_605 = arith.constant 4 : i32
      %mul3A_606 = arith.muli %mul3A_605, %select_n3A_604 : i32
      %add3A_607 = arith.addi %select_n3A_32, %mul3A_606 : i32
      %eq3A_608 = vector.broadcast %select_n3A_580 : i32 to vector<16xi32>
      %eq3A_609 = arith.cmpi eq, %iota3A, %eq3A_608 : vector<16xi32>
      %jit3A_610 = arith.constant 0 : i32
      %broadcast_in_dim3A_611 = vector.broadcast %jit3A_610 : i32 to vector<16xi32>
      %select_n3A_612 = arith.select %eq3A_609, %get3A_1, %broadcast_in_dim3A_611 : vector<16xi1>, vector<16xi32>
      %reduce_sum3A_613 = arith.constant true
      %reduce_sum3A_614 = vector.broadcast %reduce_sum3A_613 : i1 to vector<16xi1>
      %reduce_sum3A_615 = tpu.scan <sum>, %select_n3A_612 masked %reduce_sum3A_614 : vector<16xi32>, vector<16xi1> -> vector<16xi32>
      %reduce_sum3A_616 = vector.extract %reduce_sum3A_615[15] : i32 from vector<16xi32>
      %jit3A_617 = arith.constant 2 : i32
      %div3A_618 = arith.divsi %reduce_sum3A_616, %jit3A_617 : i32
      %sign3A_619 = arith.constant 0 : i32
      %sign3A_620 = arith.cmpi sgt, %reduce_sum3A_616, %sign3A_619 : i32
      %sign3A_621 = arith.extui %sign3A_620 : i1 to i32
      %sign3A_622 = arith.constant 0 : i32
      %sign3A_623 = arith.cmpi slt, %reduce_sum3A_616, %sign3A_622 : i32
      %sign3A_624 = arith.extui %sign3A_623 : i1 to i32
      %sign3A_625 = arith.subi %sign3A_621, %sign3A_624 : i32
      %sign3A_626 = arith.constant 0 : i32
      %sign3A_627 = arith.cmpi sgt, %jit3A_617, %sign3A_626 : i32
      %sign3A_628 = arith.extui %sign3A_627 : i1 to i32
      %sign3A_629 = arith.constant 0 : i32
      %sign3A_630 = arith.cmpi slt, %jit3A_617, %sign3A_629 : i32
      %sign3A_631 = arith.extui %sign3A_630 : i1 to i32
      %sign3A_632 = arith.subi %sign3A_628, %sign3A_631 : i32
      %ne3A_633 = arith.cmpi ne, %sign3A_625, %sign3A_632 : i32
      %rem3A_634 = arith.remsi %reduce_sum3A_616, %jit3A_617 : i32
      %ne3A_635 = arith.constant 0 : i32
      %ne3A_636 = arith.cmpi ne, %rem3A_634, %ne3A_635 : i32
      %and3A_637 = arith.andi %ne3A_633, %ne3A_636 : i1
      %sub3A_638 = arith.constant 1 : i32
      %sub3A_639 = arith.subi %div3A_618, %sub3A_638 : i32
      %select_n3A_640 = arith.select %and3A_637, %sub3A_639, %div3A_618 : i32
      %mul3A_641 = arith.constant 128 : i32
      %mul3A_642 = arith.muli %add3A_607, %mul3A_641 : i32
      %sub3A_643 = arith.subi %select_n3A_640, %mul3A_642 : i32
      %jit3A_644 = arith.constant 0 : i32
      %jit3A_645 = arith.constant 128 : i32
      %max3A_646 = arith.maxsi %jit3A_644, %sub3A_643 : i32
      %min3A_647 = arith.minsi %jit3A_645, %max3A_646 : i32
      %mul3A_648 = arith.constant 16 : i32
      %mul3A_649 = arith.muli %select_n3A_580, %mul3A_648 : i32
      %add3A_650 = arith.addi %mul3A_649, %add3A_607 : i32
      %mul3A_651 = arith.constant 128 : i32
      %mul3A_652 = arith.muli %add3A_650, %mul3A_651 : i32
      %eq3A_653 = arith.constant 0 : i32
      %eq3A_654 = arith.cmpi eq, %min3A_647, %eq3A_653 : i32
      %convert_element_type3A_655 = arith.extui %eq3A_654 : i1 to i32
      %cond3A_656 = arith.constant 0 : i32
      %cond3A_657 = arith.cmpi ne, %convert_element_type3A_655, %cond3A_656 : i32
      scf.if %cond3A_657 {
        %add3A_658 = arith.constant 0 : i32
        %add3A_659 = arith.addi %mul3A_652, %add3A_658 : i32
        %dma_wait3A = arith.constant 0 : i32
        %dma_wait3A_660 = tpu.memref_slice %arg4[%add3A_659, %dma_wait3A] : memref<32768x256xf32, #tpu.memory_space<hbm>> -> memref<64x256xf32, #tpu.memory_space<hbm>>
        %dma_wait3A_661 = arith.constant 0 : i32
        %dma_wait3A_662 = tpu.memref_slice %arg4[%add3A_659, %dma_wait3A_661] : memref<32768x256xf32, #tpu.memory_space<hbm>> -> memref<64x256xf32, #tpu.memory_space<hbm>>
        tpu.wait_dma2 semaphore(%arg19 : memref<!tpu.dma_semaphore, #tpu.memory_space<semaphore_mem>>) src(%arg10 : memref<64x256xf32, #tpu.memory_space<vmem>>) dst(%dma_wait3A_662 : memref<64x256xf32, #tpu.memory_space<hbm>>)
        %add3A_663 = arith.constant 64 : i32
        %add3A_664 = arith.addi %mul3A_652, %add3A_663 : i32
        %dma_wait3A_665 = arith.constant 0 : i32
        %dma_wait3A_666 = tpu.memref_slice %arg4[%add3A_664, %dma_wait3A_665] : memref<32768x256xf32, #tpu.memory_space<hbm>> -> memref<64x256xf32, #tpu.memory_space<hbm>>
        %dma_wait3A_667 = arith.constant 0 : i32
        %dma_wait3A_668 = tpu.memref_slice %arg4[%add3A_664, %dma_wait3A_667] : memref<32768x256xf32, #tpu.memory_space<hbm>> -> memref<64x256xf32, #tpu.memory_space<hbm>>
        tpu.wait_dma2 semaphore(%arg19 : memref<!tpu.dma_semaphore, #tpu.memory_space<semaphore_mem>>) src(%arg10 : memref<64x256xf32, #tpu.memory_space<vmem>>) dst(%dma_wait3A_668 : memref<64x256xf32, #tpu.memory_space<hbm>>)
      } else {
      }
    }
    %scan3A_554 = arith.constant 8 : i32
    return
  }
}

</mosaic_0001>

<sc_bundles>
// kernel: kernel.3.cloned.1.call-start
scs
__scs_entry_jumppad:
0x0: {  	(pc) =	sbr.rel $0x88, $3  }
0x1: {  	(tag) =	ssettag $0x0;
	lr =	simm.s32 $0x1  }
0x2: {  	[smem:$0x3F9F] =	sst lr;
	_ =	strace $0xD0000000  }
0x3: {  	_ = 	snop  }
0x4: {  	_ = 	snop  }
0x5: {  	_ = 	snop  }
0x6: {  	_ = 	snop  }
0x7: {  	_ = 	snop  }
__scs_overlays_trampoline_lowered:
0x8: {  	[smem:$0x3FAE] =	sst s0  }
0x9: {  	[smem:$0x3FAF] =	sst s1  }
0xa: {  	[smem:$0x3FB0] =	sst s2  }
0xb: {  	[smem:$0x3FB1] =	sst s3  }
0xc: {  	[smem:$0x3FB2] =	sst s4  }
0xd: {  	[smem:$0x3FB3] =	sst s5  }
0xe: {  	[smem:$0x3FB4] =	sst s6  }
0xf: {  	[smem:$0x3FB5] =	sst s7  }
0x10: {  	[smem:$0x3FB6] =	sst s8  }
0x11: {  	[smem:$0x3FB7] =	sst s9;
	s0 =	simm.s32 @!p0 $0x0  }
0x12: {  	s1 =	sld [smem:$0x3F9D];
	s0 =	simm.s32 @p0 $0x1  }
0x13: {  	[smem:$0x3FB8] =	sst s0;
	s0 =	simm.s32 @!p1 $0x0  }
0x14: {  	s2 =	sld [smem:$0x3F9C];
	s0 =	simm.s32 @p1 $0x1  }
0x15: {  	[smem:$0x3FB9] =	sst s0;
	s0 =	simm.s32 @!p2 $0x0  }
0x16: {  	s3 =	sld [smem:$0x3FDB];
	s0 =	simm.s32 @p2 $0x1  }
0x17: {  	s4 =	simm.s32 $0x1BF5;
	[smem:$0x3FBB] =	sst s0  }
0x18: {  	s0 =	sld [smem:$0x3F9E];
	_ =	swait.ge [sflag:s4], $0x0  }
0x19: {  	s7 =	sld [smem:$0x3F9F]  }
0x1a: {  	s8 =	sadd.s32 $0xFFFFE003, lr  }
0x1b: {  	s9 =	sadd.s32 $0xFFFFFEF7, lr;
	s5 =	simm.s32 $0xFFFFFFFF;
	p2 =	slt.u32 s8, $0xFFFFF086  }
0x1c: {  	p1 =	slt.u32 s9, $0xF7A;
	s5 =	simm.s32 @!p2 $0x0  }
0x1d: {  	s5 =	simm.s32 @p1 $0x1;
	p0 =	seq.s32 s7, s2  }
0x1e: {  	s7 =	smul.u32 @!p0 $0xF7A, s2;
	p2 =	seq.s32 @!p0 s5, $0x0  }
0x1f: {  	s9 =	smul.u32 $0xF7A, s1;
	s8 =	simm.s32 @!p0 $0x1BF5;
	p2 =	por !p2, p0  }
0x20: {  	[sflag:s8] =	ssyncset.s32 @!p0 $0xFFFFF086;
	s6 =	sadd.s32 @!p0 s3, s7;
	s7 =	simm.s32 @!p0 $0x108  }
0x21: {  	s3 =	sadd.s32 s3, s9;
	s6 =	sadd.s32 @!p0 $0x88, s6;
	s7 =	simm.s32 @p2 $0x1082  }
0x22: {  	[simem:s7], [sflag:s8] =	dma.local @!p0 [hbm:s6], $0xF7A  }
0x23: {  	s9 =	sor.u32 $0xD0000000, s2;
	s6 =	simm.s32 $0x108;
	_ =	swait.ge @!p0 [sflag:s8], $0x0  }
0x24: {  	s3 =	sadd.s32 $0x88, s3;
	s6 =	simm.s32 @!p1 $0x1082;
	[sflag:s4] =	ssyncset.s32 $0xFFFFF086  }
0x25: {  	[simem:s6], [sflag:s4] =	dma.local [hbm:s3], $0xF7A  }
0x26: {  	[smem:$0x3F9F] =	sst s1;
	(tag) =	ssettag s2;
	_ =	strace s9  }
0x27: {  	s1 =	sld [smem:$0x3FAF]  }
0x28: {  	s2 =	sld [smem:$0x3FB0]  }
0x29: {  	s4 =	sld [smem:$0x3FB2]  }
0x2a: {  	p0 =	seq.s32 s5, $0x0;
	s5 =	sld [smem:$0x3FB3]  }
0x2b: {  	s6 =	sld [smem:$0x3FB4]  }
0x2c: {  	s7 =	sld [smem:$0x3FB5]  }
0x2d: {  	s3 =	simm.s32 $0x108;
	s8 =	sld [smem:$0x3FB6]  }
0x2e: {  	s3 =	simm.s32 @!p0 $0x1082;
	s9 =	sld [smem:$0x3FB7]  }
0x2f: {  	lr =	sadd.s32 s0, s3;
	s0 =	sld [smem:$0x3FAE]  }
0x30: {  	s3 =	sld [smem:$0x3FB1]  }
0x31: {  	[smem:$0x3FBA] =	sst s10  }
0x32: {  	s10 =	sld [smem:$0x3FB8];
	_ =	sdelay $0x3  }
0x33: {  	p0 =	seq.s32 s10, $0x1;
	s10 =	sld [smem:$0x3FBA];
	_ =	sdelay $0x3  }
0x34: {  	[smem:$0x3FBA] =	sst s10  }
0x35: {  	s10 =	sld [smem:$0x3FB9];
	_ =	sdelay $0x3  }
0x36: {  	p1 =	seq.s32 s10, $0x1;
	s10 =	sld [smem:$0x3FBA];
	_ =	sdelay $0x3  }
0x37: {  	[smem:$0x3FBA] =	sst s10  }
0x38: {  	s10 =	sld [smem:$0x3FBB]  }
0x39: {  	_ = 	snop;
	(pc) =	sbr.ind lr, $3  }
0x3a: {  	_ = 	snop  }
0x3b: {  	_ = 	snop  }
0x3c: {  	p2 =	seq.s32 s10, $0x1;
	s10 =	sld [smem:$0x3FBA]  }
0x3d: {  	_ =	shalt  }
0x3e: {  	_ =	shalt  }
0x3f: {  	_ =	shalt  }
0x40: {  	_ =	shalt  }
0x41: {  	_ =	shalt  }
0x42: {  	_ =	shalt  }
0x43: {  	_ =	shalt  }
0x44: {  	_ =	shalt  }
0x45: {  	_ =	shalt  }
0x46: {  	_ =	shalt  }
0x47: {  	_ =	shalt  }
0x48: {  	_ =	shalt  }
0x49: {  	_ =	shalt  }
0x4a: {  	_ =	shalt  }
0x4b: {  	_ =	shalt  }
0x4c: {  	_ =	shalt  }
0x4d: {  	_ =	shalt  }
0x4e: {  	_ =	shalt  }
0x4f: {  	_ =	shalt  }
0x50: {  	_ =	shalt  }
0x51: {  	_ =	shalt  }
0x52: {  	_ =	shalt  }
0x53: {  	_ =	shalt  }
0x54: {  	_ =	shalt  }
0x55: {  	_ =	shalt  }
0x56: {  	_ =	shalt  }
0x57: {  	_ =	shalt  }
0x58: {  	_ =	shalt  }
0x59: {  	_ =	shalt  }
0x5a: {  	_ =	shalt  }
0x5b: {  	_ =	shalt  }
0x5c: {  	_ =	shalt  }
0x5d: {  	_ =	shalt  }
0x5e: {  	_ =	shalt  }
0x5f: {  	_ =	shalt  }
0x60: {  	_ =	shalt  }
0x61: {  	_ =	shalt  }
0x62: {  	_ =	shalt  }
0x63: {  	_ =	shalt  }
0x64: {  	_ =	shalt  }
0x65: {  	_ =	shalt  }
0x66: {  	_ =	shalt  }
0x67: {  	_ =	shalt  }
0x68: {  	_ =	shalt  }
0x69: {  	_ =	shalt  }
0x6a: {  	_ =	shalt  }
0x6b: {  	_ =	shalt  }
0x6c: {  	_ =	shalt  }
0x6d: {  	_ =	shalt  }
0x6e: {  	_ =	shalt  }
0x6f: {  	_ =	shalt  }
0x70: {  	_ =	shalt  }
0x71: {  	_ =	shalt  }
0x72: {  	_ =	shalt  }
0x73: {  	_ =	shalt  }
0x74: {  	_ =	shalt  }
0x75: {  	_ =	shalt  }
0x76: {  	_ =	shalt  }
0x77: {  	_ =	shalt  }
0x78: {  	_ =	shalt  }
0x79: {  	_ =	shalt  }
0x7a: {  	_ =	shalt  }
0x7b: {  	_ =	shalt  }
0x7c: {  	_ =	shalt  }
0x7d: {  	_ =	shalt  }
0x7e: {  	_ =	shalt  }
0x7f: {  	_ =	shalt  }
0x80: {  	_ =	shalt  }
0x81: {  	_ =	shalt  }
0x82: {  	_ =	shalt  }
0x83: {  	_ =	shalt  }
0x84: {  	_ =	shalt  }
0x85: {  	_ =	shalt  }
0x86: {  	_ =	shalt  }
0x87: {  	_ =	shalt  }
.Lfunc_end0:
.L_simem_size_0:
called_computation_lowered:
.L_overlay_start_0:
0x88: {  	s2 =	sld [smem:$0x3FD9]  }
0x89: {  	s3 =	sld [smem:$0x3FFE];
	_ =	sdelay $0x1  }
0x8a: {  	s1 =	srdreg.scid  }
0x8b: {  	s0 =	sand.u32 $0x1, s1  }
0x8c: {  	s15 =	sshll.u32 s0, $0xA;
	s2 =	sadd.s32 s3, s2  }
0x8d: {  	s2 =	sadd.s32 s2, s15  }
0x8e: {  	[smem:$0x3FC6] =	sst s2  }
0x8f: {  	_ = 	snop  }
0x90: {  	s2 =	sld [smem:$0x3FD0];
	_ =	sdelay $0x1  }
0x91: {  	s16 =	sld [smem:$0x3FC9]  }
0x92: {  	s5 =	simm.s32 $0xA;
	s6 =	simm.s32 $0x10;
	s4 =	sld [smem:$0x3FC8]  }
0x93: {  	[smem:s6], [sflag:s5] =	dma.local [hbm:s2], $0x1  }
0x94: {  	_ =	swait.eq [sflag:s5], $0x1  }
0x95: {  	[sflag:s5] =	ssyncset.done $0x0  }
0x96: {  	s17 =	sld [smem:$0x10];
	[sflag:s5] =	ssyncadd.s32 $0xFFFFFFFF  }
0x97: {  	s18 =	sld [smem:$0x11];
	(tm) =	ssettm $0x1  }
0x98: {  	s19 =	sld [smem:$0x3FFB];
	_ =	sdelay $0x3  }
0x99: {  	_ =	strace s19  }
0x9a: {  	s6 =	sld [smem:$0x3FFC];
	_ =	sdelay $0x3  }
0x9b: {  	_ =	strace s6  }
0x9c: {  	s6 =	sld [smem:$0x3FFD];
	_ =	sdelay $0x3  }
0x9d: {  	_ =	strace s6  }
0x9e: {  	_ =	strace $0x8FFFFFFF  }
0x9f: {  	s20 =	sld [smem:$0x3FDB];
	_ =	sdelay $0x1  }
0xa0: {  	s7 =	simm.s32 $_scs_section_size  }
0xa1: {  	s8 =	simm.s32 $_size__tile_overlayer_lowered;
	s9 =	simm.s32 $_tile_overlayer_lowered  }
0xa2: {  	s23 =	simm.s32 $0x1BFF;
	s22 =	sshll.u32 s9, $0x1;
	s6 =	sadd.s32 s7, s20  }
0xa3: {  	s10 =	simm.s32 $0x0;
	s21 =	sshll.u32 s8, $0x1;
	s8 =	sadd.s32 s22, s6  }
0xa4: {  	[timem:s10], [sflag:s23] =	dma.local [hbm:s8], s21  }
0xa5: {  	_ =	swait.ge [sflag:s23], s21  }
0xa6: {  	s7 =	ssub.s32 $0x0, s21;
	[sflag:s23] =	ssyncset.done $0x0  }
0xa7: {  	[sflag:s23] =	ssyncadd.s32 s7;
	_ =	sdelay $0x1  }
0xa8: {  	s24 =	simm.s32 $0x1B8B  }
0xa9: {  	_ =	swait.ge [sflag:s24], $0x1  }
0xaa: {  	[sflag:s24] =	ssyncset.done $0x0  }
0xab: {  	s25 =	simm.s32 $0x1B8E;
	[sflag:s24] =	ssyncadd.s32 $0xFFFFFFFF  }
0xac: {  	s26 =	simm.s32 $execute0_lowered;
	[smem:$0x3FD2] =	sst s25  }
0xad: {  	s7 =	sshll.u32 s26, $0x1;
	_ =	strace $0x80000046;
	[dreg:$0x1] =	wrdreg $0xFFFFFFFF  }
0xae: {  	s28 =	simm.s32 $_size_execute0_lowered;
	s6 =	sadd.s32 s6, s7;
	[dreg:$0x0] =	wrdreg $0x0  }
0xaf: {  	s7 =	sshll.u32 s28, $0x1;
	[dreg:$0x2] =	wrdreg s6  }
0xb0: {  	[dreg:$0x3] =	wrdreg s7  }
0xb1: {  	[dreg:$0x4] =	wrdreg $0xC0  }
0xb2: {  	_ =	task [dreg:s10], $0x5FFFF  }
0xb3: {  	[dreg:$0x1] =	wrdreg $0xFFFFFFFF  }
0xb4: {  	[dreg:$0x0] =	wrdreg $0x60  }
0xb5: {  	[dreg:$0x2] =	wrdreg s16  }
0xb6: {  	[dreg:$0x3] =	wrdreg s4  }
0xb7: {  	[dreg:$0x4] =	wrdreg s17  }
0xb8: {  	[dreg:$0x5] =	wrdreg s18  }
0xb9: {  	[dreg:$0x6] =	wrdreg $0x9  }
0xba: {  	_ =	task.clear_ibuf [dreg:s10], $0x7FFFF;
	_ =	strace $0x90000046  }
0xbb: {  	s29 =	simm.s32 $0x9;
	_ =	strace $0x80000048  }
0xbc: {  	_ =	swait.ge [sflag:s29], $0x1  }
0xbd: {  	[sflag:s29] =	ssyncadd.s32 $0xFFFFFFFF  }
0xbe: {  	_ =	strace $0x90000048  }
0xbf: {  	_ =	sfence  }
0xc0: {  	s30 =	sld [smem:$0x0];
	_ =	sdelay $0x2  }
0xc1: {  	s31 =	sshll.u32 s1, $0xD;
	s1 =	sshrl.u32 s1, $0x2  }
0xc2: {  	s3 =	sand.u32 $0x4000, s31;
	s1 =	sadd.s32 s1, s30  }
0xc3: {  	s0 =	sor.u32 s3, s0;
	s1 =	sshll.u32 s1, $0x11  }
0xc4: {  	s0 =	sor.u32 s1, s0  }
0xc5: {  	s0 =	sadd.s32 $0x8F2B, s0  }
0xc6: {  	[sflag:s0] =	ssyncadd.remote.s32 $0x1  }
0xc7: {  	_ =	sfence.sel $0xFFFF  }
0xc8: {  	[dreg:$0x0] =	wrdreg $0xFFFFFFFF;
	(pc) =	sbr.abs _section_cstart, $3  }
0xc9: {  	[dreg:$0x1] =	wrdreg $0xFFFFFFFF  }
0xca: {  	_ =	task.clear_ibuf [dreg:s10], $0x2FFFF;
	_ =	strace $0x9FFFFFFF  }
0xcb: {  	(tm) =	ssettm $0x7FFFFFFF  }
tec
execute0_lowered:
.L_overlay_start_1:
0x0: {  	(tag) =	ssettag $0x1  }
0x1: {  	s1 =	rddreg [dreg:$0x0]  }
0x2: {  	s3 =	rddreg [dreg:$0x2];
	s6 =	simm.s32 $0x0;
	s0 =	srdreg.scid  }
0x3: {  	s5 =	stileid.u32;
	[smem:$0x7FF] =	sst s6  }
0x4: {  	s0 =	sand.u32 $0x1, s0;
	s2 =	sshll.u32 s5, $0x1;
	s8 =	sshrl.u32 s5, $0x2  }
0x5: {  	_ =	strace $0x80000047;
	s4 =	ssub.s32 $0x2, s0;
	s0 =	sor.u32 s0, s2  }
0x6: {  	s9 =	sshll.u32 s8, $0x7;
	s7 =	sor.u32 $0x4, s8;
	s14 =	sor.u32 $0x8, s8  }
0x7: {  	s20 =	sor.u32 $0xC, s8;
	s29 =	sshrl.u32 s4, $0x1;
	s12 =	sand.u32 $0x7, s0  }
0x8: {  	s19 =	sshll.u32 s7, $0x7;
	s15 =	sshll.u32 s14, $0x7;
	s21 =	sshll.u32 s20, $0x7  }
0x9: {  	p0 =	sne.s32 s0, $0x0;
	s28 =	ssub.s32 $0xFFFFFE00, s9;
	[dreg:$0x6] =	wrdreg s15  }
0xa: {  	s2 =	ssub.s32 s4, s29;
	s10 =	sxor.u32 $0xF, s12;
	[dreg:$0x7] =	wrdreg s21  }
0xb: {  	s30 =	sshll.u32 s12, $0x4;
	s15 =	sadd.s32 $0x800, s3;
	[dreg:$0x10] =	wrdreg s28  }
0xc: {  	[dreg:$0x5] =	wrdreg s19;
	s31 =	sshll.u32 s10, $0x4;
	s11 =	sor.u32 s8, s30  }
0xd: {  	s16 =	sor.u32 s7, s30;
	s17 =	sor.u32 s14, s30;
	s4 =	sor.u32 s20, s30  }
0xe: {  	s29 =	smax.u32 s2, $0x1;
	s30 =	ssub.s32 $0xFFFFFC00, s9;
	s13 =	sor.u32 s8, s31  }
0xf: {  	s7 =	sor.u32 s7, s31;
	s18 =	sor.u32 s14, s31;
	s5 =	sor.u32 s20, s31  }
0x10: {  	s14 =	sshll.u32 s8, $0x8;
	s11 =	sshll.u32 s11, $0xC;
	[dreg:$0x11] =	wrdreg s29  }
0x11: {  	s23 =	sshll.u32 s16, $0xC;
	[dreg:$0x12] =	wrdreg s30;
	s31 =	ssub.s32 $0xFFFFFA00, s9  }
0x12: {  	s4 =	sshll.u32 s4, $0xC;
	s11 =	sadd.s32 s3, s11;
	[dreg:$0x13] =	wrdreg s31  }
0x13: {  	s22 =	sshll.u32 s13, $0xC;
	s4 =	sadd.s32 s3, s4;
	[dreg:$0x8] =	wrdreg s11  }
0x14: {  	s7 =	sshll.u32 s7, $0xC;
	s11 =	sadd.s32 s3, s22;
	[dreg:$0xe] =	wrdreg s4  }
0x15: {  	s26 =	sshll.u32 s5, $0xC;
	s7 =	sadd.s32 s3, s7;
	[dreg:$0x9] =	wrdreg s11  }
0x16: {  	v0 =	vlaneseq.u32;
	s24 =	sshll.u32 s17, $0xC;
	s4 =	sadd.s32 s3, s26;
	[dreg:$0xb] =	wrdreg s7  }
0x17: {  	vm2 =	vmmov $0xffff;
	v1 =	vmul.u32 $0x2, v0;
	s17 =	simm.s32 $0x8400;
	s11 =	sadd.s32 s3, s23;
	[dreg:$0xf] =	wrdreg s4  }
0x18: {  	v4 =	vshrl.u32 v0, $0x3;
	v5 =	vor.u32 $0x8, v0;
	v2 =	vmov s12;
	s25 =	sshll.u32 s18, $0xC;
	s7 =	sadd.s32 s3, s24;
	[dreg:$0xa] =	wrdreg s11  }
0x19: {  	v4 =	vmul.u32 $0x8, v4;
	v3 =	vmov s10;
	vm1 =	veq.s32 v2, v0;
	s22 =	simm.s32 $0x0;
	[dreg:$0xc] =	wrdreg s7;
	s7 =	sadd.s32 s3, s25  }
0x1a: {  	v2 =	vimm.f32 $0.0e+00;
	vm0 =	veq.s32 v3, v0;
	v3 =	vand.u32 $0x7, v0;
	s23 =	simm.s32 $0x400;
	s24 =	simm.s32 $0x10400;
	[dreg:$0xd] =	wrdreg s7  }
.LBB2_1:
0x1b: {  	s0 =	rddreg [dreg:$0x1];
	s2 =	simm.s32 $0x1C400;
	s29 =	simm.s32 $0x8  }
0x1c: {  	s30 =	sand.u32 $0x8, s6;
	s31 =	sand.u32 $0xC00, s6;
	s5 =	sand.u32 $0x70, s6  }
0x1d: {  	[tilespmem:s2], [sflag:$0x8] =	stream.linear.gather [hbm4b:s0+s6], $0x80, $0x38;
	[tilespmem:$0x1C500] =	vst v63  }
0x1e: {  	p1 =	seq.s32 s30, $0x0;
	s0 =	smov.u32 s10;
	_ =	swait.ge [sflag:s29], $0x80  }
0x1f: {  	s4 =	simm.s32 $0x1;
	s0 =	smov.u32 @p1 s12;
	[sflag:s29] =	ssyncset.done $0x0  }
0x20: {  	s2 =	sor.u32 s14, s31;
	v7 =	vmov s5;
	s0 =	sshll.u32 s0, $0xC;
	[sflag:s29] =	ssyncadd.s32 $0xFFFFFF80  }
0x21: {  	s7 =	simm.s32 $0x0;
	v7 =	vshll.u32 v7, $0x1;
	s5 =	sor.u32 s2, s0;
	s2 =	simm.s32 $0x0;
	v6 =	vld [tilespmem:$0x1C400]  }
.LBB2_2:
0x22: {  	s0 =	sand.u32 $0x8, s4  }
0x23: {  	s5 =	sor.u32 $0x1, s5;
	v7 =	vor.u32 v1, v7;
	p1 =	sne.s32 s4, $0x3F;
	s4 =	sadd.s32 $0x1, s4  }
.Ltmp0:
0x24: {  	s7 =	sadd.s32 $0x10, s7;
	v7 =	vor.u32 s5, v7;
	s5 =	sshra.s32 s2, $0x2;
	(pc) =	sbr.rel @p1 .LBB2_2-.Ltmp0, $4  }
0x25: {  	p2 =	seq.s32 s0, $0x0;
	s2 =	sadd.s32 $0x40, s2;
	s0 =	smov.u32 s10;
	[tilespmem:s5+$0x0] =	vst v7  }
0x26: {  	s11 =	sand.u32 $0x70, s7;
	s0 =	smov.u32 @p2 s12;
	s5 =	sand.u32 $0xC00, s2  }
0x27: {  	v7 =	vmov s11;
	s0 =	sshll.u32 s0, $0xC;
	s5 =	sor.u32 s14, s5  }
0x28: {  	v7 =	vshll.u32 v7, $0x1;
	s5 =	sor.u32 s5, s0  }
0x29: {  	v8 =	vnsel vm1, $0x0, v6  }
0x2a: {  	(xrf0) =	vadd.scan.msk.s32 $0xffff, v8;
	_ =	sdelay $0x5  }
0x2b: {  	v8, _, _ =	vpop (xrf0)  }
0x2c: {  	(v2sf) =	vpush v8, $0xF;
	_ =	sdelay $0x4  }
0x2d: {  	v8 =	vnsel vm0, $0x0, v6  }
0x2e: {  	(xrf0) =	vadd.scan.msk.s32 $0xffff, v8;
	_ =	sdelay $0x5  }
0x2f: {  	v8, _, _ =	vpop (xrf0)  }
0x30: {  	(v2sf) =	vpush v8, $0xF;
	_ =	sdelay $0x1  }
0x31: {  	s0 =	spop (v2sf)  }
0x32: {  	s4 =	sand.u32 $0x1, s0  }
0x33: {  	p1 =	slt.s32 s0, $0x1;
	p2 =	seq.s32 s4, $0x1  }
0x34: {  	s29 =	sshrl.u32 s0, $0x1F;
	p1 =	por !p1, !p2  }
0x35: {  	s0 =	sadd.s32 s29, s0;
	s4 =	simm.s32 $0x1;
	p4 =	por !p1, !p1  }
0x36: {  	s0 =	sshra.s32 s0, $0x1;
	s4 =	simm.s32 @!p4 $0x0  }
0x37: {  	s28 =	ssub.s32 s0, s4  }
0x38: {  	s4 =	ssub.s32 s28, s9  }
0x39: {  	p3 =	slt.s32 s4, $0x1  }
.Ltmp1:
0x3a: {  	_ = 	snop;
	(pc) =	sbr.rel @p3 .LBB2_5-.Ltmp1, $4  }
0x3b: {  	_ = 	snop  }
0x3c: {  	s30 =	sor.u32 $0x1, s5;
	v7 =	vor.u32 v1, v7  }
0x3d: {  	s31 =	sshra.s32 s2, $0x2;
	v7 =	vor.u32 s30, v7  }
0x3e: {  	[tilespmem:s31+$0x0] =	vst v7;
	[dreg:$0x15] =	wrdreg s0;
	s2 =	spop (v2sf)  }
0x3f: {  	v7 =	vld [tilespmem:$0x0];
	_ =	sdelay $0x4  }
0x40: {  	v8 =	vshll.u32 v7, $0x1  }
0x41: {  	v7 =	vand.u32 $0x7, v7;
	v8 =	vand.u32 $0xFFFFFFF0, v8  }
0x42: {  	v7 =	vor.u32 v7, v8  }
0x43: {  	v8 =	vperm.xlane v7, v3;
	_ =	sdelay $0x1  }
0x44: {  	v7 =	vperm.xlane v7, v5;
	v8 =	vadd.s32 v4, v8;
	_ =	sdelay $0x1  }
0x45: {  	v7 =	vadd.s32 v4, v7;
	_ =	sdelay $0x2  }
0x46: {  	[tilespmem:s23], [sflag:$0x1] =	stream.indirect_vreg.gather [hbm4b:s1+s6], $0x80, v8, vm2, $0xb8;
	[tilespmem:$0x1C500] =	vst v63  }
0x47: {  	s0 =	simm.s32 $0xC00  }
0x48: {  	[tilespmem:s0], [sflag:$0x1] =	stream.indirect_vreg.gather [hbm4b:s1+s6], $0x80, v7, vm2, $0xb8;
	[tilespmem:$0x1C500] =	vst v63  }
0x49: {  	v7 =	vld [tilespmem:$0x10];
	_ =	sdelay $0x4  }
0x4a: {  	v8 =	vshll.u32 v7, $0x1  }
0x4b: {  	v7 =	vand.u32 $0x7, v7;
	v8 =	vand.u32 $0xFFFFFFF0, v8  }
0x4c: {  	v7 =	vor.u32 v7, v8  }
0x4d: {  	v8 =	vperm.xlane v7, v3;
	_ =	sdelay $0x1  }
0x4e: {  	v7 =	vperm.xlane v7, v5;
	v8 =	vadd.s32 v4, v8;
	_ =	sdelay $0x1  }
0x4f: {  	v7 =	vadd.s32 v4, v7;
	_ =	sdelay $0x1  }
0x50: {  	s5 =	simm.s32 $0x1400  }
0x51: {  	[tilespmem:s5], [sflag:$0x1] =	stream.indirect_vreg.gather [hbm4b:s1+s6], $0x80, v8, vm2, $0xb8;
	[tilespmem:$0x1C500] =	vst v63  }
0x52: {  	s7 =	simm.s32 $0x1C00  }
0x53: {  	[tilespmem:s7], [sflag:$0x1] =	stream.indirect_vreg.gather [hbm4b:s1+s6], $0x80, v7, vm2, $0xb8;
	[tilespmem:$0x1C500] =	vst v63  }
0x54: {  	v7 =	vld [tilespmem:$0x20];
	_ =	sdelay $0x4  }
0x55: {  	v8 =	vshll.u32 v7, $0x1  }
0x56: {  	v7 =	vand.u32 $0x7, v7;
	v8 =	vand.u32 $0xFFFFFFF0, v8  }
0x57: {  	v7 =	vor.u32 v7, v8  }
0x58: {  	v8 =	vperm.xlane v7, v3;
	_ =	sdelay $0x1  }
0x59: {  	v7 =	vperm.xlane v7, v5;
	v8 =	vadd.s32 v4, v8;
	_ =	sdelay $0x1  }
0x5a: {  	v7 =	vadd.s32 v4, v7;
	_ =	sdelay $0x1  }
0x5b: {  	s11 =	simm.s32 $0x2400  }
0x5c: {  	[tilespmem:s11], [sflag:$0x1] =	stream.indirect_vreg.gather [hbm4b:s1+s6], $0x80, v8, vm2, $0xb8;
	[tilespmem:$0x1C500] =	vst v63  }
0x5d: {  	s13 =	simm.s32 $0x2C00  }
0x5e: {  	[tilespmem:s13], [sflag:$0x1] =	stream.indirect_vreg.gather [hbm4b:s1+s6], $0x80, v7, vm2, $0xb8;
	[tilespmem:$0x1C500] =	vst v63  }
0x5f: {  	v7 =	vld [tilespmem:$0x30];
	_ =	sdelay $0x4  }
0x60: {  	v8 =	vshll.u32 v7, $0x1  }
0x61: {  	v7 =	vand.u32 $0x7, v7;
	v8 =	vand.u32 $0xFFFFFFF0, v8  }
0x62: {  	v7 =	vor.u32 v7, v8  }
0x63: {  	v8 =	vperm.xlane v7, v3;
	_ =	sdelay $0x1  }
0x64: {  	v7 =	vperm.xlane v7, v5;
	v8 =	vadd.s32 v4, v8;
	_ =	sdelay $0x1  }
0x65: {  	v7 =	vadd.s32 v4, v7;
	_ =	sdelay $0x1  }
0x66: {  	s16 =	simm.s32 $0x3400  }
0x67: {  	[tilespmem:s16], [sflag:$0x1] =	stream.indirect_vreg.gather [hbm4b:s1+s6], $0x80, v8, vm2, $0xb8;
	[tilespmem:$0x1C500] =	vst v63  }
0x68: {  	s18 =	simm.s32 $0x3C00  }
0x69: {  	[tilespmem:s18], [sflag:$0x1] =	stream.indirect_vreg.gather [hbm4b:s1+s6], $0x80, v7, vm2, $0xb8;
	[tilespmem:$0x1C500] =	vst v63  }
0x6a: {  	v7 =	vld [tilespmem:$0x40];
	_ =	sdelay $0x4  }
0x6b: {  	v8 =	vshll.u32 v7, $0x1  }
0x6c: {  	v7 =	vand.u32 $0x7, v7;
	v8 =	vand.u32 $0xFFFFFFF0, v8  }
0x6d: {  	v7 =	vor.u32 v7, v8  }
0x6e: {  	v8 =	vperm.xlane v7, v3;
	_ =	sdelay $0x1  }
0x6f: {  	v7 =	vperm.xlane v7, v5;
	v8 =	vadd.s32 v4, v8;
	_ =	sdelay $0x1  }
0x70: {  	v7 =	vadd.s32 v4, v7;
	_ =	sdelay $0x1  }
0x71: {  	s20 =	simm.s32 $0x4400  }
0x72: {  	[tilespmem:s20], [sflag:$0x1] =	stream.indirect_vreg.gather [hbm4b:s1+s6], $0x80, v8, vm2, $0xb8;
	[tilespmem:$0x1C500] =	vst v63  }
0x73: {  	s21 =	simm.s32 $0x4C00  }
0x74: {  	[tilespmem:s21], [sflag:$0x1] =	stream.indirect_vreg.gather [hbm4b:s1+s6], $0x80, v7, vm2, $0xb8;
	[tilespmem:$0x1C500] =	vst v63  }
0x75: {  	v7 =	vld [tilespmem:$0x50];
	_ =	sdelay $0x4  }
0x76: {  	v8 =	vshll.u32 v7, $0x1  }
0x77: {  	v7 =	vand.u32 $0x7, v7;
	v8 =	vand.u32 $0xFFFFFFF0, v8  }
0x78: {  	v7 =	vor.u32 v7, v8  }
0x79: {  	v8 =	vperm.xlane v7, v3;
	_ =	sdelay $0x1  }
0x7a: {  	v7 =	vperm.xlane v7, v5;
	v8 =	vadd.s32 v4, v8;
	_ =	sdelay $0x1  }
0x7b: {  	v7 =	vadd.s32 v4, v7;
	_ =	sdelay $0x1  }
0x7c: {  	s23 =	simm.s32 $0x5400  }
0x7d: {  	[tilespmem:s23], [sflag:$0x1] =	stream.indirect_vreg.gather [hbm4b:s1+s6], $0x80, v8, vm2, $0xb8;
	[tilespmem:$0x1C500] =	vst v63  }
0x7e: {  	s25 =	simm.s32 $0x5C00  }
0x7f: {  	[tilespmem:s25], [sflag:$0x1] =	stream.indirect_vreg.gather [hbm4b:s1+s6], $0x80, v7, vm2, $0xb8;
	[tilespmem:$0x1C500] =	vst v63  }
0x80: {  	v7 =	vld [tilespmem:$0x60];
	_ =	sdelay $0x4  }
0x81: {  	v8 =	vshll.u32 v7, $0x1  }
0x82: {  	v7 =	vand.u32 $0x7, v7;
	v8 =	vand.u32 $0xFFFFFFF0, v8  }
0x83: {  	v7 =	vor.u32 v7, v8  }
0x84: {  	v8 =	vperm.xlane v7, v3;
	_ =	sdelay $0x1  }
0x85: {  	v7 =	vperm.xlane v7, v5;
	v8 =	vadd.s32 v4, v8;
	_ =	sdelay $0x1  }
0x86: {  	v7 =	vadd.s32 v4, v7;
	_ =	sdelay $0x1  }
0x87: {  	s26 =	simm.s32 $0x6400  }
0x88: {  	[tilespmem:s26], [sflag:$0x1] =	stream.indirect_vreg.gather [hbm4b:s1+s6], $0x80, v8, vm2, $0xb8;
	[tilespmem:$0x1C500] =	vst v63  }
0x89: {  	s29 =	simm.s32 $0x6C00  }
0x8a: {  	[tilespmem:s29], [sflag:$0x1] =	stream.indirect_vreg.gather [hbm4b:s1+s6], $0x80, v7, vm2, $0xb8;
	[tilespmem:$0x1C500] =	vst v63  }
0x8b: {  	v7 =	vld [tilespmem:$0x70];
	_ =	sdelay $0x4  }
0x8c: {  	v8 =	vshll.u32 v7, $0x1  }
0x8d: {  	v7 =	vand.u32 $0x7, v7;
	v8 =	vand.u32 $0xFFFFFFF0, v8  }
0x8e: {  	v7 =	vor.u32 v7, v8  }
0x8f: {  	v8 =	vperm.xlane v7, v3;
	_ =	sdelay $0x1  }
0x90: {  	v7 =	vperm.xlane v7, v5;
	v8 =	vadd.s32 v4, v8;
	_ =	sdelay $0x1  }
0x91: {  	v7 =	vadd.s32 v4, v7;
	_ =	sdelay $0x1  }
0x92: {  	s30 =	simm.s32 $0x7400  }
0x93: {  	[tilespmem:s30], [sflag:$0x1] =	stream.indirect_vreg.gather [hbm4b:s1+s6], $0x80, v8, vm2, $0xb8;
	[tilespmem:$0x1C500] =	vst v63  }
0x94: {  	s31 =	simm.s32 $0x7C00  }
0x95: {  	[tilespmem:s31], [sflag:$0x1] =	stream.indirect_vreg.gather [hbm4b:s1+s6], $0x80, v7, vm2, $0xb8;
	[tilespmem:$0x1C500] =	vst v63  }
.LBB2_5:
0x96: {  	s0 =	sand.u32 $0x1, s2  }
0x97: {  	p1 =	slt.s32 s2, $0x1;
	p2 =	seq.s32 s0, $0x1  }
0x98: {  	s31 =	sshrl.u32 s2, $0x1F;
	p1 =	por !p1, !p2  }
0x99: {  	s0 =	sadd.s32 s31, s2;
	s2 =	simm.s32 $0x1;
	p5 =	por !p1, !p1  }
0x9a: {  	s0 =	sshra.s32 s0, $0x1;
	s2 =	simm.s32 @!p5 $0x0  }
0x9b: {  	s2 =	ssub.s32 s0, s2  }
0x9c: {  	s30 =	ssub.s32 s2, s9  }
0x9d: {  	p2 =	slt.s32 s30, $0x1  }
.Ltmp2:
0x9e: {  	_ = 	snop;
	(pc) =	sbr.rel @p2 .LBB2_7-.Ltmp2, $2  }
0x9f: {  	_ =	sdelay $0x2  }
0xa0: {  	[dreg:$0x14] =	wrdreg s0  }
0xa1: {  	v7 =	vld [tilespmem:$0x80];
	_ =	sdelay $0x4  }
0xa2: {  	v8 =	vshll.u32 v7, $0x1  }
0xa3: {  	v7 =	vand.u32 $0x7, v7;
	v8 =	vand.u32 $0xFFFFFFF0, v8  }
0xa4: {  	v7 =	vor.u32 v7, v8  }
0xa5: {  	v8 =	vperm.xlane v7, v3;
	_ =	sdelay $0x1  }
0xa6: {  	v7 =	vperm.xlane v7, v5;
	v8 =	vadd.s32 v4, v8;
	_ =	sdelay $0x1  }
0xa7: {  	v7 =	vadd.s32 v4, v7;
	_ =	sdelay $0x2  }
0xa8: {  	[tilespmem:s17], [sflag:$0x2] =	stream.indirect_vreg.gather [hbm4b:s1+s6], $0x80, v8, vm2, $0xb8;
	[tilespmem:$0x1C500] =	vst v63  }
0xa9: {  	s0 =	simm.s32 $0x8C00  }
0xaa: {  	[tilespmem:s0], [sflag:$0x2] =	stream.indirect_vreg.gather [hbm4b:s1+s6], $0x80, v7, vm2, $0xb8;
	[tilespmem:$0x1C500] =	vst v63  }
0xab: {  	v7 =	vld [tilespmem:$0x90];
	_ =	sdelay $0x4  }
0xac: {  	v8 =	vshll.u32 v7, $0x1  }
0xad: {  	v7 =	vand.u32 $0x7, v7;
	v8 =	vand.u32 $0xFFFFFFF0, v8  }
0xae: {  	v7 =	vor.u32 v7, v8  }
0xaf: {  	v8 =	vperm.xlane v7, v3;
	_ =	sdelay $0x1  }
0xb0: {  	v7 =	vperm.xlane v7, v5;
	v8 =	vadd.s32 v4, v8;
	_ =	sdelay $0x1  }
0xb1: {  	v7 =	vadd.s32 v4, v7;
	_ =	sdelay $0x1  }
0xb2: {  	s5 =	simm.s32 $0x9400  }
0xb3: {  	[tilespmem:s5], [sflag:$0x2] =	stream.indirect_vreg.gather [hbm4b:s1+s6], $0x80, v8, vm2, $0xb8;
	[tilespmem:$0x1C500] =	vst v63  }
0xb4: {  	s7 =	simm.s32 $0x9C00  }
0xb5: {  	[tilespmem:s7], [sflag:$0x2] =	stream.indirect_vreg.gather [hbm4b:s1+s6], $0x80, v7, vm2, $0xb8;
	[tilespmem:$0x1C500] =	vst v63  }
0xb6: {  	v7 =	vld [tilespmem:$0xA0];
	_ =	sdelay $0x4  }
0xb7: {  	v8 =	vshll.u32 v7, $0x1  }
0xb8: {  	v7 =	vand.u32 $0x7, v7;
	v8 =	vand.u32 $0xFFFFFFF0, v8  }
0xb9: {  	v7 =	vor.u32 v7, v8  }
0xba: {  	v8 =	vperm.xlane v7, v3;
	_ =	sdelay $0x1  }
0xbb: {  	v7 =	vperm.xlane v7, v5;
	v8 =	vadd.s32 v4, v8;
	_ =	sdelay $0x1  }
0xbc: {  	v7 =	vadd.s32 v4, v7;
	_ =	sdelay $0x1  }
0xbd: {  	s11 =	simm.s32 $0xA400  }
0xbe: {  	[tilespmem:s11], [sflag:$0x2] =	stream.indirect_vreg.gather [hbm4b:s1+s6], $0x80, v8, vm2, $0xb8;
	[tilespmem:$0x1C500] =	vst v63  }
0xbf: {  	s13 =	simm.s32 $0xAC00  }
0xc0: {  	[tilespmem:s13], [sflag:$0x2] =	stream.indirect_vreg.gather [hbm4b:s1+s6], $0x80, v7, vm2, $0xb8;
	[tilespmem:$0x1C500] =	vst v63  }
0xc1: {  	v7 =	vld [tilespmem:$0xB0];
	_ =	sdelay $0x4  }
0xc2: {  	v8 =	vshll.u32 v7, $0x1  }
0xc3: {  	v7 =	vand.u32 $0x7, v7;
	v8 =	vand.u32 $0xFFFFFFF0, v8  }
0xc4: {  	v7 =	vor.u32 v7, v8  }
0xc5: {  	v8 =	vperm.xlane v7, v3;
	_ =	sdelay $0x1  }
0xc6: {  	v7 =	vperm.xlane v7, v5;
	v8 =	vadd.s32 v4, v8;
	_ =	sdelay $0x1  }
0xc7: {  	v7 =	vadd.s32 v4, v7;
	_ =	sdelay $0x1  }
0xc8: {  	s16 =	simm.s32 $0xB400  }
0xc9: {  	[tilespmem:s16], [sflag:$0x2] =	stream.indirect_vreg.gather [hbm4b:s1+s6], $0x80, v8, vm2, $0xb8;
	[tilespmem:$0x1C500] =	vst v63  }
0xca: {  	s17 =	simm.s32 $0xBC00  }
0xcb: {  	[tilespmem:s17], [sflag:$0x2] =	stream.indirect_vreg.gather [hbm4b:s1+s6], $0x80, v7, vm2, $0xb8;
	[tilespmem:$0x1C500] =	vst v63  }
0xcc: {  	v7 =	vld [tilespmem:$0xC0];
	_ =	sdelay $0x4  }
0xcd: {  	v8 =	vshll.u32 v7, $0x1  }
0xce: {  	v7 =	vand.u32 $0x7, v7;
	v8 =	vand.u32 $0xFFFFFFF0, v8  }
0xcf: {  	v7 =	vor.u32 v7, v8  }
0xd0: {  	v8 =	vperm.xlane v7, v3;
	_ =	sdelay $0x1  }
0xd1: {  	v7 =	vperm.xlane v7, v5;
	v8 =	vadd.s32 v4, v8;
	_ =	sdelay $0x1  }
0xd2: {  	v7 =	vadd.s32 v4, v7;
	_ =	sdelay $0x1  }
0xd3: {  	s18 =	simm.s32 $0xC400  }
0xd4: {  	[tilespmem:s18], [sflag:$0x2] =	stream.indirect_vreg.gather [hbm4b:s1+s6], $0x80, v8, vm2, $0xb8;
	[tilespmem:$0x1C500] =	vst v63  }
0xd5: {  	s20 =	simm.s32 $0xCC00  }
0xd6: {  	[tilespmem:s20], [sflag:$0x2] =	stream.indirect_vreg.gather [hbm4b:s1+s6], $0x80, v7, vm2, $0xb8;
	[tilespmem:$0x1C500] =	vst v63  }
0xd7: {  	v7 =	vld [tilespmem:$0xD0];
	_ =	sdelay $0x4  }
0xd8: {  	v8 =	vshll.u32 v7, $0x1  }
0xd9: {  	v7 =	vand.u32 $0x7, v7;
	v8 =	vand.u32 $0xFFFFFFF0, v8  }
0xda: {  	v7 =	vor.u32 v7, v8  }
0xdb: {  	v8 =	vperm.xlane v7, v3;
	_ =	sdelay $0x1  }
0xdc: {  	v7 =	vperm.xlane v7, v5;
	v8 =	vadd.s32 v4, v8;
	_ =	sdelay $0x1  }
0xdd: {  	v7 =	vadd.s32 v4, v7;
	_ =	sdelay $0x1  }
0xde: {  	s21 =	simm.s32 $0xD400  }
0xdf: {  	[tilespmem:s21], [sflag:$0x2] =	stream.indirect_vreg.gather [hbm4b:s1+s6], $0x80, v8, vm2, $0xb8;
	[tilespmem:$0x1C500] =	vst v63  }
0xe0: {  	s23 =	simm.s32 $0xDC00  }
0xe1: {  	[tilespmem:s23], [sflag:$0x2] =	stream.indirect_vreg.gather [hbm4b:s1+s6], $0x80, v7, vm2, $0xb8;
	[tilespmem:$0x1C500] =	vst v63  }
0xe2: {  	v7 =	vld [tilespmem:$0xE0];
	_ =	sdelay $0x4  }
0xe3: {  	v8 =	vshll.u32 v7, $0x1  }
0xe4: {  	v7 =	vand.u32 $0x7, v7;
	v8 =	vand.u32 $0xFFFFFFF0, v8  }
0xe5: {  	v7 =	vor.u32 v7, v8  }
0xe6: {  	v8 =	vperm.xlane v7, v3;
	_ =	sdelay $0x1  }
0xe7: {  	v7 =	vperm.xlane v7, v5;
	v8 =	vadd.s32 v4, v8;
	_ =	sdelay $0x1  }
0xe8: {  	v7 =	vadd.s32 v4, v7;
	_ =	sdelay $0x1  }
0xe9: {  	s25 =	simm.s32 $0xE400  }
0xea: {  	[tilespmem:s25], [sflag:$0x2] =	stream.indirect_vreg.gather [hbm4b:s1+s6], $0x80, v8, vm2, $0xb8;
	[tilespmem:$0x1C500] =	vst v63  }
0xeb: {  	s26 =	simm.s32 $0xEC00  }
0xec: {  	[tilespmem:s26], [sflag:$0x2] =	stream.indirect_vreg.gather [hbm4b:s1+s6], $0x80, v7, vm2, $0xb8;
	[tilespmem:$0x1C500] =	vst v63  }
0xed: {  	v7 =	vld [tilespmem:$0xF0];
	_ =	sdelay $0x4  }
0xee: {  	v8 =	vshll.u32 v7, $0x1  }
0xef: {  	v7 =	vand.u32 $0x7, v7;
	v8 =	vand.u32 $0xFFFFFFF0, v8  }
0xf0: {  	v7 =	vor.u32 v7, v8  }
0xf1: {  	v8 =	vperm.xlane v7, v3;
	_ =	sdelay $0x1  }
0xf2: {  	v7 =	vperm.xlane v7, v5;
	v8 =	vadd.s32 v4, v8;
	_ =	sdelay $0x1  }
0xf3: {  	v7 =	vadd.s32 v4, v7;
	_ =	sdelay $0x1  }
0xf4: {  	s29 =	simm.s32 $0xF400  }
0xf5: {  	[tilespmem:s29], [sflag:$0x2] =	stream.indirect_vreg.gather [hbm4b:s1+s6], $0x80, v8, vm2, $0xb8;
	[tilespmem:$0x1C500] =	vst v63  }
0xf6: {  	s31 =	simm.s32 $0xFC00  }
0xf7: {  	[tilespmem:s31], [sflag:$0x2] =	stream.indirect_vreg.gather [hbm4b:s1+s6], $0x80, v7, vm2, $0xb8;
	[tilespmem:$0x1C500] =	vst v63  }
.LBB2_7:
0xf8: {  	s21 =	ssub.s32 s28, s19  }
0xf9: {  	p1 =	slt.s32 s21, $0x1  }
.Ltmp3:
0xfa: {  	_ = 	snop;
	(pc) =	sbr.rel @p1 .LBB2_9-.Ltmp3, $1  }
0xfb: {  	_ =	sdelay $0x3  }
0xfc: {  	v7 =	vld [tilespmem:$0x100];
	_ =	sdelay $0x4  }
0xfd: {  	v8 =	vshll.u32 v7, $0x1  }
0xfe: {  	v7 =	vand.u32 $0x7, v7;
	v8 =	vand.u32 $0xFFFFFFF0, v8  }
0xff: {  	v7 =	vor.u32 v7, v8  }
0x100: {  	v8 =	vperm.xlane v7, v3;
	_ =	sdelay $0x1  }
0x101: {  	v7 =	vperm.xlane v7, v5;
	v8 =	vadd.s32 v4, v8;
	_ =	sdelay $0x1  }
0x102: {  	v7 =	vadd.s32 v4, v7;
	_ =	sdelay $0x2  }
0x103: {  	[tilespmem:s24], [sflag:$0x3] =	stream.indirect_vreg.gather [hbm4b:s1+s6], $0x80, v8, vm2, $0xb8;
	[tilespmem:$0x1C500] =	vst v63  }
0x104: {  	s0 =	simm.s32 $0x10C00  }
0x105: {  	[tilespmem:s0], [sflag:$0x3] =	stream.indirect_vreg.gather [hbm4b:s1+s6], $0x80, v7, vm2, $0xb8;
	[tilespmem:$0x1C500] =	vst v63  }
0x106: {  	v7 =	vld [tilespmem:$0x110];
	_ =	sdelay $0x4  }
0x107: {  	v8 =	vshll.u32 v7, $0x1  }
0x108: {  	v7 =	vand.u32 $0x7, v7;
	v8 =	vand.u32 $0xFFFFFFF0, v8  }
0x109: {  	v7 =	vor.u32 v7, v8  }
0x10a: {  	v8 =	vperm.xlane v7, v3;
	_ =	sdelay $0x1  }
0x10b: {  	v7 =	vperm.xlane v7, v5;
	v8 =	vadd.s32 v4, v8;
	_ =	sdelay $0x1  }
0x10c: {  	v7 =	vadd.s32 v4, v7;
	_ =	sdelay $0x1  }
0x10d: {  	s5 =	simm.s32 $0x11400  }
0x10e: {  	[tilespmem:s5], [sflag:$0x3] =	stream.indirect_vreg.gather [hbm4b:s1+s6], $0x80, v8, vm2, $0xb8;
	[tilespmem:$0x1C500] =	vst v63  }
0x10f: {  	s7 =	simm.s32 $0x11C00  }
0x110: {  	[tilespmem:s7], [sflag:$0x3] =	stream.indirect_vreg.gather [hbm4b:s1+s6], $0x80, v7, vm2, $0xb8;
	[tilespmem:$0x1C500] =	vst v63  }
0x111: {  	v7 =	vld [tilespmem:$0x120];
	_ =	sdelay $0x4  }
0x112: {  	v8 =	vshll.u32 v7, $0x1  }
0x113: {  	v7 =	vand.u32 $0x7, v7;
	v8 =	vand.u32 $0xFFFFFFF0, v8  }
0x114: {  	v7 =	vor.u32 v7, v8  }
0x115: {  	v8 =	vperm.xlane v7, v3;
	_ =	sdelay $0x1  }
0x116: {  	v7 =	vperm.xlane v7, v5;
	v8 =	vadd.s32 v4, v8;
	_ =	sdelay $0x1  }
0x117: {  	v7 =	vadd.s32 v4, v7;
	_ =	sdelay $0x1  }
0x118: {  	s11 =	simm.s32 $0x12400  }
0x119: {  	[tilespmem:s11], [sflag:$0x3] =	stream.indirect_vreg.gather [hbm4b:s1+s6], $0x80, v8, vm2, $0xb8;
	[tilespmem:$0x1C500] =	vst v63  }
0x11a: {  	s13 =	simm.s32 $0x12C00  }
0x11b: {  	[tilespmem:s13], [sflag:$0x3] =	stream.indirect_vreg.gather [hbm4b:s1+s6], $0x80, v7, vm2, $0xb8;
	[tilespmem:$0x1C500] =	vst v63  }
0x11c: {  	v7 =	vld [tilespmem:$0x130];
	_ =	sdelay $0x4  }
0x11d: {  	v8 =	vshll.u32 v7, $0x1  }
0x11e: {  	v7 =	vand.u32 $0x7, v7;
	v8 =	vand.u32 $0xFFFFFFF0, v8  }
0x11f: {  	v7 =	vor.u32 v7, v8  }
0x120: {  	v8 =	vperm.xlane v7, v3;
	_ =	sdelay $0x1  }
0x121: {  	v7 =	vperm.xlane v7, v5;
	v8 =	vadd.s32 v4, v8;
	_ =	sdelay $0x1  }
0x122: {  	v7 =	vadd.s32 v4, v7;
	_ =	sdelay $0x1  }
0x123: {  	s16 =	simm.s32 $0x13400  }
0x124: {  	[tilespmem:s16], [sflag:$0x3] =	stream.indirect_vreg.gather [hbm4b:s1+s6], $0x80, v8, vm2, $0xb8;
	[tilespmem:$0x1C500] =	vst v63  }
0x125: {  	s17 =	simm.s32 $0x13C00  }
0x126: {  	[tilespmem:s17], [sflag:$0x3] =	stream.indirect_vreg.gather [hbm4b:s1+s6], $0x80, v7, vm2, $0xb8;
	[tilespmem:$0x1C500] =	vst v63  }
0x127: {  	v7 =	vld [tilespmem:$0x140];
	_ =	sdelay $0x4  }
0x128: {  	v8 =	vshll.u32 v7, $0x1  }
0x129: {  	v7 =	vand.u32 $0x7, v7;
	v8 =	vand.u32 $0xFFFFFFF0, v8  }
0x12a: {  	v7 =	vor.u32 v7, v8  }
0x12b: {  	v8 =	vperm.xlane v7, v3;
	_ =	sdelay $0x1  }
0x12c: {  	v7 =	vperm.xlane v7, v5;
	v8 =	vadd.s32 v4, v8;
	_ =	sdelay $0x1  }
0x12d: {  	v7 =	vadd.s32 v4, v7;
	_ =	sdelay $0x1  }
0x12e: {  	s18 =	simm.s32 $0x14400  }
0x12f: {  	[tilespmem:s18], [sflag:$0x3] =	stream.indirect_vreg.gather [hbm4b:s1+s6], $0x80, v8, vm2, $0xb8;
	[tilespmem:$0x1C500] =	vst v63  }
0x130: {  	s20 =	simm.s32 $0x14C00  }
0x131: {  	[tilespmem:s20], [sflag:$0x3] =	stream.indirect_vreg.gather [hbm4b:s1+s6], $0x80, v7, vm2, $0xb8;
	[tilespmem:$0x1C500] =	vst v63  }
0x132: {  	v7 =	vld [tilespmem:$0x150];
	_ =	sdelay $0x4  }
0x133: {  	v8 =	vshll.u32 v7, $0x1  }
0x134: {  	v7 =	vand.u32 $0x7, v7;
	v8 =	vand.u32 $0xFFFFFFF0, v8  }
0x135: {  	v7 =	vor.u32 v7, v8  }
0x136: {  	v8 =	vperm.xlane v7, v3;
	_ =	sdelay $0x1  }
0x137: {  	v7 =	vperm.xlane v7, v5;
	v8 =	vadd.s32 v4, v8;
	_ =	sdelay $0x1  }
0x138: {  	v7 =	vadd.s32 v4, v7;
	_ =	sdelay $0x1  }
0x139: {  	s23 =	simm.s32 $0x15400  }
0x13a: {  	[tilespmem:s23], [sflag:$0x3] =	stream.indirect_vreg.gather [hbm4b:s1+s6], $0x80, v8, vm2, $0xb8;
	[tilespmem:$0x1C500] =	vst v63  }
0x13b: {  	s24 =	simm.s32 $0x15C00  }
0x13c: {  	[tilespmem:s24], [sflag:$0x3] =	stream.indirect_vreg.gather [hbm4b:s1+s6], $0x80, v7, vm2, $0xb8;
	[tilespmem:$0x1C500] =	vst v63  }
0x13d: {  	v7 =	vld [tilespmem:$0x160];
	_ =	sdelay $0x4  }
0x13e: {  	v8 =	vshll.u32 v7, $0x1  }
0x13f: {  	v7 =	vand.u32 $0x7, v7;
	v8 =	vand.u32 $0xFFFFFFF0, v8  }
0x140: {  	v7 =	vor.u32 v7, v8  }
0x141: {  	v8 =	vperm.xlane v7, v3;
	_ =	sdelay $0x1  }
0x142: {  	v7 =	vperm.xlane v7, v5;
	v8 =	vadd.s32 v4, v8;
	_ =	sdelay $0x1  }
0x143: {  	v7 =	vadd.s32 v4, v7;
	_ =	sdelay $0x1  }
0x144: {  	s25 =	simm.s32 $0x16400  }
0x145: {  	[tilespmem:s25], [sflag:$0x3] =	stream.indirect_vreg.gather [hbm4b:s1+s6], $0x80, v8, vm2, $0xb8;
	[tilespmem:$0x1C500] =	vst v63  }
0x146: {  	s26 =	simm.s32 $0x16C00  }
0x147: {  	[tilespmem:s26], [sflag:$0x3] =	stream.indirect_vreg.gather [hbm4b:s1+s6], $0x80, v7, vm2, $0xb8;
	[tilespmem:$0x1C500] =	vst v63  }
0x148: {  	v7 =	vld [tilespmem:$0x170];
	_ =	sdelay $0x4  }
0x149: {  	v8 =	vshll.u32 v7, $0x1  }
0x14a: {  	v7 =	vand.u32 $0x7, v7;
	v8 =	vand.u32 $0xFFFFFFF0, v8  }
0x14b: {  	v7 =	vor.u32 v7, v8  }
0x14c: {  	v8 =	vperm.xlane v7, v3;
	_ =	sdelay $0x1  }
0x14d: {  	v7 =	vperm.xlane v7, v5;
	v8 =	vadd.s32 v4, v8;
	_ =	sdelay $0x1  }
0x14e: {  	v7 =	vadd.s32 v4, v7;
	_ =	sdelay $0x1  }
0x14f: {  	s29 =	simm.s32 $0x17400  }
0x150: {  	[tilespmem:s29], [sflag:$0x3] =	stream.indirect_vreg.gather [hbm4b:s1+s6], $0x80, v8, vm2, $0xb8;
	[tilespmem:$0x1C500] =	vst v63  }
0x151: {  	s31 =	simm.s32 $0x17C00  }
0x152: {  	[tilespmem:s31], [sflag:$0x3] =	stream.indirect_vreg.gather [hbm4b:s1+s6], $0x80, v7, vm2, $0xb8;
	[tilespmem:$0x1C500] =	vst v63  }
.LBB2_9:
0x153: {  	v7 =	vand.u32 @!p0 $0x1, v6  }
0x154: {  	v8 =	vshrl.u32 @!p0 v6, $0x1F;
	vm3 =	vlt.s32 @!p0 v6, $0x1;
	vm4 =	veq.s32 @!p0 v7, $0x1  }
0x155: {  	v7 =	vadd.s32 @!p0 v8, v6;
	v8 =	vimm.s32 @!p0 $0x0;
	vm3 =	vmand @!p0 vm3, vm4  }
0x156: {  	v7 =	vshra.s32 @!p0 v7, $0x1;
	v8 =	vsel @!p0 vm3, $0xFFFFFFFF, v8  }
0x157: {  	v7 =	vadd.s32 @!p0 v8, v7  }
0x158: {  	s0 =	simm.s32 @!p0 $0x0;
	s5 =	simm.s32 @!p0 $0x1C480;
	s7 =	rddreg [dreg:$0x3];
	[tilespmem:$0x1C480] =	vst @!p0 v7  }
0x159: {  	[hbm4b:s7+s0] =	stream.linear.scatter @!p0 [tilespmem:s5], [sflag:$0x8], $0x80, $0x38;
	[tilespmem:$0x1C500] =	vst v63  }
0x15a: {  	s0 =	simm.s32 @!p0 $0x8  }
0x15b: {  	s16 =	simm.s32 $0x0;
	_ =	swait.ge @!p0 [sflag:s0], $0x80  }
0x15c: {  	s18 =	sand.u32 $0x3800, s16;
	s20 =	sand.u32 $0x380, s16;
	[sflag:s0] =	ssyncset.done @!p0 $0x0  }
0x15d: {  	s7 =	sor.u32 s20, s18;
	[sflag:s0] =	ssyncadd.s32 @!p0 $0xFFFFFF80  }
0x15e: {  	[tilespmem:s7+$0x18870] =	vst v2  }
0x15f: {  	[tilespmem:s7+$0x18400] =	vst v2  }
0x160: {  	[tilespmem:s7+$0x18410] =	vst v2  }
0x161: {  	[tilespmem:s7+$0x18420] =	vst v2  }
0x162: {  	[tilespmem:s7+$0x18430] =	vst v2  }
0x163: {  	[tilespmem:s7+$0x18440] =	vst v2  }
0x164: {  	[tilespmem:s7+$0x18450] =	vst v2  }
0x165: {  	s17 =	smov.u32 s4;
	s26 =	simm.s32 $0xFFFFFFFF;
	s25 =	smov.u32 s30;
	[tilespmem:s7+$0x18460] =	vst v2  }
0x166: {  	s29 =	simm.s32 $0x100;
	s26 =	simm.s32 @!p5 $0x0;
	s5 =	simm.s32 $0xFFFFFFFF;
	[tilespmem:s7+$0x18470] =	vst v2  }
0x167: {  	s13 =	sand.u32 $0x3800, s29;
	s5 =	simm.s32 @!p4 $0x0;
	p4 =	sgt.s32 s4, $0x0;
	[tilespmem:s7+$0x18800] =	vst v2  }
0x168: {  	s17 =	simm.s32 @!p4 $0x0;
	p4 =	sgt.s32 s30, $0x0;
	s23 =	rddreg [dreg:$0x6];
	[tilespmem:s7+$0x18810] =	vst v2  }
0x169: {  	s20 =	ssub.s32 s2, s19;
	s24 =	rddreg [dreg:$0x7];
	s25 =	simm.s32 @!p4 $0x0;
	[tilespmem:s7+$0x18820] =	vst v2  }
0x16a: {  	s19 =	ssub.s32 s28, s23;
	s18 =	ssub.s32 s2, s23;
	s11 =	ssub.s32 s28, s24;
	[tilespmem:s7+$0x18830] =	vst v2  }
0x16b: {  	s0 =	ssub.s32 s2, s24;
	s2 =	simm.s32 $0x80;
	[dreg:$0x17] =	wrdreg s11;
	[tilespmem:s7+$0x18840] =	vst v2  }
0x16c: {  	[dreg:$0x16] =	wrdreg s0;
	s31 =	sand.u32 $0x380, s2;
	s11 =	simm.s32 $0x200;
	[tilespmem:s7+$0x18850] =	vst v2  }
.LBB2_10:
0x16d: {  	p4 =	sne.s32 s11, $0x3F00;
	[tilespmem:s7+$0x18860] =	vst v2;
	s7 =	sor.u32 s31, s13  }
0x16e: {  	[tilespmem:s7+$0x18870] =	vst v2  }
0x16f: {  	[tilespmem:s7+$0x18400] =	vst v2  }
0x170: {  	[tilespmem:s7+$0x18410] =	vst v2  }
0x171: {  	[tilespmem:s7+$0x18420] =	vst v2  }
0x172: {  	[tilespmem:s7+$0x18430] =	vst v2  }
0x173: {  	[tilespmem:s7+$0x18440] =	vst v2  }
0x174: {  	[tilespmem:s7+$0x18450] =	vst v2  }
0x175: {  	[tilespmem:s7+$0x18460] =	vst v2  }
0x176: {  	[tilespmem:s7+$0x18470] =	vst v2  }
0x177: {  	[tilespmem:s7+$0x18800] =	vst v2  }
.Ltmp4:
0x178: {  	[tilespmem:s7+$0x18810] =	vst v2;
	(pc) =	sbr.rel @p4 .LBB2_10-.Ltmp4, $4  }
0x179: {  	[tilespmem:s7+$0x18820] =	vst v2  }
0x17a: {  	[tilespmem:s7+$0x18830] =	vst v2  }
0x17b: {  	s2 =	sadd.s32 $0x80, s2;
	[tilespmem:s7+$0x18840] =	vst v2  }
0x17c: {  	s13 =	sand.u32 $0x3800, s11;
	s11 =	sadd.s32 $0x100, s11;
	s31 =	sand.u32 $0x380, s2;
	[tilespmem:s7+$0x18850] =	vst v2  }
0x17d: {  	s0 =	sand.u32 $0x1, s16  }
0x17e: {  	s11 =	smov.u32 s12;
	p4 =	seq.s32 s0, $0x1  }
0x17f: {  	s11 =	smov.u32 @p4 s10  }
0x180: {  	v7 =	vmov s11  }
0x181: {  	vm3 =	veq.s32 v7, v0  }
0x182: {  	v7 =	vnsel vm3, $0x0, v6  }
0x183: {  	(xrf0) =	vadd.scan.msk.s32 $0xffff, v7;
	_ =	sdelay $0x5  }
0x184: {  	v7, _, _ =	vpop (xrf0)  }
0x185: {  	(v2sf) =	vpush v7, $0xF  }
0x186: {  	s2 =	simm.s32 $0x1  }
0x187: {  	s2 =	sand.u32 $0x1, s2  }
0x188: {  	[tilespmem:s7+$0x18860] =	vst v2;
	s7 =	smov.u32 s12;
	p4 =	seq.s32 s2, $0x1  }
0x189: {  	s7 =	smov.u32 @p4 s10  }
0x18a: {  	v7 =	vmov s7  }
0x18b: {  	vm3 =	veq.s32 v7, v0  }
0x18c: {  	s28 =	simm.s32 $0x2;
	s0 =	sor.u32 s31, s13;
	v7 =	vnsel vm3, $0x0, v6  }
0x18d: {  	[tilespmem:s0+$0x18870] =	vst v2;
	s2 =	sand.u32 $0x1, s28;
	(xrf0) =	vadd.scan.msk.s32 $0xffff, v7  }
0x18e: {  	[tilespmem:s0+$0x18400] =	vst v2;
	p4 =	seq.s32 s2, $0x1;
	s2 =	smov.u32 s12  }
0x18f: {  	[tilespmem:s0+$0x18410] =	vst v2;
	s2 =	smov.u32 @p4 s10  }
0x190: {  	[tilespmem:s0+$0x18420] =	vst v2;
	v7 =	vmov s2  }
0x191: {  	[tilespmem:s0+$0x18430] =	vst v2  }
0x192: {  	[tilespmem:s0+$0x18440] =	vst v2  }
0x193: {  	[tilespmem:s0+$0x18450] =	vst v2;
	vm3 =	veq.s32 v7, v0;
	v7, _, _ =	vpop (xrf0)  }
0x194: {  	[tilespmem:s0+$0x18460] =	vst v2;
	s23 =	spop (v2sf);
	(v2sf) =	vpush v7, $0xF  }
0x195: {  	[tilespmem:s0+$0x18470] =	vst v2  }
0x196: {  	[tilespmem:s0+$0x18800] =	vst v2  }
0x197: {  	[tilespmem:s0+$0x18810] =	vst v2  }
0x198: {  	[tilespmem:s0+$0x18820] =	vst v2;
	v8 =	vnsel vm3, $0x0, v6  }
0x199: {  	s13 =	simm.s32 $0x3;
	s31 =	sand.u32 $0xC, s16;
	[tilespmem:s0+$0x18830] =	vst v2;
	(xrf0) =	vadd.scan.msk.s32 $0xffff, v8;
	s24 =	sand.u32 $0x1, s23  }
0x19a: {  	[tilespmem:s0+$0x18840] =	vst v2;
	s29 =	sshrl.u32 s23, $0x1F;
	p5 =	slt.s32 s23, $0x1;
	p6 =	seq.s32 s24, $0x1  }
0x19b: {  	[tilespmem:s0+$0x18850] =	vst v2;
	s31 =	sor.u32 s8, s31;
	s23 =	sadd.s32 s29, s23;
	p4 =	por !p5, !p6  }
0x19c: {  	[tilespmem:s0+$0x18860] =	vst v2;
	s0 =	sshra.s32 s23, $0x1;
	s23 =	sshll.u32 s31, $0x7;
	p5 =	por !p4, !p4  }
.LBB2_12:
0x19d: {  	s24 =	sand.u32 $0x1, s13  }
0x19e: {  	s0 =	ssub.s32 s0, s23;
	s23 =	simm.s32 $0x1;
	s28 =	smov.u32 s11  }
0x19f: {  	v7, _, _ =	vpop (xrf0);
	s11 =	smov.u32 s7;
	s7 =	smov.u32 s2;
	s23 =	simm.s32 @!p5 $0x0  }
0x1a0: {  	s2 =	smov.u32 s12;
	p4 =	seq.s32 s24, $0x1;
	(v2sf) =	vpush v7, $0xF;
	s0 =	ssub.s32 s0, s23  }
0x1a1: {  	s16 =	sadd.s32 $0x2, s16;
	s2 =	smov.u32 @p4 s10;
	p5 =	sgt.s32 s0, $0x0  }
0x1a2: {  	s13 =	sadd.s32 $0x1, s13;
	v7 =	vmov s2;
	s0 =	sshll.u32 @!p5 s28, $0x10;
	s23 =	sshll.u32 @!p5 s31, $0xC  }
0x1a3: {  	p4 =	sne.s32 s13, $0x8;
	vm3 =	veq.s32 v7, v0;
	s24 =	spop (v2sf);
	s0 =	sor.u32 @!p5 s23, s0  }
0x1a4: {  	s28 =	simm.s32 @!p5 $0x0;
	s31 =	simm.s32 @!p5 $0x18400;
	v7 =	vnsel vm3, $0x0, v6;
	s23 =	sadd.s32 @!p5 s3, s0  }
0x1a5: {  	s29 =	sand.u32 $0x1, s24;
	(xrf0) =	vadd.scan.msk.s32 $0xffff, v7  }
0x1a6: {  	[hbm4b:s23+s28] =	stream.linear.scatter @!p5 [tilespmem:s31], [sflag:$0x7], $0x4000, $0x38;
	[tilespmem:$0x1C500] =	vst v63  }
.Ltmp5:
0x1a7: {  	s0 =	sadd.s32 @!p5 s0, s15;
	s23 =	sand.u32 $0xC, s16;
	(pc) =	sbr.rel @p4 .LBB2_12-.Ltmp5, $4  }
0x1a8: {  	[hbm4b:s0+s28] =	stream.linear.scatter @!p5 [tilespmem:s31], [sflag:$0x7], $0x4000, $0x38;
	[tilespmem:$0x1C500] =	vst v63  }
0x1a9: {  	p6 =	seq.s32 s29, $0x1;
	s0 =	sshrl.u32 s24, $0x1F;
	p5 =	slt.s32 s24, $0x1  }
0x1aa: {  	s31 =	sor.u32 s8, s23;
	s0 =	sadd.s32 s0, s24;
	p5 =	por !p5, !p6  }
0x1ab: {  	s23 =	sshll.u32 s31, $0x7;
	s0 =	sshra.s32 s0, $0x1;
	p5 =	por !p5, !p5  }
0x1ac: {  	s13 =	simm.s32 $0x1  }
0x1ad: {  	s0 =	ssub.s32 s0, s23;
	s13 =	simm.s32 @!p5 $0x0  }
0x1ae: {  	v7, _, _ =	vpop (xrf0);
	s0 =	ssub.s32 s0, s13  }
0x1af: {  	(v2sf) =	vpush v7, $0xF;
	p4 =	sgt.s32 s0, $0x0  }
0x1b0: {  	s24 =	spop (v2sf);
	s0 =	sshll.u32 @!p4 s11, $0x10;
	s11 =	sshll.u32 @!p4 s31, $0xC  }
0x1b1: {  	s13 =	simm.s32 @!p4 $0x0;
	s23 =	simm.s32 @!p4 $0x18400;
	s0 =	sor.u32 @!p4 s11, s0  }
0x1b2: {  	s29 =	sand.u32 $0x1, s24;
	s31 =	sshrl.u32 s24, $0x1F;
	s11 =	sadd.s32 @!p4 s3, s0  }
0x1b3: {  	[hbm4b:s11+s13] =	stream.linear.scatter @!p4 [tilespmem:s23], [sflag:$0x7], $0x4000, $0x38;
	[tilespmem:$0x1C500] =	vst v63  }
0x1b4: {  	p5 =	slt.s32 s24, $0x1;
	p6 =	seq.s32 s29, $0x1;
	s11 =	sadd.s32 $0x2, s16  }
0x1b5: {  	s24 =	sadd.s32 s31, s24;
	s0 =	sadd.s32 @!p4 s0, s15;
	s28 =	sand.u32 $0xC, s11  }
0x1b6: {  	[hbm4b:s0+s13] =	stream.linear.scatter @!p4 [tilespmem:s23], [sflag:$0x7], $0x4000, $0x38;
	[tilespmem:$0x1C500] =	vst v63  }
0x1b7: {  	s0 =	sor.u32 s8, s28;
	p4 =	por !p5, !p6;
	s13 =	sshra.s32 s24, $0x1  }
0x1b8: {  	s23 =	simm.s32 $0x1;
	p4 =	por !p4, !p4;
	s28 =	sshll.u32 s0, $0x7  }
0x1b9: {  	s13 =	ssub.s32 s13, s28;
	s23 =	simm.s32 @!p4 $0x0  }
0x1ba: {  	s13 =	ssub.s32 s13, s23  }
0x1bb: {  	p4 =	sgt.s32 s13, $0x0  }
0x1bc: {  	s29 =	sadd.s32 $0x2, s11;
	s7 =	sshll.u32 @!p4 s7, $0x10;
	s0 =	sshll.u32 @!p4 s0, $0xC  }
0x1bd: {  	s23 =	sand.u32 $0xC, s29;
	s13 =	simm.s32 @!p4 $0x0;
	s0 =	sor.u32 @!p4 s0, s7  }
0x1be: {  	s16 =	simm.s32 @!p4 $0x18400;
	s7 =	sadd.s32 @!p4 s3, s0;
	s31 =	spop (v2sf)  }
0x1bf: {  	[hbm4b:s7+s13] =	stream.linear.scatter @!p4 [tilespmem:s16], [sflag:$0x7], $0x4000, $0x38;
	[tilespmem:$0x1C500] =	vst v63  }
0x1c0: {  	s0 =	sadd.s32 @!p4 s0, s15;
	s24 =	sand.u32 $0x1, s31;
	s28 =	sshrl.u32 s31, $0x1F  }
0x1c1: {  	p5 =	slt.s32 s31, $0x1;
	p6 =	seq.s32 s24, $0x1;
	s29 =	sadd.s32 s28, s31  }
0x1c2: {  	[hbm4b:s0+s13] =	stream.linear.scatter @!p4 [tilespmem:s16], [sflag:$0x7], $0x4000, $0x38;
	[tilespmem:$0x1C500] =	vst v63  }
0x1c3: {  	s0 =	sor.u32 s8, s23;
	p4 =	por !p5, !p6;
	s7 =	sshra.s32 s29, $0x1  }
0x1c4: {  	s13 =	simm.s32 $0x1;
	p4 =	por !p4, !p4;
	s31 =	sshll.u32 s0, $0x7  }
0x1c5: {  	s7 =	ssub.s32 s7, s31;
	s13 =	simm.s32 @!p4 $0x0  }
0x1c6: {  	s7 =	ssub.s32 s7, s13  }
0x1c7: {  	p4 =	sgt.s32 s7, $0x0  }
0x1c8: {  	s2 =	sshll.u32 @!p4 s2, $0x10;
	s0 =	sshll.u32 @!p4 s0, $0xC  }
.Ltmp6:
0x1c9: {  	s0 =	sor.u32 @!p4 s0, s2;
	(pc) =	sbr.rel @p3 .LBB2_21-.Ltmp6, $4  }
0x1ca: {  	s7 =	simm.s32 @!p4 $0x0;
	s11 =	simm.s32 @!p4 $0x18400;
	s2 =	sadd.s32 @!p4 s3, s0  }
0x1cb: {  	[hbm4b:s2+s7] =	stream.linear.scatter @!p4 [tilespmem:s11], [sflag:$0x7], $0x4000, $0x38;
	[tilespmem:$0x1C500] =	vst v63  }
0x1cc: {  	s24 =	simm.s32 $0x10400;
	s23 =	simm.s32 $0x400;
	s0 =	sadd.s32 @!p4 s0, s15  }
0x1cd: {  	[hbm4b:s0+s7] =	stream.linear.scatter @!p4 [tilespmem:s11], [sflag:$0x7], $0x4000, $0x38;
	[tilespmem:$0x1C500] =	vst v63  }
0x1ce: {  	p4 =	sgt.u32 s4, $0x7F  }
.Ltmp7:
0x1cf: {  	_ = 	snop;
	(pc) =	sbr.rel @p4 .LBB2_20-.Ltmp7, $4  }
0x1d0: {  	s0 =	simm.s32 $0x1  }
0x1d1: {  	_ =	swait.ge [sflag:s0], $0x8000  }
0x1d2: {  	[sflag:s0] =	ssyncset.done $0x0  }
0x1d3: {  	[sflag:s0] =	ssyncadd.s32 $0xFFFF8000  }
0x1d4: {  	s0 =	smin.u32 s17, $0x80  }
0x1d5: {  	s2 =	ssub.s32 $0x80, s0  }
0x1d6: {  	p5 =	sne.s32 s2, $0x1  }
.Ltmp8:
0x1d7: {  	_ = 	snop;
	(pc) =	sbr.rel @!p5 .LBB2_16-.Ltmp8, $3  }
0x1d8: {  	_ =	sdelay $0x1  }
0x1d9: {  	p4 =	por $0x0, $0x0;
	s4 =	sshll.u32 s0, $0x8;
	s7 =	sshll.u32 s0, $0x7  }
0x1da: {  	s13 =	sand.u32 $0xFFFFF800, s4;
	s16 =	sand.u32 $0x380, s7;
	s11 =	sadd.s32 $0xFFFFFFFF, s2  }
0x1db: {  	s2 =	sor.u32 s16, s13  }
0x1dc: {  	[tilespmem:s2+$0x870] =	vst v2  }
0x1dd: {  	[tilespmem:s2+$0x400] =	vst v2  }
0x1de: {  	[tilespmem:s2+$0x410] =	vst v2  }
0x1df: {  	[tilespmem:s2+$0x420] =	vst v2  }
0x1e0: {  	[tilespmem:s2+$0x430] =	vst v2  }
0x1e1: {  	[tilespmem:s2+$0x440] =	vst v2  }
0x1e2: {  	[tilespmem:s2+$0x450] =	vst v2  }
0x1e3: {  	[tilespmem:s2+$0x460] =	vst v2  }
0x1e4: {  	[tilespmem:s2+$0x470] =	vst v2  }
0x1e5: {  	p5 =	sne.s32 s11, $0x1;
	[tilespmem:s2+$0x800] =	vst v2  }
.Ltmp9:
0x1e6: {  	[tilespmem:s2+$0x810] =	vst v2;
	(pc) =	sbr.rel @!p5 .LBB2_19-.Ltmp9, $4  }
0x1e7: {  	[tilespmem:s2+$0x820] =	vst v2  }
0x1e8: {  	[tilespmem:s2+$0x830] =	vst v2  }
0x1e9: {  	s4 =	sadd.s32 $0x100, s4;
	s7 =	sadd.s32 $0x80, s7;
	s11 =	sadd.s32 $0xFFFFFFFF, s11;
	[tilespmem:s2+$0x840] =	vst v2  }
0x1ea: {  	p4 =	por $0x1, $0x1;
	s13 =	sand.u32 $0xFFFFF800, s4;
	s16 =	sand.u32 $0x380, s7;
	[tilespmem:s2+$0x850] =	vst v2  }
.LBB2_18:
0x1eb: {  	p5 =	sne.s32 s11, $0x1;
	[tilespmem:s2+$0x860] =	vst v2;
	s2 =	sor.u32 s16, s13  }
0x1ec: {  	[tilespmem:s2+$0x870] =	vst v2  }
0x1ed: {  	[tilespmem:s2+$0x400] =	vst v2  }
0x1ee: {  	[tilespmem:s2+$0x410] =	vst v2  }
0x1ef: {  	[tilespmem:s2+$0x420] =	vst v2  }
0x1f0: {  	[tilespmem:s2+$0x430] =	vst v2  }
0x1f1: {  	[tilespmem:s2+$0x440] =	vst v2  }
0x1f2: {  	[tilespmem:s2+$0x450] =	vst v2  }
0x1f3: {  	[tilespmem:s2+$0x460] =	vst v2  }
0x1f4: {  	[tilespmem:s2+$0x470] =	vst v2  }
0x1f5: {  	[tilespmem:s2+$0x800] =	vst v2  }
.Ltmp10:
0x1f6: {  	[tilespmem:s2+$0x810] =	vst v2;
	(pc) =	sbr.rel @p5 .LBB2_18-.Ltmp10, $4  }
0x1f7: {  	[tilespmem:s2+$0x820] =	vst v2  }
0x1f8: {  	[tilespmem:s2+$0x830] =	vst v2  }
0x1f9: {  	s7 =	sadd.s32 $0x80, s7;
	s4 =	sadd.s32 $0x100, s4;
	[tilespmem:s2+$0x840] =	vst v2  }
0x1fa: {  	s11 =	sadd.s32 $0xFFFFFFFF, s11;
	s13 =	sand.u32 $0xFFFFF800, s4;
	s16 =	sand.u32 $0x380, s7;
	[tilespmem:s2+$0x850] =	vst v2  }
.LBB2_19:
0x1fb: {  	s0 =	sor.u32 s16, s13;
	[tilespmem:s2+$0x860] =	vst @p4 v2  }
0x1fc: {  	[tilespmem:s0+$0x870] =	vst v2  }
0x1fd: {  	[tilespmem:s0+$0x400] =	vst v2  }
0x1fe: {  	[tilespmem:s0+$0x410] =	vst v2  }
0x1ff: {  	[tilespmem:s0+$0x420] =	vst v2  }
0x200: {  	[tilespmem:s0+$0x430] =	vst v2  }
0x201: {  	[tilespmem:s0+$0x440] =	vst v2  }
0x202: {  	[tilespmem:s0+$0x450] =	vst v2  }
0x203: {  	[tilespmem:s0+$0x460] =	vst v2  }
0x204: {  	[tilespmem:s0+$0x470] =	vst v2  }
0x205: {  	[tilespmem:s0+$0x800] =	vst v2  }
0x206: {  	[tilespmem:s0+$0x810] =	vst v2  }
0x207: {  	[tilespmem:s0+$0x820] =	vst v2  }
0x208: {  	[tilespmem:s0+$0x830] =	vst v2  }
0x209: {  	[tilespmem:s0+$0x840] =	vst v2  }
0x20a: {  	[tilespmem:s0+$0x850] =	vst v2  }
0x20b: {  	[tilespmem:s0+$0x860] =	vst v2  }
.LBB2_20:
0x20c: {  	s0 =	rddreg [dreg:$0x8]  }
0x20d: {  	[hbm4b:s0+s6] =	stream.linear.scatter [tilespmem:s23], [sflag:$0x4], $0x8000, $0x38;
	[tilespmem:$0x1C500] =	vst v63  }
.LBB2_21:
.Ltmp11:
0x20e: {  	(pc) =	sbr.rel @p2 .LBB2_29-.Ltmp11, $2  }
0x20f: {  	_ =	sdelay $0x2  }
0x210: {  	s17 =	simm.s32 $0x8400  }
0x211: {  	p4 =	sgt.u32 s30, $0x7F  }
.Ltmp12:
0x212: {  	_ = 	snop;
	(pc) =	sbr.rel @p4 .LBB2_28-.Ltmp12, $4  }
0x213: {  	s0 =	simm.s32 $0x2  }
0x214: {  	_ =	swait.ge [sflag:s0], $0x8000  }
0x215: {  	[sflag:s0] =	ssyncset.done $0x0  }
0x216: {  	[sflag:s0] =	ssyncadd.s32 $0xFFFF8000  }
0x217: {  	s0 =	smin.u32 s25, $0x80  }
0x218: {  	s2 =	ssub.s32 $0x80, s0  }
0x219: {  	p5 =	sne.s32 s2, $0x1  }
.Ltmp13:
0x21a: {  	_ = 	snop;
	(pc) =	sbr.rel @!p5 .LBB2_24-.Ltmp13, $3  }
0x21b: {  	_ =	sdelay $0x1  }
0x21c: {  	p4 =	por $0x0, $0x0;
	s4 =	sshll.u32 s0, $0x8;
	s7 =	sshll.u32 s0, $0x7  }
0x21d: {  	s13 =	sand.u32 $0xFFFFF800, s4;
	s16 =	sand.u32 $0x380, s7;
	s11 =	sadd.s32 $0xFFFFFFFF, s2  }
0x21e: {  	s2 =	sor.u32 s16, s13  }
0x21f: {  	[tilespmem:s2+$0x8870] =	vst v2  }
0x220: {  	[tilespmem:s2+$0x8400] =	vst v2  }
0x221: {  	[tilespmem:s2+$0x8410] =	vst v2  }
0x222: {  	[tilespmem:s2+$0x8420] =	vst v2  }
0x223: {  	[tilespmem:s2+$0x8430] =	vst v2  }
0x224: {  	[tilespmem:s2+$0x8440] =	vst v2  }
0x225: {  	[tilespmem:s2+$0x8450] =	vst v2  }
0x226: {  	[tilespmem:s2+$0x8460] =	vst v2  }
0x227: {  	[tilespmem:s2+$0x8470] =	vst v2  }
0x228: {  	p5 =	sne.s32 s11, $0x1;
	[tilespmem:s2+$0x8800] =	vst v2  }
.Ltmp14:
0x229: {  	[tilespmem:s2+$0x8810] =	vst v2;
	(pc) =	sbr.rel @!p5 .LBB2_27-.Ltmp14, $4  }
0x22a: {  	[tilespmem:s2+$0x8820] =	vst v2  }
0x22b: {  	[tilespmem:s2+$0x8830] =	vst v2  }
0x22c: {  	s4 =	sadd.s32 $0x100, s4;
	s7 =	sadd.s32 $0x80, s7;
	s11 =	sadd.s32 $0xFFFFFFFF, s11;
	[tilespmem:s2+$0x8840] =	vst v2  }
0x22d: {  	p4 =	por $0x1, $0x1;
	s13 =	sand.u32 $0xFFFFF800, s4;
	s16 =	sand.u32 $0x380, s7;
	[tilespmem:s2+$0x8850] =	vst v2  }
.LBB2_26:
0x22e: {  	p5 =	sne.s32 s11, $0x1;
	[tilespmem:s2+$0x8860] =	vst v2;
	s2 =	sor.u32 s16, s13  }
0x22f: {  	[tilespmem:s2+$0x8870] =	vst v2  }
0x230: {  	[tilespmem:s2+$0x8400] =	vst v2  }
0x231: {  	[tilespmem:s2+$0x8410] =	vst v2  }
0x232: {  	[tilespmem:s2+$0x8420] =	vst v2  }
0x233: {  	[tilespmem:s2+$0x8430] =	vst v2  }
0x234: {  	[tilespmem:s2+$0x8440] =	vst v2  }
0x235: {  	[tilespmem:s2+$0x8450] =	vst v2  }
0x236: {  	[tilespmem:s2+$0x8460] =	vst v2  }
0x237: {  	[tilespmem:s2+$0x8470] =	vst v2  }
0x238: {  	[tilespmem:s2+$0x8800] =	vst v2  }
.Ltmp15:
0x239: {  	[tilespmem:s2+$0x8810] =	vst v2;
	(pc) =	sbr.rel @p5 .LBB2_26-.Ltmp15, $4  }
0x23a: {  	[tilespmem:s2+$0x8820] =	vst v2  }
0x23b: {  	[tilespmem:s2+$0x8830] =	vst v2  }
0x23c: {  	s7 =	sadd.s32 $0x80, s7;
	s4 =	sadd.s32 $0x100, s4;
	[tilespmem:s2+$0x8840] =	vst v2  }
0x23d: {  	s11 =	sadd.s32 $0xFFFFFFFF, s11;
	s13 =	sand.u32 $0xFFFFF800, s4;
	s16 =	sand.u32 $0x380, s7;
	[tilespmem:s2+$0x8850] =	vst v2  }
.LBB2_27:
0x23e: {  	s0 =	sor.u32 s16, s13;
	[tilespmem:s2+$0x8860] =	vst @p4 v2  }
0x23f: {  	[tilespmem:s0+$0x8870] =	vst v2  }
0x240: {  	[tilespmem:s0+$0x8400] =	vst v2  }
0x241: {  	[tilespmem:s0+$0x8410] =	vst v2  }
0x242: {  	[tilespmem:s0+$0x8420] =	vst v2  }
0x243: {  	[tilespmem:s0+$0x8430] =	vst v2  }
0x244: {  	[tilespmem:s0+$0x8440] =	vst v2  }
0x245: {  	[tilespmem:s0+$0x8450] =	vst v2  }
0x246: {  	[tilespmem:s0+$0x8460] =	vst v2  }
0x247: {  	[tilespmem:s0+$0x8470] =	vst v2  }
0x248: {  	[tilespmem:s0+$0x8800] =	vst v2  }
0x249: {  	[tilespmem:s0+$0x8810] =	vst v2  }
0x24a: {  	[tilespmem:s0+$0x8820] =	vst v2  }
0x24b: {  	[tilespmem:s0+$0x8830] =	vst v2  }
0x24c: {  	[tilespmem:s0+$0x8840] =	vst v2  }
0x24d: {  	[tilespmem:s0+$0x8850] =	vst v2  }
0x24e: {  	[tilespmem:s0+$0x8860] =	vst v2  }
.LBB2_28:
0x24f: {  	s0 =	rddreg [dreg:$0x9]  }
0x250: {  	[hbm4b:s0+s6] =	stream.linear.scatter [tilespmem:s17], [sflag:$0x5], $0x8000, $0x38;
	[tilespmem:$0x1C500] =	vst v63  }
.LBB2_29:
0x251: {  	p4 =	slt.s32 s20, $0x1  }
.Ltmp16:
0x252: {  	_ = 	snop;
	(pc) =	sbr.rel @p4 .LBB2_31-.Ltmp16, $4  }
0x253: {  	s0 =	simm.s32 @!p3 $0x4  }
0x254: {  	_ =	swait.ge @!p3 [sflag:s0], $0x8000  }
0x255: {  	[sflag:s0] =	ssyncset.done @!p3 $0x0  }
0x256: {  	[sflag:s0] =	ssyncadd.s32 @!p3 $0xFFFF8000  }
0x257: {  	v7 =	vld [tilespmem:$0x180];
	_ =	sdelay $0x4  }
0x258: {  	v8 =	vshll.u32 v7, $0x1  }
0x259: {  	v7 =	vand.u32 $0x7, v7;
	v8 =	vand.u32 $0xFFFFFFF0, v8  }
0x25a: {  	v7 =	vor.u32 v7, v8  }
0x25b: {  	v8 =	vperm.xlane v7, v3;
	_ =	sdelay $0x1  }
0x25c: {  	v7 =	vperm.xlane v7, v5;
	v8 =	vadd.s32 v4, v8;
	_ =	sdelay $0x1  }
0x25d: {  	v7 =	vadd.s32 v4, v7;
	_ =	sdelay $0x2  }
0x25e: {  	[tilespmem:s23], [sflag:$0x1] =	stream.indirect_vreg.gather [hbm4b:s1+s6], $0x80, v8, vm2, $0xb8;
	[tilespmem:$0x1C500] =	vst v63  }
0x25f: {  	s0 =	simm.s32 $0xC00  }
0x260: {  	[tilespmem:s0], [sflag:$0x1] =	stream.indirect_vreg.gather [hbm4b:s1+s6], $0x80, v7, vm2, $0xb8;
	[tilespmem:$0x1C500] =	vst v63  }
0x261: {  	v7 =	vld [tilespmem:$0x190];
	_ =	sdelay $0x4  }
0x262: {  	v8 =	vshll.u32 v7, $0x1  }
0x263: {  	v7 =	vand.u32 $0x7, v7;
	v8 =	vand.u32 $0xFFFFFFF0, v8  }
0x264: {  	v7 =	vor.u32 v7, v8  }
0x265: {  	v8 =	vperm.xlane v7, v3;
	_ =	sdelay $0x1  }
0x266: {  	v7 =	vperm.xlane v7, v5;
	v8 =	vadd.s32 v4, v8;
	_ =	sdelay $0x1  }
0x267: {  	v7 =	vadd.s32 v4, v7;
	_ =	sdelay $0x1  }
0x268: {  	s29 =	simm.s32 $0x1400  }
0x269: {  	[tilespmem:s29], [sflag:$0x1] =	stream.indirect_vreg.gather [hbm4b:s1+s6], $0x80, v8, vm2, $0xb8;
	[tilespmem:$0x1C500] =	vst v63  }
0x26a: {  	s30 =	simm.s32 $0x1C00  }
0x26b: {  	[tilespmem:s30], [sflag:$0x1] =	stream.indirect_vreg.gather [hbm4b:s1+s6], $0x80, v7, vm2, $0xb8;
	[tilespmem:$0x1C500] =	vst v63  }
0x26c: {  	v7 =	vld [tilespmem:$0x1A0];
	_ =	sdelay $0x4  }
0x26d: {  	v8 =	vshll.u32 v7, $0x1  }
0x26e: {  	v7 =	vand.u32 $0x7, v7;
	v8 =	vand.u32 $0xFFFFFFF0, v8  }
0x26f: {  	v7 =	vor.u32 v7, v8  }
0x270: {  	v8 =	vperm.xlane v7, v3;
	_ =	sdelay $0x1  }
0x271: {  	v7 =	vperm.xlane v7, v5;
	v8 =	vadd.s32 v4, v8;
	_ =	sdelay $0x1  }
0x272: {  	v7 =	vadd.s32 v4, v7;
	_ =	sdelay $0x1  }
0x273: {  	s31 =	simm.s32 $0x2400  }
0x274: {  	[tilespmem:s31], [sflag:$0x1] =	stream.indirect_vreg.gather [hbm4b:s1+s6], $0x80, v8, vm2, $0xb8;
	[tilespmem:$0x1C500] =	vst v63  }
0x275: {  	s2 =	simm.s32 $0x2C00  }
0x276: {  	[tilespmem:s2], [sflag:$0x1] =	stream.indirect_vreg.gather [hbm4b:s1+s6], $0x80, v7, vm2, $0xb8;
	[tilespmem:$0x1C500] =	vst v63  }
0x277: {  	v7 =	vld [tilespmem:$0x1B0];
	_ =	sdelay $0x4  }
0x278: {  	v8 =	vshll.u32 v7, $0x1  }
0x279: {  	v7 =	vand.u32 $0x7, v7;
	v8 =	vand.u32 $0xFFFFFFF0, v8  }
0x27a: {  	v7 =	vor.u32 v7, v8  }
0x27b: {  	v8 =	vperm.xlane v7, v3;
	_ =	sdelay $0x1  }
0x27c: {  	v7 =	vperm.xlane v7, v5;
	v8 =	vadd.s32 v4, v8;
	_ =	sdelay $0x1  }
0x27d: {  	v7 =	vadd.s32 v4, v7;
	_ =	sdelay $0x1  }
0x27e: {  	s4 =	simm.s32 $0x3400  }
0x27f: {  	[tilespmem:s4], [sflag:$0x1] =	stream.indirect_vreg.gather [hbm4b:s1+s6], $0x80, v8, vm2, $0xb8;
	[tilespmem:$0x1C500] =	vst v63  }
0x280: {  	s7 =	simm.s32 $0x3C00  }
0x281: {  	[tilespmem:s7], [sflag:$0x1] =	stream.indirect_vreg.gather [hbm4b:s1+s6], $0x80, v7, vm2, $0xb8;
	[tilespmem:$0x1C500] =	vst v63  }
0x282: {  	v7 =	vld [tilespmem:$0x1C0];
	_ =	sdelay $0x4  }
0x283: {  	v8 =	vshll.u32 v7, $0x1  }
0x284: {  	v7 =	vand.u32 $0x7, v7;
	v8 =	vand.u32 $0xFFFFFFF0, v8  }
0x285: {  	v7 =	vor.u32 v7, v8  }
0x286: {  	v8 =	vperm.xlane v7, v3;
	_ =	sdelay $0x1  }
0x287: {  	v7 =	vperm.xlane v7, v5;
	v8 =	vadd.s32 v4, v8;
	_ =	sdelay $0x1  }
0x288: {  	v7 =	vadd.s32 v4, v7;
	_ =	sdelay $0x1  }
0x289: {  	s11 =	simm.s32 $0x4400  }
0x28a: {  	[tilespmem:s11], [sflag:$0x1] =	stream.indirect_vreg.gather [hbm4b:s1+s6], $0x80, v8, vm2, $0xb8;
	[tilespmem:$0x1C500] =	vst v63  }
0x28b: {  	s13 =	simm.s32 $0x4C00  }
0x28c: {  	[tilespmem:s13], [sflag:$0x1] =	stream.indirect_vreg.gather [hbm4b:s1+s6], $0x80, v7, vm2, $0xb8;
	[tilespmem:$0x1C500] =	vst v63  }
0x28d: {  	v7 =	vld [tilespmem:$0x1D0];
	_ =	sdelay $0x4  }
0x28e: {  	v8 =	vshll.u32 v7, $0x1  }
0x28f: {  	v7 =	vand.u32 $0x7, v7;
	v8 =	vand.u32 $0xFFFFFFF0, v8  }
0x290: {  	v7 =	vor.u32 v7, v8  }
0x291: {  	v8 =	vperm.xlane v7, v3;
	_ =	sdelay $0x1  }
0x292: {  	v7 =	vperm.xlane v7, v5;
	v8 =	vadd.s32 v4, v8;
	_ =	sdelay $0x1  }
0x293: {  	v7 =	vadd.s32 v4, v7;
	_ =	sdelay $0x1  }
0x294: {  	s16 =	simm.s32 $0x5400  }
0x295: {  	[tilespmem:s16], [sflag:$0x1] =	stream.indirect_vreg.gather [hbm4b:s1+s6], $0x80, v8, vm2, $0xb8;
	[tilespmem:$0x1C500] =	vst v63  }
0x296: {  	s25 =	simm.s32 $0x5C00  }
0x297: {  	[tilespmem:s25], [sflag:$0x1] =	stream.indirect_vreg.gather [hbm4b:s1+s6], $0x80, v7, vm2, $0xb8;
	[tilespmem:$0x1C500] =	vst v63  }
0x298: {  	v7 =	vld [tilespmem:$0x1E0];
	_ =	sdelay $0x4  }
0x299: {  	v8 =	vshll.u32 v7, $0x1  }
0x29a: {  	v7 =	vand.u32 $0x7, v7;
	v8 =	vand.u32 $0xFFFFFFF0, v8  }
0x29b: {  	v7 =	vor.u32 v7, v8  }
0x29c: {  	v8 =	vperm.xlane v7, v3;
	_ =	sdelay $0x1  }
0x29d: {  	v7 =	vperm.xlane v7, v5;
	v8 =	vadd.s32 v4, v8;
	_ =	sdelay $0x1  }
0x29e: {  	v7 =	vadd.s32 v4, v7;
	_ =	sdelay $0x1  }
0x29f: {  	s28 =	simm.s32 $0x6400  }
0x2a0: {  	[tilespmem:s28], [sflag:$0x1] =	stream.indirect_vreg.gather [hbm4b:s1+s6], $0x80, v8, vm2, $0xb8;
	[tilespmem:$0x1C500] =	vst v63  }
0x2a1: {  	s29 =	simm.s32 $0x6C00  }
0x2a2: {  	[tilespmem:s29], [sflag:$0x1] =	stream.indirect_vreg.gather [hbm4b:s1+s6], $0x80, v7, vm2, $0xb8;
	[tilespmem:$0x1C500] =	vst v63  }
0x2a3: {  	v7 =	vld [tilespmem:$0x1F0];
	_ =	sdelay $0x4  }
0x2a4: {  	v8 =	vshll.u32 v7, $0x1  }
0x2a5: {  	v7 =	vand.u32 $0x7, v7;
	v8 =	vand.u32 $0xFFFFFFF0, v8  }
0x2a6: {  	v7 =	vor.u32 v7, v8  }
0x2a7: {  	v8 =	vperm.xlane v7, v3;
	_ =	sdelay $0x1  }
0x2a8: {  	v7 =	vperm.xlane v7, v5;
	v8 =	vadd.s32 v4, v8;
	_ =	sdelay $0x1  }
0x2a9: {  	v7 =	vadd.s32 v4, v7;
	_ =	sdelay $0x1  }
0x2aa: {  	s30 =	simm.s32 $0x7400  }
0x2ab: {  	[tilespmem:s30], [sflag:$0x1] =	stream.indirect_vreg.gather [hbm4b:s1+s6], $0x80, v8, vm2, $0xb8;
	[tilespmem:$0x1C500] =	vst v63  }
0x2ac: {  	s31 =	simm.s32 $0x7C00  }
0x2ad: {  	[tilespmem:s31], [sflag:$0x1] =	stream.indirect_vreg.gather [hbm4b:s1+s6], $0x80, v7, vm2, $0xb8;
	[tilespmem:$0x1C500] =	vst v63  }
.LBB2_31:
.Ltmp17:
0x2ae: {  	(pc) =	sbr.rel @p1 .LBB2_39-.Ltmp17, $1  }
0x2af: {  	_ =	sdelay $0x3  }
0x2b0: {  	p3 =	sgt.u32 s21, $0x7F  }
.Ltmp18:
0x2b1: {  	_ = 	snop;
	(pc) =	sbr.rel @p3 .LBB2_38-.Ltmp18, $4  }
0x2b2: {  	s0 =	simm.s32 $0x3  }
0x2b3: {  	_ =	swait.ge [sflag:s0], $0x8000  }
0x2b4: {  	[sflag:s0] =	ssyncset.done $0x0  }
0x2b5: {  	[sflag:s0] =	ssyncadd.s32 $0xFFFF8000  }
0x2b6: {  	s0 =	rddreg [dreg:$0x10]  }
0x2b7: {  	s2 =	rddreg [dreg:$0x15]  }
0x2b8: {  	s0 =	sadd.s32 s2, s0  }
0x2b9: {  	s0 =	sadd.s32 s5, s0  }
0x2ba: {  	p3 =	sgt.s32 s0, $0x0  }
0x2bb: {  	s0 =	simm.s32 @!p3 $0x0  }
0x2bc: {  	s0 =	smin.u32 s0, $0x80  }
0x2bd: {  	s31 =	ssub.s32 $0x80, s0  }
0x2be: {  	s2 =	smax.u32 s31, $0x1  }
0x2bf: {  	s2 =	sshll.u32 s2, $0x7  }
0x2c0: {  	p5 =	sne.s32 s2, $0x80  }
.Ltmp19:
0x2c1: {  	_ = 	snop;
	(pc) =	sbr.rel @!p5 .LBB2_34-.Ltmp19, $3  }
0x2c2: {  	_ =	sdelay $0x1  }
0x2c3: {  	p3 =	por $0x0, $0x0;
	s4 =	sshll.u32 s0, $0x8;
	s7 =	sshll.u32 s0, $0x7  }
0x2c4: {  	s13 =	sand.u32 $0xFFFFF800, s4;
	s16 =	sand.u32 $0x380, s7;
	s11 =	sadd.s32 $0xFFFFFF80, s2  }
0x2c5: {  	s0 =	sor.u32 s16, s13  }
0x2c6: {  	s2 =	sadd.s32 $0x10400, s0;
	[tilespmem:s0+$0x10400] =	vst v2  }
0x2c7: {  	[tilespmem:s2+$0x10] =	vst v2  }
0x2c8: {  	[tilespmem:s2+$0x20] =	vst v2  }
0x2c9: {  	[tilespmem:s2+$0x30] =	vst v2  }
0x2ca: {  	[tilespmem:s2+$0x40] =	vst v2  }
0x2cb: {  	[tilespmem:s2+$0x50] =	vst v2  }
0x2cc: {  	[tilespmem:s2+$0x60] =	vst v2  }
0x2cd: {  	[tilespmem:s2+$0x70] =	vst v2  }
0x2ce: {  	[tilespmem:s2+$0x400] =	vst v2  }
0x2cf: {  	p5 =	sne.s32 s11, $0x80;
	[tilespmem:s2+$0x410] =	vst v2  }
.Ltmp20:
0x2d0: {  	[tilespmem:s2+$0x420] =	vst v2;
	(pc) =	sbr.rel @!p5 .LBB2_37-.Ltmp20, $4  }
0x2d1: {  	[tilespmem:s2+$0x430] =	vst v2  }
0x2d2: {  	[tilespmem:s2+$0x440] =	vst v2  }
0x2d3: {  	s4 =	sadd.s32 $0x100, s4;
	s7 =	sadd.s32 $0x80, s7;
	s11 =	sadd.s32 $0xFFFFFF80, s11;
	[tilespmem:s2+$0x450] =	vst v2  }
0x2d4: {  	p3 =	por $0x1, $0x1;
	s13 =	sand.u32 $0xFFFFF800, s4;
	s16 =	sand.u32 $0x380, s7;
	[tilespmem:s2+$0x460] =	vst v2  }
.LBB2_36:
0x2d5: {  	p5 =	sne.s32 s11, $0x80;
	s0 =	sor.u32 s16, s13;
	[tilespmem:s2+$0x470] =	vst v2  }
0x2d6: {  	s2 =	sadd.s32 $0x10400, s0;
	[tilespmem:s0+$0x10400] =	vst v2  }
0x2d7: {  	[tilespmem:s2+$0x10] =	vst v2  }
0x2d8: {  	[tilespmem:s2+$0x20] =	vst v2  }
0x2d9: {  	[tilespmem:s2+$0x30] =	vst v2  }
0x2da: {  	[tilespmem:s2+$0x40] =	vst v2  }
0x2db: {  	[tilespmem:s2+$0x50] =	vst v2  }
0x2dc: {  	[tilespmem:s2+$0x60] =	vst v2  }
0x2dd: {  	[tilespmem:s2+$0x70] =	vst v2  }
0x2de: {  	[tilespmem:s2+$0x400] =	vst v2  }
0x2df: {  	[tilespmem:s2+$0x410] =	vst v2  }
.Ltmp21:
0x2e0: {  	[tilespmem:s2+$0x420] =	vst v2;
	(pc) =	sbr.rel @p5 .LBB2_36-.Ltmp21, $4  }
0x2e1: {  	[tilespmem:s2+$0x430] =	vst v2  }
0x2e2: {  	[tilespmem:s2+$0x440] =	vst v2  }
0x2e3: {  	s7 =	sadd.s32 $0x80, s7;
	s4 =	sadd.s32 $0x100, s4;
	[tilespmem:s2+$0x450] =	vst v2  }
0x2e4: {  	s11 =	sadd.s32 $0xFFFFFF80, s11;
	s13 =	sand.u32 $0xFFFFF800, s4;
	s16 =	sand.u32 $0x380, s7;
	[tilespmem:s2+$0x460] =	vst v2  }
.LBB2_37:
0x2e5: {  	s0 =	sor.u32 s16, s13;
	[tilespmem:s2+$0x470] =	vst @p3 v2  }
0x2e6: {  	s31 =	sadd.s32 $0x10400, s0;
	[tilespmem:s0+$0x10400] =	vst v2  }
0x2e7: {  	[tilespmem:s31+$0x10] =	vst v2  }
0x2e8: {  	[tilespmem:s31+$0x20] =	vst v2  }
0x2e9: {  	[tilespmem:s31+$0x30] =	vst v2  }
0x2ea: {  	[tilespmem:s31+$0x40] =	vst v2  }
0x2eb: {  	[tilespmem:s31+$0x50] =	vst v2  }
0x2ec: {  	[tilespmem:s31+$0x60] =	vst v2  }
0x2ed: {  	[tilespmem:s31+$0x70] =	vst v2  }
0x2ee: {  	[tilespmem:s31+$0x400] =	vst v2  }
0x2ef: {  	[tilespmem:s31+$0x410] =	vst v2  }
0x2f0: {  	[tilespmem:s31+$0x420] =	vst v2  }
0x2f1: {  	[tilespmem:s31+$0x430] =	vst v2  }
0x2f2: {  	[tilespmem:s31+$0x440] =	vst v2  }
0x2f3: {  	[tilespmem:s31+$0x450] =	vst v2  }
0x2f4: {  	[tilespmem:s31+$0x460] =	vst v2  }
0x2f5: {  	[tilespmem:s31+$0x470] =	vst v2  }
.LBB2_38:
0x2f6: {  	s0 =	rddreg [dreg:$0xa]  }
0x2f7: {  	[hbm4b:s0+s6] =	stream.linear.scatter [tilespmem:s24], [sflag:$0x6], $0x8000, $0x38;
	[tilespmem:$0x1C500] =	vst v63  }
.LBB2_39:
0x2f8: {  	p3 =	slt.s32 s19, $0x1  }
.Ltmp22:
0x2f9: {  	_ = 	snop;
	(pc) =	sbr.rel @p3 .LBB2_41-.Ltmp22, $4  }
0x2fa: {  	s0 =	simm.s32 @!p2 $0x5  }
0x2fb: {  	_ =	swait.ge @!p2 [sflag:s0], $0x8000  }
0x2fc: {  	[sflag:s0] =	ssyncset.done @!p2 $0x0  }
0x2fd: {  	[sflag:s0] =	ssyncadd.s32 @!p2 $0xFFFF8000  }
0x2fe: {  	v7 =	vld [tilespmem:$0x200];
	_ =	sdelay $0x4  }
0x2ff: {  	v8 =	vshll.u32 v7, $0x1  }
0x300: {  	v7 =	vand.u32 $0x7, v7;
	v8 =	vand.u32 $0xFFFFFFF0, v8  }
0x301: {  	v7 =	vor.u32 v7, v8  }
0x302: {  	v8 =	vperm.xlane v7, v3;
	_ =	sdelay $0x1  }
0x303: {  	v7 =	vperm.xlane v7, v5;
	v8 =	vadd.s32 v4, v8;
	_ =	sdelay $0x1  }
0x304: {  	v7 =	vadd.s32 v4, v7;
	_ =	sdelay $0x2  }
0x305: {  	[tilespmem:s17], [sflag:$0x2] =	stream.indirect_vreg.gather [hbm4b:s1+s6], $0x80, v8, vm2, $0xb8;
	[tilespmem:$0x1C500] =	vst v63  }
0x306: {  	s0 =	simm.s32 $0x8C00  }
0x307: {  	[tilespmem:s0], [sflag:$0x2] =	stream.indirect_vreg.gather [hbm4b:s1+s6], $0x80, v7, vm2, $0xb8;
	[tilespmem:$0x1C500] =	vst v63  }
0x308: {  	v7 =	vld [tilespmem:$0x210];
	_ =	sdelay $0x4  }
0x309: {  	v8 =	vshll.u32 v7, $0x1  }
0x30a: {  	v7 =	vand.u32 $0x7, v7;
	v8 =	vand.u32 $0xFFFFFFF0, v8  }
0x30b: {  	v7 =	vor.u32 v7, v8  }
0x30c: {  	v8 =	vperm.xlane v7, v3;
	_ =	sdelay $0x1  }
0x30d: {  	v7 =	vperm.xlane v7, v5;
	v8 =	vadd.s32 v4, v8;
	_ =	sdelay $0x1  }
0x30e: {  	v7 =	vadd.s32 v4, v7;
	_ =	sdelay $0x1  }
0x30f: {  	s30 =	simm.s32 $0x9400  }
0x310: {  	[tilespmem:s30], [sflag:$0x2] =	stream.indirect_vreg.gather [hbm4b:s1+s6], $0x80, v8, vm2, $0xb8;
	[tilespmem:$0x1C500] =	vst v63  }
0x311: {  	s31 =	simm.s32 $0x9C00  }
0x312: {  	[tilespmem:s31], [sflag:$0x2] =	stream.indirect_vreg.gather [hbm4b:s1+s6], $0x80, v7, vm2, $0xb8;
	[tilespmem:$0x1C500] =	vst v63  }
0x313: {  	v7 =	vld [tilespmem:$0x220];
	_ =	sdelay $0x4  }
0x314: {  	v8 =	vshll.u32 v7, $0x1  }
0x315: {  	v7 =	vand.u32 $0x7, v7;
	v8 =	vand.u32 $0xFFFFFFF0, v8  }
0x316: {  	v7 =	vor.u32 v7, v8  }
0x317: {  	v8 =	vperm.xlane v7, v3;
	_ =	sdelay $0x1  }
0x318: {  	v7 =	vperm.xlane v7, v5;
	v8 =	vadd.s32 v4, v8;
	_ =	sdelay $0x1  }
0x319: {  	v7 =	vadd.s32 v4, v7;
	_ =	sdelay $0x1  }
0x31a: {  	s2 =	simm.s32 $0xA400  }
0x31b: {  	[tilespmem:s2], [sflag:$0x2] =	stream.indirect_vreg.gather [hbm4b:s1+s6], $0x80, v8, vm2, $0xb8;
	[tilespmem:$0x1C500] =	vst v63  }
0x31c: {  	s4 =	simm.s32 $0xAC00  }
0x31d: {  	[tilespmem:s4], [sflag:$0x2] =	stream.indirect_vreg.gather [hbm4b:s1+s6], $0x80, v7, vm2, $0xb8;
	[tilespmem:$0x1C500] =	vst v63  }
0x31e: {  	v7 =	vld [tilespmem:$0x230];
	_ =	sdelay $0x4  }
0x31f: {  	v8 =	vshll.u32 v7, $0x1  }
0x320: {  	v7 =	vand.u32 $0x7, v7;
	v8 =	vand.u32 $0xFFFFFFF0, v8  }
0x321: {  	v7 =	vor.u32 v7, v8  }
0x322: {  	v8 =	vperm.xlane v7, v3;
	_ =	sdelay $0x1  }
0x323: {  	v7 =	vperm.xlane v7, v5;
	v8 =	vadd.s32 v4, v8;
	_ =	sdelay $0x1  }
0x324: {  	v7 =	vadd.s32 v4, v7;
	_ =	sdelay $0x1  }
0x325: {  	s7 =	simm.s32 $0xB400  }
0x326: {  	[tilespmem:s7], [sflag:$0x2] =	stream.indirect_vreg.gather [hbm4b:s1+s6], $0x80, v8, vm2, $0xb8;
	[tilespmem:$0x1C500] =	vst v63  }
0x327: {  	s11 =	simm.s32 $0xBC00  }
0x328: {  	[tilespmem:s11], [sflag:$0x2] =	stream.indirect_vreg.gather [hbm4b:s1+s6], $0x80, v7, vm2, $0xb8;
	[tilespmem:$0x1C500] =	vst v63  }
0x329: {  	v7 =	vld [tilespmem:$0x240];
	_ =	sdelay $0x4  }
0x32a: {  	v8 =	vshll.u32 v7, $0x1  }
0x32b: {  	v7 =	vand.u32 $0x7, v7;
	v8 =	vand.u32 $0xFFFFFFF0, v8  }
0x32c: {  	v7 =	vor.u32 v7, v8  }
0x32d: {  	v8 =	vperm.xlane v7, v3;
	_ =	sdelay $0x1  }
0x32e: {  	v7 =	vperm.xlane v7, v5;
	v8 =	vadd.s32 v4, v8;
	_ =	sdelay $0x1  }
0x32f: {  	v7 =	vadd.s32 v4, v7;
	_ =	sdelay $0x1  }
0x330: {  	s13 =	simm.s32 $0xC400  }
0x331: {  	[tilespmem:s13], [sflag:$0x2] =	stream.indirect_vreg.gather [hbm4b:s1+s6], $0x80, v8, vm2, $0xb8;
	[tilespmem:$0x1C500] =	vst v63  }
0x332: {  	s16 =	simm.s32 $0xCC00  }
0x333: {  	[tilespmem:s16], [sflag:$0x2] =	stream.indirect_vreg.gather [hbm4b:s1+s6], $0x80, v7, vm2, $0xb8;
	[tilespmem:$0x1C500] =	vst v63  }
0x334: {  	v7 =	vld [tilespmem:$0x250];
	_ =	sdelay $0x4  }
0x335: {  	v8 =	vshll.u32 v7, $0x1  }
0x336: {  	v7 =	vand.u32 $0x7, v7;
	v8 =	vand.u32 $0xFFFFFFF0, v8  }
0x337: {  	v7 =	vor.u32 v7, v8  }
0x338: {  	v8 =	vperm.xlane v7, v3;
	_ =	sdelay $0x1  }
0x339: {  	v7 =	vperm.xlane v7, v5;
	v8 =	vadd.s32 v4, v8;
	_ =	sdelay $0x1  }
0x33a: {  	v7 =	vadd.s32 v4, v7;
	_ =	sdelay $0x1  }
0x33b: {  	s21 =	simm.s32 $0xD400  }
0x33c: {  	[tilespmem:s21], [sflag:$0x2] =	stream.indirect_vreg.gather [hbm4b:s1+s6], $0x80, v8, vm2, $0xb8;
	[tilespmem:$0x1C500] =	vst v63  }
0x33d: {  	s25 =	simm.s32 $0xDC00  }
0x33e: {  	[tilespmem:s25], [sflag:$0x2] =	stream.indirect_vreg.gather [hbm4b:s1+s6], $0x80, v7, vm2, $0xb8;
	[tilespmem:$0x1C500] =	vst v63  }
0x33f: {  	v7 =	vld [tilespmem:$0x260];
	_ =	sdelay $0x4  }
0x340: {  	v8 =	vshll.u32 v7, $0x1  }
0x341: {  	v7 =	vand.u32 $0x7, v7;
	v8 =	vand.u32 $0xFFFFFFF0, v8  }
0x342: {  	v7 =	vor.u32 v7, v8  }
0x343: {  	v8 =	vperm.xlane v7, v3;
	_ =	sdelay $0x1  }
0x344: {  	v7 =	vperm.xlane v7, v5;
	v8 =	vadd.s32 v4, v8;
	_ =	sdelay $0x1  }
0x345: {  	v7 =	vadd.s32 v4, v7;
	_ =	sdelay $0x1  }
0x346: {  	s28 =	simm.s32 $0xE400  }
0x347: {  	[tilespmem:s28], [sflag:$0x2] =	stream.indirect_vreg.gather [hbm4b:s1+s6], $0x80, v8, vm2, $0xb8;
	[tilespmem:$0x1C500] =	vst v63  }
0x348: {  	s29 =	simm.s32 $0xEC00  }
0x349: {  	[tilespmem:s29], [sflag:$0x2] =	stream.indirect_vreg.gather [hbm4b:s1+s6], $0x80, v7, vm2, $0xb8;
	[tilespmem:$0x1C500] =	vst v63  }
0x34a: {  	v7 =	vld [tilespmem:$0x270];
	_ =	sdelay $0x4  }
0x34b: {  	v8 =	vshll.u32 v7, $0x1  }
0x34c: {  	v7 =	vand.u32 $0x7, v7;
	v8 =	vand.u32 $0xFFFFFFF0, v8  }
0x34d: {  	v7 =	vor.u32 v7, v8  }
0x34e: {  	v8 =	vperm.xlane v7, v3;
	_ =	sdelay $0x1  }
0x34f: {  	v7 =	vperm.xlane v7, v5;
	v8 =	vadd.s32 v4, v8;
	_ =	sdelay $0x1  }
0x350: {  	v7 =	vadd.s32 v4, v7;
	_ =	sdelay $0x1  }
0x351: {  	s30 =	simm.s32 $0xF400  }
0x352: {  	[tilespmem:s30], [sflag:$0x2] =	stream.indirect_vreg.gather [hbm4b:s1+s6], $0x80, v8, vm2, $0xb8;
	[tilespmem:$0x1C500] =	vst v63  }
0x353: {  	s31 =	simm.s32 $0xFC00  }
0x354: {  	[tilespmem:s31], [sflag:$0x2] =	stream.indirect_vreg.gather [hbm4b:s1+s6], $0x80, v7, vm2, $0xb8;
	[tilespmem:$0x1C500] =	vst v63  }
.LBB2_41:
.Ltmp23:
0x355: {  	(pc) =	sbr.rel @p4 .LBB2_49-.Ltmp23, $1  }
0x356: {  	_ =	sdelay $0x3  }
0x357: {  	p2 =	sgt.u32 s20, $0x7F  }
.Ltmp24:
0x358: {  	_ = 	snop;
	(pc) =	sbr.rel @p2 .LBB2_48-.Ltmp24, $4  }
0x359: {  	s0 =	simm.s32 $0x1  }
0x35a: {  	_ =	swait.ge [sflag:s0], $0x8000  }
0x35b: {  	[sflag:s0] =	ssyncset.done $0x0  }
0x35c: {  	[sflag:s0] =	ssyncadd.s32 $0xFFFF8000  }
0x35d: {  	s0 =	rddreg [dreg:$0x10]  }
0x35e: {  	s2 =	rddreg [dreg:$0x14]  }
0x35f: {  	s0 =	sadd.s32 s2, s0  }
0x360: {  	s0 =	sadd.s32 s26, s0  }
0x361: {  	p2 =	sgt.s32 s0, $0x0  }
0x362: {  	s0 =	simm.s32 @!p2 $0x0  }
0x363: {  	s0 =	smin.u32 s0, $0x80  }
0x364: {  	s31 =	ssub.s32 $0x80, s0  }
0x365: {  	s2 =	smax.u32 s31, $0x1  }
0x366: {  	s2 =	sshll.u32 s2, $0x7  }
0x367: {  	p5 =	sne.s32 s2, $0x80  }
.Ltmp25:
0x368: {  	_ = 	snop;
	(pc) =	sbr.rel @!p5 .LBB2_44-.Ltmp25, $3  }
0x369: {  	_ =	sdelay $0x1  }
0x36a: {  	p2 =	por $0x0, $0x0;
	s4 =	sshll.u32 s0, $0x8;
	s7 =	sshll.u32 s0, $0x7  }
0x36b: {  	s13 =	sand.u32 $0xFFFFF800, s4;
	s16 =	sand.u32 $0x380, s7;
	s11 =	sadd.s32 $0xFFFFFF80, s2  }
0x36c: {  	s2 =	sor.u32 s16, s13  }
0x36d: {  	[tilespmem:s2+$0x870] =	vst v2  }
0x36e: {  	[tilespmem:s2+$0x400] =	vst v2  }
0x36f: {  	[tilespmem:s2+$0x410] =	vst v2  }
0x370: {  	[tilespmem:s2+$0x420] =	vst v2  }
0x371: {  	[tilespmem:s2+$0x430] =	vst v2  }
0x372: {  	[tilespmem:s2+$0x440] =	vst v2  }
0x373: {  	[tilespmem:s2+$0x450] =	vst v2  }
0x374: {  	[tilespmem:s2+$0x460] =	vst v2  }
0x375: {  	[tilespmem:s2+$0x470] =	vst v2  }
0x376: {  	p5 =	sne.s32 s11, $0x80;
	[tilespmem:s2+$0x800] =	vst v2  }
.Ltmp26:
0x377: {  	[tilespmem:s2+$0x810] =	vst v2;
	(pc) =	sbr.rel @!p5 .LBB2_47-.Ltmp26, $4  }
0x378: {  	[tilespmem:s2+$0x820] =	vst v2  }
0x379: {  	[tilespmem:s2+$0x830] =	vst v2  }
0x37a: {  	s4 =	sadd.s32 $0x100, s4;
	s7 =	sadd.s32 $0x80, s7;
	s11 =	sadd.s32 $0xFFFFFF80, s11;
	[tilespmem:s2+$0x840] =	vst v2  }
0x37b: {  	p2 =	por $0x1, $0x1;
	s13 =	sand.u32 $0xFFFFF800, s4;
	s16 =	sand.u32 $0x380, s7;
	[tilespmem:s2+$0x850] =	vst v2  }
.LBB2_46:
0x37c: {  	p5 =	sne.s32 s11, $0x80;
	[tilespmem:s2+$0x860] =	vst v2;
	s2 =	sor.u32 s16, s13  }
0x37d: {  	[tilespmem:s2+$0x870] =	vst v2  }
0x37e: {  	[tilespmem:s2+$0x400] =	vst v2  }
0x37f: {  	[tilespmem:s2+$0x410] =	vst v2  }
0x380: {  	[tilespmem:s2+$0x420] =	vst v2  }
0x381: {  	[tilespmem:s2+$0x430] =	vst v2  }
0x382: {  	[tilespmem:s2+$0x440] =	vst v2  }
0x383: {  	[tilespmem:s2+$0x450] =	vst v2  }
0x384: {  	[tilespmem:s2+$0x460] =	vst v2  }
0x385: {  	[tilespmem:s2+$0x470] =	vst v2  }
0x386: {  	[tilespmem:s2+$0x800] =	vst v2  }
.Ltmp27:
0x387: {  	[tilespmem:s2+$0x810] =	vst v2;
	(pc) =	sbr.rel @p5 .LBB2_46-.Ltmp27, $4  }
0x388: {  	[tilespmem:s2+$0x820] =	vst v2  }
0x389: {  	[tilespmem:s2+$0x830] =	vst v2  }
0x38a: {  	s7 =	sadd.s32 $0x80, s7;
	s4 =	sadd.s32 $0x100, s4;
	[tilespmem:s2+$0x840] =	vst v2  }
0x38b: {  	s11 =	sadd.s32 $0xFFFFFF80, s11;
	s13 =	sand.u32 $0xFFFFF800, s4;
	s16 =	sand.u32 $0x380, s7;
	[tilespmem:s2+$0x850] =	vst v2  }
.LBB2_47:
0x38c: {  	s0 =	sor.u32 s16, s13;
	[tilespmem:s2+$0x860] =	vst @p2 v2  }
0x38d: {  	[tilespmem:s0+$0x870] =	vst v2  }
0x38e: {  	[tilespmem:s0+$0x400] =	vst v2  }
0x38f: {  	[tilespmem:s0+$0x410] =	vst v2  }
0x390: {  	[tilespmem:s0+$0x420] =	vst v2  }
0x391: {  	[tilespmem:s0+$0x430] =	vst v2  }
0x392: {  	[tilespmem:s0+$0x440] =	vst v2  }
0x393: {  	[tilespmem:s0+$0x450] =	vst v2  }
0x394: {  	[tilespmem:s0+$0x460] =	vst v2  }
0x395: {  	[tilespmem:s0+$0x470] =	vst v2  }
0x396: {  	[tilespmem:s0+$0x800] =	vst v2  }
0x397: {  	[tilespmem:s0+$0x810] =	vst v2  }
0x398: {  	[tilespmem:s0+$0x820] =	vst v2  }
0x399: {  	[tilespmem:s0+$0x830] =	vst v2  }
0x39a: {  	[tilespmem:s0+$0x840] =	vst v2  }
0x39b: {  	[tilespmem:s0+$0x850] =	vst v2  }
0x39c: {  	[tilespmem:s0+$0x860] =	vst v2  }
.LBB2_48:
0x39d: {  	s0 =	rddreg [dreg:$0xb]  }
0x39e: {  	[hbm4b:s0+s6] =	stream.linear.scatter [tilespmem:s23], [sflag:$0x4], $0x8000, $0x38;
	[tilespmem:$0x1C500] =	vst v63  }
.LBB2_49:
0x39f: {  	p2 =	slt.s32 s18, $0x1  }
.Ltmp28:
0x3a0: {  	_ = 	snop;
	(pc) =	sbr.rel @p2 .LBB2_51-.Ltmp28, $4  }
0x3a1: {  	s0 =	simm.s32 @!p1 $0x6  }
0x3a2: {  	_ =	swait.ge @!p1 [sflag:s0], $0x8000  }
0x3a3: {  	[sflag:s0] =	ssyncset.done @!p1 $0x0  }
0x3a4: {  	[sflag:s0] =	ssyncadd.s32 @!p1 $0xFFFF8000  }
0x3a5: {  	v7 =	vld [tilespmem:$0x280];
	_ =	sdelay $0x4  }
0x3a6: {  	v8 =	vshll.u32 v7, $0x1  }
0x3a7: {  	v7 =	vand.u32 $0x7, v7;
	v8 =	vand.u32 $0xFFFFFFF0, v8  }
0x3a8: {  	v7 =	vor.u32 v7, v8  }
0x3a9: {  	v8 =	vperm.xlane v7, v3;
	_ =	sdelay $0x1  }
0x3aa: {  	v7 =	vperm.xlane v7, v5;
	v8 =	vadd.s32 v4, v8;
	_ =	sdelay $0x1  }
0x3ab: {  	v7 =	vadd.s32 v4, v7;
	_ =	sdelay $0x2  }
0x3ac: {  	[tilespmem:s24], [sflag:$0x3] =	stream.indirect_vreg.gather [hbm4b:s1+s6], $0x80, v8, vm2, $0xb8;
	[tilespmem:$0x1C500] =	vst v63  }
0x3ad: {  	s0 =	simm.s32 $0x10C00  }
0x3ae: {  	[tilespmem:s0], [sflag:$0x3] =	stream.indirect_vreg.gather [hbm4b:s1+s6], $0x80, v7, vm2, $0xb8;
	[tilespmem:$0x1C500] =	vst v63  }
0x3af: {  	v7 =	vld [tilespmem:$0x290];
	_ =	sdelay $0x4  }
0x3b0: {  	v8 =	vshll.u32 v7, $0x1  }
0x3b1: {  	v7 =	vand.u32 $0x7, v7;
	v8 =	vand.u32 $0xFFFFFFF0, v8  }
0x3b2: {  	v7 =	vor.u32 v7, v8  }
0x3b3: {  	v8 =	vperm.xlane v7, v3;
	_ =	sdelay $0x1  }
0x3b4: {  	v7 =	vperm.xlane v7, v5;
	v8 =	vadd.s32 v4, v8;
	_ =	sdelay $0x1  }
0x3b5: {  	v7 =	vadd.s32 v4, v7;
	_ =	sdelay $0x1  }
0x3b6: {  	s31 =	simm.s32 $0x11400  }
0x3b7: {  	[tilespmem:s31], [sflag:$0x3] =	stream.indirect_vreg.gather [hbm4b:s1+s6], $0x80, v8, vm2, $0xb8;
	[tilespmem:$0x1C500] =	vst v63  }
0x3b8: {  	s2 =	simm.s32 $0x11C00  }
0x3b9: {  	[tilespmem:s2], [sflag:$0x3] =	stream.indirect_vreg.gather [hbm4b:s1+s6], $0x80, v7, vm2, $0xb8;
	[tilespmem:$0x1C500] =	vst v63  }
0x3ba: {  	v7 =	vld [tilespmem:$0x2A0];
	_ =	sdelay $0x4  }
0x3bb: {  	v8 =	vshll.u32 v7, $0x1  }
0x3bc: {  	v7 =	vand.u32 $0x7, v7;
	v8 =	vand.u32 $0xFFFFFFF0, v8  }
0x3bd: {  	v7 =	vor.u32 v7, v8  }
0x3be: {  	v8 =	vperm.xlane v7, v3;
	_ =	sdelay $0x1  }
0x3bf: {  	v7 =	vperm.xlane v7, v5;
	v8 =	vadd.s32 v4, v8;
	_ =	sdelay $0x1  }
0x3c0: {  	v7 =	vadd.s32 v4, v7;
	_ =	sdelay $0x1  }
0x3c1: {  	s4 =	simm.s32 $0x12400  }
0x3c2: {  	[tilespmem:s4], [sflag:$0x3] =	stream.indirect_vreg.gather [hbm4b:s1+s6], $0x80, v8, vm2, $0xb8;
	[tilespmem:$0x1C500] =	vst v63  }
0x3c3: {  	s7 =	simm.s32 $0x12C00  }
0x3c4: {  	[tilespmem:s7], [sflag:$0x3] =	stream.indirect_vreg.gather [hbm4b:s1+s6], $0x80, v7, vm2, $0xb8;
	[tilespmem:$0x1C500] =	vst v63  }
0x3c5: {  	v7 =	vld [tilespmem:$0x2B0];
	_ =	sdelay $0x4  }
0x3c6: {  	v8 =	vshll.u32 v7, $0x1  }
0x3c7: {  	v7 =	vand.u32 $0x7, v7;
	v8 =	vand.u32 $0xFFFFFFF0, v8  }
0x3c8: {  	v7 =	vor.u32 v7, v8  }
0x3c9: {  	v8 =	vperm.xlane v7, v3;
	_ =	sdelay $0x1  }
0x3ca: {  	v7 =	vperm.xlane v7, v5;
	v8 =	vadd.s32 v4, v8;
	_ =	sdelay $0x1  }
0x3cb: {  	v7 =	vadd.s32 v4, v7;
	_ =	sdelay $0x1  }
0x3cc: {  	s11 =	simm.s32 $0x13400  }
0x3cd: {  	[tilespmem:s11], [sflag:$0x3] =	stream.indirect_vreg.gather [hbm4b:s1+s6], $0x80, v8, vm2, $0xb8;
	[tilespmem:$0x1C500] =	vst v63  }
0x3ce: {  	s13 =	simm.s32 $0x13C00  }
0x3cf: {  	[tilespmem:s13], [sflag:$0x3] =	stream.indirect_vreg.gather [hbm4b:s1+s6], $0x80, v7, vm2, $0xb8;
	[tilespmem:$0x1C500] =	vst v63  }
0x3d0: {  	v7 =	vld [tilespmem:$0x2C0];
	_ =	sdelay $0x4  }
0x3d1: {  	v8 =	vshll.u32 v7, $0x1  }
0x3d2: {  	v7 =	vand.u32 $0x7, v7;
	v8 =	vand.u32 $0xFFFFFFF0, v8  }
0x3d3: {  	v7 =	vor.u32 v7, v8  }
0x3d4: {  	v8 =	vperm.xlane v7, v3;
	_ =	sdelay $0x1  }
0x3d5: {  	v7 =	vperm.xlane v7, v5;
	v8 =	vadd.s32 v4, v8;
	_ =	sdelay $0x1  }
0x3d6: {  	v7 =	vadd.s32 v4, v7;
	_ =	sdelay $0x1  }
0x3d7: {  	s16 =	simm.s32 $0x14400  }
0x3d8: {  	[tilespmem:s16], [sflag:$0x3] =	stream.indirect_vreg.gather [hbm4b:s1+s6], $0x80, v8, vm2, $0xb8;
	[tilespmem:$0x1C500] =	vst v63  }
0x3d9: {  	s20 =	simm.s32 $0x14C00  }
0x3da: {  	[tilespmem:s20], [sflag:$0x3] =	stream.indirect_vreg.gather [hbm4b:s1+s6], $0x80, v7, vm2, $0xb8;
	[tilespmem:$0x1C500] =	vst v63  }
0x3db: {  	v7 =	vld [tilespmem:$0x2D0];
	_ =	sdelay $0x4  }
0x3dc: {  	v8 =	vshll.u32 v7, $0x1  }
0x3dd: {  	v7 =	vand.u32 $0x7, v7;
	v8 =	vand.u32 $0xFFFFFFF0, v8  }
0x3de: {  	v7 =	vor.u32 v7, v8  }
0x3df: {  	v8 =	vperm.xlane v7, v3;
	_ =	sdelay $0x1  }
0x3e0: {  	v7 =	vperm.xlane v7, v5;
	v8 =	vadd.s32 v4, v8;
	_ =	sdelay $0x1  }
0x3e1: {  	v7 =	vadd.s32 v4, v7;
	_ =	sdelay $0x1  }
0x3e2: {  	s21 =	simm.s32 $0x15400  }
0x3e3: {  	[tilespmem:s21], [sflag:$0x3] =	stream.indirect_vreg.gather [hbm4b:s1+s6], $0x80, v8, vm2, $0xb8;
	[tilespmem:$0x1C500] =	vst v63  }
0x3e4: {  	s25 =	simm.s32 $0x15C00  }
0x3e5: {  	[tilespmem:s25], [sflag:$0x3] =	stream.indirect_vreg.gather [hbm4b:s1+s6], $0x80, v7, vm2, $0xb8;
	[tilespmem:$0x1C500] =	vst v63  }
0x3e6: {  	v7 =	vld [tilespmem:$0x2E0];
	_ =	sdelay $0x4  }
0x3e7: {  	v8 =	vshll.u32 v7, $0x1  }
0x3e8: {  	v7 =	vand.u32 $0x7, v7;
	v8 =	vand.u32 $0xFFFFFFF0, v8  }
0x3e9: {  	v7 =	vor.u32 v7, v8  }
0x3ea: {  	v8 =	vperm.xlane v7, v3;
	_ =	sdelay $0x1  }
0x3eb: {  	v7 =	vperm.xlane v7, v5;
	v8 =	vadd.s32 v4, v8;
	_ =	sdelay $0x1  }
0x3ec: {  	v7 =	vadd.s32 v4, v7;
	_ =	sdelay $0x1  }
0x3ed: {  	s28 =	simm.s32 $0x16400  }
0x3ee: {  	[tilespmem:s28], [sflag:$0x3] =	stream.indirect_vreg.gather [hbm4b:s1+s6], $0x80, v8, vm2, $0xb8;
	[tilespmem:$0x1C500] =	vst v63  }
0x3ef: {  	s29 =	simm.s32 $0x16C00  }
0x3f0: {  	[tilespmem:s29], [sflag:$0x3] =	stream.indirect_vreg.gather [hbm4b:s1+s6], $0x80, v7, vm2, $0xb8;
	[tilespmem:$0x1C500] =	vst v63  }
0x3f1: {  	v7 =	vld [tilespmem:$0x2F0];
	_ =	sdelay $0x4  }
0x3f2: {  	v8 =	vshll.u32 v7, $0x1  }
0x3f3: {  	v7 =	vand.u32 $0x7, v7;
	v8 =	vand.u32 $0xFFFFFFF0, v8  }
0x3f4: {  	v7 =	vor.u32 v7, v8  }
0x3f5: {  	v8 =	vperm.xlane v7, v3;
	_ =	sdelay $0x1  }
0x3f6: {  	v7 =	vperm.xlane v7, v5;
	v8 =	vadd.s32 v4, v8;
	_ =	sdelay $0x1  }
0x3f7: {  	v7 =	vadd.s32 v4, v7;
	_ =	sdelay $0x1  }
0x3f8: {  	s30 =	simm.s32 $0x17400  }
0x3f9: {  	[tilespmem:s30], [sflag:$0x3] =	stream.indirect_vreg.gather [hbm4b:s1+s6], $0x80, v8, vm2, $0xb8;
	[tilespmem:$0x1C500] =	vst v63  }
0x3fa: {  	s31 =	simm.s32 $0x17C00  }
0x3fb: {  	[tilespmem:s31], [sflag:$0x3] =	stream.indirect_vreg.gather [hbm4b:s1+s6], $0x80, v7, vm2, $0xb8;
	[tilespmem:$0x1C500] =	vst v63  }
.LBB2_51:
.Ltmp29:
0x3fc: {  	(pc) =	sbr.rel @p3 .LBB2_59-.Ltmp29, $2  }
0x3fd: {  	_ =	sdelay $0x2  }
0x3fe: {  	s20 =	rddreg [dreg:$0x17]  }
0x3ff: {  	p1 =	sgt.u32 s19, $0x7F  }
.Ltmp30:
0x400: {  	_ = 	snop;
	(pc) =	sbr.rel @p1 .LBB2_58-.Ltmp30, $4  }
0x401: {  	s0 =	simm.s32 $0x2  }
0x402: {  	_ =	swait.ge [sflag:s0], $0x8000  }
0x403: {  	[sflag:s0] =	ssyncset.done $0x0  }
0x404: {  	[sflag:s0] =	ssyncadd.s32 $0xFFFF8000  }
0x405: {  	s0 =	rddreg [dreg:$0x12]  }
0x406: {  	s2 =	rddreg [dreg:$0x15]  }
0x407: {  	s0 =	sadd.s32 s2, s0  }
0x408: {  	s0 =	sadd.s32 s5, s0  }
0x409: {  	p1 =	sgt.s32 s0, $0x0  }
0x40a: {  	s0 =	simm.s32 @!p1 $0x0  }
0x40b: {  	s0 =	smin.u32 s0, $0x80  }
0x40c: {  	s31 =	ssub.s32 $0x80, s0  }
0x40d: {  	s2 =	smax.u32 s31, $0x1  }
0x40e: {  	s2 =	sshll.u32 s2, $0x7  }
0x40f: {  	p5 =	sne.s32 s2, $0x80  }
.Ltmp31:
0x410: {  	_ = 	snop;
	(pc) =	sbr.rel @!p5 .LBB2_54-.Ltmp31, $3  }
0x411: {  	_ =	sdelay $0x1  }
0x412: {  	p1 =	por $0x0, $0x0;
	s4 =	sshll.u32 s0, $0x8;
	s7 =	sshll.u32 s0, $0x7  }
0x413: {  	s13 =	sand.u32 $0xFFFFF800, s4;
	s16 =	sand.u32 $0x380, s7;
	s11 =	sadd.s32 $0xFFFFFF80, s2  }
0x414: {  	s2 =	sor.u32 s16, s13  }
0x415: {  	[tilespmem:s2+$0x8870] =	vst v2  }
0x416: {  	[tilespmem:s2+$0x8400] =	vst v2  }
0x417: {  	[tilespmem:s2+$0x8410] =	vst v2  }
0x418: {  	[tilespmem:s2+$0x8420] =	vst v2  }
0x419: {  	[tilespmem:s2+$0x8430] =	vst v2  }
0x41a: {  	[tilespmem:s2+$0x8440] =	vst v2  }
0x41b: {  	[tilespmem:s2+$0x8450] =	vst v2  }
0x41c: {  	[tilespmem:s2+$0x8460] =	vst v2  }
0x41d: {  	[tilespmem:s2+$0x8470] =	vst v2  }
0x41e: {  	p5 =	sne.s32 s11, $0x80;
	[tilespmem:s2+$0x8800] =	vst v2  }
.Ltmp32:
0x41f: {  	[tilespmem:s2+$0x8810] =	vst v2;
	(pc) =	sbr.rel @!p5 .LBB2_57-.Ltmp32, $4  }
0x420: {  	[tilespmem:s2+$0x8820] =	vst v2  }
0x421: {  	[tilespmem:s2+$0x8830] =	vst v2  }
0x422: {  	s4 =	sadd.s32 $0x100, s4;
	s7 =	sadd.s32 $0x80, s7;
	s11 =	sadd.s32 $0xFFFFFF80, s11;
	[tilespmem:s2+$0x8840] =	vst v2  }
0x423: {  	p1 =	por $0x1, $0x1;
	s13 =	sand.u32 $0xFFFFF800, s4;
	s16 =	sand.u32 $0x380, s7;
	[tilespmem:s2+$0x8850] =	vst v2  }
.LBB2_56:
0x424: {  	p5 =	sne.s32 s11, $0x80;
	[tilespmem:s2+$0x8860] =	vst v2;
	s2 =	sor.u32 s16, s13  }
0x425: {  	[tilespmem:s2+$0x8870] =	vst v2  }
0x426: {  	[tilespmem:s2+$0x8400] =	vst v2  }
0x427: {  	[tilespmem:s2+$0x8410] =	vst v2  }
0x428: {  	[tilespmem:s2+$0x8420] =	vst v2  }
0x429: {  	[tilespmem:s2+$0x8430] =	vst v2  }
0x42a: {  	[tilespmem:s2+$0x8440] =	vst v2  }
0x42b: {  	[tilespmem:s2+$0x8450] =	vst v2  }
0x42c: {  	[tilespmem:s2+$0x8460] =	vst v2  }
0x42d: {  	[tilespmem:s2+$0x8470] =	vst v2  }
0x42e: {  	[tilespmem:s2+$0x8800] =	vst v2  }
.Ltmp33:
0x42f: {  	[tilespmem:s2+$0x8810] =	vst v2;
	(pc) =	sbr.rel @p5 .LBB2_56-.Ltmp33, $4  }
0x430: {  	[tilespmem:s2+$0x8820] =	vst v2  }
0x431: {  	[tilespmem:s2+$0x8830] =	vst v2  }
0x432: {  	s7 =	sadd.s32 $0x80, s7;
	s4 =	sadd.s32 $0x100, s4;
	[tilespmem:s2+$0x8840] =	vst v2  }
0x433: {  	s11 =	sadd.s32 $0xFFFFFF80, s11;
	s13 =	sand.u32 $0xFFFFF800, s4;
	s16 =	sand.u32 $0x380, s7;
	[tilespmem:s2+$0x8850] =	vst v2  }
.LBB2_57:
0x434: {  	s0 =	sor.u32 s16, s13;
	[tilespmem:s2+$0x8860] =	vst @p1 v2  }
0x435: {  	[tilespmem:s0+$0x8870] =	vst v2  }
0x436: {  	[tilespmem:s0+$0x8400] =	vst v2  }
0x437: {  	[tilespmem:s0+$0x8410] =	vst v2  }
0x438: {  	[tilespmem:s0+$0x8420] =	vst v2  }
0x439: {  	[tilespmem:s0+$0x8430] =	vst v2  }
0x43a: {  	[tilespmem:s0+$0x8440] =	vst v2  }
0x43b: {  	[tilespmem:s0+$0x8450] =	vst v2  }
0x43c: {  	[tilespmem:s0+$0x8460] =	vst v2  }
0x43d: {  	[tilespmem:s0+$0x8470] =	vst v2  }
0x43e: {  	[tilespmem:s0+$0x8800] =	vst v2  }
0x43f: {  	[tilespmem:s0+$0x8810] =	vst v2  }
0x440: {  	[tilespmem:s0+$0x8820] =	vst v2  }
0x441: {  	[tilespmem:s0+$0x8830] =	vst v2  }
0x442: {  	[tilespmem:s0+$0x8840] =	vst v2  }
0x443: {  	[tilespmem:s0+$0x8850] =	vst v2  }
0x444: {  	[tilespmem:s0+$0x8860] =	vst v2  }
.LBB2_58:
0x445: {  	s0 =	rddreg [dreg:$0xc]  }
0x446: {  	[hbm4b:s0+s6] =	stream.linear.scatter [tilespmem:s17], [sflag:$0x5], $0x8000, $0x38;
	[tilespmem:$0x1C500] =	vst v63  }
.LBB2_59:
0x447: {  	p1 =	slt.s32 s20, $0x1  }
.Ltmp34:
0x448: {  	_ = 	snop;
	(pc) =	sbr.rel @p1 .LBB2_61-.Ltmp34, $4  }
0x449: {  	s0 =	simm.s32 @!p4 $0x4  }
0x44a: {  	_ =	swait.ge @!p4 [sflag:s0], $0x8000  }
0x44b: {  	[sflag:s0] =	ssyncset.done @!p4 $0x0  }
0x44c: {  	[sflag:s0] =	ssyncadd.s32 @!p4 $0xFFFF8000  }
0x44d: {  	v7 =	vld [tilespmem:$0x300];
	_ =	sdelay $0x4  }
0x44e: {  	v8 =	vshll.u32 v7, $0x1  }
0x44f: {  	v7 =	vand.u32 $0x7, v7;
	v8 =	vand.u32 $0xFFFFFFF0, v8  }
0x450: {  	v7 =	vor.u32 v7, v8  }
0x451: {  	v8 =	vperm.xlane v7, v3;
	_ =	sdelay $0x1  }
0x452: {  	v7 =	vperm.xlane v7, v5;
	v8 =	vadd.s32 v4, v8;
	_ =	sdelay $0x1  }
0x453: {  	v7 =	vadd.s32 v4, v7;
	_ =	sdelay $0x2  }
0x454: {  	[tilespmem:s23], [sflag:$0x1] =	stream.indirect_vreg.gather [hbm4b:s1+s6], $0x80, v8, vm2, $0xb8;
	[tilespmem:$0x1C500] =	vst v63  }
0x455: {  	s0 =	simm.s32 $0xC00  }
0x456: {  	[tilespmem:s0], [sflag:$0x1] =	stream.indirect_vreg.gather [hbm4b:s1+s6], $0x80, v7, vm2, $0xb8;
	[tilespmem:$0x1C500] =	vst v63  }
0x457: {  	v7 =	vld [tilespmem:$0x310];
	_ =	sdelay $0x4  }
0x458: {  	v8 =	vshll.u32 v7, $0x1  }
0x459: {  	v7 =	vand.u32 $0x7, v7;
	v8 =	vand.u32 $0xFFFFFFF0, v8  }
0x45a: {  	v7 =	vor.u32 v7, v8  }
0x45b: {  	v8 =	vperm.xlane v7, v3;
	_ =	sdelay $0x1  }
0x45c: {  	v7 =	vperm.xlane v7, v5;
	v8 =	vadd.s32 v4, v8;
	_ =	sdelay $0x1  }
0x45d: {  	v7 =	vadd.s32 v4, v7;
	_ =	sdelay $0x1  }
0x45e: {  	s31 =	simm.s32 $0x1400  }
0x45f: {  	[tilespmem:s31], [sflag:$0x1] =	stream.indirect_vreg.gather [hbm4b:s1+s6], $0x80, v8, vm2, $0xb8;
	[tilespmem:$0x1C500] =	vst v63  }
0x460: {  	s2 =	simm.s32 $0x1C00  }
0x461: {  	[tilespmem:s2], [sflag:$0x1] =	stream.indirect_vreg.gather [hbm4b:s1+s6], $0x80, v7, vm2, $0xb8;
	[tilespmem:$0x1C500] =	vst v63  }
0x462: {  	v7 =	vld [tilespmem:$0x320];
	_ =	sdelay $0x4  }
0x463: {  	v8 =	vshll.u32 v7, $0x1  }
0x464: {  	v7 =	vand.u32 $0x7, v7;
	v8 =	vand.u32 $0xFFFFFFF0, v8  }
0x465: {  	v7 =	vor.u32 v7, v8  }
0x466: {  	v8 =	vperm.xlane v7, v3;
	_ =	sdelay $0x1  }
0x467: {  	v7 =	vperm.xlane v7, v5;
	v8 =	vadd.s32 v4, v8;
	_ =	sdelay $0x1  }
0x468: {  	v7 =	vadd.s32 v4, v7;
	_ =	sdelay $0x1  }
0x469: {  	s4 =	simm.s32 $0x2400  }
0x46a: {  	[tilespmem:s4], [sflag:$0x1] =	stream.indirect_vreg.gather [hbm4b:s1+s6], $0x80, v8, vm2, $0xb8;
	[tilespmem:$0x1C500] =	vst v63  }
0x46b: {  	s7 =	simm.s32 $0x2C00  }
0x46c: {  	[tilespmem:s7], [sflag:$0x1] =	stream.indirect_vreg.gather [hbm4b:s1+s6], $0x80, v7, vm2, $0xb8;
	[tilespmem:$0x1C500] =	vst v63  }
0x46d: {  	v7 =	vld [tilespmem:$0x330];
	_ =	sdelay $0x4  }
0x46e: {  	v8 =	vshll.u32 v7, $0x1  }
0x46f: {  	v7 =	vand.u32 $0x7, v7;
	v8 =	vand.u32 $0xFFFFFFF0, v8  }
0x470: {  	v7 =	vor.u32 v7, v8  }
0x471: {  	v8 =	vperm.xlane v7, v3;
	_ =	sdelay $0x1  }
0x472: {  	v7 =	vperm.xlane v7, v5;
	v8 =	vadd.s32 v4, v8;
	_ =	sdelay $0x1  }
0x473: {  	v7 =	vadd.s32 v4, v7;
	_ =	sdelay $0x1  }
0x474: {  	s11 =	simm.s32 $0x3400  }
0x475: {  	[tilespmem:s11], [sflag:$0x1] =	stream.indirect_vreg.gather [hbm4b:s1+s6], $0x80, v8, vm2, $0xb8;
	[tilespmem:$0x1C500] =	vst v63  }
0x476: {  	s13 =	simm.s32 $0x3C00  }
0x477: {  	[tilespmem:s13], [sflag:$0x1] =	stream.indirect_vreg.gather [hbm4b:s1+s6], $0x80, v7, vm2, $0xb8;
	[tilespmem:$0x1C500] =	vst v63  }
0x478: {  	v7 =	vld [tilespmem:$0x340];
	_ =	sdelay $0x4  }
0x479: {  	v8 =	vshll.u32 v7, $0x1  }
0x47a: {  	v7 =	vand.u32 $0x7, v7;
	v8 =	vand.u32 $0xFFFFFFF0, v8  }
0x47b: {  	v7 =	vor.u32 v7, v8  }
0x47c: {  	v8 =	vperm.xlane v7, v3;
	_ =	sdelay $0x1  }
0x47d: {  	v7 =	vperm.xlane v7, v5;
	v8 =	vadd.s32 v4, v8;
	_ =	sdelay $0x1  }
0x47e: {  	v7 =	vadd.s32 v4, v7;
	_ =	sdelay $0x1  }
0x47f: {  	s16 =	simm.s32 $0x4400  }
0x480: {  	[tilespmem:s16], [sflag:$0x1] =	stream.indirect_vreg.gather [hbm4b:s1+s6], $0x80, v8, vm2, $0xb8;
	[tilespmem:$0x1C500] =	vst v63  }
0x481: {  	s19 =	simm.s32 $0x4C00  }
0x482: {  	[tilespmem:s19], [sflag:$0x1] =	stream.indirect_vreg.gather [hbm4b:s1+s6], $0x80, v7, vm2, $0xb8;
	[tilespmem:$0x1C500] =	vst v63  }
0x483: {  	v7 =	vld [tilespmem:$0x350];
	_ =	sdelay $0x4  }
0x484: {  	v8 =	vshll.u32 v7, $0x1  }
0x485: {  	v7 =	vand.u32 $0x7, v7;
	v8 =	vand.u32 $0xFFFFFFF0, v8  }
0x486: {  	v7 =	vor.u32 v7, v8  }
0x487: {  	v8 =	vperm.xlane v7, v3;
	_ =	sdelay $0x1  }
0x488: {  	v7 =	vperm.xlane v7, v5;
	v8 =	vadd.s32 v4, v8;
	_ =	sdelay $0x1  }
0x489: {  	v7 =	vadd.s32 v4, v7;
	_ =	sdelay $0x1  }
0x48a: {  	s21 =	simm.s32 $0x5400  }
0x48b: {  	[tilespmem:s21], [sflag:$0x1] =	stream.indirect_vreg.gather [hbm4b:s1+s6], $0x80, v8, vm2, $0xb8;
	[tilespmem:$0x1C500] =	vst v63  }
0x48c: {  	s25 =	simm.s32 $0x5C00  }
0x48d: {  	[tilespmem:s25], [sflag:$0x1] =	stream.indirect_vreg.gather [hbm4b:s1+s6], $0x80, v7, vm2, $0xb8;
	[tilespmem:$0x1C500] =	vst v63  }
0x48e: {  	v7 =	vld [tilespmem:$0x360];
	_ =	sdelay $0x4  }
0x48f: {  	v8 =	vshll.u32 v7, $0x1  }
0x490: {  	v7 =	vand.u32 $0x7, v7;
	v8 =	vand.u32 $0xFFFFFFF0, v8  }
0x491: {  	v7 =	vor.u32 v7, v8  }
0x492: {  	v8 =	vperm.xlane v7, v3;
	_ =	sdelay $0x1  }
0x493: {  	v7 =	vperm.xlane v7, v5;
	v8 =	vadd.s32 v4, v8;
	_ =	sdelay $0x1  }
0x494: {  	v7 =	vadd.s32 v4, v7;
	_ =	sdelay $0x1  }
0x495: {  	s28 =	simm.s32 $0x6400  }
0x496: {  	[tilespmem:s28], [sflag:$0x1] =	stream.indirect_vreg.gather [hbm4b:s1+s6], $0x80, v8, vm2, $0xb8;
	[tilespmem:$0x1C500] =	vst v63  }
0x497: {  	s29 =	simm.s32 $0x6C00  }
0x498: {  	[tilespmem:s29], [sflag:$0x1] =	stream.indirect_vreg.gather [hbm4b:s1+s6], $0x80, v7, vm2, $0xb8;
	[tilespmem:$0x1C500] =	vst v63  }
0x499: {  	v7 =	vld [tilespmem:$0x370];
	_ =	sdelay $0x4  }
0x49a: {  	v8 =	vshll.u32 v7, $0x1  }
0x49b: {  	v7 =	vand.u32 $0x7, v7;
	v8 =	vand.u32 $0xFFFFFFF0, v8  }
0x49c: {  	v7 =	vor.u32 v7, v8  }
0x49d: {  	v8 =	vperm.xlane v7, v3;
	_ =	sdelay $0x1  }
0x49e: {  	v7 =	vperm.xlane v7, v5;
	v8 =	vadd.s32 v4, v8;
	_ =	sdelay $0x1  }
0x49f: {  	v7 =	vadd.s32 v4, v7;
	_ =	sdelay $0x1  }
0x4a0: {  	s30 =	simm.s32 $0x7400  }
0x4a1: {  	[tilespmem:s30], [sflag:$0x1] =	stream.indirect_vreg.gather [hbm4b:s1+s6], $0x80, v8, vm2, $0xb8;
	[tilespmem:$0x1C500] =	vst v63  }
0x4a2: {  	s31 =	simm.s32 $0x7C00  }
0x4a3: {  	[tilespmem:s31], [sflag:$0x1] =	stream.indirect_vreg.gather [hbm4b:s1+s6], $0x80, v7, vm2, $0xb8;
	[tilespmem:$0x1C500] =	vst v63  }
.LBB2_61:
.Ltmp35:
0x4a4: {  	(pc) =	sbr.rel @p2 .LBB2_69-.Ltmp35, $2  }
0x4a5: {  	_ =	sdelay $0x2  }
0x4a6: {  	s19 =	rddreg [dreg:$0x5]  }
0x4a7: {  	p4 =	sgt.u32 s18, $0x7F  }
.Ltmp36:
0x4a8: {  	_ = 	snop;
	(pc) =	sbr.rel @p4 .LBB2_68-.Ltmp36, $4  }
0x4a9: {  	s0 =	simm.s32 $0x3  }
0x4aa: {  	_ =	swait.ge [sflag:s0], $0x8000  }
0x4ab: {  	[sflag:s0] =	ssyncset.done $0x0  }
0x4ac: {  	[sflag:s0] =	ssyncadd.s32 $0xFFFF8000  }
0x4ad: {  	s0 =	rddreg [dreg:$0x12]  }
0x4ae: {  	s2 =	rddreg [dreg:$0x14]  }
0x4af: {  	s0 =	sadd.s32 s2, s0  }
0x4b0: {  	s0 =	sadd.s32 s26, s0  }
0x4b1: {  	p4 =	sgt.s32 s0, $0x0  }
0x4b2: {  	s0 =	simm.s32 @!p4 $0x0  }
0x4b3: {  	s0 =	smin.u32 s0, $0x80  }
0x4b4: {  	s31 =	ssub.s32 $0x80, s0  }
0x4b5: {  	s2 =	smax.u32 s31, $0x1  }
0x4b6: {  	s2 =	sshll.u32 s2, $0x7  }
0x4b7: {  	p5 =	sne.s32 s2, $0x80  }
.Ltmp37:
0x4b8: {  	_ = 	snop;
	(pc) =	sbr.rel @!p5 .LBB2_64-.Ltmp37, $3  }
0x4b9: {  	_ =	sdelay $0x1  }
0x4ba: {  	p4 =	por $0x0, $0x0;
	s4 =	sshll.u32 s0, $0x8;
	s7 =	sshll.u32 s0, $0x7  }
0x4bb: {  	s13 =	sand.u32 $0xFFFFF800, s4;
	s16 =	sand.u32 $0x380, s7;
	s11 =	sadd.s32 $0xFFFFFF80, s2  }
0x4bc: {  	s0 =	sor.u32 s16, s13  }
0x4bd: {  	s2 =	sadd.s32 $0x10400, s0;
	[tilespmem:s0+$0x10400] =	vst v2  }
0x4be: {  	[tilespmem:s2+$0x10] =	vst v2  }
0x4bf: {  	[tilespmem:s2+$0x20] =	vst v2  }
0x4c0: {  	[tilespmem:s2+$0x30] =	vst v2  }
0x4c1: {  	[tilespmem:s2+$0x40] =	vst v2  }
0x4c2: {  	[tilespmem:s2+$0x50] =	vst v2  }
0x4c3: {  	[tilespmem:s2+$0x60] =	vst v2  }
0x4c4: {  	[tilespmem:s2+$0x70] =	vst v2  }
0x4c5: {  	[tilespmem:s2+$0x400] =	vst v2  }
0x4c6: {  	p5 =	sne.s32 s11, $0x80;
	[tilespmem:s2+$0x410] =	vst v2  }
.Ltmp38:
0x4c7: {  	[tilespmem:s2+$0x420] =	vst v2;
	(pc) =	sbr.rel @!p5 .LBB2_67-.Ltmp38, $4  }
0x4c8: {  	[tilespmem:s2+$0x430] =	vst v2  }
0x4c9: {  	[tilespmem:s2+$0x440] =	vst v2  }
0x4ca: {  	s4 =	sadd.s32 $0x100, s4;
	s7 =	sadd.s32 $0x80, s7;
	s11 =	sadd.s32 $0xFFFFFF80, s11;
	[tilespmem:s2+$0x450] =	vst v2  }
0x4cb: {  	p4 =	por $0x1, $0x1;
	s13 =	sand.u32 $0xFFFFF800, s4;
	s16 =	sand.u32 $0x380, s7;
	[tilespmem:s2+$0x460] =	vst v2  }
.LBB2_66:
0x4cc: {  	p5 =	sne.s32 s11, $0x80;
	s0 =	sor.u32 s16, s13;
	[tilespmem:s2+$0x470] =	vst v2  }
0x4cd: {  	s2 =	sadd.s32 $0x10400, s0;
	[tilespmem:s0+$0x10400] =	vst v2  }
0x4ce: {  	[tilespmem:s2+$0x10] =	vst v2  }
0x4cf: {  	[tilespmem:s2+$0x20] =	vst v2  }
0x4d0: {  	[tilespmem:s2+$0x30] =	vst v2  }
0x4d1: {  	[tilespmem:s2+$0x40] =	vst v2  }
0x4d2: {  	[tilespmem:s2+$0x50] =	vst v2  }
0x4d3: {  	[tilespmem:s2+$0x60] =	vst v2  }
0x4d4: {  	[tilespmem:s2+$0x70] =	vst v2  }
0x4d5: {  	[tilespmem:s2+$0x400] =	vst v2  }
0x4d6: {  	[tilespmem:s2+$0x410] =	vst v2  }
.Ltmp39:
0x4d7: {  	[tilespmem:s2+$0x420] =	vst v2;
	(pc) =	sbr.rel @p5 .LBB2_66-.Ltmp39, $4  }
0x4d8: {  	[tilespmem:s2+$0x430] =	vst v2  }
0x4d9: {  	[tilespmem:s2+$0x440] =	vst v2  }
0x4da: {  	s7 =	sadd.s32 $0x80, s7;
	s4 =	sadd.s32 $0x100, s4;
	[tilespmem:s2+$0x450] =	vst v2  }
0x4db: {  	s11 =	sadd.s32 $0xFFFFFF80, s11;
	s13 =	sand.u32 $0xFFFFF800, s4;
	s16 =	sand.u32 $0x380, s7;
	[tilespmem:s2+$0x460] =	vst v2  }
.LBB2_67:
0x4dc: {  	s0 =	sor.u32 s16, s13;
	[tilespmem:s2+$0x470] =	vst @p4 v2  }
0x4dd: {  	s31 =	sadd.s32 $0x10400, s0;
	[tilespmem:s0+$0x10400] =	vst v2  }
0x4de: {  	[tilespmem:s31+$0x10] =	vst v2  }
0x4df: {  	[tilespmem:s31+$0x20] =	vst v2  }
0x4e0: {  	[tilespmem:s31+$0x30] =	vst v2  }
0x4e1: {  	[tilespmem:s31+$0x40] =	vst v2  }
0x4e2: {  	[tilespmem:s31+$0x50] =	vst v2  }
0x4e3: {  	[tilespmem:s31+$0x60] =	vst v2  }
0x4e4: {  	[tilespmem:s31+$0x70] =	vst v2  }
0x4e5: {  	[tilespmem:s31+$0x400] =	vst v2  }
0x4e6: {  	[tilespmem:s31+$0x410] =	vst v2  }
0x4e7: {  	[tilespmem:s31+$0x420] =	vst v2  }
0x4e8: {  	[tilespmem:s31+$0x430] =	vst v2  }
0x4e9: {  	[tilespmem:s31+$0x440] =	vst v2  }
0x4ea: {  	[tilespmem:s31+$0x450] =	vst v2  }
0x4eb: {  	[tilespmem:s31+$0x460] =	vst v2  }
0x4ec: {  	[tilespmem:s31+$0x470] =	vst v2  }
.LBB2_68:
0x4ed: {  	s0 =	rddreg [dreg:$0xd]  }
0x4ee: {  	[hbm4b:s0+s6] =	stream.linear.scatter [tilespmem:s24], [sflag:$0x6], $0x8000, $0x38;
	[tilespmem:$0x1C500] =	vst v63  }
.LBB2_69:
0x4ef: {  	s0 =	simm.s32 @!p3 $0x5  }
0x4f0: {  	_ =	swait.ge @!p3 [sflag:s0], $0x8000  }
0x4f1: {  	s16 =	rddreg [dreg:$0x16]  }
0x4f2: {  	p4 =	slt.s32 s16, $0x1  }
.Ltmp40:
0x4f3: {  	_ = 	snop;
	(pc) =	sbr.rel @p4 .LBB2_71-.Ltmp40, $3  }
0x4f4: {  	_ =	sdelay $0x1  }
0x4f5: {  	[sflag:s0] =	ssyncset.done @!p3 $0x0  }
0x4f6: {  	[sflag:s0] =	ssyncadd.s32 @!p3 $0xFFFF8000  }
0x4f7: {  	v7 =	vld [tilespmem:$0x380];
	_ =	sdelay $0x4  }
0x4f8: {  	v8 =	vshll.u32 v7, $0x1  }
0x4f9: {  	v7 =	vand.u32 $0x7, v7;
	v8 =	vand.u32 $0xFFFFFFF0, v8  }
0x4fa: {  	v7 =	vor.u32 v7, v8  }
0x4fb: {  	v8 =	vperm.xlane v7, v3;
	_ =	sdelay $0x1  }
0x4fc: {  	v7 =	vperm.xlane v7, v5;
	v8 =	vadd.s32 v4, v8;
	_ =	sdelay $0x1  }
0x4fd: {  	v7 =	vadd.s32 v4, v7;
	_ =	sdelay $0x2  }
0x4fe: {  	[tilespmem:s17], [sflag:$0x2] =	stream.indirect_vreg.gather [hbm4b:s1+s6], $0x80, v8, vm2, $0xb8;
	[tilespmem:$0x1C500] =	vst v63  }
0x4ff: {  	s0 =	simm.s32 $0x8C00  }
0x500: {  	[tilespmem:s0], [sflag:$0x2] =	stream.indirect_vreg.gather [hbm4b:s1+s6], $0x80, v7, vm2, $0xb8;
	[tilespmem:$0x1C500] =	vst v63  }
0x501: {  	v7 =	vld [tilespmem:$0x390];
	_ =	sdelay $0x4  }
0x502: {  	v8 =	vshll.u32 v7, $0x1  }
0x503: {  	v7 =	vand.u32 $0x7, v7;
	v8 =	vand.u32 $0xFFFFFFF0, v8  }
0x504: {  	v7 =	vor.u32 v7, v8  }
0x505: {  	v8 =	vperm.xlane v7, v3;
	_ =	sdelay $0x1  }
0x506: {  	v7 =	vperm.xlane v7, v5;
	v8 =	vadd.s32 v4, v8;
	_ =	sdelay $0x1  }
0x507: {  	v7 =	vadd.s32 v4, v7;
	_ =	sdelay $0x1  }
0x508: {  	s30 =	simm.s32 $0x9400  }
0x509: {  	[tilespmem:s30], [sflag:$0x2] =	stream.indirect_vreg.gather [hbm4b:s1+s6], $0x80, v8, vm2, $0xb8;
	[tilespmem:$0x1C500] =	vst v63  }
0x50a: {  	s31 =	simm.s32 $0x9C00  }
0x50b: {  	[tilespmem:s31], [sflag:$0x2] =	stream.indirect_vreg.gather [hbm4b:s1+s6], $0x80, v7, vm2, $0xb8;
	[tilespmem:$0x1C500] =	vst v63  }
0x50c: {  	v7 =	vld [tilespmem:$0x3A0];
	_ =	sdelay $0x4  }
0x50d: {  	v8 =	vshll.u32 v7, $0x1  }
0x50e: {  	v7 =	vand.u32 $0x7, v7;
	v8 =	vand.u32 $0xFFFFFFF0, v8  }
0x50f: {  	v7 =	vor.u32 v7, v8  }
0x510: {  	v8 =	vperm.xlane v7, v3;
	_ =	sdelay $0x1  }
0x511: {  	v7 =	vperm.xlane v7, v5;
	v8 =	vadd.s32 v4, v8;
	_ =	sdelay $0x1  }
0x512: {  	v7 =	vadd.s32 v4, v7;
	_ =	sdelay $0x1  }
0x513: {  	s2 =	simm.s32 $0xA400  }
0x514: {  	[tilespmem:s2], [sflag:$0x2] =	stream.indirect_vreg.gather [hbm4b:s1+s6], $0x80, v8, vm2, $0xb8;
	[tilespmem:$0x1C500] =	vst v63  }
0x515: {  	s4 =	simm.s32 $0xAC00  }
0x516: {  	[tilespmem:s4], [sflag:$0x2] =	stream.indirect_vreg.gather [hbm4b:s1+s6], $0x80, v7, vm2, $0xb8;
	[tilespmem:$0x1C500] =	vst v63  }
0x517: {  	v7 =	vld [tilespmem:$0x3B0];
	_ =	sdelay $0x4  }
0x518: {  	v8 =	vshll.u32 v7, $0x1  }
0x519: {  	v7 =	vand.u32 $0x7, v7;
	v8 =	vand.u32 $0xFFFFFFF0, v8  }
0x51a: {  	v7 =	vor.u32 v7, v8  }
0x51b: {  	v8 =	vperm.xlane v7, v3;
	_ =	sdelay $0x1  }
0x51c: {  	v7 =	vperm.xlane v7, v5;
	v8 =	vadd.s32 v4, v8;
	_ =	sdelay $0x1  }
0x51d: {  	v7 =	vadd.s32 v4, v7;
	_ =	sdelay $0x1  }
0x51e: {  	s7 =	simm.s32 $0xB400  }
0x51f: {  	[tilespmem:s7], [sflag:$0x2] =	stream.indirect_vreg.gather [hbm4b:s1+s6], $0x80, v8, vm2, $0xb8;
	[tilespmem:$0x1C500] =	vst v63  }
0x520: {  	s11 =	simm.s32 $0xBC00  }
0x521: {  	[tilespmem:s11], [sflag:$0x2] =	stream.indirect_vreg.gather [hbm4b:s1+s6], $0x80, v7, vm2, $0xb8;
	[tilespmem:$0x1C500] =	vst v63  }
0x522: {  	v7 =	vld [tilespmem:$0x3C0];
	_ =	sdelay $0x4  }
0x523: {  	v8 =	vshll.u32 v7, $0x1  }
0x524: {  	v7 =	vand.u32 $0x7, v7;
	v8 =	vand.u32 $0xFFFFFFF0, v8  }
0x525: {  	v7 =	vor.u32 v7, v8  }
0x526: {  	v8 =	vperm.xlane v7, v3;
	_ =	sdelay $0x1  }
0x527: {  	v7 =	vperm.xlane v7, v5;
	v8 =	vadd.s32 v4, v8;
	_ =	sdelay $0x1  }
0x528: {  	v7 =	vadd.s32 v4, v7;
	_ =	sdelay $0x1  }
0x529: {  	s13 =	simm.s32 $0xC400  }
0x52a: {  	[tilespmem:s13], [sflag:$0x2] =	stream.indirect_vreg.gather [hbm4b:s1+s6], $0x80, v8, vm2, $0xb8;
	[tilespmem:$0x1C500] =	vst v63  }
0x52b: {  	s18 =	simm.s32 $0xCC00  }
0x52c: {  	[tilespmem:s18], [sflag:$0x2] =	stream.indirect_vreg.gather [hbm4b:s1+s6], $0x80, v7, vm2, $0xb8;
	[tilespmem:$0x1C500] =	vst v63  }
0x52d: {  	v7 =	vld [tilespmem:$0x3D0];
	_ =	sdelay $0x4  }
0x52e: {  	v8 =	vshll.u32 v7, $0x1  }
0x52f: {  	v7 =	vand.u32 $0x7, v7;
	v8 =	vand.u32 $0xFFFFFFF0, v8  }
0x530: {  	v7 =	vor.u32 v7, v8  }
0x531: {  	v8 =	vperm.xlane v7, v3;
	_ =	sdelay $0x1  }
0x532: {  	v7 =	vperm.xlane v7, v5;
	v8 =	vadd.s32 v4, v8;
	_ =	sdelay $0x1  }
0x533: {  	v7 =	vadd.s32 v4, v7;
	_ =	sdelay $0x1  }
0x534: {  	s21 =	simm.s32 $0xD400  }
0x535: {  	[tilespmem:s21], [sflag:$0x2] =	stream.indirect_vreg.gather [hbm4b:s1+s6], $0x80, v8, vm2, $0xb8;
	[tilespmem:$0x1C500] =	vst v63  }
0x536: {  	s25 =	simm.s32 $0xDC00  }
0x537: {  	[tilespmem:s25], [sflag:$0x2] =	stream.indirect_vreg.gather [hbm4b:s1+s6], $0x80, v7, vm2, $0xb8;
	[tilespmem:$0x1C500] =	vst v63  }
0x538: {  	v7 =	vld [tilespmem:$0x3E0];
	_ =	sdelay $0x4  }
0x539: {  	v8 =	vshll.u32 v7, $0x1  }
0x53a: {  	v7 =	vand.u32 $0x7, v7;
	v8 =	vand.u32 $0xFFFFFFF0, v8  }
0x53b: {  	v7 =	vor.u32 v7, v8  }
0x53c: {  	v8 =	vperm.xlane v7, v3;
	_ =	sdelay $0x1  }
0x53d: {  	v7 =	vperm.xlane v7, v5;
	v8 =	vadd.s32 v4, v8;
	_ =	sdelay $0x1  }
0x53e: {  	v7 =	vadd.s32 v4, v7;
	_ =	sdelay $0x1  }
0x53f: {  	s28 =	simm.s32 $0xE400  }
0x540: {  	[tilespmem:s28], [sflag:$0x2] =	stream.indirect_vreg.gather [hbm4b:s1+s6], $0x80, v8, vm2, $0xb8;
	[tilespmem:$0x1C500] =	vst v63  }
0x541: {  	s29 =	simm.s32 $0xEC00  }
0x542: {  	[tilespmem:s29], [sflag:$0x2] =	stream.indirect_vreg.gather [hbm4b:s1+s6], $0x80, v7, vm2, $0xb8;
	[tilespmem:$0x1C500] =	vst v63  }
0x543: {  	v7 =	vld [tilespmem:$0x3F0];
	_ =	sdelay $0x4  }
0x544: {  	v8 =	vshll.u32 v7, $0x1  }
0x545: {  	v7 =	vand.u32 $0x7, v7;
	v8 =	vand.u32 $0xFFFFFFF0, v8  }
0x546: {  	v7 =	vor.u32 v7, v8  }
0x547: {  	v8 =	vperm.xlane v7, v3;
	_ =	sdelay $0x1  }
0x548: {  	v7 =	vperm.xlane v7, v5;
	v8 =	vadd.s32 v4, v8;
	_ =	sdelay $0x1  }
0x549: {  	v7 =	vadd.s32 v4, v7;
	_ =	sdelay $0x1  }
0x54a: {  	s30 =	simm.s32 $0xF400  }
0x54b: {  	[tilespmem:s30], [sflag:$0x2] =	stream.indirect_vreg.gather [hbm4b:s1+s6], $0x80, v8, vm2, $0xb8;
	[tilespmem:$0x1C500] =	vst v63  }
0x54c: {  	s31 =	simm.s32 $0xFC00  }
0x54d: {  	[tilespmem:s31], [sflag:$0x2] =	stream.indirect_vreg.gather [hbm4b:s1+s6], $0x80, v7, vm2, $0xb8;
	[tilespmem:$0x1C500] =	vst v63  }
.LBB2_71:
.Ltmp41:
0x54e: {  	(pc) =	sbr.rel @p1 .LBB2_79-.Ltmp41, $1  }
0x54f: {  	_ =	sdelay $0x3  }
0x550: {  	p3 =	sgt.u32 s20, $0x7F  }
.Ltmp42:
0x551: {  	_ = 	snop;
	(pc) =	sbr.rel @p3 .LBB2_78-.Ltmp42, $4  }
0x552: {  	s0 =	simm.s32 $0x1  }
0x553: {  	_ =	swait.ge [sflag:s0], $0x8000  }
0x554: {  	[sflag:s0] =	ssyncset.done $0x0  }
0x555: {  	[sflag:s0] =	ssyncadd.s32 $0xFFFF8000  }
0x556: {  	s0 =	rddreg [dreg:$0x13]  }
0x557: {  	s2 =	rddreg [dreg:$0x15]  }
0x558: {  	s0 =	sadd.s32 s2, s0  }
0x559: {  	s0 =	sadd.s32 s5, s0  }
0x55a: {  	p3 =	sgt.s32 s0, $0x0  }
0x55b: {  	s0 =	simm.s32 @!p3 $0x0  }
0x55c: {  	s0 =	smin.u32 s0, $0x80  }
0x55d: {  	s31 =	ssub.s32 $0x80, s0  }
0x55e: {  	s2 =	smax.u32 s31, $0x1  }
0x55f: {  	s2 =	sshll.u32 s2, $0x7  }
0x560: {  	p5 =	sne.s32 s2, $0x80  }
.Ltmp43:
0x561: {  	_ = 	snop;
	(pc) =	sbr.rel @!p5 .LBB2_74-.Ltmp43, $3  }
0x562: {  	_ =	sdelay $0x1  }
0x563: {  	p3 =	por $0x0, $0x0;
	s4 =	sshll.u32 s0, $0x8;
	s5 =	sshll.u32 s0, $0x7  }
0x564: {  	s11 =	sand.u32 $0xFFFFF800, s4;
	s13 =	sand.u32 $0x380, s5;
	s7 =	sadd.s32 $0xFFFFFF80, s2  }
0x565: {  	s2 =	sor.u32 s13, s11  }
0x566: {  	[tilespmem:s2+$0x870] =	vst v2  }
0x567: {  	[tilespmem:s2+$0x400] =	vst v2  }
0x568: {  	[tilespmem:s2+$0x410] =	vst v2  }
0x569: {  	[tilespmem:s2+$0x420] =	vst v2  }
0x56a: {  	[tilespmem:s2+$0x430] =	vst v2  }
0x56b: {  	[tilespmem:s2+$0x440] =	vst v2  }
0x56c: {  	[tilespmem:s2+$0x450] =	vst v2  }
0x56d: {  	[tilespmem:s2+$0x460] =	vst v2  }
0x56e: {  	[tilespmem:s2+$0x470] =	vst v2  }
0x56f: {  	p5 =	sne.s32 s7, $0x80;
	[tilespmem:s2+$0x800] =	vst v2  }
.Ltmp44:
0x570: {  	[tilespmem:s2+$0x810] =	vst v2;
	(pc) =	sbr.rel @!p5 .LBB2_77-.Ltmp44, $4  }
0x571: {  	[tilespmem:s2+$0x820] =	vst v2  }
0x572: {  	[tilespmem:s2+$0x830] =	vst v2  }
0x573: {  	s4 =	sadd.s32 $0x100, s4;
	s5 =	sadd.s32 $0x80, s5;
	s7 =	sadd.s32 $0xFFFFFF80, s7;
	[tilespmem:s2+$0x840] =	vst v2  }
0x574: {  	p3 =	por $0x1, $0x1;
	s11 =	sand.u32 $0xFFFFF800, s4;
	s13 =	sand.u32 $0x380, s5;
	[tilespmem:s2+$0x850] =	vst v2  }
.LBB2_76:
0x575: {  	p5 =	sne.s32 s7, $0x80;
	[tilespmem:s2+$0x860] =	vst v2;
	s2 =	sor.u32 s13, s11  }
0x576: {  	[tilespmem:s2+$0x870] =	vst v2  }
0x577: {  	[tilespmem:s2+$0x400] =	vst v2  }
0x578: {  	[tilespmem:s2+$0x410] =	vst v2  }
0x579: {  	[tilespmem:s2+$0x420] =	vst v2  }
0x57a: {  	[tilespmem:s2+$0x430] =	vst v2  }
0x57b: {  	[tilespmem:s2+$0x440] =	vst v2  }
0x57c: {  	[tilespmem:s2+$0x450] =	vst v2  }
0x57d: {  	[tilespmem:s2+$0x460] =	vst v2  }
0x57e: {  	[tilespmem:s2+$0x470] =	vst v2  }
0x57f: {  	[tilespmem:s2+$0x800] =	vst v2  }
.Ltmp45:
0x580: {  	[tilespmem:s2+$0x810] =	vst v2;
	(pc) =	sbr.rel @p5 .LBB2_76-.Ltmp45, $4  }
0x581: {  	[tilespmem:s2+$0x820] =	vst v2  }
0x582: {  	[tilespmem:s2+$0x830] =	vst v2  }
0x583: {  	s5 =	sadd.s32 $0x80, s5;
	s4 =	sadd.s32 $0x100, s4;
	[tilespmem:s2+$0x840] =	vst v2  }
0x584: {  	s7 =	sadd.s32 $0xFFFFFF80, s7;
	s11 =	sand.u32 $0xFFFFF800, s4;
	s13 =	sand.u32 $0x380, s5;
	[tilespmem:s2+$0x850] =	vst v2  }
.LBB2_77:
0x585: {  	s0 =	sor.u32 s13, s11;
	[tilespmem:s2+$0x860] =	vst @p3 v2  }
0x586: {  	[tilespmem:s0+$0x870] =	vst v2  }
0x587: {  	[tilespmem:s0+$0x400] =	vst v2  }
0x588: {  	[tilespmem:s0+$0x410] =	vst v2  }
0x589: {  	[tilespmem:s0+$0x420] =	vst v2  }
0x58a: {  	[tilespmem:s0+$0x430] =	vst v2  }
0x58b: {  	[tilespmem:s0+$0x440] =	vst v2  }
0x58c: {  	[tilespmem:s0+$0x450] =	vst v2  }
0x58d: {  	[tilespmem:s0+$0x460] =	vst v2  }
0x58e: {  	[tilespmem:s0+$0x470] =	vst v2  }
0x58f: {  	[tilespmem:s0+$0x800] =	vst v2  }
0x590: {  	[tilespmem:s0+$0x810] =	vst v2  }
0x591: {  	[tilespmem:s0+$0x820] =	vst v2  }
0x592: {  	[tilespmem:s0+$0x830] =	vst v2  }
0x593: {  	[tilespmem:s0+$0x840] =	vst v2  }
0x594: {  	[tilespmem:s0+$0x850] =	vst v2  }
0x595: {  	[tilespmem:s0+$0x860] =	vst v2  }
.LBB2_78:
0x596: {  	s0 =	rddreg [dreg:$0xe]  }
0x597: {  	[hbm4b:s0+s6] =	stream.linear.scatter [tilespmem:s23], [sflag:$0x4], $0x8000, $0x38;
	[tilespmem:$0x1C500] =	vst v63  }
.LBB2_79:
.Ltmp46:
0x598: {  	(pc) =	sbr.rel @p4 .LBB2_87-.Ltmp46, $1  }
0x599: {  	_ =	sdelay $0x3  }
0x59a: {  	p3 =	sgt.u32 s16, $0x7F  }
.Ltmp47:
0x59b: {  	_ = 	snop;
	(pc) =	sbr.rel @p3 .LBB2_86-.Ltmp47, $4  }
0x59c: {  	s0 =	simm.s32 $0x2  }
0x59d: {  	_ =	swait.ge [sflag:s0], $0x8000  }
0x59e: {  	[sflag:s0] =	ssyncset.done $0x0  }
0x59f: {  	[sflag:s0] =	ssyncadd.s32 $0xFFFF8000  }
0x5a0: {  	s0 =	rddreg [dreg:$0x13]  }
0x5a1: {  	s2 =	rddreg [dreg:$0x14]  }
0x5a2: {  	s0 =	sadd.s32 s2, s0  }
0x5a3: {  	s0 =	sadd.s32 s26, s0  }
0x5a4: {  	p3 =	sgt.s32 s0, $0x0  }
0x5a5: {  	s0 =	simm.s32 @!p3 $0x0  }
0x5a6: {  	s0 =	smin.u32 s0, $0x80  }
0x5a7: {  	s31 =	ssub.s32 $0x80, s0  }
0x5a8: {  	s2 =	smax.u32 s31, $0x1  }
0x5a9: {  	s2 =	sshll.u32 s2, $0x7  }
0x5aa: {  	p5 =	sne.s32 s2, $0x80  }
.Ltmp48:
0x5ab: {  	_ = 	snop;
	(pc) =	sbr.rel @!p5 .LBB2_82-.Ltmp48, $3  }
0x5ac: {  	_ =	sdelay $0x1  }
0x5ad: {  	p3 =	por $0x0, $0x0;
	s4 =	sshll.u32 s0, $0x8;
	s5 =	sshll.u32 s0, $0x7  }
0x5ae: {  	s11 =	sand.u32 $0xFFFFF800, s4;
	s13 =	sand.u32 $0x380, s5;
	s7 =	sadd.s32 $0xFFFFFF80, s2  }
0x5af: {  	s2 =	sor.u32 s13, s11  }
0x5b0: {  	[tilespmem:s2+$0x8870] =	vst v2  }
0x5b1: {  	[tilespmem:s2+$0x8400] =	vst v2  }
0x5b2: {  	[tilespmem:s2+$0x8410] =	vst v2  }
0x5b3: {  	[tilespmem:s2+$0x8420] =	vst v2  }
0x5b4: {  	[tilespmem:s2+$0x8430] =	vst v2  }
0x5b5: {  	[tilespmem:s2+$0x8440] =	vst v2  }
0x5b6: {  	[tilespmem:s2+$0x8450] =	vst v2  }
0x5b7: {  	[tilespmem:s2+$0x8460] =	vst v2  }
0x5b8: {  	[tilespmem:s2+$0x8470] =	vst v2  }
0x5b9: {  	p5 =	sne.s32 s7, $0x80;
	[tilespmem:s2+$0x8800] =	vst v2  }
.Ltmp49:
0x5ba: {  	[tilespmem:s2+$0x8810] =	vst v2;
	(pc) =	sbr.rel @!p5 .LBB2_85-.Ltmp49, $4  }
0x5bb: {  	[tilespmem:s2+$0x8820] =	vst v2  }
0x5bc: {  	[tilespmem:s2+$0x8830] =	vst v2  }
0x5bd: {  	s4 =	sadd.s32 $0x100, s4;
	s5 =	sadd.s32 $0x80, s5;
	s7 =	sadd.s32 $0xFFFFFF80, s7;
	[tilespmem:s2+$0x8840] =	vst v2  }
0x5be: {  	p3 =	por $0x1, $0x1;
	s11 =	sand.u32 $0xFFFFF800, s4;
	s13 =	sand.u32 $0x380, s5;
	[tilespmem:s2+$0x8850] =	vst v2  }
.LBB2_84:
0x5bf: {  	p5 =	sne.s32 s7, $0x80;
	[tilespmem:s2+$0x8860] =	vst v2;
	s2 =	sor.u32 s13, s11  }
0x5c0: {  	[tilespmem:s2+$0x8870] =	vst v2  }
0x5c1: {  	[tilespmem:s2+$0x8400] =	vst v2  }
0x5c2: {  	[tilespmem:s2+$0x8410] =	vst v2  }
0x5c3: {  	[tilespmem:s2+$0x8420] =	vst v2  }
0x5c4: {  	[tilespmem:s2+$0x8430] =	vst v2  }
0x5c5: {  	[tilespmem:s2+$0x8440] =	vst v2  }
0x5c6: {  	[tilespmem:s2+$0x8450] =	vst v2  }
0x5c7: {  	[tilespmem:s2+$0x8460] =	vst v2  }
0x5c8: {  	[tilespmem:s2+$0x8470] =	vst v2  }
0x5c9: {  	[tilespmem:s2+$0x8800] =	vst v2  }
.Ltmp50:
0x5ca: {  	[tilespmem:s2+$0x8810] =	vst v2;
	(pc) =	sbr.rel @p5 .LBB2_84-.Ltmp50, $4  }
0x5cb: {  	[tilespmem:s2+$0x8820] =	vst v2  }
0x5cc: {  	[tilespmem:s2+$0x8830] =	vst v2  }
0x5cd: {  	s5 =	sadd.s32 $0x80, s5;
	s4 =	sadd.s32 $0x100, s4;
	[tilespmem:s2+$0x8840] =	vst v2  }
0x5ce: {  	s7 =	sadd.s32 $0xFFFFFF80, s7;
	s11 =	sand.u32 $0xFFFFF800, s4;
	s13 =	sand.u32 $0x380, s5;
	[tilespmem:s2+$0x8850] =	vst v2  }
.LBB2_85:
0x5cf: {  	s0 =	sor.u32 s13, s11;
	[tilespmem:s2+$0x8860] =	vst @p3 v2  }
0x5d0: {  	[tilespmem:s0+$0x8870] =	vst v2  }
0x5d1: {  	[tilespmem:s0+$0x8400] =	vst v2  }
0x5d2: {  	[tilespmem:s0+$0x8410] =	vst v2  }
0x5d3: {  	[tilespmem:s0+$0x8420] =	vst v2  }
0x5d4: {  	[tilespmem:s0+$0x8430] =	vst v2  }
0x5d5: {  	[tilespmem:s0+$0x8440] =	vst v2  }
0x5d6: {  	[tilespmem:s0+$0x8450] =	vst v2  }
0x5d7: {  	[tilespmem:s0+$0x8460] =	vst v2  }
0x5d8: {  	[tilespmem:s0+$0x8470] =	vst v2  }
0x5d9: {  	[tilespmem:s0+$0x8800] =	vst v2  }
0x5da: {  	[tilespmem:s0+$0x8810] =	vst v2  }
0x5db: {  	[tilespmem:s0+$0x8820] =	vst v2  }
0x5dc: {  	[tilespmem:s0+$0x8830] =	vst v2  }
0x5dd: {  	[tilespmem:s0+$0x8840] =	vst v2  }
0x5de: {  	[tilespmem:s0+$0x8850] =	vst v2  }
0x5df: {  	[tilespmem:s0+$0x8860] =	vst v2  }
.LBB2_86:
0x5e0: {  	s0 =	rddreg [dreg:$0xf]  }
0x5e1: {  	[hbm4b:s0+s6] =	stream.linear.scatter [tilespmem:s17], [sflag:$0x5], $0x8000, $0x38;
	[tilespmem:$0x1C500] =	vst v63  }
.LBB2_87:
0x5e2: {  	s0 =	simm.s32 @!p2 $0x6  }
0x5e3: {  	_ =	swait.ge @!p2 [sflag:s0], $0x8000  }
0x5e4: {  	s2 =	simm.s32 $0x0;
	[sflag:s0] =	ssyncset.done @!p2 $0x0  }
0x5e5: {  	s4 =	sand.u32 $0x1, s2;
	[sflag:s0] =	ssyncadd.s32 @!p2 $0xFFFF8000  }
0x5e6: {  	s0 =	simm.s32 @!p1 $0x4;
	p2 =	seq.s32 s4, $0x1;
	s4 =	smov.u32 s12  }
0x5e7: {  	_ =	swait.ge @!p1 [sflag:s0], $0x8000;
	s4 =	smov.u32 @p2 s10  }
0x5e8: {  	[sflag:s0] =	ssyncset.done @!p1 $0x0;
	v7 =	vmov s4  }
0x5e9: {  	[sflag:s0] =	ssyncadd.s32 @!p1 $0xFFFF8000;
	s0 =	simm.s32 @!p4 $0x5;
	vm3 =	veq.s32 v7, v0  }
0x5ea: {  	s25 =	simm.s32 $0x1;
	_ =	swait.ge @!p4 [sflag:s0], $0x8000;
	v7 =	vnsel vm3, $0x0, v6  }
0x5eb: {  	s4 =	sand.u32 $0x1, s25;
	(xrf0) =	vadd.scan.msk.s32 $0xffff, v7  }
0x5ec: {  	p1 =	seq.s32 s4, $0x1;
	s4 =	smov.u32 s12  }
0x5ed: {  	s4 =	smov.u32 @p1 s10  }
0x5ee: {  	v7 =	vmov s4;
	_ =	sdelay $0x2  }
0x5ef: {  	vm3 =	veq.s32 v7, v0;
	v7, _, _ =	vpop (xrf0)  }
0x5f0: {  	v8 =	vnsel vm3, $0x0, v6;
	(v2sf) =	vpush v7, $0xF  }
0x5f1: {  	(xrf0) =	vadd.scan.msk.s32 $0xffff, v8;
	_ =	sdelay $0x3  }
0x5f2: {  	s26 =	simm.s32 $0x2  }
0x5f3: {  	s4 =	sand.u32 $0x1, s26  }
0x5f4: {  	p1 =	seq.s32 s4, $0x1;
	s4 =	smov.u32 s12;
	v7, _, _ =	vpop (xrf0)  }
0x5f5: {  	s4 =	smov.u32 @p1 s10;
	(v2sf) =	vpush v7, $0xF  }
0x5f6: {  	v7 =	vmov s4  }
0x5f7: {  	vm3 =	veq.s32 v7, v0  }
0x5f8: {  	s28 =	simm.s32 $0x3;
	[sflag:s0] =	ssyncset.done @!p4 $0x0;
	v7 =	vnsel vm3, $0x0, v6  }
0x5f9: {  	[sflag:s0] =	ssyncadd.s32 @!p4 $0xFFFF8000;
	s0 =	sand.u32 $0x1, s28;
	(xrf0) =	vadd.scan.msk.s32 $0xffff, v7  }
0x5fa: {  	p1 =	seq.s32 s0, $0x1;
	s0 =	smov.u32 s12  }
0x5fb: {  	s0 =	smov.u32 @p1 s10  }
0x5fc: {  	v7 =	vmov s0;
	s29 =	spop (v2sf)  }
0x5fd: {  	s16 =	simm.s32 $0x4;
	s2 =	sand.u32 $0x600, s2;
	s7 =	sand.u32 $0x1, s29  }
0x5fe: {  	s5 =	sshrl.u32 s29, $0x1F;
	p3 =	slt.s32 s29, $0x1;
	p5 =	seq.s32 s7, $0x1  }
0x5ff: {  	s2 =	sor.u32 s9, s2;
	vm3 =	veq.s32 v7, v0;
	v7, _, _ =	vpop (xrf0);
	s4 =	sadd.s32 s5, s29;
	p6 =	por !p3, !p5  }
0x600: {  	(v2sf) =	vpush v7, $0xF;
	s5 =	simm.s32 $0x1;
	s4 =	sshra.s32 s4, $0x1;
	p1 =	por !p6, !p6  }
0x601: {  	s16 =	sand.u32 $0x1, s16;
	v8 =	vnsel vm3, $0x0, v6;
	s30 =	ssub.s32 s4, s2;
	s5 =	simm.s32 @!p1 $0x0  }
0x602: {  	(xrf0) =	vadd.scan.msk.s32 $0xffff, v8;
	p5 =	seq.s32 s16, $0x1;
	s0 =	ssub.s32 s30, s5  }
0x603: {  	s4 =	simm.s32 $0x5;
	s2 =	simm.s32 $0x100;
	p1 =	sgt.s32 s0, $0x0  }
0x604: {  	s7 =	sand.u32 $0x600, s2;
	s11 =	spop (v2sf);
	s5 =	simm.s32 @!p1 $0x7  }
0x605: {  	s13 =	sshrl.u32 s11, $0x1F;
	s31 =	sand.u32 $0x1, s11;
	_ =	swait.ge @!p1 [sflag:s5], $0x4000  }
0x606: {  	p3 =	slt.s32 s11, $0x1;
	p2 =	seq.s32 s31, $0x1;
	[sflag:s5] =	ssyncset.done @!p1 $0x0  }
.LBB2_88:
0x607: {  	s0 =	smov.u32 s12  }
0x608: {  	v7, _, _ =	vpop (xrf0);
	s11 =	sadd.s32 s13, s11;
	[sflag:s5] =	ssyncadd.s32 @!p1 $0xFFFFC000;
	s0 =	smov.u32 @p5 s10  }
0x609: {  	s16 =	smov.u32 s4;
	(v2sf) =	vpush v7, $0xF  }
0x60a: {  	p2 =	por !p3, !p2;
	v8 =	vmov s0;
	s0 =	sor.u32 s9, s7;
	_ =	swait.ge @!p1 [sflag:s5], $0x4000  }
0x60b: {  	s4 =	sadd.s32 $0x1, s4;
	p2 =	por !p2, !p2;
	vm3 =	veq.s32 v8, v0;
	[sflag:s5] =	ssyncset.done @!p1 $0x0  }
0x60c: {  	s7 =	sshra.s32 s11, $0x1;
	v7 =	vnsel vm3, $0x0, v6;
	[sflag:s5] =	ssyncadd.s32 @!p1 $0xFFFFC000;
	s5 =	simm.s32 $0x1  }
0x60d: {  	p4 =	sne.s32 s4, $0x8;
	s0 =	ssub.s32 s7, s0;
	(xrf0) =	vadd.scan.msk.s32 $0xffff, v7;
	s5 =	simm.s32 @!p2 $0x0  }
.Ltmp51:
0x60e: {  	s2 =	sadd.s32 $0x100, s2;
	s0 =	ssub.s32 s0, s5;
	(pc) =	sbr.rel @p4 .LBB2_88-.Ltmp51, $4  }
0x60f: {  	s7 =	sand.u32 $0x600, s2;
	s11 =	spop (v2sf);
	p1 =	sgt.s32 s0, $0x0  }
0x610: {  	s13 =	sshrl.u32 s11, $0x1F;
	s0 =	sand.u32 $0x1, s11;
	s5 =	simm.s32 @!p1 $0x7  }
0x611: {  	s16 =	sand.u32 $0x1, s16;
	p2 =	seq.s32 s0, $0x1;
	_ =	swait.ge @!p1 [sflag:s5], $0x4000  }
0x612: {  	p5 =	seq.s32 s16, $0x1;
	p3 =	slt.s32 s11, $0x1;
	[sflag:s5] =	ssyncset.done @!p1 $0x0  }
0x613: {  	s0 =	smov.u32 s12  }
0x614: {  	s0 =	smov.u32 @p5 s10  }
0x615: {  	v7, _, _ =	vpop (xrf0);
	v8 =	vmov s0  }
0x616: {  	s29 =	sadd.s32 s13, s11;
	[sflag:s5] =	ssyncadd.s32 @!p1 $0xFFFFC000;
	(v2sf) =	vpush v7, $0xF;
	vm3 =	veq.s32 v8, v0  }
0x617: {  	s4 =	sor.u32 s9, s7;
	p2 =	por !p3, !p2;
	_ =	swait.ge @!p1 [sflag:s5], $0x4000;
	v6 =	vnsel vm3, $0x0, v6  }
0x618: {  	s7 =	simm.s32 $0x1;
	p2 =	por !p2, !p2;
	s0 =	sshra.s32 s29, $0x1;
	(xrf0) =	vadd.scan.msk.s32 $0xffff, v6  }
0x619: {  	s7 =	simm.s32 @!p2 $0x0;
	s0 =	ssub.s32 s0, s4  }
0x61a: {  	s0 =	ssub.s32 s0, s7  }
0x61b: {  	[sflag:s5] =	ssyncset.done @!p1 $0x0;
	p2 =	sgt.s32 s0, $0x0  }
0x61c: {  	[sflag:s5] =	ssyncadd.s32 @!p1 $0xFFFFC000;
	s30 =	spop (v2sf);
	s4 =	simm.s32 @!p2 $0x7  }
0x61d: {  	s2 =	sadd.s32 $0x100, s2;
	_ =	swait.ge @!p2 [sflag:s4], $0x4000  }
0x61e: {  	s31 =	sand.u32 $0x600, s2;
	s2 =	sadd.s32 $0x100, s2;
	v6, _, _ =	vpop (xrf0)  }
0x61f: {  	s20 =	sand.u32 $0x600, s2;
	(v2sf) =	vpush v6, $0xF  }
0x620: {  	s2 =	sadd.s32 $0x100, s2;
	s5 =	sor.u32 s9, s31;
	s13 =	sand.u32 $0x1, s30  }
0x621: {  	s16 =	sshrl.u32 s30, $0x1F;
	p6 =	slt.s32 s30, $0x1;
	p5 =	seq.s32 s13, $0x1  }
0x622: {  	s7 =	simm.s32 $0x1;
	s0 =	sadd.s32 s16, s30;
	p1 =	por !p6, !p5  }
0x623: {  	[sflag:s4] =	ssyncset.done @!p2 $0x0;
	s0 =	sshra.s32 s0, $0x1;
	p1 =	por !p1, !p1  }
0x624: {  	[sflag:s4] =	ssyncadd.s32 @!p2 $0xFFFFC000;
	s0 =	ssub.s32 s0, s5;
	s7 =	simm.s32 @!p1 $0x0  }
0x625: {  	s5 =	simm.s32 $0x1;
	s0 =	ssub.s32 s0, s7;
	_ =	swait.ge @!p2 [sflag:s4], $0x4000  }
0x626: {  	p1 =	sgt.s32 s0, $0x0;
	s0 =	sor.u32 s9, s20;
	[sflag:s4] =	ssyncset.done @!p2 $0x0  }
0x627: {  	s7 =	simm.s32 @!p1 $0x7;
	[sflag:s4] =	ssyncadd.s32 @!p2 $0xFFFFC000;
	s18 =	spop (v2sf)  }
0x628: {  	s21 =	sand.u32 $0x1, s18;
	s25 =	sshrl.u32 s18, $0x1F;
	_ =	swait.ge @!p1 [sflag:s7], $0x4000  }
0x629: {  	p4 =	slt.s32 s18, $0x1;
	p3 =	seq.s32 s21, $0x1;
	[sflag:s7] =	ssyncset.done @!p1 $0x0  }
0x62a: {  	s4 =	sadd.s32 s25, s18;
	[sflag:s7] =	ssyncadd.s32 @!p1 $0xFFFFC000;
	p2 =	por !p4, !p3  }
0x62b: {  	s4 =	sshra.s32 s4, $0x1;
	p2 =	por !p2, !p2;
	_ =	swait.ge @!p1 [sflag:s7], $0x4000  }
0x62c: {  	s0 =	ssub.s32 s4, s0;
	s5 =	simm.s32 @!p2 $0x0;
	[sflag:s7] =	ssyncset.done @!p1 $0x0  }
0x62d: {  	s26 =	sand.u32 $0x600, s2;
	s0 =	ssub.s32 s0, s5;
	[sflag:s7] =	ssyncadd.s32 @!p1 $0xFFFFC000  }
0x62e: {  	s5 =	simm.s32 $0x1;
	p1 =	sgt.s32 s0, $0x0;
	s28 =	spop (v2sf)  }
0x62f: {  	s0 =	sor.u32 s9, s26;
	s4 =	simm.s32 @!p1 $0x7;
	s30 =	sand.u32 $0x1, s28  }
0x630: {  	s29 =	sshrl.u32 s28, $0x1F;
	p6 =	slt.s32 s28, $0x1;
	p5 =	seq.s32 s30, $0x1  }
0x631: {  	_ =	swait.ge @!p1 [sflag:s4], $0x4000;
	s2 =	sadd.s32 s29, s28;
	p2 =	por !p6, !p5  }
0x632: {  	[sflag:s4] =	ssyncset.done @!p1 $0x0;
	s2 =	sshra.s32 s2, $0x1;
	p2 =	por !p2, !p2  }
0x633: {  	[sflag:s4] =	ssyncadd.s32 @!p1 $0xFFFFC000;
	s0 =	ssub.s32 s2, s0;
	s5 =	simm.s32 @!p2 $0x0  }
0x634: {  	_ =	swait.ge @!p1 [sflag:s4], $0x4000;
	s0 =	ssub.s32 s0, s5  }
0x635: {  	[sflag:s4] =	ssyncset.done @!p1 $0x0;
	p2 =	sgt.s32 s0, $0x0  }
0x636: {  	[sflag:s4] =	ssyncadd.s32 @!p1 $0xFFFFC000;
	s0 =	simm.s32 @!p2 $0x7  }
0x637: {  	_ =	swait.ge @!p2 [sflag:s0], $0x4000  }
0x638: {  	[sflag:s0] =	ssyncset.done @!p2 $0x0  }
0x639: {  	[sflag:s0] =	ssyncadd.s32 @!p2 $0xFFFFC000  }
0x63a: {  	_ =	swait.ge @!p2 [sflag:s0], $0x4000  }
0x63b: {  	s22 =	sadd.s32 $0x1, s22;
	s31 =	rddreg [dreg:$0x11]  }
0x63c: {  	p1 =	sne.s32 s22, s31  }
.Ltmp52:
0x63d: {  	_ = 	snop;
	(pc) =	sbr.rel @p1 .LBB2_1-.Ltmp52, $4  }
.Ltmp53:
0x63e: {  	_ = 	snop;
	(pc) =	sbr.rel @!p1 .LBB2_90-.Ltmp53, $4  }
0x63f: {  	_ = 	snop  }
0x640: {  	[sflag:s0] =	ssyncset.done @!p2 $0x0  }
0x641: {  	[sflag:s0] =	ssyncadd.s32 @!p2 $0xFFFFC000  }
0x642: {  	_ = 	snop  }
.LBB2_16:
.Ltmp54:
0x643: {  	(pc) =	sbr.rel .LBB2_19-.Ltmp54, $2  }
0x644: {  	_ =	sdelay $0x2  }
0x645: {  	_ = 	snop  }
.LBB2_24:
.Ltmp55:
0x646: {  	(pc) =	sbr.rel .LBB2_27-.Ltmp55, $2  }
0x647: {  	_ =	sdelay $0x2  }
0x648: {  	_ = 	snop  }
.LBB2_34:
.Ltmp56:
0x649: {  	(pc) =	sbr.rel .LBB2_37-.Ltmp56, $2  }
0x64a: {  	_ =	sdelay $0x2  }
0x64b: {  	_ = 	snop  }
.LBB2_44:
.Ltmp57:
0x64c: {  	(pc) =	sbr.rel .LBB2_47-.Ltmp57, $2  }
0x64d: {  	_ =	sdelay $0x2  }
0x64e: {  	_ = 	snop  }
.LBB2_54:
.Ltmp58:
0x64f: {  	(pc) =	sbr.rel .LBB2_57-.Ltmp58, $2  }
0x650: {  	_ =	sdelay $0x2  }
0x651: {  	_ = 	snop  }
.LBB2_64:
.Ltmp59:
0x652: {  	(pc) =	sbr.rel .LBB2_67-.Ltmp59, $2  }
0x653: {  	_ =	sdelay $0x2  }
0x654: {  	_ = 	snop  }
.LBB2_74:
.Ltmp60:
0x655: {  	(pc) =	sbr.rel .LBB2_77-.Ltmp60, $2  }
0x656: {  	_ =	sdelay $0x2  }
0x657: {  	_ = 	snop  }
.LBB2_82:
.Ltmp61:
0x658: {  	(pc) =	sbr.rel .LBB2_85-.Ltmp61, $2  }
0x659: {  	_ =	sdelay $0x2  }
0x65a: {  	_ = 	snop  }
.LBB2_90:
0x65b: {  	_ =	sfence.sel $0x180000  }
0x65c: {  	[bflag:$0x0] =	sbarrier.arrive $0xFFFF  }
0x65d: {  	_ =	strace $0x90000047  }
0x65e: {  	s0 =	stileid.u32;
	[bflag:$0x2] =	sbarrier.arrive $0xFFFF  }
0x65f: {  	p0 =	sne.s32 s0, $0x0;
	s0 =	rddreg [dreg:$0x4]  }
0x660: {  	s0 =	sadd.s32 @!p0 $0x100000, s0  }
0x661: {  	[sflag:s0] =	ssyncadd.tile.s32 @!p0 $0x1;
	_ =	shalt  }
.Lfunc_end2:
_tile_overlayer_lowered:
.L_overlay_start_2:
0x662: {  	(tag) =	ssettag $0x2  }
0x663: {  	s0 =	rddreg [dreg:$0x0];
	s2 =	stileid.u32  }
0x664: {  	s1 =	rddreg [dreg:$0x1];
	p0 =	sne.s32 s2, $0x0  }
0x665: {  	s3 =	rddreg [dreg:$0x2];
	[bflag:$0x3] =	sbarrier.arrive $0xFFFF;
	s2 =	simm.s32 @!p0 $0x1C08  }
0x666: {  	[timem:s3], [sflag:s2] =	dma.local @!p0 [hbm:s0], s1  }
0x667: {  	s0 =	simm.s32 @!p0 $0x8  }
0x668: {  	_ =	swait.ge @!p0 [sflag:s0], s1  }
0x669: {  	s1 =	ssub.s32 @!p0 $0x0, s1;
	[sflag:s0] =	ssyncset.done @!p0 $0x0  }
0x66a: {  	[sflag:s0] =	ssyncadd.s32 @!p0 s1  }
0x66b: {  	[bflag:$0x3] =	sbarrier.arrive $0xFFFF  }
0x66c: {  	_ =	shalt  }

</sc_bundles>
